<compile_context>
chip_gen: v7x
topology: tpu7x:2x2x1
jax: 0.10.2.dev20260603
libtpu: 0.0.44.dev20260713+nightly
codegen_flags: <defaults>
</compile_context>

<pallas_src>
import functools

import jax
import jax.numpy as jnp
from jax import lax
from jax.experimental import pallas as pl
from jax.experimental.pallas import tpu as pltpu
from jax.experimental.pallas import tpu_sc as plsc

_EPS = 1e-6
_K = 32
_JB = 512


def _sz(z):
    return jnp.where(z >= 0, z + _EPS, z - _EPS)



def _fwd1_body(x_ref, w_ref, b_ref, h_ref, zrow_ref):
    z = jax.lax.dot_general(
        x_ref[...], w_ref[...], (((1,), (1,)), ((), ())),
        preferred_element_type=jnp.float32) + b_ref[...]
    h_ref[...] = jnp.maximum(z, 0.0)
    ones_row = jnp.ones((1, w_ref.shape[1]), jnp.float32)
    zrow_ref[...] = jax.lax.dot_general(
        ones_row, w_ref[...], (((1,), (1,)), ((), ())),
        preferred_element_type=jnp.float32) + b_ref[...]


def _fwd2_body(a_ref, w_ref, b_ref, z_ref, h_ref):
    z = jax.lax.dot_general(
        a_ref[...], w_ref[...], (((1,), (1,)), ((), ())),
        preferred_element_type=jnp.float32) + b_ref[...]
    z_ref[...] = z
    h_ref[...] = jnp.maximum(z, 0.0)


def _fwd3_body(a_ref, w_ref, b_ref, h_ref):
    h_ref[...] = jax.lax.dot_general(
        a_ref[...], w_ref[...], (((1,), (1,)), ((), ())),
        preferred_element_type=jnp.float32) + b_ref[...]



def _topk_body(h3_ref, tk_ref, idx_ref, sv_ref, s3b_ref):
    h3 = h3_ref[...]
    bh = s3b_ref.shape[0]
    m = jnp.max(h3, axis=-1, keepdims=True)
    e = jnp.exp(h3 - m)
    r = e / jnp.sum(e, axis=-1, keepdims=True)
    iota = jax.lax.broadcasted_iota(jnp.int32, h3.shape, 1)
    g = r / _sz(h3)
    tk = tk_ref[0, 0]
    work = r
    idx_cols = []
    sv_cols = []
    s3b = jnp.zeros((bh, h3.shape[-1]), jnp.float32)
    for k in range(_K):
        cur = jnp.max(work, axis=-1, keepdims=True)
        sel = jnp.min(jnp.where(work == cur, iota, h3.shape[-1]),
                      axis=-1, keepdims=True)
        onehot = iota == sel
        gsel = jnp.sum(jnp.where(onehot, g, 0.0), axis=-1, keepdims=True)
        keep = jnp.where(k < tk, gsel, 0.0)
        idx_cols.append(sel[:bh])
        sv_cols.append(jnp.broadcast_to(keep[:bh], (bh, 16)))
        s3b = s3b + jnp.where(onehot[bh:], keep[bh:], 0.0)
        work = jnp.where(onehot, -1.0, work)
    idx_ref[...] = jnp.concatenate(idx_cols, axis=1)
    sv_ref[...] = jnp.concatenate(sv_cols, axis=1)
    s3b_ref[...] = s3b



def _bwd3_body(s3_ref, w_ref, h2_ref, z2_ref, s2_ref):
    c = jax.lax.dot_general(
        s3_ref[...], w_ref[...], (((1,), (0,)), ((), ())),
        preferred_element_type=jnp.float32)
    s2_ref[...] = h2_ref[...] * c / _sz(z2_ref[...])



_SC_NC = 2
_SC_NS = 16
_SC_CH = 8


def _make_sc_bwd3(B, D):
    NW = _SC_NC * _SC_NS
    rows_per_w = B // NW
    nch = _K // _SC_CH
    nsl = D // 16
    mesh = plsc.VectorSubcoreMesh(core_axis_name="c", subcore_axis_name="s")

    @functools.partial(
        pl.kernel, mesh=mesh,
        out_type=jax.ShapeDtypeStruct((B, D), jnp.float32),
        scratch_types=[
            pltpu.VMEM((rows_per_w, _K), jnp.int32),
            pltpu.VMEM((rows_per_w, _K * 16), jnp.float32),
            pltpu.VMEM((2, _SC_CH, D), jnp.float32),
            pltpu.VMEM((rows_per_w, D), jnp.float32),
            pltpu.SemaphoreType.DMA,
            pltpu.SemaphoreType.DMA,
            pltpu.SemaphoreType.DMA,
            pltpu.SemaphoreType.DMA,
        ],
    )
    def sc_bwd3(w3_hbm, idx_hbm, sv_hbm, out_hbm,
                idx_v, sv_v, rows_v, acc_v, gsem, isem, rsem, wsem):
        wid = lax.axis_index("s") * _SC_NC + lax.axis_index("c")

        icps, rcps = [], []
        for rr in range(rows_per_w):
            b = wid * rows_per_w + rr
            icps.append(pltpu.async_copy(idx_hbm.at[b], idx_v.at[rr], isem))
            rcps.append(pltpu.async_copy(sv_hbm.at[b], sv_v.at[rr], rsem))
        for cp in icps:
            cp.wait()

        def start(gc):
            rr, c = divmod(gc, nch)
            return pltpu.async_copy(
                w3_hbm.at[idx_v.at[rr, pl.ds(c * _SC_CH, _SC_CH)]],
                rows_v.at[gc % 2], gsem)

        nglobal = rows_per_w * nch
        dma = start(0)
        outcps = []
        for cp in rcps:
            cp.wait()
        for gc in range(nglobal):
            rr, c = divmod(gc, nch)
            nxt = start(gc + 1) if gc + 1 < nglobal else None
            dma.wait()

            wgt = [sv_v[rr, pl.ds((c * _SC_CH + r) * 16, 16)]
                   for r in range(_SC_CH)]

            def acc_body(j, _, rr=rr, c=c, gc=gc, wgt=wgt):
                sl = pl.ds(j * 16, 16)
                a = (acc_v[rr, sl] if c > 0
                     else jnp.zeros((16,), jnp.float32))
                for r in range(_SC_CH):
                    a = a + wgt[r] * rows_v[gc % 2, r, sl]
                acc_v[rr, sl] = a
                return 0

            lax.fori_loop(0, nsl, acc_body, 0, unroll=8)
            dma = nxt

            if c == nch - 1:
                outcps.append(pltpu.async_copy(
                    acc_v.at[rr], out_hbm.at[wid * rows_per_w + rr], wsem))
        for cp in outcps:
            cp.wait()

    return sc_bwd3


def _bwd2_body(c3a_ref, s2b_ref, h2a_ref, z2a_ref, w_ref, h1_ref,
               zrow_ref, s1_ref):
    s2a = h2a_ref[...] * c3a_ref[...] / _sz(z2a_ref[...])
    ca = jax.lax.dot_general(
        s2a, w_ref[...], (((1,), (0,)), ((), ())),
        preferred_element_type=jnp.float32)
    cb = jax.lax.dot_general(
        s2b_ref[...], w_ref[...], (((1,), (0,)), ((), ())),
        preferred_element_type=jnp.float32)
    c = jnp.concatenate([ca, cb], axis=0)
    s1_ref[...] = h1_ref[...] * c / _sz(zrow_ref[...])


def _bwd1_body(s1_ref, w_ref, out_ref):
    out_ref[...] = jax.lax.dot_general(
        s1_ref[...], w_ref[...], (((1,), (0,)), ((), ())),
        preferred_element_type=jnp.float32)


def _full(b, d):
    return pl.BlockSpec((b, d), lambda j: (0, 0))


def _colblk(b):
    return pl.BlockSpec((b, _JB), lambda j: (0, j))


def kernel(x, topk, W1, b1, W2, b2, W3, b3):
    B, D = x.shape
    grid = (D // _JB,)
    f32 = jnp.float32
    b1_2d, b2_2d, b3_2d = b1[None, :], b2[None, :], b3[None, :]
    tk = jnp.asarray(topk, jnp.int32).reshape(1, 1)

    wrow_spec = pl.BlockSpec((_JB, D), lambda j: (j, 0))
    wcol_spec = pl.BlockSpec((D, _JB), lambda j: (0, j))

    h1, z1row = pl.pallas_call(
        _fwd1_body, grid=grid,
        in_specs=[_full(B, D), wrow_spec, _colblk(1)],
        out_specs=[_colblk(B), _colblk(1)],
        out_shape=[jax.ShapeDtypeStruct((B, D), f32),
                   jax.ShapeDtypeStruct((1, D), f32)],
    )(x, W1, b1_2d)

    z2, h2 = pl.pallas_call(
        _fwd2_body, grid=grid,
        in_specs=[_full(B, D), wrow_spec, _colblk(1)],
        out_specs=[_colblk(B), _colblk(B)],
        out_shape=[jax.ShapeDtypeStruct((B, D), f32),
                   jax.ShapeDtypeStruct((B, D), f32)],
    )(h1, W2, b2_2d)

    h3 = pl.pallas_call(
        _fwd3_body, grid=grid,
        in_specs=[_full(B, D), wrow_spec, _colblk(1)],
        out_specs=_colblk(B),
        out_shape=jax.ShapeDtypeStruct((B, D), f32),
    )(h2, W3, b3_2d)

    Bh = B // 2
    idx, sv, s3b = pl.pallas_call(
        _topk_body,
        out_shape=[jax.ShapeDtypeStruct((Bh, _K), jnp.int32),
                   jax.ShapeDtypeStruct((Bh, _K * 16), f32),
                   jax.ShapeDtypeStruct((Bh, D), f32)],
    )(h3, tk)

    c3a = _make_sc_bwd3(Bh, D)(W3, idx, sv)

    s2b = pl.pallas_call(
        _bwd3_body, grid=grid,
        in_specs=[_full(Bh, D), wcol_spec,
                  pl.BlockSpec((Bh, _JB), lambda j: (1, j)),
                  pl.BlockSpec((Bh, _JB), lambda j: (1, j))],
        out_specs=_colblk(Bh),
        out_shape=jax.ShapeDtypeStruct((Bh, D), f32),
    )(s3b, W3, h2, z2)

    half_spec = pl.BlockSpec((Bh, D), lambda j: (0, 0))
    s1 = pl.pallas_call(
        _bwd2_body, grid=grid,
        in_specs=[_full(Bh, D), _full(Bh, D), half_spec, half_spec,
                  wcol_spec, _colblk(B), _colblk(1)],
        out_specs=_colblk(B),
        out_shape=jax.ShapeDtypeStruct((B, D), f32),
    )(c3a, s2b, h2, z2, W2, h1, z1row)

    out = pl.pallas_call(
        _bwd1_body, grid=grid,
        in_specs=[_full(B, D), wcol_spec],
        out_specs=_colblk(B),
        out_shape=jax.ShapeDtypeStruct((B, D), f32),
    )(s1, W1)

    return out

# --- scband reference (transcript-rebuilt; emitter-appended) ---
"""Pipeline reference for scband-lrpmodel-17102559772735 (READ-ONLY COPY).

The authoritative reference and input builder live on the scoring server;
editing this copy changes nothing except your own understanding.
"""

import jax, jax.numpy as jnp
import numpy as np

_EPS = 1e-6

def setup_inputs(seed: int = 0) -> dict:
    key = jax.random.key(seed)
    ks = jax.random.split(key, 8)
    B, D = 64, 4096
    x = jax.random.normal(ks[0], (B, D), dtype=jnp.float32)
    scale = 1.0 / np.sqrt(D)
    W1 = jax.random.normal(ks[1], (D, D), dtype=jnp.float32) * scale
    b1 = jnp.zeros((D,), jnp.float32)
    W2 = jax.random.normal(ks[2], (D, D), dtype=jnp.float32) * scale
    b2 = jnp.zeros((D,), jnp.float32)
    W3 = jax.random.normal(ks[3], (D, D), dtype=jnp.float32) * scale
    b3 = jnp.zeros((D,), jnp.float32)
    return {"x": x, "topk": 32, "W1": W1, "b1": b1, "W2": W2, "b2": b2, "W3": W3, "b3": b3}

def _stable_z(z):
    # epsilon-LRP stabilizer, sign-matched to avoid division blowup
    return jnp.where(z >= 0, z + _EPS, z - _EPS)

def _lrp_linear(a, W, b, R):
    # epsilon rule: R_in = a * (W^T (R / z)) with z = a W^T + b
    z = _stable_z(a @ W.T + b)
    s = R / z
    c = s @ W
    return a * c

def reference(x, topk, W1, b1, W2, b2, W3, b3):
    # --- standard forward pass, collecting activations ---
    a0 = jnp.ones_like(x)  # original code stores ones_like(x) as the input activation
    h1 = jax.nn.relu(x @ W1.T + b1)
    h2 = jax.nn.relu(h1 @ W2.T + b2)
    h3 = h2 @ W3.T + b3
    # --- initial relevance: softmax of output, then top-k masking ---
    R = jax.nn.softmax(h3, axis=-1)
    _K = 32
    vals, idx = jax.lax.top_k(R, _K)
    vals = jnp.where(jnp.arange(_K) < topk, vals, 0.0)
    Rz = jnp.zeros_like(R)
    Rz = Rz.at[jnp.arange(R.shape[0])[:, None], idx].set(vals)
    R = Rz
    # --- layer-wise relevance propagation (reverse order) ---
    R = _lrp_linear(h2, W3, b3, R)
    R = _lrp_linear(h1, W2, b2, R)
    R = _lrp_linear(a0, W1, b1, R)
    return R

if __name__ == "__main__":
    import jax
    _d = setup_inputs()
    print(jax.jit(kernel)(*tuple(_d.values())))

</pallas_src>

<mosaic_0001>
#map = affine_map<(d0, d1) -> (0, 0)>
module attributes {stable_mosaic.version = 14 : i64} {
  func.func @sc_bwd3(%arg0: i32, %arg1: i32, %arg2: memref<4096x4096xf32, #tpu.memory_space<hbm>>, %arg3: memref<32x32xi32, #tpu.memory_space<hbm>>, %arg4: memref<32x512xf32, #tpu.memory_space<hbm>>, %arg5: memref<32x4096xf32, #tpu.memory_space<hbm>>, %arg6: memref<1x32xi32, #tpu.memory_space<vmem>>, %arg7: memref<1x512xf32, #tpu.memory_space<vmem>>, %arg8: memref<2x8x4096xf32, #tpu.memory_space<vmem>>, %arg9: memref<1x4096xf32, #tpu.memory_space<vmem>>, %arg10: memref<!tpu.dma_semaphore, #tpu.memory_space<semaphore_mem>>, %arg11: memref<!tpu.dma_semaphore, #tpu.memory_space<semaphore_mem>>, %arg12: memref<!tpu.dma_semaphore, #tpu.memory_space<semaphore_mem>>, %arg13: memref<!tpu.dma_semaphore, #tpu.memory_space<semaphore_mem>>) attributes {dimension_semantics = [#tpu.dimension_semantics<core_parallel>, #tpu.dimension_semantics<subcore_parallel>], iteration_bounds = array<i64: 2, 16>, scalar_prefetch = 0 : i64, scratch_operands = 8 : i64, tpu.core_type = #tpu.core_type<sc_vector_subcore>, window_params = [{transform_indices = #map}, {transform_indices = #map}, {transform_indices = #map}, {transform_indices = #map}]} {
    %mul3A = arith.constant 2 : i32
    %mul3A_0 = arith.muli %arg1, %mul3A : i32
    %add3A = arith.addi %mul3A_0, %arg0 : i32
    %mul3A_1 = arith.constant 1 : i32
    %mul3A_2 = arith.muli %add3A, %mul3A_1 : i32
    %add3A_3 = arith.constant 0 : i32
    %add3A_4 = arith.addi %mul3A_2, %add3A_3 : i32
    %dma_start3A = arith.constant 0 : i32
    %dma_start3A_5 = arith.constant 0 : i32
    %dma_start3A_6 = tpu.memref_slice %arg6[%dma_start3A, %dma_start3A_5] : memref<1x32xi32, #tpu.memory_space<vmem>> -> memref<1x32xi32, #tpu.memory_space<vmem>>
    %dma_start3A_7 = tpu.memref_squeeze %dma_start3A_6 : memref<1x32xi32, #tpu.memory_space<vmem>> -> memref<32xi32, #tpu.memory_space<vmem>>
    %dma_start3A_8 = arith.constant 0 : i32
    %dma_start3A_9 = tpu.memref_slice %arg3[%add3A_4, %dma_start3A_8] : memref<32x32xi32, #tpu.memory_space<hbm>> -> memref<1x32xi32, #tpu.memory_space<hbm>>
    %dma_start3A_10 = tpu.memref_squeeze %dma_start3A_9 : memref<1x32xi32, #tpu.memory_space<hbm>> -> memref<32xi32, #tpu.memory_space<hbm>>
    %dma_start3A_11 = arith.constant 0 : i32
    %dma_start3A_12 = tpu.memref_slice %arg6[%dma_start3A, %dma_start3A_11] : memref<1x32xi32, #tpu.memory_space<vmem>> -> memref<1x32xi32, #tpu.memory_space<vmem>>
    %dma_start3A_13 = tpu.memref_squeeze %dma_start3A_12 : memref<1x32xi32, #tpu.memory_space<vmem>> -> memref<32xi32, #tpu.memory_space<vmem>>
    %dma_start3A_14 = arith.constant 0 : i32
    %dma_start3A_15 = tpu.memref_slice %arg3[%add3A_4, %dma_start3A_14] : memref<32x32xi32, #tpu.memory_space<hbm>> -> memref<1x32xi32, #tpu.memory_space<hbm>>
    %dma_start3A_16 = tpu.memref_squeeze %dma_start3A_15 : memref<1x32xi32, #tpu.memory_space<hbm>> -> memref<32xi32, #tpu.memory_space<hbm>>
    tpu.enqueue_dma source(%dma_start3A_16 : memref<32xi32, #tpu.memory_space<hbm>>) target(%dma_start3A_13 : memref<32xi32, #tpu.memory_space<vmem>>) target_semaphore(%arg11 : memref<!tpu.dma_semaphore, #tpu.memory_space<semaphore_mem>>)
    %dma_start3A_17 = arith.constant 0 : i32
    %dma_start3A_18 = arith.constant 0 : i32
    %dma_start3A_19 = tpu.memref_slice %arg7[%dma_start3A_17, %dma_start3A_18] : memref<1x512xf32, #tpu.memory_space<vmem>> -> memref<1x512xf32, #tpu.memory_space<vmem>>
    %dma_start3A_20 = tpu.memref_squeeze %dma_start3A_19 : memref<1x512xf32, #tpu.memory_space<vmem>> -> memref<512xf32, #tpu.memory_space<vmem>>
    %dma_start3A_21 = arith.constant 0 : i32
    %dma_start3A_22 = tpu.memref_slice %arg4[%add3A_4, %dma_start3A_21] : memref<32x512xf32, #tpu.memory_space<hbm>> -> memref<1x512xf32, #tpu.memory_space<hbm>>
    %dma_start3A_23 = tpu.memref_squeeze %dma_start3A_22 : memref<1x512xf32, #tpu.memory_space<hbm>> -> memref<512xf32, #tpu.memory_space<hbm>>
    %dma_start3A_24 = arith.constant 0 : i32
    %dma_start3A_25 = tpu.memref_slice %arg7[%dma_start3A_17, %dma_start3A_24] : memref<1x512xf32, #tpu.memory_space<vmem>> -> memref<1x512xf32, #tpu.memory_space<vmem>>
    %dma_start3A_26 = tpu.memref_squeeze %dma_start3A_25 : memref<1x512xf32, #tpu.memory_space<vmem>> -> memref<512xf32, #tpu.memory_space<vmem>>
    %dma_start3A_27 = arith.constant 0 : i32
    %dma_start3A_28 = tpu.memref_slice %arg4[%add3A_4, %dma_start3A_27] : memref<32x512xf32, #tpu.memory_space<hbm>> -> memref<1x512xf32, #tpu.memory_space<hbm>>
    %dma_start3A_29 = tpu.memref_squeeze %dma_start3A_28 : memref<1x512xf32, #tpu.memory_space<hbm>> -> memref<512xf32, #tpu.memory_space<hbm>>
    tpu.enqueue_dma source(%dma_start3A_29 : memref<512xf32, #tpu.memory_space<hbm>>) target(%dma_start3A_26 : memref<512xf32, #tpu.memory_space<vmem>>) target_semaphore(%arg12 : memref<!tpu.dma_semaphore, #tpu.memory_space<semaphore_mem>>)
    %dma_wait3A = arith.constant 0 : i32
    %dma_wait3A_30 = arith.constant 0 : i32
    %dma_wait3A_31 = tpu.memref_slice %arg6[%dma_wait3A, %dma_wait3A_30] : memref<1x32xi32, #tpu.memory_space<vmem>> -> memref<1x32xi32, #tpu.memory_space<vmem>>
    %dma_wait3A_32 = tpu.memref_squeeze %dma_wait3A_31 : memref<1x32xi32, #tpu.memory_space<vmem>> -> memref<32xi32, #tpu.memory_space<vmem>>
    %dma_wait3A_33 = arith.constant 0 : i32
    %dma_wait3A_34 = tpu.memref_slice %arg3[%add3A_4, %dma_wait3A_33] : memref<32x32xi32, #tpu.memory_space<hbm>> -> memref<1x32xi32, #tpu.memory_space<hbm>>
    %dma_wait3A_35 = tpu.memref_squeeze %dma_wait3A_34 : memref<1x32xi32, #tpu.memory_space<hbm>> -> memref<32xi32, #tpu.memory_space<hbm>>
    %dma_wait3A_36 = arith.constant 0 : i32
    %dma_wait3A_37 = tpu.memref_slice %arg6[%dma_wait3A, %dma_wait3A_36] : memref<1x32xi32, #tpu.memory_space<vmem>> -> memref<1x32xi32, #tpu.memory_space<vmem>>
    %dma_wait3A_38 = tpu.memref_squeeze %dma_wait3A_37 : memref<1x32xi32, #tpu.memory_space<vmem>> -> memref<32xi32, #tpu.memory_space<vmem>>
    %dma_wait3A_39 = arith.constant 0 : i32
    %dma_wait3A_40 = tpu.memref_slice %arg3[%add3A_4, %dma_wait3A_39] : memref<32x32xi32, #tpu.memory_space<hbm>> -> memref<1x32xi32, #tpu.memory_space<hbm>>
    %dma_wait3A_41 = tpu.memref_squeeze %dma_wait3A_40 : memref<1x32xi32, #tpu.memory_space<hbm>> -> memref<32xi32, #tpu.memory_space<hbm>>
    tpu.wait_dma2 semaphore(%arg11 : memref<!tpu.dma_semaphore, #tpu.memory_space<semaphore_mem>>) src(%dma_wait3A_41 : memref<32xi32, #tpu.memory_space<hbm>>) dst(%dma_wait3A_38 : memref<32xi32, #tpu.memory_space<vmem>>)
    %dma_start3A_42 = arith.constant 0 : i32
    %dma_start3A_43 = arith.constant 0 : i32
    %dma_start3A_44 = arith.constant 0 : i32
    %dma_start3A_45 = arith.constant 0 : i32
    %dma_start3A_46 = tpu.memref_slice %arg8[%dma_start3A_43, %dma_start3A_44, %dma_start3A_45] : memref<2x8x4096xf32, #tpu.memory_space<vmem>> -> memref<1x8x4096xf32, #tpu.memory_space<vmem>>
    %dma_start3A_47 = tpu.memref_squeeze %dma_start3A_46 : memref<1x8x4096xf32, #tpu.memory_space<vmem>> -> memref<8x4096xf32, #tpu.memory_space<vmem>>
    %dma_start3A_48 = arith.constant 0 : i32
    %dma_start3A_49 = tpu.memref_slice %arg6[%dma_start3A_42, %dma_start3A_48] : memref<1x32xi32, #tpu.memory_space<vmem>> -> memref<1x8xi32, #tpu.memory_space<vmem>>
    %dma_start3A_50 = tpu.memref_squeeze %dma_start3A_49 : memref<1x8xi32, #tpu.memory_space<vmem>> -> memref<8xi32, #tpu.memory_space<vmem>>
    %dma_start3A_51 = arith.constant 0 : i32
    %dma_start3A_52 = arith.constant 0 : i32
    %dma_start3A_53 = tpu.memref_slice %arg2[%dma_start3A_51, %dma_start3A_52] : memref<4096x4096xf32, #tpu.memory_space<hbm>> -> memref<4096x4096xf32, #tpu.memory_space<hbm>>
    tpu.enqueue_indirect_dma source(%dma_start3A_53 : memref<4096x4096xf32, #tpu.memory_space<hbm>>) target(%dma_start3A_47 : memref<8x4096xf32, #tpu.memory_space<vmem>>) offsets(%dma_start3A_50 : memref<8xi32, #tpu.memory_space<vmem>>) semaphore(%arg10 : memref<!tpu.dma_semaphore, #tpu.memory_space<semaphore_mem>>)
    %dma_wait3A_54 = arith.constant 0 : i32
    %dma_wait3A_55 = arith.constant 0 : i32
    %dma_wait3A_56 = tpu.memref_slice %arg7[%dma_wait3A_54, %dma_wait3A_55] : memref<1x512xf32, #tpu.memory_space<vmem>> -> memref<1x512xf32, #tpu.memory_space<vmem>>
    %dma_wait3A_57 = tpu.memref_squeeze %dma_wait3A_56 : memref<1x512xf32, #tpu.memory_space<vmem>> -> memref<512xf32, #tpu.memory_space<vmem>>
    %dma_wait3A_58 = arith.constant 0 : i32
    %dma_wait3A_59 = tpu.memref_slice %arg4[%add3A_4, %dma_wait3A_58] : memref<32x512xf32, #tpu.memory_space<hbm>> -> memref<1x512xf32, #tpu.memory_space<hbm>>
    %dma_wait3A_60 = tpu.memref_squeeze %dma_wait3A_59 : memref<1x512xf32, #tpu.memory_space<hbm>> -> memref<512xf32, #tpu.memory_space<hbm>>
    %dma_wait3A_61 = arith.constant 0 : i32
    %dma_wait3A_62 = tpu.memref_slice %arg7[%dma_wait3A_54, %dma_wait3A_61] : memref<1x512xf32, #tpu.memory_space<vmem>> -> memref<1x512xf32, #tpu.memory_space<vmem>>
    %dma_wait3A_63 = tpu.memref_squeeze %dma_wait3A_62 : memref<1x512xf32, #tpu.memory_space<vmem>> -> memref<512xf32, #tpu.memory_space<vmem>>
    %dma_wait3A_64 = arith.constant 0 : i32
    %dma_wait3A_65 = tpu.memref_slice %arg4[%add3A_4, %dma_wait3A_64] : memref<32x512xf32, #tpu.memory_space<hbm>> -> memref<1x512xf32, #tpu.memory_space<hbm>>
    %dma_wait3A_66 = tpu.memref_squeeze %dma_wait3A_65 : memref<1x512xf32, #tpu.memory_space<hbm>> -> memref<512xf32, #tpu.memory_space<hbm>>
    tpu.wait_dma2 semaphore(%arg12 : memref<!tpu.dma_semaphore, #tpu.memory_space<semaphore_mem>>) src(%dma_wait3A_66 : memref<512xf32, #tpu.memory_space<hbm>>) dst(%dma_wait3A_63 : memref<512xf32, #tpu.memory_space<vmem>>)
    %dma_start3A_67 = arith.constant 0 : i32
    %dma_start3A_68 = arith.constant 1 : i32
    %dma_start3A_69 = arith.constant 0 : i32
    %dma_start3A_70 = arith.constant 0 : i32
    %dma_start3A_71 = tpu.memref_slice %arg8[%dma_start3A_68, %dma_start3A_69, %dma_start3A_70] : memref<2x8x4096xf32, #tpu.memory_space<vmem>> -> memref<1x8x4096xf32, #tpu.memory_space<vmem>>
    %dma_start3A_72 = tpu.memref_squeeze %dma_start3A_71 : memref<1x8x4096xf32, #tpu.memory_space<vmem>> -> memref<8x4096xf32, #tpu.memory_space<vmem>>
    %dma_start3A_73 = arith.constant 8 : i32
    %dma_start3A_74 = tpu.memref_slice %arg6[%dma_start3A_67, %dma_start3A_73] : memref<1x32xi32, #tpu.memory_space<vmem>> -> memref<1x8xi32, #tpu.memory_space<vmem>>
    %dma_start3A_75 = tpu.memref_squeeze %dma_start3A_74 : memref<1x8xi32, #tpu.memory_space<vmem>> -> memref<8xi32, #tpu.memory_space<vmem>>
    %dma_start3A_76 = arith.constant 0 : i32
    %dma_start3A_77 = arith.constant 0 : i32
    %dma_start3A_78 = tpu.memref_slice %arg2[%dma_start3A_76, %dma_start3A_77] : memref<4096x4096xf32, #tpu.memory_space<hbm>> -> memref<4096x4096xf32, #tpu.memory_space<hbm>>
    tpu.enqueue_indirect_dma source(%dma_start3A_78 : memref<4096x4096xf32, #tpu.memory_space<hbm>>) target(%dma_start3A_72 : memref<8x4096xf32, #tpu.memory_space<vmem>>) offsets(%dma_start3A_75 : memref<8xi32, #tpu.memory_space<vmem>>) semaphore(%arg10 : memref<!tpu.dma_semaphore, #tpu.memory_space<semaphore_mem>>)
    %dma_wait3A_79 = arith.constant 0 : i32
    %dma_wait3A_80 = arith.constant 0 : i32
    %dma_wait3A_81 = arith.constant 0 : i32
    %dma_wait3A_82 = arith.constant 0 : i32
    %dma_wait3A_83 = tpu.memref_slice %arg8[%dma_wait3A_80, %dma_wait3A_81, %dma_wait3A_82] : memref<2x8x4096xf32, #tpu.memory_space<vmem>> -> memref<1x8x4096xf32, #tpu.memory_space<vmem>>
    %dma_wait3A_84 = tpu.memref_squeeze %dma_wait3A_83 : memref<1x8x4096xf32, #tpu.memory_space<vmem>> -> memref<8x4096xf32, #tpu.memory_space<vmem>>
    %dma_wait3A_85 = arith.constant 0 : i32
    %dma_wait3A_86 = tpu.memref_slice %arg6[%dma_wait3A_79, %dma_wait3A_85] : memref<1x32xi32, #tpu.memory_space<vmem>> -> memref<1x8xi32, #tpu.memory_space<vmem>>
    %dma_wait3A_87 = tpu.memref_squeeze %dma_wait3A_86 : memref<1x8xi32, #tpu.memory_space<vmem>> -> memref<8xi32, #tpu.memory_space<vmem>>
    %dma_wait3A_88 = arith.constant 0 : i32
    %dma_wait3A_89 = arith.constant 0 : i32
    %dma_wait3A_90 = tpu.memref_slice %arg2[%dma_wait3A_88, %dma_wait3A_89] : memref<4096x4096xf32, #tpu.memory_space<hbm>> -> memref<4096x4096xf32, #tpu.memory_space<hbm>>
    tpu.wait_indirect_dma semaphore(%arg10 : memref<!tpu.dma_semaphore, #tpu.memory_space<semaphore_mem>>) src(%dma_wait3A_90 : memref<4096x4096xf32, #tpu.memory_space<hbm>>) dst(%dma_wait3A_84 : memref<8x4096xf32, #tpu.memory_space<vmem>>)
    %get3A = arith.constant 0 : i32
    %get3A_91 = arith.index_cast %get3A : i32 to index
    %get3A_92 = arith.constant 0 : index
    %get3A_93 = tpu.vector_load %arg7[%get3A_91, %get3A_92] {strides = array<i32>} : memref<1x512xf32, #tpu.memory_space<vmem>>, vector<1x16xf32>,
    %get3A_94 = vector.shape_cast %get3A_93 : vector<1x16xf32> to vector<16xf32>
    %get3A_95 = arith.constant 0 : i32
    %get3A_96 = arith.index_cast %get3A_95 : i32 to index
    %get3A_97 = arith.constant 16 : index
    %get3A_98 = tpu.vector_load %arg7[%get3A_96, %get3A_97] {strides = array<i32>} : memref<1x512xf32, #tpu.memory_space<vmem>>, vector<1x16xf32>,
    %get3A_99 = vector.shape_cast %get3A_98 : vector<1x16xf32> to vector<16xf32>
    %get3A_100 = arith.constant 0 : i32
    %get3A_101 = arith.index_cast %get3A_100 : i32 to index
    %get3A_102 = arith.constant 32 : index
    %get3A_103 = tpu.vector_load %arg7[%get3A_101, %get3A_102] {strides = array<i32>} : memref<1x512xf32, #tpu.memory_space<vmem>>, vector<1x16xf32>,
    %get3A_104 = vector.shape_cast %get3A_103 : vector<1x16xf32> to vector<16xf32>
    %get3A_105 = arith.constant 0 : i32
    %get3A_106 = arith.index_cast %get3A_105 : i32 to index
    %get3A_107 = arith.constant 48 : index
    %get3A_108 = tpu.vector_load %arg7[%get3A_106, %get3A_107] {strides = array<i32>} : memref<1x512xf32, #tpu.memory_space<vmem>>, vector<1x16xf32>,
    %get3A_109 = vector.shape_cast %get3A_108 : vector<1x16xf32> to vector<16xf32>
    %get3A_110 = arith.constant 0 : i32
    %get3A_111 = arith.index_cast %get3A_110 : i32 to index
    %get3A_112 = arith.constant 64 : index
    %get3A_113 = tpu.vector_load %arg7[%get3A_111, %get3A_112] {strides = array<i32>} : memref<1x512xf32, #tpu.memory_space<vmem>>, vector<1x16xf32>,
    %get3A_114 = vector.shape_cast %get3A_113 : vector<1x16xf32> to vector<16xf32>
    %get3A_115 = arith.constant 0 : i32
    %get3A_116 = arith.index_cast %get3A_115 : i32 to index
    %get3A_117 = arith.constant 80 : index
    %get3A_118 = tpu.vector_load %arg7[%get3A_116, %get3A_117] {strides = array<i32>} : memref<1x512xf32, #tpu.memory_space<vmem>>, vector<1x16xf32>,
    %get3A_119 = vector.shape_cast %get3A_118 : vector<1x16xf32> to vector<16xf32>
    %get3A_120 = arith.constant 0 : i32
    %get3A_121 = arith.index_cast %get3A_120 : i32 to index
    %get3A_122 = arith.constant 96 : index
    %get3A_123 = tpu.vector_load %arg7[%get3A_121, %get3A_122] {strides = array<i32>} : memref<1x512xf32, #tpu.memory_space<vmem>>, vector<1x16xf32>,
    %get3A_124 = vector.shape_cast %get3A_123 : vector<1x16xf32> to vector<16xf32>
    %get3A_125 = arith.constant 0 : i32
    %get3A_126 = arith.index_cast %get3A_125 : i32 to index
    %get3A_127 = arith.constant 112 : index
    %get3A_128 = tpu.vector_load %arg7[%get3A_126, %get3A_127] {strides = array<i32>} : memref<1x512xf32, #tpu.memory_space<vmem>>, vector<1x16xf32>,
    %get3A_129 = vector.shape_cast %get3A_128 : vector<1x16xf32> to vector<16xf32>
    %scan3A = arith.constant 0 : i32
    %scan3A_130 = arith.constant 0 : i32
    %scan3A_131 = arith.constant 256 : i32
    %scan3A_132 = arith.addi %scan3A_130, %scan3A_131 : i32
    %scan3A_133 = arith.constant 8 : i32
    %scan3A_134 = scf.for %scan3A_367 = %scan3A_130 to %scan3A_132 step %scan3A_133 iter_args(%scan3A_368 = %scan3A) -> (i32)  : i32 {
      %mul3A_369 = arith.constant 16 : i32
      %mul3A_370 = arith.muli %scan3A_367, %mul3A_369 : i32
      %broadcast_in_dim3A = arith.constant 0.000000e+00 : f32
      %broadcast_in_dim3A_371 = vector.broadcast %broadcast_in_dim3A : f32 to vector<16xf32>
      %get3A_372 = arith.constant 0 : i32
      %get3A_373 = arith.constant 0 : i32
      %get3A_374 = arith.index_cast %get3A_372 : i32 to index
      %get3A_375 = arith.index_cast %get3A_373 : i32 to index
      %get3A_376 = arith.index_cast %mul3A_370 : i32 to index
      %get3A_377 = tpu.vector_load %arg8[%get3A_374, %get3A_375, %get3A_376] {strides = array<i32>} : memref<2x8x4096xf32, #tpu.memory_space<vmem>>, vector<1x1x16xf32>,
      %get3A_378 = vector.shape_cast %get3A_377 : vector<1x1x16xf32> to vector<16xf32>
      %mul3A_379 = arith.mulf %get3A_94, %get3A_378 : vector<16xf32>
      %add3A_380 = arith.addf %broadcast_in_dim3A_371, %mul3A_379 : vector<16xf32>
      %get3A_381 = arith.constant 0 : i32
      %get3A_382 = arith.constant 1 : i32
      %get3A_383 = arith.index_cast %get3A_381 : i32 to index
      %get3A_384 = arith.index_cast %get3A_382 : i32 to index
      %get3A_385 = arith.index_cast %mul3A_370 : i32 to index
      %get3A_386 = tpu.vector_load %arg8[%get3A_383, %get3A_384, %get3A_385] {strides = array<i32>} : memref<2x8x4096xf32, #tpu.memory_space<vmem>>, vector<1x1x16xf32>,
      %get3A_387 = vector.shape_cast %get3A_386 : vector<1x1x16xf32> to vector<16xf32>
      %mul3A_388 = arith.mulf %get3A_99, %get3A_387 : vector<16xf32>
      %add3A_389 = arith.addf %add3A_380, %mul3A_388 : vector<16xf32>
      %get3A_390 = arith.constant 0 : i32
      %get3A_391 = arith.constant 2 : i32
      %get3A_392 = arith.index_cast %get3A_390 : i32 to index
      %get3A_393 = arith.index_cast %get3A_391 : i32 to index
      %get3A_394 = arith.index_cast %mul3A_370 : i32 to index
      %get3A_395 = tpu.vector_load %arg8[%get3A_392, %get3A_393, %get3A_394] {strides = array<i32>} : memref<2x8x4096xf32, #tpu.memory_space<vmem>>, vector<1x1x16xf32>,
      %get3A_396 = vector.shape_cast %get3A_395 : vector<1x1x16xf32> to vector<16xf32>
      %mul3A_397 = arith.mulf %get3A_104, %get3A_396 : vector<16xf32>
      %add3A_398 = arith.addf %add3A_389, %mul3A_397 : vector<16xf32>
      %get3A_399 = arith.constant 0 : i32
      %get3A_400 = arith.constant 3 : i32
      %get3A_401 = arith.index_cast %get3A_399 : i32 to index
      %get3A_402 = arith.index_cast %get3A_400 : i32 to index
      %get3A_403 = arith.index_cast %mul3A_370 : i32 to index
      %get3A_404 = tpu.vector_load %arg8[%get3A_401, %get3A_402, %get3A_403] {strides = array<i32>} : memref<2x8x4096xf32, #tpu.memory_space<vmem>>, vector<1x1x16xf32>,
      %get3A_405 = vector.shape_cast %get3A_404 : vector<1x1x16xf32> to vector<16xf32>
      %mul3A_406 = arith.mulf %get3A_109, %get3A_405 : vector<16xf32>
      %add3A_407 = arith.addf %add3A_398, %mul3A_406 : vector<16xf32>
      %get3A_408 = arith.constant 0 : i32
      %get3A_409 = arith.constant 4 : i32
      %get3A_410 = arith.index_cast %get3A_408 : i32 to index
      %get3A_411 = arith.index_cast %get3A_409 : i32 to index
      %get3A_412 = arith.index_cast %mul3A_370 : i32 to index
      %get3A_413 = tpu.vector_load %arg8[%get3A_410, %get3A_411, %get3A_412] {strides = array<i32>} : memref<2x8x4096xf32, #tpu.memory_space<vmem>>, vector<1x1x16xf32>,
      %get3A_414 = vector.shape_cast %get3A_413 : vector<1x1x16xf32> to vector<16xf32>
      %mul3A_415 = arith.mulf %get3A_114, %get3A_414 : vector<16xf32>
      %add3A_416 = arith.addf %add3A_407, %mul3A_415 : vector<16xf32>
      %get3A_417 = arith.constant 0 : i32
      %get3A_418 = arith.constant 5 : i32
      %get3A_419 = arith.index_cast %get3A_417 : i32 to index
      %get3A_420 = arith.index_cast %get3A_418 : i32 to index
      %get3A_421 = arith.index_cast %mul3A_370 : i32 to index
      %get3A_422 = tpu.vector_load %arg8[%get3A_419, %get3A_420, %get3A_421] {strides = array<i32>} : memref<2x8x4096xf32, #tpu.memory_space<vmem>>, vector<1x1x16xf32>,
      %get3A_423 = vector.shape_cast %get3A_422 : vector<1x1x16xf32> to vector<16xf32>
      %mul3A_424 = arith.mulf %get3A_119, %get3A_423 : vector<16xf32>
      %add3A_425 = arith.addf %add3A_416, %mul3A_424 : vector<16xf32>
      %get3A_426 = arith.constant 0 : i32
      %get3A_427 = arith.constant 6 : i32
      %get3A_428 = arith.index_cast %get3A_426 : i32 to index
      %get3A_429 = arith.index_cast %get3A_427 : i32 to index
      %get3A_430 = arith.index_cast %mul3A_370 : i32 to index
      %get3A_431 = tpu.vector_load %arg8[%get3A_428, %get3A_429, %get3A_430] {strides = array<i32>} : memref<2x8x4096xf32, #tpu.memory_space<vmem>>, vector<1x1x16xf32>,
      %get3A_432 = vector.shape_cast %get3A_431 : vector<1x1x16xf32> to vector<16xf32>
      %mul3A_433 = arith.mulf %get3A_124, %get3A_432 : vector<16xf32>
      %add3A_434 = arith.addf %add3A_425, %mul3A_433 : vector<16xf32>
      %get3A_435 = arith.constant 0 : i32
      %get3A_436 = arith.constant 7 : i32
      %get3A_437 = arith.index_cast %get3A_435 : i32 to index
      %get3A_438 = arith.index_cast %get3A_436 : i32 to index
      %get3A_439 = arith.index_cast %mul3A_370 : i32 to index
      %get3A_440 = tpu.vector_load %arg8[%get3A_437, %get3A_438, %get3A_439] {strides = array<i32>} : memref<2x8x4096xf32, #tpu.memory_space<vmem>>, vector<1x1x16xf32>,
      %get3A_441 = vector.shape_cast %get3A_440 : vector<1x1x16xf32> to vector<16xf32>
      %mul3A_442 = arith.mulf %get3A_129, %get3A_441 : vector<16xf32>
      %add3A_443 = arith.addf %add3A_434, %mul3A_442 : vector<16xf32>
      %swap3A = arith.constant 0 : i32
      %swap3A_444 = arith.index_cast %swap3A : i32 to index
      %swap3A_445 = arith.index_cast %mul3A_370 : i32 to index
      %swap3A_446 = tpu.vector_load %arg9[%swap3A_444, %swap3A_445] {strides = array<i32>} : memref<1x4096xf32, #tpu.memory_space<vmem>>, vector<1x16xf32>,
      %swap3A_447 = vector.shape_cast %swap3A_446 : vector<1x16xf32> to vector<16xf32>
      %swap3A_448 = vector.shape_cast %add3A_443 : vector<16xf32> to vector<1x16xf32>
      tpu.vector_store %arg9[%swap3A_444, %swap3A_445], %swap3A_448 {strides = array<i32>} : memref<1x4096xf32, #tpu.memory_space<vmem>>, vector<1x16xf32>,
      %scan3A_449 = arith.constant 0 : i32
      %scan3A_450 = arith.constant 1 : i32
      %scan3A_451 = arith.addi %scan3A_367, %scan3A_450 : i32
      %mul3A_452 = arith.constant 16 : i32
      %mul3A_453 = arith.muli %scan3A_451, %mul3A_452 : i32
      %broadcast_in_dim3A_454 = arith.constant 0.000000e+00 : f32
      %broadcast_in_dim3A_455 = vector.broadcast %broadcast_in_dim3A_454 : f32 to vector<16xf32>
      %get3A_456 = arith.constant 0 : i32
      %get3A_457 = arith.constant 0 : i32
      %get3A_458 = arith.index_cast %get3A_456 : i32 to index
      %get3A_459 = arith.index_cast %get3A_457 : i32 to index
      %get3A_460 = arith.index_cast %mul3A_453 : i32 to index
      %get3A_461 = tpu.vector_load %arg8[%get3A_458, %get3A_459, %get3A_460] {strides = array<i32>} : memref<2x8x4096xf32, #tpu.memory_space<vmem>>, vector<1x1x16xf32>,
      %get3A_462 = vector.shape_cast %get3A_461 : vector<1x1x16xf32> to vector<16xf32>
      %mul3A_463 = arith.mulf %get3A_94, %get3A_462 : vector<16xf32>
      %add3A_464 = arith.addf %broadcast_in_dim3A_455, %mul3A_463 : vector<16xf32>
      %get3A_465 = arith.constant 0 : i32
      %get3A_466 = arith.constant 1 : i32
      %get3A_467 = arith.index_cast %get3A_465 : i32 to index
      %get3A_468 = arith.index_cast %get3A_466 : i32 to index
      %get3A_469 = arith.index_cast %mul3A_453 : i32 to index
      %get3A_470 = tpu.vector_load %arg8[%get3A_467, %get3A_468, %get3A_469] {strides = array<i32>} : memref<2x8x4096xf32, #tpu.memory_space<vmem>>, vector<1x1x16xf32>,
      %get3A_471 = vector.shape_cast %get3A_470 : vector<1x1x16xf32> to vector<16xf32>
      %mul3A_472 = arith.mulf %get3A_99, %get3A_471 : vector<16xf32>
      %add3A_473 = arith.addf %add3A_464, %mul3A_472 : vector<16xf32>
      %get3A_474 = arith.constant 0 : i32
      %get3A_475 = arith.constant 2 : i32
      %get3A_476 = arith.index_cast %get3A_474 : i32 to index
      %get3A_477 = arith.index_cast %get3A_475 : i32 to index
      %get3A_478 = arith.index_cast %mul3A_453 : i32 to index
      %get3A_479 = tpu.vector_load %arg8[%get3A_476, %get3A_477, %get3A_478] {strides = array<i32>} : memref<2x8x4096xf32, #tpu.memory_space<vmem>>, vector<1x1x16xf32>,
      %get3A_480 = vector.shape_cast %get3A_479 : vector<1x1x16xf32> to vector<16xf32>
      %mul3A_481 = arith.mulf %get3A_104, %get3A_480 : vector<16xf32>
      %add3A_482 = arith.addf %add3A_473, %mul3A_481 : vector<16xf32>
      %get3A_483 = arith.constant 0 : i32
      %get3A_484 = arith.constant 3 : i32
      %get3A_485 = arith.index_cast %get3A_483 : i32 to index
      %get3A_486 = arith.index_cast %get3A_484 : i32 to index
      %get3A_487 = arith.index_cast %mul3A_453 : i32 to index
      %get3A_488 = tpu.vector_load %arg8[%get3A_485, %get3A_486, %get3A_487] {strides = array<i32>} : memref<2x8x4096xf32, #tpu.memory_space<vmem>>, vector<1x1x16xf32>,
      %get3A_489 = vector.shape_cast %get3A_488 : vector<1x1x16xf32> to vector<16xf32>
      %mul3A_490 = arith.mulf %get3A_109, %get3A_489 : vector<16xf32>
      %add3A_491 = arith.addf %add3A_482, %mul3A_490 : vector<16xf32>
      %get3A_492 = arith.constant 0 : i32
      %get3A_493 = arith.constant 4 : i32
      %get3A_494 = arith.index_cast %get3A_492 : i32 to index
      %get3A_495 = arith.index_cast %get3A_493 : i32 to index
      %get3A_496 = arith.index_cast %mul3A_453 : i32 to index
      %get3A_497 = tpu.vector_load %arg8[%get3A_494, %get3A_495, %get3A_496] {strides = array<i32>} : memref<2x8x4096xf32, #tpu.memory_space<vmem>>, vector<1x1x16xf32>,
      %get3A_498 = vector.shape_cast %get3A_497 : vector<1x1x16xf32> to vector<16xf32>
      %mul3A_499 = arith.mulf %get3A_114, %get3A_498 : vector<16xf32>
      %add3A_500 = arith.addf %add3A_491, %mul3A_499 : vector<16xf32>
      %get3A_501 = arith.constant 0 : i32
      %get3A_502 = arith.constant 5 : i32
      %get3A_503 = arith.index_cast %get3A_501 : i32 to index
      %get3A_504 = arith.index_cast %get3A_502 : i32 to index
      %get3A_505 = arith.index_cast %mul3A_453 : i32 to index
      %get3A_506 = tpu.vector_load %arg8[%get3A_503, %get3A_504, %get3A_505] {strides = array<i32>} : memref<2x8x4096xf32, #tpu.memory_space<vmem>>, vector<1x1x16xf32>,
      %get3A_507 = vector.shape_cast %get3A_506 : vector<1x1x16xf32> to vector<16xf32>
      %mul3A_508 = arith.mulf %get3A_119, %get3A_507 : vector<16xf32>
      %add3A_509 = arith.addf %add3A_500, %mul3A_508 : vector<16xf32>
      %get3A_510 = arith.constant 0 : i32
      %get3A_511 = arith.constant 6 : i32
      %get3A_512 = arith.index_cast %get3A_510 : i32 to index
      %get3A_513 = arith.index_cast %get3A_511 : i32 to index
      %get3A_514 = arith.index_cast %mul3A_453 : i32 to index
      %get3A_515 = tpu.vector_load %arg8[%get3A_512, %get3A_513, %get3A_514] {strides = array<i32>} : memref<2x8x4096xf32, #tpu.memory_space<vmem>>, vector<1x1x16xf32>,
      %get3A_516 = vector.shape_cast %get3A_515 : vector<1x1x16xf32> to vector<16xf32>
      %mul3A_517 = arith.mulf %get3A_124, %get3A_516 : vector<16xf32>
      %add3A_518 = arith.addf %add3A_509, %mul3A_517 : vector<16xf32>
      %get3A_519 = arith.constant 0 : i32
      %get3A_520 = arith.constant 7 : i32
      %get3A_521 = arith.index_cast %get3A_519 : i32 to index
      %get3A_522 = arith.index_cast %get3A_520 : i32 to index
      %get3A_523 = arith.index_cast %mul3A_453 : i32 to index
      %get3A_524 = tpu.vector_load %arg8[%get3A_521, %get3A_522, %get3A_523] {strides = array<i32>} : memref<2x8x4096xf32, #tpu.memory_space<vmem>>, vector<1x1x16xf32>,
      %get3A_525 = vector.shape_cast %get3A_524 : vector<1x1x16xf32> to vector<16xf32>
      %mul3A_526 = arith.mulf %get3A_129, %get3A_525 : vector<16xf32>
      %add3A_527 = arith.addf %add3A_518, %mul3A_526 : vector<16xf32>
      %swap3A_528 = arith.constant 0 : i32
      %swap3A_529 = arith.index_cast %swap3A_528 : i32 to index
      %swap3A_530 = arith.index_cast %mul3A_453 : i32 to index
      %swap3A_531 = tpu.vector_load %arg9[%swap3A_529, %swap3A_530] {strides = array<i32>} : memref<1x4096xf32, #tpu.memory_space<vmem>>, vector<1x16xf32>,
      %swap3A_532 = vector.shape_cast %swap3A_531 : vector<1x16xf32> to vector<16xf32>
      %swap3A_533 = vector.shape_cast %add3A_527 : vector<16xf32> to vector<1x16xf32>
      tpu.vector_store %arg9[%swap3A_529, %swap3A_530], %swap3A_533 {strides = array<i32>} : memref<1x4096xf32, #tpu.memory_space<vmem>>, vector<1x16xf32>,
      %scan3A_534 = arith.constant 0 : i32
      %scan3A_535 = arith.constant 2 : i32
      %scan3A_536 = arith.addi %scan3A_367, %scan3A_535 : i32
      %mul3A_537 = arith.constant 16 : i32
      %mul3A_538 = arith.muli %scan3A_536, %mul3A_537 : i32
      %broadcast_in_dim3A_539 = arith.constant 0.000000e+00 : f32
      %broadcast_in_dim3A_540 = vector.broadcast %broadcast_in_dim3A_539 : f32 to vector<16xf32>
      %get3A_541 = arith.constant 0 : i32
      %get3A_542 = arith.constant 0 : i32
      %get3A_543 = arith.index_cast %get3A_541 : i32 to index
      %get3A_544 = arith.index_cast %get3A_542 : i32 to index
      %get3A_545 = arith.index_cast %mul3A_538 : i32 to index
      %get3A_546 = tpu.vector_load %arg8[%get3A_543, %get3A_544, %get3A_545] {strides = array<i32>} : memref<2x8x4096xf32, #tpu.memory_space<vmem>>, vector<1x1x16xf32>,
      %get3A_547 = vector.shape_cast %get3A_546 : vector<1x1x16xf32> to vector<16xf32>
      %mul3A_548 = arith.mulf %get3A_94, %get3A_547 : vector<16xf32>
      %add3A_549 = arith.addf %broadcast_in_dim3A_540, %mul3A_548 : vector<16xf32>
      %get3A_550 = arith.constant 0 : i32
      %get3A_551 = arith.constant 1 : i32
      %get3A_552 = arith.index_cast %get3A_550 : i32 to index
      %get3A_553 = arith.index_cast %get3A_551 : i32 to index
      %get3A_554 = arith.index_cast %mul3A_538 : i32 to index
      %get3A_555 = tpu.vector_load %arg8[%get3A_552, %get3A_553, %get3A_554] {strides = array<i32>} : memref<2x8x4096xf32, #tpu.memory_space<vmem>>, vector<1x1x16xf32>,
      %get3A_556 = vector.shape_cast %get3A_555 : vector<1x1x16xf32> to vector<16xf32>
      %mul3A_557 = arith.mulf %get3A_99, %get3A_556 : vector<16xf32>
      %add3A_558 = arith.addf %add3A_549, %mul3A_557 : vector<16xf32>
      %get3A_559 = arith.constant 0 : i32
      %get3A_560 = arith.constant 2 : i32
      %get3A_561 = arith.index_cast %get3A_559 : i32 to index
      %get3A_562 = arith.index_cast %get3A_560 : i32 to index
      %get3A_563 = arith.index_cast %mul3A_538 : i32 to index
      %get3A_564 = tpu.vector_load %arg8[%get3A_561, %get3A_562, %get3A_563] {strides = array<i32>} : memref<2x8x4096xf32, #tpu.memory_space<vmem>>, vector<1x1x16xf32>,
      %get3A_565 = vector.shape_cast %get3A_564 : vector<1x1x16xf32> to vector<16xf32>
      %mul3A_566 = arith.mulf %get3A_104, %get3A_565 : vector<16xf32>
      %add3A_567 = arith.addf %add3A_558, %mul3A_566 : vector<16xf32>
      %get3A_568 = arith.constant 0 : i32
      %get3A_569 = arith.constant 3 : i32
      %get3A_570 = arith.index_cast %get3A_568 : i32 to index
      %get3A_571 = arith.index_cast %get3A_569 : i32 to index
      %get3A_572 = arith.index_cast %mul3A_538 : i32 to index
      %get3A_573 = tpu.vector_load %arg8[%get3A_570, %get3A_571, %get3A_572] {strides = array<i32>} : memref<2x8x4096xf32, #tpu.memory_space<vmem>>, vector<1x1x16xf32>,
      %get3A_574 = vector.shape_cast %get3A_573 : vector<1x1x16xf32> to vector<16xf32>
      %mul3A_575 = arith.mulf %get3A_109, %get3A_574 : vector<16xf32>
      %add3A_576 = arith.addf %add3A_567, %mul3A_575 : vector<16xf32>
      %get3A_577 = arith.constant 0 : i32
      %get3A_578 = arith.constant 4 : i32
      %get3A_579 = arith.index_cast %get3A_577 : i32 to index
      %get3A_580 = arith.index_cast %get3A_578 : i32 to index
      %get3A_581 = arith.index_cast %mul3A_538 : i32 to index
      %get3A_582 = tpu.vector_load %arg8[%get3A_579, %get3A_580, %get3A_581] {strides = array<i32>} : memref<2x8x4096xf32, #tpu.memory_space<vmem>>, vector<1x1x16xf32>,
      %get3A_583 = vector.shape_cast %get3A_582 : vector<1x1x16xf32> to vector<16xf32>
      %mul3A_584 = arith.mulf %get3A_114, %get3A_583 : vector<16xf32>
      %add3A_585 = arith.addf %add3A_576, %mul3A_584 : vector<16xf32>
      %get3A_586 = arith.constant 0 : i32
      %get3A_587 = arith.constant 5 : i32
      %get3A_588 = arith.index_cast %get3A_586 : i32 to index
      %get3A_589 = arith.index_cast %get3A_587 : i32 to index
      %get3A_590 = arith.index_cast %mul3A_538 : i32 to index
      %get3A_591 = tpu.vector_load %arg8[%get3A_588, %get3A_589, %get3A_590] {strides = array<i32>} : memref<2x8x4096xf32, #tpu.memory_space<vmem>>, vector<1x1x16xf32>,
      %get3A_592 = vector.shape_cast %get3A_591 : vector<1x1x16xf32> to vector<16xf32>
      %mul3A_593 = arith.mulf %get3A_119, %get3A_592 : vector<16xf32>
      %add3A_594 = arith.addf %add3A_585, %mul3A_593 : vector<16xf32>
      %get3A_595 = arith.constant 0 : i32
      %get3A_596 = arith.constant 6 : i32
      %get3A_597 = arith.index_cast %get3A_595 : i32 to index
      %get3A_598 = arith.index_cast %get3A_596 : i32 to index
      %get3A_599 = arith.index_cast %mul3A_538 : i32 to index
      %get3A_600 = tpu.vector_load %arg8[%get3A_597, %get3A_598, %get3A_599] {strides = array<i32>} : memref<2x8x4096xf32, #tpu.memory_space<vmem>>, vector<1x1x16xf32>,
      %get3A_601 = vector.shape_cast %get3A_600 : vector<1x1x16xf32> to vector<16xf32>
      %mul3A_602 = arith.mulf %get3A_124, %get3A_601 : vector<16xf32>
      %add3A_603 = arith.addf %add3A_594, %mul3A_602 : vector<16xf32>
      %get3A_604 = arith.constant 0 : i32
      %get3A_605 = arith.constant 7 : i32
      %get3A_606 = arith.index_cast %get3A_604 : i32 to index
      %get3A_607 = arith.index_cast %get3A_605 : i32 to index
      %get3A_608 = arith.index_cast %mul3A_538 : i32 to index
      %get3A_609 = tpu.vector_load %arg8[%get3A_606, %get3A_607, %get3A_608] {strides = array<i32>} : memref<2x8x4096xf32, #tpu.memory_space<vmem>>, vector<1x1x16xf32>,
      %get3A_610 = vector.shape_cast %get3A_609 : vector<1x1x16xf32> to vector<16xf32>
      %mul3A_611 = arith.mulf %get3A_129, %get3A_610 : vector<16xf32>
      %add3A_612 = arith.addf %add3A_603, %mul3A_611 : vector<16xf32>
      %swap3A_613 = arith.constant 0 : i32
      %swap3A_614 = arith.index_cast %swap3A_613 : i32 to index
      %swap3A_615 = arith.index_cast %mul3A_538 : i32 to index
      %swap3A_616 = tpu.vector_load %arg9[%swap3A_614, %swap3A_615] {strides = array<i32>} : memref<1x4096xf32, #tpu.memory_space<vmem>>, vector<1x16xf32>,
      %swap3A_617 = vector.shape_cast %swap3A_616 : vector<1x16xf32> to vector<16xf32>
      %swap3A_618 = vector.shape_cast %add3A_612 : vector<16xf32> to vector<1x16xf32>
      tpu.vector_store %arg9[%swap3A_614, %swap3A_615], %swap3A_618 {strides = array<i32>} : memref<1x4096xf32, #tpu.memory_space<vmem>>, vector<1x16xf32>,
      %scan3A_619 = arith.constant 0 : i32
      %scan3A_620 = arith.constant 3 : i32
      %scan3A_621 = arith.addi %scan3A_367, %scan3A_620 : i32
      %mul3A_622 = arith.constant 16 : i32
      %mul3A_623 = arith.muli %scan3A_621, %mul3A_622 : i32
      %broadcast_in_dim3A_624 = arith.constant 0.000000e+00 : f32
      %broadcast_in_dim3A_625 = vector.broadcast %broadcast_in_dim3A_624 : f32 to vector<16xf32>
      %get3A_626 = arith.constant 0 : i32
      %get3A_627 = arith.constant 0 : i32
      %get3A_628 = arith.index_cast %get3A_626 : i32 to index
      %get3A_629 = arith.index_cast %get3A_627 : i32 to index
      %get3A_630 = arith.index_cast %mul3A_623 : i32 to index
      %get3A_631 = tpu.vector_load %arg8[%get3A_628, %get3A_629, %get3A_630] {strides = array<i32>} : memref<2x8x4096xf32, #tpu.memory_space<vmem>>, vector<1x1x16xf32>,
      %get3A_632 = vector.shape_cast %get3A_631 : vector<1x1x16xf32> to vector<16xf32>
      %mul3A_633 = arith.mulf %get3A_94, %get3A_632 : vector<16xf32>
      %add3A_634 = arith.addf %broadcast_in_dim3A_625, %mul3A_633 : vector<16xf32>
      %get3A_635 = arith.constant 0 : i32
      %get3A_636 = arith.constant 1 : i32
      %get3A_637 = arith.index_cast %get3A_635 : i32 to index
      %get3A_638 = arith.index_cast %get3A_636 : i32 to index
      %get3A_639 = arith.index_cast %mul3A_623 : i32 to index
      %get3A_640 = tpu.vector_load %arg8[%get3A_637, %get3A_638, %get3A_639] {strides = array<i32>} : memref<2x8x4096xf32, #tpu.memory_space<vmem>>, vector<1x1x16xf32>,
      %get3A_641 = vector.shape_cast %get3A_640 : vector<1x1x16xf32> to vector<16xf32>
      %mul3A_642 = arith.mulf %get3A_99, %get3A_641 : vector<16xf32>
      %add3A_643 = arith.addf %add3A_634, %mul3A_642 : vector<16xf32>
      %get3A_644 = arith.constant 0 : i32
      %get3A_645 = arith.constant 2 : i32
      %get3A_646 = arith.index_cast %get3A_644 : i32 to index
      %get3A_647 = arith.index_cast %get3A_645 : i32 to index
      %get3A_648 = arith.index_cast %mul3A_623 : i32 to index
      %get3A_649 = tpu.vector_load %arg8[%get3A_646, %get3A_647, %get3A_648] {strides = array<i32>} : memref<2x8x4096xf32, #tpu.memory_space<vmem>>, vector<1x1x16xf32>,
      %get3A_650 = vector.shape_cast %get3A_649 : vector<1x1x16xf32> to vector<16xf32>
      %mul3A_651 = arith.mulf %get3A_104, %get3A_650 : vector<16xf32>
      %add3A_652 = arith.addf %add3A_643, %mul3A_651 : vector<16xf32>
      %get3A_653 = arith.constant 0 : i32
      %get3A_654 = arith.constant 3 : i32
      %get3A_655 = arith.index_cast %get3A_653 : i32 to index
      %get3A_656 = arith.index_cast %get3A_654 : i32 to index
      %get3A_657 = arith.index_cast %mul3A_623 : i32 to index
      %get3A_658 = tpu.vector_load %arg8[%get3A_655, %get3A_656, %get3A_657] {strides = array<i32>} : memref<2x8x4096xf32, #tpu.memory_space<vmem>>, vector<1x1x16xf32>,
      %get3A_659 = vector.shape_cast %get3A_658 : vector<1x1x16xf32> to vector<16xf32>
      %mul3A_660 = arith.mulf %get3A_109, %get3A_659 : vector<16xf32>
      %add3A_661 = arith.addf %add3A_652, %mul3A_660 : vector<16xf32>
      %get3A_662 = arith.constant 0 : i32
      %get3A_663 = arith.constant 4 : i32
      %get3A_664 = arith.index_cast %get3A_662 : i32 to index
      %get3A_665 = arith.index_cast %get3A_663 : i32 to index
      %get3A_666 = arith.index_cast %mul3A_623 : i32 to index
      %get3A_667 = tpu.vector_load %arg8[%get3A_664, %get3A_665, %get3A_666] {strides = array<i32>} : memref<2x8x4096xf32, #tpu.memory_space<vmem>>, vector<1x1x16xf32>,
      %get3A_668 = vector.shape_cast %get3A_667 : vector<1x1x16xf32> to vector<16xf32>
      %mul3A_669 = arith.mulf %get3A_114, %get3A_668 : vector<16xf32>
      %add3A_670 = arith.addf %add3A_661, %mul3A_669 : vector<16xf32>
      %get3A_671 = arith.constant 0 : i32
      %get3A_672 = arith.constant 5 : i32
      %get3A_673 = arith.index_cast %get3A_671 : i32 to index
      %get3A_674 = arith.index_cast %get3A_672 : i32 to index
      %get3A_675 = arith.index_cast %mul3A_623 : i32 to index
      %get3A_676 = tpu.vector_load %arg8[%get3A_673, %get3A_674, %get3A_675] {strides = array<i32>} : memref<2x8x4096xf32, #tpu.memory_space<vmem>>, vector<1x1x16xf32>,
      %get3A_677 = vector.shape_cast %get3A_676 : vector<1x1x16xf32> to vector<16xf32>
      %mul3A_678 = arith.mulf %get3A_119, %get3A_677 : vector<16xf32>
      %add3A_679 = arith.addf %add3A_670, %mul3A_678 : vector<16xf32>
      %get3A_680 = arith.constant 0 : i32
      %get3A_681 = arith.constant 6 : i32
      %get3A_682 = arith.index_cast %get3A_680 : i32 to index
      %get3A_683 = arith.index_cast %get3A_681 : i32 to index
      %get3A_684 = arith.index_cast %mul3A_623 : i32 to index
      %get3A_685 = tpu.vector_load %arg8[%get3A_682, %get3A_683, %get3A_684] {strides = array<i32>} : memref<2x8x4096xf32, #tpu.memory_space<vmem>>, vector<1x1x16xf32>,
      %get3A_686 = vector.shape_cast %get3A_685 : vector<1x1x16xf32> to vector<16xf32>
      %mul3A_687 = arith.mulf %get3A_124, %get3A_686 : vector<16xf32>
      %add3A_688 = arith.addf %add3A_679, %mul3A_687 : vector<16xf32>
      %get3A_689 = arith.constant 0 : i32
      %get3A_690 = arith.constant 7 : i32
      %get3A_691 = arith.index_cast %get3A_689 : i32 to index
      %get3A_692 = arith.index_cast %get3A_690 : i32 to index
      %get3A_693 = arith.index_cast %mul3A_623 : i32 to index
      %get3A_694 = tpu.vector_load %arg8[%get3A_691, %get3A_692, %get3A_693] {strides = array<i32>} : memref<2x8x4096xf32, #tpu.memory_space<vmem>>, vector<1x1x16xf32>,
      %get3A_695 = vector.shape_cast %get3A_694 : vector<1x1x16xf32> to vector<16xf32>
      %mul3A_696 = arith.mulf %get3A_129, %get3A_695 : vector<16xf32>
      %add3A_697 = arith.addf %add3A_688, %mul3A_696 : vector<16xf32>
      %swap3A_698 = arith.constant 0 : i32
      %swap3A_699 = arith.index_cast %swap3A_698 : i32 to index
      %swap3A_700 = arith.index_cast %mul3A_623 : i32 to index
      %swap3A_701 = tpu.vector_load %arg9[%swap3A_699, %swap3A_700] {strides = array<i32>} : memref<1x4096xf32, #tpu.memory_space<vmem>>, vector<1x16xf32>,
      %swap3A_702 = vector.shape_cast %swap3A_701 : vector<1x16xf32> to vector<16xf32>
      %swap3A_703 = vector.shape_cast %add3A_697 : vector<16xf32> to vector<1x16xf32>
      tpu.vector_store %arg9[%swap3A_699, %swap3A_700], %swap3A_703 {strides = array<i32>} : memref<1x4096xf32, #tpu.memory_space<vmem>>, vector<1x16xf32>,
      %scan3A_704 = arith.constant 0 : i32
      %scan3A_705 = arith.constant 4 : i32
      %scan3A_706 = arith.addi %scan3A_367, %scan3A_705 : i32
      %mul3A_707 = arith.constant 16 : i32
      %mul3A_708 = arith.muli %scan3A_706, %mul3A_707 : i32
      %broadcast_in_dim3A_709 = arith.constant 0.000000e+00 : f32
      %broadcast_in_dim3A_710 = vector.broadcast %broadcast_in_dim3A_709 : f32 to vector<16xf32>
      %get3A_711 = arith.constant 0 : i32
      %get3A_712 = arith.constant 0 : i32
      %get3A_713 = arith.index_cast %get3A_711 : i32 to index
      %get3A_714 = arith.index_cast %get3A_712 : i32 to index
      %get3A_715 = arith.index_cast %mul3A_708 : i32 to index
      %get3A_716 = tpu.vector_load %arg8[%get3A_713, %get3A_714, %get3A_715] {strides = array<i32>} : memref<2x8x4096xf32, #tpu.memory_space<vmem>>, vector<1x1x16xf32>,
      %get3A_717 = vector.shape_cast %get3A_716 : vector<1x1x16xf32> to vector<16xf32>
      %mul3A_718 = arith.mulf %get3A_94, %get3A_717 : vector<16xf32>
      %add3A_719 = arith.addf %broadcast_in_dim3A_710, %mul3A_718 : vector<16xf32>
      %get3A_720 = arith.constant 0 : i32
      %get3A_721 = arith.constant 1 : i32
      %get3A_722 = arith.index_cast %get3A_720 : i32 to index
      %get3A_723 = arith.index_cast %get3A_721 : i32 to index
      %get3A_724 = arith.index_cast %mul3A_708 : i32 to index
      %get3A_725 = tpu.vector_load %arg8[%get3A_722, %get3A_723, %get3A_724] {strides = array<i32>} : memref<2x8x4096xf32, #tpu.memory_space<vmem>>, vector<1x1x16xf32>,
      %get3A_726 = vector.shape_cast %get3A_725 : vector<1x1x16xf32> to vector<16xf32>
      %mul3A_727 = arith.mulf %get3A_99, %get3A_726 : vector<16xf32>
      %add3A_728 = arith.addf %add3A_719, %mul3A_727 : vector<16xf32>
      %get3A_729 = arith.constant 0 : i32
      %get3A_730 = arith.constant 2 : i32
      %get3A_731 = arith.index_cast %get3A_729 : i32 to index
      %get3A_732 = arith.index_cast %get3A_730 : i32 to index
      %get3A_733 = arith.index_cast %mul3A_708 : i32 to index
      %get3A_734 = tpu.vector_load %arg8[%get3A_731, %get3A_732, %get3A_733] {strides = array<i32>} : memref<2x8x4096xf32, #tpu.memory_space<vmem>>, vector<1x1x16xf32>,
      %get3A_735 = vector.shape_cast %get3A_734 : vector<1x1x16xf32> to vector<16xf32>
      %mul3A_736 = arith.mulf %get3A_104, %get3A_735 : vector<16xf32>
      %add3A_737 = arith.addf %add3A_728, %mul3A_736 : vector<16xf32>
      %get3A_738 = arith.constant 0 : i32
      %get3A_739 = arith.constant 3 : i32
      %get3A_740 = arith.index_cast %get3A_738 : i32 to index
      %get3A_741 = arith.index_cast %get3A_739 : i32 to index
      %get3A_742 = arith.index_cast %mul3A_708 : i32 to index
      %get3A_743 = tpu.vector_load %arg8[%get3A_740, %get3A_741, %get3A_742] {strides = array<i32>} : memref<2x8x4096xf32, #tpu.memory_space<vmem>>, vector<1x1x16xf32>,
      %get3A_744 = vector.shape_cast %get3A_743 : vector<1x1x16xf32> to vector<16xf32>
      %mul3A_745 = arith.mulf %get3A_109, %get3A_744 : vector<16xf32>
      %add3A_746 = arith.addf %add3A_737, %mul3A_745 : vector<16xf32>
      %get3A_747 = arith.constant 0 : i32
      %get3A_748 = arith.constant 4 : i32
      %get3A_749 = arith.index_cast %get3A_747 : i32 to index
      %get3A_750 = arith.index_cast %get3A_748 : i32 to index
      %get3A_751 = arith.index_cast %mul3A_708 : i32 to index
      %get3A_752 = tpu.vector_load %arg8[%get3A_749, %get3A_750, %get3A_751] {strides = array<i32>} : memref<2x8x4096xf32, #tpu.memory_space<vmem>>, vector<1x1x16xf32>,
      %get3A_753 = vector.shape_cast %get3A_752 : vector<1x1x16xf32> to vector<16xf32>
      %mul3A_754 = arith.mulf %get3A_114, %get3A_753 : vector<16xf32>
      %add3A_755 = arith.addf %add3A_746, %mul3A_754 : vector<16xf32>
      %get3A_756 = arith.constant 0 : i32
      %get3A_757 = arith.constant 5 : i32
      %get3A_758 = arith.index_cast %get3A_756 : i32 to index
      %get3A_759 = arith.index_cast %get3A_757 : i32 to index
      %get3A_760 = arith.index_cast %mul3A_708 : i32 to index
      %get3A_761 = tpu.vector_load %arg8[%get3A_758, %get3A_759, %get3A_760] {strides = array<i32>} : memref<2x8x4096xf32, #tpu.memory_space<vmem>>, vector<1x1x16xf32>,
      %get3A_762 = vector.shape_cast %get3A_761 : vector<1x1x16xf32> to vector<16xf32>
      %mul3A_763 = arith.mulf %get3A_119, %get3A_762 : vector<16xf32>
      %add3A_764 = arith.addf %add3A_755, %mul3A_763 : vector<16xf32>
      %get3A_765 = arith.constant 0 : i32
      %get3A_766 = arith.constant 6 : i32
      %get3A_767 = arith.index_cast %get3A_765 : i32 to index
      %get3A_768 = arith.index_cast %get3A_766 : i32 to index
      %get3A_769 = arith.index_cast %mul3A_708 : i32 to index
      %get3A_770 = tpu.vector_load %arg8[%get3A_767, %get3A_768, %get3A_769] {strides = array<i32>} : memref<2x8x4096xf32, #tpu.memory_space<vmem>>, vector<1x1x16xf32>,
      %get3A_771 = vector.shape_cast %get3A_770 : vector<1x1x16xf32> to vector<16xf32>
      %mul3A_772 = arith.mulf %get3A_124, %get3A_771 : vector<16xf32>
      %add3A_773 = arith.addf %add3A_764, %mul3A_772 : vector<16xf32>
      %get3A_774 = arith.constant 0 : i32
      %get3A_775 = arith.constant 7 : i32
      %get3A_776 = arith.index_cast %get3A_774 : i32 to index
      %get3A_777 = arith.index_cast %get3A_775 : i32 to index
      %get3A_778 = arith.index_cast %mul3A_708 : i32 to index
      %get3A_779 = tpu.vector_load %arg8[%get3A_776, %get3A_777, %get3A_778] {strides = array<i32>} : memref<2x8x4096xf32, #tpu.memory_space<vmem>>, vector<1x1x16xf32>,
      %get3A_780 = vector.shape_cast %get3A_779 : vector<1x1x16xf32> to vector<16xf32>
      %mul3A_781 = arith.mulf %get3A_129, %get3A_780 : vector<16xf32>
      %add3A_782 = arith.addf %add3A_773, %mul3A_781 : vector<16xf32>
      %swap3A_783 = arith.constant 0 : i32
      %swap3A_784 = arith.index_cast %swap3A_783 : i32 to index
      %swap3A_785 = arith.index_cast %mul3A_708 : i32 to index
      %swap3A_786 = tpu.vector_load %arg9[%swap3A_784, %swap3A_785] {strides = array<i32>} : memref<1x4096xf32, #tpu.memory_space<vmem>>, vector<1x16xf32>,
      %swap3A_787 = vector.shape_cast %swap3A_786 : vector<1x16xf32> to vector<16xf32>
      %swap3A_788 = vector.shape_cast %add3A_782 : vector<16xf32> to vector<1x16xf32>
      tpu.vector_store %arg9[%swap3A_784, %swap3A_785], %swap3A_788 {strides = array<i32>} : memref<1x4096xf32, #tpu.memory_space<vmem>>, vector<1x16xf32>,
      %scan3A_789 = arith.constant 0 : i32
      %scan3A_790 = arith.constant 5 : i32
      %scan3A_791 = arith.addi %scan3A_367, %scan3A_790 : i32
      %mul3A_792 = arith.constant 16 : i32
      %mul3A_793 = arith.muli %scan3A_791, %mul3A_792 : i32
      %broadcast_in_dim3A_794 = arith.constant 0.000000e+00 : f32
      %broadcast_in_dim3A_795 = vector.broadcast %broadcast_in_dim3A_794 : f32 to vector<16xf32>
      %get3A_796 = arith.constant 0 : i32
      %get3A_797 = arith.constant 0 : i32
      %get3A_798 = arith.index_cast %get3A_796 : i32 to index
      %get3A_799 = arith.index_cast %get3A_797 : i32 to index
      %get3A_800 = arith.index_cast %mul3A_793 : i32 to index
      %get3A_801 = tpu.vector_load %arg8[%get3A_798, %get3A_799, %get3A_800] {strides = array<i32>} : memref<2x8x4096xf32, #tpu.memory_space<vmem>>, vector<1x1x16xf32>,
      %get3A_802 = vector.shape_cast %get3A_801 : vector<1x1x16xf32> to vector<16xf32>
      %mul3A_803 = arith.mulf %get3A_94, %get3A_802 : vector<16xf32>
      %add3A_804 = arith.addf %broadcast_in_dim3A_795, %mul3A_803 : vector<16xf32>
      %get3A_805 = arith.constant 0 : i32
      %get3A_806 = arith.constant 1 : i32
      %get3A_807 = arith.index_cast %get3A_805 : i32 to index
      %get3A_808 = arith.index_cast %get3A_806 : i32 to index
      %get3A_809 = arith.index_cast %mul3A_793 : i32 to index
      %get3A_810 = tpu.vector_load %arg8[%get3A_807, %get3A_808, %get3A_809] {strides = array<i32>} : memref<2x8x4096xf32, #tpu.memory_space<vmem>>, vector<1x1x16xf32>,
      %get3A_811 = vector.shape_cast %get3A_810 : vector<1x1x16xf32> to vector<16xf32>
      %mul3A_812 = arith.mulf %get3A_99, %get3A_811 : vector<16xf32>
      %add3A_813 = arith.addf %add3A_804, %mul3A_812 : vector<16xf32>
      %get3A_814 = arith.constant 0 : i32
      %get3A_815 = arith.constant 2 : i32
      %get3A_816 = arith.index_cast %get3A_814 : i32 to index
      %get3A_817 = arith.index_cast %get3A_815 : i32 to index
      %get3A_818 = arith.index_cast %mul3A_793 : i32 to index
      %get3A_819 = tpu.vector_load %arg8[%get3A_816, %get3A_817, %get3A_818] {strides = array<i32>} : memref<2x8x4096xf32, #tpu.memory_space<vmem>>, vector<1x1x16xf32>,
      %get3A_820 = vector.shape_cast %get3A_819 : vector<1x1x16xf32> to vector<16xf32>
      %mul3A_821 = arith.mulf %get3A_104, %get3A_820 : vector<16xf32>
      %add3A_822 = arith.addf %add3A_813, %mul3A_821 : vector<16xf32>
      %get3A_823 = arith.constant 0 : i32
      %get3A_824 = arith.constant 3 : i32
      %get3A_825 = arith.index_cast %get3A_823 : i32 to index
      %get3A_826 = arith.index_cast %get3A_824 : i32 to index
      %get3A_827 = arith.index_cast %mul3A_793 : i32 to index
      %get3A_828 = tpu.vector_load %arg8[%get3A_825, %get3A_826, %get3A_827] {strides = array<i32>} : memref<2x8x4096xf32, #tpu.memory_space<vmem>>, vector<1x1x16xf32>,
      %get3A_829 = vector.shape_cast %get3A_828 : vector<1x1x16xf32> to vector<16xf32>
      %mul3A_830 = arith.mulf %get3A_109, %get3A_829 : vector<16xf32>
      %add3A_831 = arith.addf %add3A_822, %mul3A_830 : vector<16xf32>
      %get3A_832 = arith.constant 0 : i32
      %get3A_833 = arith.constant 4 : i32
      %get3A_834 = arith.index_cast %get3A_832 : i32 to index
      %get3A_835 = arith.index_cast %get3A_833 : i32 to index
      %get3A_836 = arith.index_cast %mul3A_793 : i32 to index
      %get3A_837 = tpu.vector_load %arg8[%get3A_834, %get3A_835, %get3A_836] {strides = array<i32>} : memref<2x8x4096xf32, #tpu.memory_space<vmem>>, vector<1x1x16xf32>,
      %get3A_838 = vector.shape_cast %get3A_837 : vector<1x1x16xf32> to vector<16xf32>
      %mul3A_839 = arith.mulf %get3A_114, %get3A_838 : vector<16xf32>
      %add3A_840 = arith.addf %add3A_831, %mul3A_839 : vector<16xf32>
      %get3A_841 = arith.constant 0 : i32
      %get3A_842 = arith.constant 5 : i32
      %get3A_843 = arith.index_cast %get3A_841 : i32 to index
      %get3A_844 = arith.index_cast %get3A_842 : i32 to index
      %get3A_845 = arith.index_cast %mul3A_793 : i32 to index
      %get3A_846 = tpu.vector_load %arg8[%get3A_843, %get3A_844, %get3A_845] {strides = array<i32>} : memref<2x8x4096xf32, #tpu.memory_space<vmem>>, vector<1x1x16xf32>,
      %get3A_847 = vector.shape_cast %get3A_846 : vector<1x1x16xf32> to vector<16xf32>
      %mul3A_848 = arith.mulf %get3A_119, %get3A_847 : vector<16xf32>
      %add3A_849 = arith.addf %add3A_840, %mul3A_848 : vector<16xf32>
      %get3A_850 = arith.constant 0 : i32
      %get3A_851 = arith.constant 6 : i32
      %get3A_852 = arith.index_cast %get3A_850 : i32 to index
      %get3A_853 = arith.index_cast %get3A_851 : i32 to index
      %get3A_854 = arith.index_cast %mul3A_793 : i32 to index
      %get3A_855 = tpu.vector_load %arg8[%get3A_852, %get3A_853, %get3A_854] {strides = array<i32>} : memref<2x8x4096xf32, #tpu.memory_space<vmem>>, vector<1x1x16xf32>,
      %get3A_856 = vector.shape_cast %get3A_855 : vector<1x1x16xf32> to vector<16xf32>
      %mul3A_857 = arith.mulf %get3A_124, %get3A_856 : vector<16xf32>
      %add3A_858 = arith.addf %add3A_849, %mul3A_857 : vector<16xf32>
      %get3A_859 = arith.constant 0 : i32
      %get3A_860 = arith.constant 7 : i32
      %get3A_861 = arith.index_cast %get3A_859 : i32 to index
      %get3A_862 = arith.index_cast %get3A_860 : i32 to index
      %get3A_863 = arith.index_cast %mul3A_793 : i32 to index
      %get3A_864 = tpu.vector_load %arg8[%get3A_861, %get3A_862, %get3A_863] {strides = array<i32>} : memref<2x8x4096xf32, #tpu.memory_space<vmem>>, vector<1x1x16xf32>,
      %get3A_865 = vector.shape_cast %get3A_864 : vector<1x1x16xf32> to vector<16xf32>
      %mul3A_866 = arith.mulf %get3A_129, %get3A_865 : vector<16xf32>
      %add3A_867 = arith.addf %add3A_858, %mul3A_866 : vector<16xf32>
      %swap3A_868 = arith.constant 0 : i32
      %swap3A_869 = arith.index_cast %swap3A_868 : i32 to index
      %swap3A_870 = arith.index_cast %mul3A_793 : i32 to index
      %swap3A_871 = tpu.vector_load %arg9[%swap3A_869, %swap3A_870] {strides = array<i32>} : memref<1x4096xf32, #tpu.memory_space<vmem>>, vector<1x16xf32>,
      %swap3A_872 = vector.shape_cast %swap3A_871 : vector<1x16xf32> to vector<16xf32>
      %swap3A_873 = vector.shape_cast %add3A_867 : vector<16xf32> to vector<1x16xf32>
      tpu.vector_store %arg9[%swap3A_869, %swap3A_870], %swap3A_873 {strides = array<i32>} : memref<1x4096xf32, #tpu.memory_space<vmem>>, vector<1x16xf32>,
      %scan3A_874 = arith.constant 0 : i32
      %scan3A_875 = arith.constant 6 : i32
      %scan3A_876 = arith.addi %scan3A_367, %scan3A_875 : i32
      %mul3A_877 = arith.constant 16 : i32
      %mul3A_878 = arith.muli %scan3A_876, %mul3A_877 : i32
      %broadcast_in_dim3A_879 = arith.constant 0.000000e+00 : f32
      %broadcast_in_dim3A_880 = vector.broadcast %broadcast_in_dim3A_879 : f32 to vector<16xf32>
      %get3A_881 = arith.constant 0 : i32
      %get3A_882 = arith.constant 0 : i32
      %get3A_883 = arith.index_cast %get3A_881 : i32 to index
      %get3A_884 = arith.index_cast %get3A_882 : i32 to index
      %get3A_885 = arith.index_cast %mul3A_878 : i32 to index
      %get3A_886 = tpu.vector_load %arg8[%get3A_883, %get3A_884, %get3A_885] {strides = array<i32>} : memref<2x8x4096xf32, #tpu.memory_space<vmem>>, vector<1x1x16xf32>,
      %get3A_887 = vector.shape_cast %get3A_886 : vector<1x1x16xf32> to vector<16xf32>
      %mul3A_888 = arith.mulf %get3A_94, %get3A_887 : vector<16xf32>
      %add3A_889 = arith.addf %broadcast_in_dim3A_880, %mul3A_888 : vector<16xf32>
      %get3A_890 = arith.constant 0 : i32
      %get3A_891 = arith.constant 1 : i32
      %get3A_892 = arith.index_cast %get3A_890 : i32 to index
      %get3A_893 = arith.index_cast %get3A_891 : i32 to index
      %get3A_894 = arith.index_cast %mul3A_878 : i32 to index
      %get3A_895 = tpu.vector_load %arg8[%get3A_892, %get3A_893, %get3A_894] {strides = array<i32>} : memref<2x8x4096xf32, #tpu.memory_space<vmem>>, vector<1x1x16xf32>,
      %get3A_896 = vector.shape_cast %get3A_895 : vector<1x1x16xf32> to vector<16xf32>
      %mul3A_897 = arith.mulf %get3A_99, %get3A_896 : vector<16xf32>
      %add3A_898 = arith.addf %add3A_889, %mul3A_897 : vector<16xf32>
      %get3A_899 = arith.constant 0 : i32
      %get3A_900 = arith.constant 2 : i32
      %get3A_901 = arith.index_cast %get3A_899 : i32 to index
      %get3A_902 = arith.index_cast %get3A_900 : i32 to index
      %get3A_903 = arith.index_cast %mul3A_878 : i32 to index
      %get3A_904 = tpu.vector_load %arg8[%get3A_901, %get3A_902, %get3A_903] {strides = array<i32>} : memref<2x8x4096xf32, #tpu.memory_space<vmem>>, vector<1x1x16xf32>,
      %get3A_905 = vector.shape_cast %get3A_904 : vector<1x1x16xf32> to vector<16xf32>
      %mul3A_906 = arith.mulf %get3A_104, %get3A_905 : vector<16xf32>
      %add3A_907 = arith.addf %add3A_898, %mul3A_906 : vector<16xf32>
      %get3A_908 = arith.constant 0 : i32
      %get3A_909 = arith.constant 3 : i32
      %get3A_910 = arith.index_cast %get3A_908 : i32 to index
      %get3A_911 = arith.index_cast %get3A_909 : i32 to index
      %get3A_912 = arith.index_cast %mul3A_878 : i32 to index
      %get3A_913 = tpu.vector_load %arg8[%get3A_910, %get3A_911, %get3A_912] {strides = array<i32>} : memref<2x8x4096xf32, #tpu.memory_space<vmem>>, vector<1x1x16xf32>,
      %get3A_914 = vector.shape_cast %get3A_913 : vector<1x1x16xf32> to vector<16xf32>
      %mul3A_915 = arith.mulf %get3A_109, %get3A_914 : vector<16xf32>
      %add3A_916 = arith.addf %add3A_907, %mul3A_915 : vector<16xf32>
      %get3A_917 = arith.constant 0 : i32
      %get3A_918 = arith.constant 4 : i32
      %get3A_919 = arith.index_cast %get3A_917 : i32 to index
      %get3A_920 = arith.index_cast %get3A_918 : i32 to index
      %get3A_921 = arith.index_cast %mul3A_878 : i32 to index
      %get3A_922 = tpu.vector_load %arg8[%get3A_919, %get3A_920, %get3A_921] {strides = array<i32>} : memref<2x8x4096xf32, #tpu.memory_space<vmem>>, vector<1x1x16xf32>,
      %get3A_923 = vector.shape_cast %get3A_922 : vector<1x1x16xf32> to vector<16xf32>
      %mul3A_924 = arith.mulf %get3A_114, %get3A_923 : vector<16xf32>
      %add3A_925 = arith.addf %add3A_916, %mul3A_924 : vector<16xf32>
      %get3A_926 = arith.constant 0 : i32
      %get3A_927 = arith.constant 5 : i32
      %get3A_928 = arith.index_cast %get3A_926 : i32 to index
      %get3A_929 = arith.index_cast %get3A_927 : i32 to index
      %get3A_930 = arith.index_cast %mul3A_878 : i32 to index
      %get3A_931 = tpu.vector_load %arg8[%get3A_928, %get3A_929, %get3A_930] {strides = array<i32>} : memref<2x8x4096xf32, #tpu.memory_space<vmem>>, vector<1x1x16xf32>,
      %get3A_932 = vector.shape_cast %get3A_931 : vector<1x1x16xf32> to vector<16xf32>
      %mul3A_933 = arith.mulf %get3A_119, %get3A_932 : vector<16xf32>
      %add3A_934 = arith.addf %add3A_925, %mul3A_933 : vector<16xf32>
      %get3A_935 = arith.constant 0 : i32
      %get3A_936 = arith.constant 6 : i32
      %get3A_937 = arith.index_cast %get3A_935 : i32 to index
      %get3A_938 = arith.index_cast %get3A_936 : i32 to index
      %get3A_939 = arith.index_cast %mul3A_878 : i32 to index
      %get3A_940 = tpu.vector_load %arg8[%get3A_937, %get3A_938, %get3A_939] {strides = array<i32>} : memref<2x8x4096xf32, #tpu.memory_space<vmem>>, vector<1x1x16xf32>,
      %get3A_941 = vector.shape_cast %get3A_940 : vector<1x1x16xf32> to vector<16xf32>
      %mul3A_942 = arith.mulf %get3A_124, %get3A_941 : vector<16xf32>
      %add3A_943 = arith.addf %add3A_934, %mul3A_942 : vector<16xf32>
      %get3A_944 = arith.constant 0 : i32
      %get3A_945 = arith.constant 7 : i32
      %get3A_946 = arith.index_cast %get3A_944 : i32 to index
      %get3A_947 = arith.index_cast %get3A_945 : i32 to index
      %get3A_948 = arith.index_cast %mul3A_878 : i32 to index
      %get3A_949 = tpu.vector_load %arg8[%get3A_946, %get3A_947, %get3A_948] {strides = array<i32>} : memref<2x8x4096xf32, #tpu.memory_space<vmem>>, vector<1x1x16xf32>,
      %get3A_950 = vector.shape_cast %get3A_949 : vector<1x1x16xf32> to vector<16xf32>
      %mul3A_951 = arith.mulf %get3A_129, %get3A_950 : vector<16xf32>
      %add3A_952 = arith.addf %add3A_943, %mul3A_951 : vector<16xf32>
      %swap3A_953 = arith.constant 0 : i32
      %swap3A_954 = arith.index_cast %swap3A_953 : i32 to index
      %swap3A_955 = arith.index_cast %mul3A_878 : i32 to index
      %swap3A_956 = tpu.vector_load %arg9[%swap3A_954, %swap3A_955] {strides = array<i32>} : memref<1x4096xf32, #tpu.memory_space<vmem>>, vector<1x16xf32>,
      %swap3A_957 = vector.shape_cast %swap3A_956 : vector<1x16xf32> to vector<16xf32>
      %swap3A_958 = vector.shape_cast %add3A_952 : vector<16xf32> to vector<1x16xf32>
      tpu.vector_store %arg9[%swap3A_954, %swap3A_955], %swap3A_958 {strides = array<i32>} : memref<1x4096xf32, #tpu.memory_space<vmem>>, vector<1x16xf32>,
      %scan3A_959 = arith.constant 0 : i32
      %scan3A_960 = arith.constant 7 : i32
      %scan3A_961 = arith.addi %scan3A_367, %scan3A_960 : i32
      %mul3A_962 = arith.constant 16 : i32
      %mul3A_963 = arith.muli %scan3A_961, %mul3A_962 : i32
      %broadcast_in_dim3A_964 = arith.constant 0.000000e+00 : f32
      %broadcast_in_dim3A_965 = vector.broadcast %broadcast_in_dim3A_964 : f32 to vector<16xf32>
      %get3A_966 = arith.constant 0 : i32
      %get3A_967 = arith.constant 0 : i32
      %get3A_968 = arith.index_cast %get3A_966 : i32 to index
      %get3A_969 = arith.index_cast %get3A_967 : i32 to index
      %get3A_970 = arith.index_cast %mul3A_963 : i32 to index
      %get3A_971 = tpu.vector_load %arg8[%get3A_968, %get3A_969, %get3A_970] {strides = array<i32>} : memref<2x8x4096xf32, #tpu.memory_space<vmem>>, vector<1x1x16xf32>,
      %get3A_972 = vector.shape_cast %get3A_971 : vector<1x1x16xf32> to vector<16xf32>
      %mul3A_973 = arith.mulf %get3A_94, %get3A_972 : vector<16xf32>
      %add3A_974 = arith.addf %broadcast_in_dim3A_965, %mul3A_973 : vector<16xf32>
      %get3A_975 = arith.constant 0 : i32
      %get3A_976 = arith.constant 1 : i32
      %get3A_977 = arith.index_cast %get3A_975 : i32 to index
      %get3A_978 = arith.index_cast %get3A_976 : i32 to index
      %get3A_979 = arith.index_cast %mul3A_963 : i32 to index
      %get3A_980 = tpu.vector_load %arg8[%get3A_977, %get3A_978, %get3A_979] {strides = array<i32>} : memref<2x8x4096xf32, #tpu.memory_space<vmem>>, vector<1x1x16xf32>,
      %get3A_981 = vector.shape_cast %get3A_980 : vector<1x1x16xf32> to vector<16xf32>
      %mul3A_982 = arith.mulf %get3A_99, %get3A_981 : vector<16xf32>
      %add3A_983 = arith.addf %add3A_974, %mul3A_982 : vector<16xf32>
      %get3A_984 = arith.constant 0 : i32
      %get3A_985 = arith.constant 2 : i32
      %get3A_986 = arith.index_cast %get3A_984 : i32 to index
      %get3A_987 = arith.index_cast %get3A_985 : i32 to index
      %get3A_988 = arith.index_cast %mul3A_963 : i32 to index
      %get3A_989 = tpu.vector_load %arg8[%get3A_986, %get3A_987, %get3A_988] {strides = array<i32>} : memref<2x8x4096xf32, #tpu.memory_space<vmem>>, vector<1x1x16xf32>,
      %get3A_990 = vector.shape_cast %get3A_989 : vector<1x1x16xf32> to vector<16xf32>
      %mul3A_991 = arith.mulf %get3A_104, %get3A_990 : vector<16xf32>
      %add3A_992 = arith.addf %add3A_983, %mul3A_991 : vector<16xf32>
      %get3A_993 = arith.constant 0 : i32
      %get3A_994 = arith.constant 3 : i32
      %get3A_995 = arith.index_cast %get3A_993 : i32 to index
      %get3A_996 = arith.index_cast %get3A_994 : i32 to index
      %get3A_997 = arith.index_cast %mul3A_963 : i32 to index
      %get3A_998 = tpu.vector_load %arg8[%get3A_995, %get3A_996, %get3A_997] {strides = array<i32>} : memref<2x8x4096xf32, #tpu.memory_space<vmem>>, vector<1x1x16xf32>,
      %get3A_999 = vector.shape_cast %get3A_998 : vector<1x1x16xf32> to vector<16xf32>
      %mul3A_1000 = arith.mulf %get3A_109, %get3A_999 : vector<16xf32>
      %add3A_1001 = arith.addf %add3A_992, %mul3A_1000 : vector<16xf32>
      %get3A_1002 = arith.constant 0 : i32
      %get3A_1003 = arith.constant 4 : i32
      %get3A_1004 = arith.index_cast %get3A_1002 : i32 to index
      %get3A_1005 = arith.index_cast %get3A_1003 : i32 to index
      %get3A_1006 = arith.index_cast %mul3A_963 : i32 to index
      %get3A_1007 = tpu.vector_load %arg8[%get3A_1004, %get3A_1005, %get3A_1006] {strides = array<i32>} : memref<2x8x4096xf32, #tpu.memory_space<vmem>>, vector<1x1x16xf32>,
      %get3A_1008 = vector.shape_cast %get3A_1007 : vector<1x1x16xf32> to vector<16xf32>
      %mul3A_1009 = arith.mulf %get3A_114, %get3A_1008 : vector<16xf32>
      %add3A_1010 = arith.addf %add3A_1001, %mul3A_1009 : vector<16xf32>
      %get3A_1011 = arith.constant 0 : i32
      %get3A_1012 = arith.constant 5 : i32
      %get3A_1013 = arith.index_cast %get3A_1011 : i32 to index
      %get3A_1014 = arith.index_cast %get3A_1012 : i32 to index
      %get3A_1015 = arith.index_cast %mul3A_963 : i32 to index
      %get3A_1016 = tpu.vector_load %arg8[%get3A_1013, %get3A_1014, %get3A_1015] {strides = array<i32>} : memref<2x8x4096xf32, #tpu.memory_space<vmem>>, vector<1x1x16xf32>,
      %get3A_1017 = vector.shape_cast %get3A_1016 : vector<1x1x16xf32> to vector<16xf32>
      %mul3A_1018 = arith.mulf %get3A_119, %get3A_1017 : vector<16xf32>
      %add3A_1019 = arith.addf %add3A_1010, %mul3A_1018 : vector<16xf32>
      %get3A_1020 = arith.constant 0 : i32
      %get3A_1021 = arith.constant 6 : i32
      %get3A_1022 = arith.index_cast %get3A_1020 : i32 to index
      %get3A_1023 = arith.index_cast %get3A_1021 : i32 to index
      %get3A_1024 = arith.index_cast %mul3A_963 : i32 to index
      %get3A_1025 = tpu.vector_load %arg8[%get3A_1022, %get3A_1023, %get3A_1024] {strides = array<i32>} : memref<2x8x4096xf32, #tpu.memory_space<vmem>>, vector<1x1x16xf32>,
      %get3A_1026 = vector.shape_cast %get3A_1025 : vector<1x1x16xf32> to vector<16xf32>
      %mul3A_1027 = arith.mulf %get3A_124, %get3A_1026 : vector<16xf32>
      %add3A_1028 = arith.addf %add3A_1019, %mul3A_1027 : vector<16xf32>
      %get3A_1029 = arith.constant 0 : i32
      %get3A_1030 = arith.constant 7 : i32
      %get3A_1031 = arith.index_cast %get3A_1029 : i32 to index
      %get3A_1032 = arith.index_cast %get3A_1030 : i32 to index
      %get3A_1033 = arith.index_cast %mul3A_963 : i32 to index
      %get3A_1034 = tpu.vector_load %arg8[%get3A_1031, %get3A_1032, %get3A_1033] {strides = array<i32>} : memref<2x8x4096xf32, #tpu.memory_space<vmem>>, vector<1x1x16xf32>,
      %get3A_1035 = vector.shape_cast %get3A_1034 : vector<1x1x16xf32> to vector<16xf32>
      %mul3A_1036 = arith.mulf %get3A_129, %get3A_1035 : vector<16xf32>
      %add3A_1037 = arith.addf %add3A_1028, %mul3A_1036 : vector<16xf32>
      %swap3A_1038 = arith.constant 0 : i32
      %swap3A_1039 = arith.index_cast %swap3A_1038 : i32 to index
      %swap3A_1040 = arith.index_cast %mul3A_963 : i32 to index
      %swap3A_1041 = tpu.vector_load %arg9[%swap3A_1039, %swap3A_1040] {strides = array<i32>} : memref<1x4096xf32, #tpu.memory_space<vmem>>, vector<1x16xf32>,
      %swap3A_1042 = vector.shape_cast %swap3A_1041 : vector<1x16xf32> to vector<16xf32>
      %swap3A_1043 = vector.shape_cast %add3A_1037 : vector<16xf32> to vector<1x16xf32>
      tpu.vector_store %arg9[%swap3A_1039, %swap3A_1040], %swap3A_1043 {strides = array<i32>} : memref<1x4096xf32, #tpu.memory_space<vmem>>, vector<1x16xf32>,
      %scan3A_1044 = arith.constant 0 : i32
      scf.yield %scan3A_1044 : i32
    }
    %scan3A_135 = arith.constant 256 : i32
    %dma_start3A_136 = arith.constant 0 : i32
    %dma_start3A_137 = arith.constant 0 : i32
    %dma_start3A_138 = arith.constant 0 : i32
    %dma_start3A_139 = arith.constant 0 : i32
    %dma_start3A_140 = tpu.memref_slice %arg8[%dma_start3A_137, %dma_start3A_138, %dma_start3A_139] : memref<2x8x4096xf32, #tpu.memory_space<vmem>> -> memref<1x8x4096xf32, #tpu.memory_space<vmem>>
    %dma_start3A_141 = tpu.memref_squeeze %dma_start3A_140 : memref<1x8x4096xf32, #tpu.memory_space<vmem>> -> memref<8x4096xf32, #tpu.memory_space<vmem>>
    %dma_start3A_142 = arith.constant 16 : i32
    %dma_start3A_143 = tpu.memref_slice %arg6[%dma_start3A_136, %dma_start3A_142] : memref<1x32xi32, #tpu.memory_space<vmem>> -> memref<1x8xi32, #tpu.memory_space<vmem>>
    %dma_start3A_144 = tpu.memref_squeeze %dma_start3A_143 : memref<1x8xi32, #tpu.memory_space<vmem>> -> memref<8xi32, #tpu.memory_space<vmem>>
    %dma_start3A_145 = arith.constant 0 : i32
    %dma_start3A_146 = arith.constant 0 : i32
    %dma_start3A_147 = tpu.memref_slice %arg2[%dma_start3A_145, %dma_start3A_146] : memref<4096x4096xf32, #tpu.memory_space<hbm>> -> memref<4096x4096xf32, #tpu.memory_space<hbm>>
    tpu.enqueue_indirect_dma source(%dma_start3A_147 : memref<4096x4096xf32, #tpu.memory_space<hbm>>) target(%dma_start3A_141 : memref<8x4096xf32, #tpu.memory_space<vmem>>) offsets(%dma_start3A_144 : memref<8xi32, #tpu.memory_space<vmem>>) semaphore(%arg10 : memref<!tpu.dma_semaphore, #tpu.memory_space<semaphore_mem>>)
    %dma_wait3A_148 = arith.constant 0 : i32
    %dma_wait3A_149 = arith.constant 1 : i32
    %dma_wait3A_150 = arith.constant 0 : i32
    %dma_wait3A_151 = arith.constant 0 : i32
    %dma_wait3A_152 = tpu.memref_slice %arg8[%dma_wait3A_149, %dma_wait3A_150, %dma_wait3A_151] : memref<2x8x4096xf32, #tpu.memory_space<vmem>> -> memref<1x8x4096xf32, #tpu.memory_space<vmem>>
    %dma_wait3A_153 = tpu.memref_squeeze %dma_wait3A_152 : memref<1x8x4096xf32, #tpu.memory_space<vmem>> -> memref<8x4096xf32, #tpu.memory_space<vmem>>
    %dma_wait3A_154 = arith.constant 8 : i32
    %dma_wait3A_155 = tpu.memref_slice %arg6[%dma_wait3A_148, %dma_wait3A_154] : memref<1x32xi32, #tpu.memory_space<vmem>> -> memref<1x8xi32, #tpu.memory_space<vmem>>
    %dma_wait3A_156 = tpu.memref_squeeze %dma_wait3A_155 : memref<1x8xi32, #tpu.memory_space<vmem>> -> memref<8xi32, #tpu.memory_space<vmem>>
    %dma_wait3A_157 = arith.constant 0 : i32
    %dma_wait3A_158 = arith.constant 0 : i32
    %dma_wait3A_159 = tpu.memref_slice %arg2[%dma_wait3A_157, %dma_wait3A_158] : memref<4096x4096xf32, #tpu.memory_space<hbm>> -> memref<4096x4096xf32, #tpu.memory_space<hbm>>
    tpu.wait_indirect_dma semaphore(%arg10 : memref<!tpu.dma_semaphore, #tpu.memory_space<semaphore_mem>>) src(%dma_wait3A_159 : memref<4096x4096xf32, #tpu.memory_space<hbm>>) dst(%dma_wait3A_153 : memref<8x4096xf32, #tpu.memory_space<vmem>>)
    %get3A_160 = arith.constant 0 : i32
    %get3A_161 = arith.index_cast %get3A_160 : i32 to index
    %get3A_162 = arith.constant 128 : index
    %get3A_163 = tpu.vector_load %arg7[%get3A_161, %get3A_162] {strides = array<i32>} : memref<1x512xf32, #tpu.memory_space<vmem>>, vector<1x16xf32>,
    %get3A_164 = vector.shape_cast %get3A_163 : vector<1x16xf32> to vector<16xf32>
    %get3A_165 = arith.constant 0 : i32
    %get3A_166 = arith.index_cast %get3A_165 : i32 to index
    %get3A_167 = arith.constant 144 : index
    %get3A_168 = tpu.vector_load %arg7[%get3A_166, %get3A_167] {strides = array<i32>} : memref<1x512xf32, #tpu.memory_space<vmem>>, vector<1x16xf32>,
    %get3A_169 = vector.shape_cast %get3A_168 : vector<1x16xf32> to vector<16xf32>
    %get3A_170 = arith.constant 0 : i32
    %get3A_171 = arith.index_cast %get3A_170 : i32 to index
    %get3A_172 = arith.constant 160 : index
    %get3A_173 = tpu.vector_load %arg7[%get3A_171, %get3A_172] {strides = array<i32>} : memref<1x512xf32, #tpu.memory_space<vmem>>, vector<1x16xf32>,
    %get3A_174 = vector.shape_cast %get3A_173 : vector<1x16xf32> to vector<16xf32>
    %get3A_175 = arith.constant 0 : i32
    %get3A_176 = arith.index_cast %get3A_175 : i32 to index
    %get3A_177 = arith.constant 176 : index
    %get3A_178 = tpu.vector_load %arg7[%get3A_176, %get3A_177] {strides = array<i32>} : memref<1x512xf32, #tpu.memory_space<vmem>>, vector<1x16xf32>,
    %get3A_179 = vector.shape_cast %get3A_178 : vector<1x16xf32> to vector<16xf32>
    %get3A_180 = arith.constant 0 : i32
    %get3A_181 = arith.index_cast %get3A_180 : i32 to index
    %get3A_182 = arith.constant 192 : index
    %get3A_183 = tpu.vector_load %arg7[%get3A_181, %get3A_182] {strides = array<i32>} : memref<1x512xf32, #tpu.memory_space<vmem>>, vector<1x16xf32>,
    %get3A_184 = vector.shape_cast %get3A_183 : vector<1x16xf32> to vector<16xf32>
    %get3A_185 = arith.constant 0 : i32
    %get3A_186 = arith.index_cast %get3A_185 : i32 to index
    %get3A_187 = arith.constant 208 : index
    %get3A_188 = tpu.vector_load %arg7[%get3A_186, %get3A_187] {strides = array<i32>} : memref<1x512xf32, #tpu.memory_space<vmem>>, vector<1x16xf32>,
    %get3A_189 = vector.shape_cast %get3A_188 : vector<1x16xf32> to vector<16xf32>
    %get3A_190 = arith.constant 0 : i32
    %get3A_191 = arith.index_cast %get3A_190 : i32 to index
    %get3A_192 = arith.constant 224 : index
    %get3A_193 = tpu.vector_load %arg7[%get3A_191, %get3A_192] {strides = array<i32>} : memref<1x512xf32, #tpu.memory_space<vmem>>, vector<1x16xf32>,
    %get3A_194 = vector.shape_cast %get3A_193 : vector<1x16xf32> to vector<16xf32>
    %get3A_195 = arith.constant 0 : i32
    %get3A_196 = arith.index_cast %get3A_195 : i32 to index
    %get3A_197 = arith.constant 240 : index
    %get3A_198 = tpu.vector_load %arg7[%get3A_196, %get3A_197] {strides = array<i32>} : memref<1x512xf32, #tpu.memory_space<vmem>>, vector<1x16xf32>,
    %get3A_199 = vector.shape_cast %get3A_198 : vector<1x16xf32> to vector<16xf32>
    %scan3A_200 = arith.constant 0 : i32
    %scan3A_201 = arith.constant 0 : i32
    %scan3A_202 = arith.constant 256 : i32
    %scan3A_203 = arith.addi %scan3A_201, %scan3A_202 : i32
    %scan3A_204 = arith.constant 8 : i32
    %scan3A_205 = scf.for %scan3A_367 = %scan3A_201 to %scan3A_203 step %scan3A_204 iter_args(%scan3A_368 = %scan3A_200) -> (i32)  : i32 {
      %mul3A_369 = arith.constant 16 : i32
      %mul3A_370 = arith.muli %scan3A_367, %mul3A_369 : i32
      %get3A_371 = arith.constant 0 : i32
      %get3A_372 = arith.index_cast %get3A_371 : i32 to index
      %get3A_373 = arith.index_cast %mul3A_370 : i32 to index
      %get3A_374 = tpu.vector_load %arg9[%get3A_372, %get3A_373] {strides = array<i32>} : memref<1x4096xf32, #tpu.memory_space<vmem>>, vector<1x16xf32>,
      %get3A_375 = vector.shape_cast %get3A_374 : vector<1x16xf32> to vector<16xf32>
      %get3A_376 = arith.constant 1 : i32
      %get3A_377 = arith.constant 0 : i32
      %get3A_378 = arith.index_cast %get3A_376 : i32 to index
      %get3A_379 = arith.index_cast %get3A_377 : i32 to index
      %get3A_380 = arith.index_cast %mul3A_370 : i32 to index
      %get3A_381 = tpu.vector_load %arg8[%get3A_378, %get3A_379, %get3A_380] {strides = array<i32>} : memref<2x8x4096xf32, #tpu.memory_space<vmem>>, vector<1x1x16xf32>,
      %get3A_382 = vector.shape_cast %get3A_381 : vector<1x1x16xf32> to vector<16xf32>
      %mul3A_383 = arith.mulf %get3A_164, %get3A_382 : vector<16xf32>
      %add3A_384 = arith.addf %get3A_375, %mul3A_383 : vector<16xf32>
      %get3A_385 = arith.constant 1 : i32
      %get3A_386 = arith.constant 1 : i32
      %get3A_387 = arith.index_cast %get3A_385 : i32 to index
      %get3A_388 = arith.index_cast %get3A_386 : i32 to index
      %get3A_389 = arith.index_cast %mul3A_370 : i32 to index
      %get3A_390 = tpu.vector_load %arg8[%get3A_387, %get3A_388, %get3A_389] {strides = array<i32>} : memref<2x8x4096xf32, #tpu.memory_space<vmem>>, vector<1x1x16xf32>,
      %get3A_391 = vector.shape_cast %get3A_390 : vector<1x1x16xf32> to vector<16xf32>
      %mul3A_392 = arith.mulf %get3A_169, %get3A_391 : vector<16xf32>
      %add3A_393 = arith.addf %add3A_384, %mul3A_392 : vector<16xf32>
      %get3A_394 = arith.constant 1 : i32
      %get3A_395 = arith.constant 2 : i32
      %get3A_396 = arith.index_cast %get3A_394 : i32 to index
      %get3A_397 = arith.index_cast %get3A_395 : i32 to index
      %get3A_398 = arith.index_cast %mul3A_370 : i32 to index
      %get3A_399 = tpu.vector_load %arg8[%get3A_396, %get3A_397, %get3A_398] {strides = array<i32>} : memref<2x8x4096xf32, #tpu.memory_space<vmem>>, vector<1x1x16xf32>,
      %get3A_400 = vector.shape_cast %get3A_399 : vector<1x1x16xf32> to vector<16xf32>
      %mul3A_401 = arith.mulf %get3A_174, %get3A_400 : vector<16xf32>
      %add3A_402 = arith.addf %add3A_393, %mul3A_401 : vector<16xf32>
      %get3A_403 = arith.constant 1 : i32
      %get3A_404 = arith.constant 3 : i32
      %get3A_405 = arith.index_cast %get3A_403 : i32 to index
      %get3A_406 = arith.index_cast %get3A_404 : i32 to index
      %get3A_407 = arith.index_cast %mul3A_370 : i32 to index
      %get3A_408 = tpu.vector_load %arg8[%get3A_405, %get3A_406, %get3A_407] {strides = array<i32>} : memref<2x8x4096xf32, #tpu.memory_space<vmem>>, vector<1x1x16xf32>,
      %get3A_409 = vector.shape_cast %get3A_408 : vector<1x1x16xf32> to vector<16xf32>
      %mul3A_410 = arith.mulf %get3A_179, %get3A_409 : vector<16xf32>
      %add3A_411 = arith.addf %add3A_402, %mul3A_410 : vector<16xf32>
      %get3A_412 = arith.constant 1 : i32
      %get3A_413 = arith.constant 4 : i32
      %get3A_414 = arith.index_cast %get3A_412 : i32 to index
      %get3A_415 = arith.index_cast %get3A_413 : i32 to index
      %get3A_416 = arith.index_cast %mul3A_370 : i32 to index
      %get3A_417 = tpu.vector_load %arg8[%get3A_414, %get3A_415, %get3A_416] {strides = array<i32>} : memref<2x8x4096xf32, #tpu.memory_space<vmem>>, vector<1x1x16xf32>,
      %get3A_418 = vector.shape_cast %get3A_417 : vector<1x1x16xf32> to vector<16xf32>
      %mul3A_419 = arith.mulf %get3A_184, %get3A_418 : vector<16xf32>
      %add3A_420 = arith.addf %add3A_411, %mul3A_419 : vector<16xf32>
      %get3A_421 = arith.constant 1 : i32
      %get3A_422 = arith.constant 5 : i32
      %get3A_423 = arith.index_cast %get3A_421 : i32 to index
      %get3A_424 = arith.index_cast %get3A_422 : i32 to index
      %get3A_425 = arith.index_cast %mul3A_370 : i32 to index
      %get3A_426 = tpu.vector_load %arg8[%get3A_423, %get3A_424, %get3A_425] {strides = array<i32>} : memref<2x8x4096xf32, #tpu.memory_space<vmem>>, vector<1x1x16xf32>,
      %get3A_427 = vector.shape_cast %get3A_426 : vector<1x1x16xf32> to vector<16xf32>
      %mul3A_428 = arith.mulf %get3A_189, %get3A_427 : vector<16xf32>
      %add3A_429 = arith.addf %add3A_420, %mul3A_428 : vector<16xf32>
      %get3A_430 = arith.constant 1 : i32
      %get3A_431 = arith.constant 6 : i32
      %get3A_432 = arith.index_cast %get3A_430 : i32 to index
      %get3A_433 = arith.index_cast %get3A_431 : i32 to index
      %get3A_434 = arith.index_cast %mul3A_370 : i32 to index
      %get3A_435 = tpu.vector_load %arg8[%get3A_432, %get3A_433, %get3A_434] {strides = array<i32>} : memref<2x8x4096xf32, #tpu.memory_space<vmem>>, vector<1x1x16xf32>,
      %get3A_436 = vector.shape_cast %get3A_435 : vector<1x1x16xf32> to vector<16xf32>
      %mul3A_437 = arith.mulf %get3A_194, %get3A_436 : vector<16xf32>
      %add3A_438 = arith.addf %add3A_429, %mul3A_437 : vector<16xf32>
      %get3A_439 = arith.constant 1 : i32
      %get3A_440 = arith.constant 7 : i32
      %get3A_441 = arith.index_cast %get3A_439 : i32 to index
      %get3A_442 = arith.index_cast %get3A_440 : i32 to index
      %get3A_443 = arith.index_cast %mul3A_370 : i32 to index
      %get3A_444 = tpu.vector_load %arg8[%get3A_441, %get3A_442, %get3A_443] {strides = array<i32>} : memref<2x8x4096xf32, #tpu.memory_space<vmem>>, vector<1x1x16xf32>,
      %get3A_445 = vector.shape_cast %get3A_444 : vector<1x1x16xf32> to vector<16xf32>
      %mul3A_446 = arith.mulf %get3A_199, %get3A_445 : vector<16xf32>
      %add3A_447 = arith.addf %add3A_438, %mul3A_446 : vector<16xf32>
      %swap3A = arith.constant 0 : i32
      %swap3A_448 = arith.index_cast %swap3A : i32 to index
      %swap3A_449 = arith.index_cast %mul3A_370 : i32 to index
      %swap3A_450 = tpu.vector_load %arg9[%swap3A_448, %swap3A_449] {strides = array<i32>} : memref<1x4096xf32, #tpu.memory_space<vmem>>, vector<1x16xf32>,
      %swap3A_451 = vector.shape_cast %swap3A_450 : vector<1x16xf32> to vector<16xf32>
      %swap3A_452 = vector.shape_cast %add3A_447 : vector<16xf32> to vector<1x16xf32>
      tpu.vector_store %arg9[%swap3A_448, %swap3A_449], %swap3A_452 {strides = array<i32>} : memref<1x4096xf32, #tpu.memory_space<vmem>>, vector<1x16xf32>,
      %scan3A_453 = arith.constant 0 : i32
      %scan3A_454 = arith.constant 1 : i32
      %scan3A_455 = arith.addi %scan3A_367, %scan3A_454 : i32
      %mul3A_456 = arith.constant 16 : i32
      %mul3A_457 = arith.muli %scan3A_455, %mul3A_456 : i32
      %get3A_458 = arith.constant 0 : i32
      %get3A_459 = arith.index_cast %get3A_458 : i32 to index
      %get3A_460 = arith.index_cast %mul3A_457 : i32 to index
      %get3A_461 = tpu.vector_load %arg9[%get3A_459, %get3A_460] {strides = array<i32>} : memref<1x4096xf32, #tpu.memory_space<vmem>>, vector<1x16xf32>,
      %get3A_462 = vector.shape_cast %get3A_461 : vector<1x16xf32> to vector<16xf32>
      %get3A_463 = arith.constant 1 : i32
      %get3A_464 = arith.constant 0 : i32
      %get3A_465 = arith.index_cast %get3A_463 : i32 to index
      %get3A_466 = arith.index_cast %get3A_464 : i32 to index
      %get3A_467 = arith.index_cast %mul3A_457 : i32 to index
      %get3A_468 = tpu.vector_load %arg8[%get3A_465, %get3A_466, %get3A_467] {strides = array<i32>} : memref<2x8x4096xf32, #tpu.memory_space<vmem>>, vector<1x1x16xf32>,
      %get3A_469 = vector.shape_cast %get3A_468 : vector<1x1x16xf32> to vector<16xf32>
      %mul3A_470 = arith.mulf %get3A_164, %get3A_469 : vector<16xf32>
      %add3A_471 = arith.addf %get3A_462, %mul3A_470 : vector<16xf32>
      %get3A_472 = arith.constant 1 : i32
      %get3A_473 = arith.constant 1 : i32
      %get3A_474 = arith.index_cast %get3A_472 : i32 to index
      %get3A_475 = arith.index_cast %get3A_473 : i32 to index
      %get3A_476 = arith.index_cast %mul3A_457 : i32 to index
      %get3A_477 = tpu.vector_load %arg8[%get3A_474, %get3A_475, %get3A_476] {strides = array<i32>} : memref<2x8x4096xf32, #tpu.memory_space<vmem>>, vector<1x1x16xf32>,
      %get3A_478 = vector.shape_cast %get3A_477 : vector<1x1x16xf32> to vector<16xf32>
      %mul3A_479 = arith.mulf %get3A_169, %get3A_478 : vector<16xf32>
      %add3A_480 = arith.addf %add3A_471, %mul3A_479 : vector<16xf32>
      %get3A_481 = arith.constant 1 : i32
      %get3A_482 = arith.constant 2 : i32
      %get3A_483 = arith.index_cast %get3A_481 : i32 to index
      %get3A_484 = arith.index_cast %get3A_482 : i32 to index
      %get3A_485 = arith.index_cast %mul3A_457 : i32 to index
      %get3A_486 = tpu.vector_load %arg8[%get3A_483, %get3A_484, %get3A_485] {strides = array<i32>} : memref<2x8x4096xf32, #tpu.memory_space<vmem>>, vector<1x1x16xf32>,
      %get3A_487 = vector.shape_cast %get3A_486 : vector<1x1x16xf32> to vector<16xf32>
      %mul3A_488 = arith.mulf %get3A_174, %get3A_487 : vector<16xf32>
      %add3A_489 = arith.addf %add3A_480, %mul3A_488 : vector<16xf32>
      %get3A_490 = arith.constant 1 : i32
      %get3A_491 = arith.constant 3 : i32
      %get3A_492 = arith.index_cast %get3A_490 : i32 to index
      %get3A_493 = arith.index_cast %get3A_491 : i32 to index
      %get3A_494 = arith.index_cast %mul3A_457 : i32 to index
      %get3A_495 = tpu.vector_load %arg8[%get3A_492, %get3A_493, %get3A_494] {strides = array<i32>} : memref<2x8x4096xf32, #tpu.memory_space<vmem>>, vector<1x1x16xf32>,
      %get3A_496 = vector.shape_cast %get3A_495 : vector<1x1x16xf32> to vector<16xf32>
      %mul3A_497 = arith.mulf %get3A_179, %get3A_496 : vector<16xf32>
      %add3A_498 = arith.addf %add3A_489, %mul3A_497 : vector<16xf32>
      %get3A_499 = arith.constant 1 : i32
      %get3A_500 = arith.constant 4 : i32
      %get3A_501 = arith.index_cast %get3A_499 : i32 to index
      %get3A_502 = arith.index_cast %get3A_500 : i32 to index
      %get3A_503 = arith.index_cast %mul3A_457 : i32 to index
      %get3A_504 = tpu.vector_load %arg8[%get3A_501, %get3A_502, %get3A_503] {strides = array<i32>} : memref<2x8x4096xf32, #tpu.memory_space<vmem>>, vector<1x1x16xf32>,
      %get3A_505 = vector.shape_cast %get3A_504 : vector<1x1x16xf32> to vector<16xf32>
      %mul3A_506 = arith.mulf %get3A_184, %get3A_505 : vector<16xf32>
      %add3A_507 = arith.addf %add3A_498, %mul3A_506 : vector<16xf32>
      %get3A_508 = arith.constant 1 : i32
      %get3A_509 = arith.constant 5 : i32
      %get3A_510 = arith.index_cast %get3A_508 : i32 to index
      %get3A_511 = arith.index_cast %get3A_509 : i32 to index
      %get3A_512 = arith.index_cast %mul3A_457 : i32 to index
      %get3A_513 = tpu.vector_load %arg8[%get3A_510, %get3A_511, %get3A_512] {strides = array<i32>} : memref<2x8x4096xf32, #tpu.memory_space<vmem>>, vector<1x1x16xf32>,
      %get3A_514 = vector.shape_cast %get3A_513 : vector<1x1x16xf32> to vector<16xf32>
      %mul3A_515 = arith.mulf %get3A_189, %get3A_514 : vector<16xf32>
      %add3A_516 = arith.addf %add3A_507, %mul3A_515 : vector<16xf32>
      %get3A_517 = arith.constant 1 : i32
      %get3A_518 = arith.constant 6 : i32
      %get3A_519 = arith.index_cast %get3A_517 : i32 to index
      %get3A_520 = arith.index_cast %get3A_518 : i32 to index
      %get3A_521 = arith.index_cast %mul3A_457 : i32 to index
      %get3A_522 = tpu.vector_load %arg8[%get3A_519, %get3A_520, %get3A_521] {strides = array<i32>} : memref<2x8x4096xf32, #tpu.memory_space<vmem>>, vector<1x1x16xf32>,
      %get3A_523 = vector.shape_cast %get3A_522 : vector<1x1x16xf32> to vector<16xf32>
      %mul3A_524 = arith.mulf %get3A_194, %get3A_523 : vector<16xf32>
      %add3A_525 = arith.addf %add3A_516, %mul3A_524 : vector<16xf32>
      %get3A_526 = arith.constant 1 : i32
      %get3A_527 = arith.constant 7 : i32
      %get3A_528 = arith.index_cast %get3A_526 : i32 to index
      %get3A_529 = arith.index_cast %get3A_527 : i32 to index
      %get3A_530 = arith.index_cast %mul3A_457 : i32 to index
      %get3A_531 = tpu.vector_load %arg8[%get3A_528, %get3A_529, %get3A_530] {strides = array<i32>} : memref<2x8x4096xf32, #tpu.memory_space<vmem>>, vector<1x1x16xf32>,
      %get3A_532 = vector.shape_cast %get3A_531 : vector<1x1x16xf32> to vector<16xf32>
      %mul3A_533 = arith.mulf %get3A_199, %get3A_532 : vector<16xf32>
      %add3A_534 = arith.addf %add3A_525, %mul3A_533 : vector<16xf32>
      %swap3A_535 = arith.constant 0 : i32
      %swap3A_536 = arith.index_cast %swap3A_535 : i32 to index
      %swap3A_537 = arith.index_cast %mul3A_457 : i32 to index
      %swap3A_538 = tpu.vector_load %arg9[%swap3A_536, %swap3A_537] {strides = array<i32>} : memref<1x4096xf32, #tpu.memory_space<vmem>>, vector<1x16xf32>,
      %swap3A_539 = vector.shape_cast %swap3A_538 : vector<1x16xf32> to vector<16xf32>
      %swap3A_540 = vector.shape_cast %add3A_534 : vector<16xf32> to vector<1x16xf32>
      tpu.vector_store %arg9[%swap3A_536, %swap3A_537], %swap3A_540 {strides = array<i32>} : memref<1x4096xf32, #tpu.memory_space<vmem>>, vector<1x16xf32>,
      %scan3A_541 = arith.constant 0 : i32
      %scan3A_542 = arith.constant 2 : i32
      %scan3A_543 = arith.addi %scan3A_367, %scan3A_542 : i32
      %mul3A_544 = arith.constant 16 : i32
      %mul3A_545 = arith.muli %scan3A_543, %mul3A_544 : i32
      %get3A_546 = arith.constant 0 : i32
      %get3A_547 = arith.index_cast %get3A_546 : i32 to index
      %get3A_548 = arith.index_cast %mul3A_545 : i32 to index
      %get3A_549 = tpu.vector_load %arg9[%get3A_547, %get3A_548] {strides = array<i32>} : memref<1x4096xf32, #tpu.memory_space<vmem>>, vector<1x16xf32>,
      %get3A_550 = vector.shape_cast %get3A_549 : vector<1x16xf32> to vector<16xf32>
      %get3A_551 = arith.constant 1 : i32
      %get3A_552 = arith.constant 0 : i32
      %get3A_553 = arith.index_cast %get3A_551 : i32 to index
      %get3A_554 = arith.index_cast %get3A_552 : i32 to index
      %get3A_555 = arith.index_cast %mul3A_545 : i32 to index
      %get3A_556 = tpu.vector_load %arg8[%get3A_553, %get3A_554, %get3A_555] {strides = array<i32>} : memref<2x8x4096xf32, #tpu.memory_space<vmem>>, vector<1x1x16xf32>,
      %get3A_557 = vector.shape_cast %get3A_556 : vector<1x1x16xf32> to vector<16xf32>
      %mul3A_558 = arith.mulf %get3A_164, %get3A_557 : vector<16xf32>
      %add3A_559 = arith.addf %get3A_550, %mul3A_558 : vector<16xf32>
      %get3A_560 = arith.constant 1 : i32
      %get3A_561 = arith.constant 1 : i32
      %get3A_562 = arith.index_cast %get3A_560 : i32 to index
      %get3A_563 = arith.index_cast %get3A_561 : i32 to index
      %get3A_564 = arith.index_cast %mul3A_545 : i32 to index
      %get3A_565 = tpu.vector_load %arg8[%get3A_562, %get3A_563, %get3A_564] {strides = array<i32>} : memref<2x8x4096xf32, #tpu.memory_space<vmem>>, vector<1x1x16xf32>,
      %get3A_566 = vector.shape_cast %get3A_565 : vector<1x1x16xf32> to vector<16xf32>
      %mul3A_567 = arith.mulf %get3A_169, %get3A_566 : vector<16xf32>
      %add3A_568 = arith.addf %add3A_559, %mul3A_567 : vector<16xf32>
      %get3A_569 = arith.constant 1 : i32
      %get3A_570 = arith.constant 2 : i32
      %get3A_571 = arith.index_cast %get3A_569 : i32 to index
      %get3A_572 = arith.index_cast %get3A_570 : i32 to index
      %get3A_573 = arith.index_cast %mul3A_545 : i32 to index
      %get3A_574 = tpu.vector_load %arg8[%get3A_571, %get3A_572, %get3A_573] {strides = array<i32>} : memref<2x8x4096xf32, #tpu.memory_space<vmem>>, vector<1x1x16xf32>,
      %get3A_575 = vector.shape_cast %get3A_574 : vector<1x1x16xf32> to vector<16xf32>
      %mul3A_576 = arith.mulf %get3A_174, %get3A_575 : vector<16xf32>
      %add3A_577 = arith.addf %add3A_568, %mul3A_576 : vector<16xf32>
      %get3A_578 = arith.constant 1 : i32
      %get3A_579 = arith.constant 3 : i32
      %get3A_580 = arith.index_cast %get3A_578 : i32 to index
      %get3A_581 = arith.index_cast %get3A_579 : i32 to index
      %get3A_582 = arith.index_cast %mul3A_545 : i32 to index
      %get3A_583 = tpu.vector_load %arg8[%get3A_580, %get3A_581, %get3A_582] {strides = array<i32>} : memref<2x8x4096xf32, #tpu.memory_space<vmem>>, vector<1x1x16xf32>,
      %get3A_584 = vector.shape_cast %get3A_583 : vector<1x1x16xf32> to vector<16xf32>
      %mul3A_585 = arith.mulf %get3A_179, %get3A_584 : vector<16xf32>
      %add3A_586 = arith.addf %add3A_577, %mul3A_585 : vector<16xf32>
      %get3A_587 = arith.constant 1 : i32
      %get3A_588 = arith.constant 4 : i32
      %get3A_589 = arith.index_cast %get3A_587 : i32 to index
      %get3A_590 = arith.index_cast %get3A_588 : i32 to index
      %get3A_591 = arith.index_cast %mul3A_545 : i32 to index
      %get3A_592 = tpu.vector_load %arg8[%get3A_589, %get3A_590, %get3A_591] {strides = array<i32>} : memref<2x8x4096xf32, #tpu.memory_space<vmem>>, vector<1x1x16xf32>,
      %get3A_593 = vector.shape_cast %get3A_592 : vector<1x1x16xf32> to vector<16xf32>
      %mul3A_594 = arith.mulf %get3A_184, %get3A_593 : vector<16xf32>
      %add3A_595 = arith.addf %add3A_586, %mul3A_594 : vector<16xf32>
      %get3A_596 = arith.constant 1 : i32
      %get3A_597 = arith.constant 5 : i32
      %get3A_598 = arith.index_cast %get3A_596 : i32 to index
      %get3A_599 = arith.index_cast %get3A_597 : i32 to index
      %get3A_600 = arith.index_cast %mul3A_545 : i32 to index
      %get3A_601 = tpu.vector_load %arg8[%get3A_598, %get3A_599, %get3A_600] {strides = array<i32>} : memref<2x8x4096xf32, #tpu.memory_space<vmem>>, vector<1x1x16xf32>,
      %get3A_602 = vector.shape_cast %get3A_601 : vector<1x1x16xf32> to vector<16xf32>
      %mul3A_603 = arith.mulf %get3A_189, %get3A_602 : vector<16xf32>
      %add3A_604 = arith.addf %add3A_595, %mul3A_603 : vector<16xf32>
      %get3A_605 = arith.constant 1 : i32
      %get3A_606 = arith.constant 6 : i32
      %get3A_607 = arith.index_cast %get3A_605 : i32 to index
      %get3A_608 = arith.index_cast %get3A_606 : i32 to index
      %get3A_609 = arith.index_cast %mul3A_545 : i32 to index
      %get3A_610 = tpu.vector_load %arg8[%get3A_607, %get3A_608, %get3A_609] {strides = array<i32>} : memref<2x8x4096xf32, #tpu.memory_space<vmem>>, vector<1x1x16xf32>,
      %get3A_611 = vector.shape_cast %get3A_610 : vector<1x1x16xf32> to vector<16xf32>
      %mul3A_612 = arith.mulf %get3A_194, %get3A_611 : vector<16xf32>
      %add3A_613 = arith.addf %add3A_604, %mul3A_612 : vector<16xf32>
      %get3A_614 = arith.constant 1 : i32
      %get3A_615 = arith.constant 7 : i32
      %get3A_616 = arith.index_cast %get3A_614 : i32 to index
      %get3A_617 = arith.index_cast %get3A_615 : i32 to index
      %get3A_618 = arith.index_cast %mul3A_545 : i32 to index
      %get3A_619 = tpu.vector_load %arg8[%get3A_616, %get3A_617, %get3A_618] {strides = array<i32>} : memref<2x8x4096xf32, #tpu.memory_space<vmem>>, vector<1x1x16xf32>,
      %get3A_620 = vector.shape_cast %get3A_619 : vector<1x1x16xf32> to vector<16xf32>
      %mul3A_621 = arith.mulf %get3A_199, %get3A_620 : vector<16xf32>
      %add3A_622 = arith.addf %add3A_613, %mul3A_621 : vector<16xf32>
      %swap3A_623 = arith.constant 0 : i32
      %swap3A_624 = arith.index_cast %swap3A_623 : i32 to index
      %swap3A_625 = arith.index_cast %mul3A_545 : i32 to index
      %swap3A_626 = tpu.vector_load %arg9[%swap3A_624, %swap3A_625] {strides = array<i32>} : memref<1x4096xf32, #tpu.memory_space<vmem>>, vector<1x16xf32>,
      %swap3A_627 = vector.shape_cast %swap3A_626 : vector<1x16xf32> to vector<16xf32>
      %swap3A_628 = vector.shape_cast %add3A_622 : vector<16xf32> to vector<1x16xf32>
      tpu.vector_store %arg9[%swap3A_624, %swap3A_625], %swap3A_628 {strides = array<i32>} : memref<1x4096xf32, #tpu.memory_space<vmem>>, vector<1x16xf32>,
      %scan3A_629 = arith.constant 0 : i32
      %scan3A_630 = arith.constant 3 : i32
      %scan3A_631 = arith.addi %scan3A_367, %scan3A_630 : i32
      %mul3A_632 = arith.constant 16 : i32
      %mul3A_633 = arith.muli %scan3A_631, %mul3A_632 : i32
      %get3A_634 = arith.constant 0 : i32
      %get3A_635 = arith.index_cast %get3A_634 : i32 to index
      %get3A_636 = arith.index_cast %mul3A_633 : i32 to index
      %get3A_637 = tpu.vector_load %arg9[%get3A_635, %get3A_636] {strides = array<i32>} : memref<1x4096xf32, #tpu.memory_space<vmem>>, vector<1x16xf32>,
      %get3A_638 = vector.shape_cast %get3A_637 : vector<1x16xf32> to vector<16xf32>
      %get3A_639 = arith.constant 1 : i32
      %get3A_640 = arith.constant 0 : i32
      %get3A_641 = arith.index_cast %get3A_639 : i32 to index
      %get3A_642 = arith.index_cast %get3A_640 : i32 to index
      %get3A_643 = arith.index_cast %mul3A_633 : i32 to index
      %get3A_644 = tpu.vector_load %arg8[%get3A_641, %get3A_642, %get3A_643] {strides = array<i32>} : memref<2x8x4096xf32, #tpu.memory_space<vmem>>, vector<1x1x16xf32>,
      %get3A_645 = vector.shape_cast %get3A_644 : vector<1x1x16xf32> to vector<16xf32>
      %mul3A_646 = arith.mulf %get3A_164, %get3A_645 : vector<16xf32>
      %add3A_647 = arith.addf %get3A_638, %mul3A_646 : vector<16xf32>
      %get3A_648 = arith.constant 1 : i32
      %get3A_649 = arith.constant 1 : i32
      %get3A_650 = arith.index_cast %get3A_648 : i32 to index
      %get3A_651 = arith.index_cast %get3A_649 : i32 to index
      %get3A_652 = arith.index_cast %mul3A_633 : i32 to index
      %get3A_653 = tpu.vector_load %arg8[%get3A_650, %get3A_651, %get3A_652] {strides = array<i32>} : memref<2x8x4096xf32, #tpu.memory_space<vmem>>, vector<1x1x16xf32>,
      %get3A_654 = vector.shape_cast %get3A_653 : vector<1x1x16xf32> to vector<16xf32>
      %mul3A_655 = arith.mulf %get3A_169, %get3A_654 : vector<16xf32>
      %add3A_656 = arith.addf %add3A_647, %mul3A_655 : vector<16xf32>
      %get3A_657 = arith.constant 1 : i32
      %get3A_658 = arith.constant 2 : i32
      %get3A_659 = arith.index_cast %get3A_657 : i32 to index
      %get3A_660 = arith.index_cast %get3A_658 : i32 to index
      %get3A_661 = arith.index_cast %mul3A_633 : i32 to index
      %get3A_662 = tpu.vector_load %arg8[%get3A_659, %get3A_660, %get3A_661] {strides = array<i32>} : memref<2x8x4096xf32, #tpu.memory_space<vmem>>, vector<1x1x16xf32>,
      %get3A_663 = vector.shape_cast %get3A_662 : vector<1x1x16xf32> to vector<16xf32>
      %mul3A_664 = arith.mulf %get3A_174, %get3A_663 : vector<16xf32>
      %add3A_665 = arith.addf %add3A_656, %mul3A_664 : vector<16xf32>
      %get3A_666 = arith.constant 1 : i32
      %get3A_667 = arith.constant 3 : i32
      %get3A_668 = arith.index_cast %get3A_666 : i32 to index
      %get3A_669 = arith.index_cast %get3A_667 : i32 to index
      %get3A_670 = arith.index_cast %mul3A_633 : i32 to index
      %get3A_671 = tpu.vector_load %arg8[%get3A_668, %get3A_669, %get3A_670] {strides = array<i32>} : memref<2x8x4096xf32, #tpu.memory_space<vmem>>, vector<1x1x16xf32>,
      %get3A_672 = vector.shape_cast %get3A_671 : vector<1x1x16xf32> to vector<16xf32>
      %mul3A_673 = arith.mulf %get3A_179, %get3A_672 : vector<16xf32>
      %add3A_674 = arith.addf %add3A_665, %mul3A_673 : vector<16xf32>
      %get3A_675 = arith.constant 1 : i32
      %get3A_676 = arith.constant 4 : i32
      %get3A_677 = arith.index_cast %get3A_675 : i32 to index
      %get3A_678 = arith.index_cast %get3A_676 : i32 to index
      %get3A_679 = arith.index_cast %mul3A_633 : i32 to index
      %get3A_680 = tpu.vector_load %arg8[%get3A_677, %get3A_678, %get3A_679] {strides = array<i32>} : memref<2x8x4096xf32, #tpu.memory_space<vmem>>, vector<1x1x16xf32>,
      %get3A_681 = vector.shape_cast %get3A_680 : vector<1x1x16xf32> to vector<16xf32>
      %mul3A_682 = arith.mulf %get3A_184, %get3A_681 : vector<16xf32>
      %add3A_683 = arith.addf %add3A_674, %mul3A_682 : vector<16xf32>
      %get3A_684 = arith.constant 1 : i32
      %get3A_685 = arith.constant 5 : i32
      %get3A_686 = arith.index_cast %get3A_684 : i32 to index
      %get3A_687 = arith.index_cast %get3A_685 : i32 to index
      %get3A_688 = arith.index_cast %mul3A_633 : i32 to index
      %get3A_689 = tpu.vector_load %arg8[%get3A_686, %get3A_687, %get3A_688] {strides = array<i32>} : memref<2x8x4096xf32, #tpu.memory_space<vmem>>, vector<1x1x16xf32>,
      %get3A_690 = vector.shape_cast %get3A_689 : vector<1x1x16xf32> to vector<16xf32>
      %mul3A_691 = arith.mulf %get3A_189, %get3A_690 : vector<16xf32>
      %add3A_692 = arith.addf %add3A_683, %mul3A_691 : vector<16xf32>
      %get3A_693 = arith.constant 1 : i32
      %get3A_694 = arith.constant 6 : i32
      %get3A_695 = arith.index_cast %get3A_693 : i32 to index
      %get3A_696 = arith.index_cast %get3A_694 : i32 to index
      %get3A_697 = arith.index_cast %mul3A_633 : i32 to index
      %get3A_698 = tpu.vector_load %arg8[%get3A_695, %get3A_696, %get3A_697] {strides = array<i32>} : memref<2x8x4096xf32, #tpu.memory_space<vmem>>, vector<1x1x16xf32>,
      %get3A_699 = vector.shape_cast %get3A_698 : vector<1x1x16xf32> to vector<16xf32>
      %mul3A_700 = arith.mulf %get3A_194, %get3A_699 : vector<16xf32>
      %add3A_701 = arith.addf %add3A_692, %mul3A_700 : vector<16xf32>
      %get3A_702 = arith.constant 1 : i32
      %get3A_703 = arith.constant 7 : i32
      %get3A_704 = arith.index_cast %get3A_702 : i32 to index
      %get3A_705 = arith.index_cast %get3A_703 : i32 to index
      %get3A_706 = arith.index_cast %mul3A_633 : i32 to index
      %get3A_707 = tpu.vector_load %arg8[%get3A_704, %get3A_705, %get3A_706] {strides = array<i32>} : memref<2x8x4096xf32, #tpu.memory_space<vmem>>, vector<1x1x16xf32>,
      %get3A_708 = vector.shape_cast %get3A_707 : vector<1x1x16xf32> to vector<16xf32>
      %mul3A_709 = arith.mulf %get3A_199, %get3A_708 : vector<16xf32>
      %add3A_710 = arith.addf %add3A_701, %mul3A_709 : vector<16xf32>
      %swap3A_711 = arith.constant 0 : i32
      %swap3A_712 = arith.index_cast %swap3A_711 : i32 to index
      %swap3A_713 = arith.index_cast %mul3A_633 : i32 to index
      %swap3A_714 = tpu.vector_load %arg9[%swap3A_712, %swap3A_713] {strides = array<i32>} : memref<1x4096xf32, #tpu.memory_space<vmem>>, vector<1x16xf32>,
      %swap3A_715 = vector.shape_cast %swap3A_714 : vector<1x16xf32> to vector<16xf32>
      %swap3A_716 = vector.shape_cast %add3A_710 : vector<16xf32> to vector<1x16xf32>
      tpu.vector_store %arg9[%swap3A_712, %swap3A_713], %swap3A_716 {strides = array<i32>} : memref<1x4096xf32, #tpu.memory_space<vmem>>, vector<1x16xf32>,
      %scan3A_717 = arith.constant 0 : i32
      %scan3A_718 = arith.constant 4 : i32
      %scan3A_719 = arith.addi %scan3A_367, %scan3A_718 : i32
      %mul3A_720 = arith.constant 16 : i32
      %mul3A_721 = arith.muli %scan3A_719, %mul3A_720 : i32
      %get3A_722 = arith.constant 0 : i32
      %get3A_723 = arith.index_cast %get3A_722 : i32 to index
      %get3A_724 = arith.index_cast %mul3A_721 : i32 to index
      %get3A_725 = tpu.vector_load %arg9[%get3A_723, %get3A_724] {strides = array<i32>} : memref<1x4096xf32, #tpu.memory_space<vmem>>, vector<1x16xf32>,
      %get3A_726 = vector.shape_cast %get3A_725 : vector<1x16xf32> to vector<16xf32>
      %get3A_727 = arith.constant 1 : i32
      %get3A_728 = arith.constant 0 : i32
      %get3A_729 = arith.index_cast %get3A_727 : i32 to index
      %get3A_730 = arith.index_cast %get3A_728 : i32 to index
      %get3A_731 = arith.index_cast %mul3A_721 : i32 to index
      %get3A_732 = tpu.vector_load %arg8[%get3A_729, %get3A_730, %get3A_731] {strides = array<i32>} : memref<2x8x4096xf32, #tpu.memory_space<vmem>>, vector<1x1x16xf32>,
      %get3A_733 = vector.shape_cast %get3A_732 : vector<1x1x16xf32> to vector<16xf32>
      %mul3A_734 = arith.mulf %get3A_164, %get3A_733 : vector<16xf32>
      %add3A_735 = arith.addf %get3A_726, %mul3A_734 : vector<16xf32>
      %get3A_736 = arith.constant 1 : i32
      %get3A_737 = arith.constant 1 : i32
      %get3A_738 = arith.index_cast %get3A_736 : i32 to index
      %get3A_739 = arith.index_cast %get3A_737 : i32 to index
      %get3A_740 = arith.index_cast %mul3A_721 : i32 to index
      %get3A_741 = tpu.vector_load %arg8[%get3A_738, %get3A_739, %get3A_740] {strides = array<i32>} : memref<2x8x4096xf32, #tpu.memory_space<vmem>>, vector<1x1x16xf32>,
      %get3A_742 = vector.shape_cast %get3A_741 : vector<1x1x16xf32> to vector<16xf32>
      %mul3A_743 = arith.mulf %get3A_169, %get3A_742 : vector<16xf32>
      %add3A_744 = arith.addf %add3A_735, %mul3A_743 : vector<16xf32>
      %get3A_745 = arith.constant 1 : i32
      %get3A_746 = arith.constant 2 : i32
      %get3A_747 = arith.index_cast %get3A_745 : i32 to index
      %get3A_748 = arith.index_cast %get3A_746 : i32 to index
      %get3A_749 = arith.index_cast %mul3A_721 : i32 to index
      %get3A_750 = tpu.vector_load %arg8[%get3A_747, %get3A_748, %get3A_749] {strides = array<i32>} : memref<2x8x4096xf32, #tpu.memory_space<vmem>>, vector<1x1x16xf32>,
      %get3A_751 = vector.shape_cast %get3A_750 : vector<1x1x16xf32> to vector<16xf32>
      %mul3A_752 = arith.mulf %get3A_174, %get3A_751 : vector<16xf32>
      %add3A_753 = arith.addf %add3A_744, %mul3A_752 : vector<16xf32>
      %get3A_754 = arith.constant 1 : i32
      %get3A_755 = arith.constant 3 : i32
      %get3A_756 = arith.index_cast %get3A_754 : i32 to index
      %get3A_757 = arith.index_cast %get3A_755 : i32 to index
      %get3A_758 = arith.index_cast %mul3A_721 : i32 to index
      %get3A_759 = tpu.vector_load %arg8[%get3A_756, %get3A_757, %get3A_758] {strides = array<i32>} : memref<2x8x4096xf32, #tpu.memory_space<vmem>>, vector<1x1x16xf32>,
      %get3A_760 = vector.shape_cast %get3A_759 : vector<1x1x16xf32> to vector<16xf32>
      %mul3A_761 = arith.mulf %get3A_179, %get3A_760 : vector<16xf32>
      %add3A_762 = arith.addf %add3A_753, %mul3A_761 : vector<16xf32>
      %get3A_763 = arith.constant 1 : i32
      %get3A_764 = arith.constant 4 : i32
      %get3A_765 = arith.index_cast %get3A_763 : i32 to index
      %get3A_766 = arith.index_cast %get3A_764 : i32 to index
      %get3A_767 = arith.index_cast %mul3A_721 : i32 to index
      %get3A_768 = tpu.vector_load %arg8[%get3A_765, %get3A_766, %get3A_767] {strides = array<i32>} : memref<2x8x4096xf32, #tpu.memory_space<vmem>>, vector<1x1x16xf32>,
      %get3A_769 = vector.shape_cast %get3A_768 : vector<1x1x16xf32> to vector<16xf32>
      %mul3A_770 = arith.mulf %get3A_184, %get3A_769 : vector<16xf32>
      %add3A_771 = arith.addf %add3A_762, %mul3A_770 : vector<16xf32>
      %get3A_772 = arith.constant 1 : i32
      %get3A_773 = arith.constant 5 : i32
      %get3A_774 = arith.index_cast %get3A_772 : i32 to index
      %get3A_775 = arith.index_cast %get3A_773 : i32 to index
      %get3A_776 = arith.index_cast %mul3A_721 : i32 to index
      %get3A_777 = tpu.vector_load %arg8[%get3A_774, %get3A_775, %get3A_776] {strides = array<i32>} : memref<2x8x4096xf32, #tpu.memory_space<vmem>>, vector<1x1x16xf32>,
      %get3A_778 = vector.shape_cast %get3A_777 : vector<1x1x16xf32> to vector<16xf32>
      %mul3A_779 = arith.mulf %get3A_189, %get3A_778 : vector<16xf32>
      %add3A_780 = arith.addf %add3A_771, %mul3A_779 : vector<16xf32>
      %get3A_781 = arith.constant 1 : i32
      %get3A_782 = arith.constant 6 : i32
      %get3A_783 = arith.index_cast %get3A_781 : i32 to index
      %get3A_784 = arith.index_cast %get3A_782 : i32 to index
      %get3A_785 = arith.index_cast %mul3A_721 : i32 to index
      %get3A_786 = tpu.vector_load %arg8[%get3A_783, %get3A_784, %get3A_785] {strides = array<i32>} : memref<2x8x4096xf32, #tpu.memory_space<vmem>>, vector<1x1x16xf32>,
      %get3A_787 = vector.shape_cast %get3A_786 : vector<1x1x16xf32> to vector<16xf32>
      %mul3A_788 = arith.mulf %get3A_194, %get3A_787 : vector<16xf32>
      %add3A_789 = arith.addf %add3A_780, %mul3A_788 : vector<16xf32>
      %get3A_790 = arith.constant 1 : i32
      %get3A_791 = arith.constant 7 : i32
      %get3A_792 = arith.index_cast %get3A_790 : i32 to index
      %get3A_793 = arith.index_cast %get3A_791 : i32 to index
      %get3A_794 = arith.index_cast %mul3A_721 : i32 to index
      %get3A_795 = tpu.vector_load %arg8[%get3A_792, %get3A_793, %get3A_794] {strides = array<i32>} : memref<2x8x4096xf32, #tpu.memory_space<vmem>>, vector<1x1x16xf32>,
      %get3A_796 = vector.shape_cast %get3A_795 : vector<1x1x16xf32> to vector<16xf32>
      %mul3A_797 = arith.mulf %get3A_199, %get3A_796 : vector<16xf32>
      %add3A_798 = arith.addf %add3A_789, %mul3A_797 : vector<16xf32>
      %swap3A_799 = arith.constant 0 : i32
      %swap3A_800 = arith.index_cast %swap3A_799 : i32 to index
      %swap3A_801 = arith.index_cast %mul3A_721 : i32 to index
      %swap3A_802 = tpu.vector_load %arg9[%swap3A_800, %swap3A_801] {strides = array<i32>} : memref<1x4096xf32, #tpu.memory_space<vmem>>, vector<1x16xf32>,
      %swap3A_803 = vector.shape_cast %swap3A_802 : vector<1x16xf32> to vector<16xf32>
      %swap3A_804 = vector.shape_cast %add3A_798 : vector<16xf32> to vector<1x16xf32>
      tpu.vector_store %arg9[%swap3A_800, %swap3A_801], %swap3A_804 {strides = array<i32>} : memref<1x4096xf32, #tpu.memory_space<vmem>>, vector<1x16xf32>,
      %scan3A_805 = arith.constant 0 : i32
      %scan3A_806 = arith.constant 5 : i32
      %scan3A_807 = arith.addi %scan3A_367, %scan3A_806 : i32
      %mul3A_808 = arith.constant 16 : i32
      %mul3A_809 = arith.muli %scan3A_807, %mul3A_808 : i32
      %get3A_810 = arith.constant 0 : i32
      %get3A_811 = arith.index_cast %get3A_810 : i32 to index
      %get3A_812 = arith.index_cast %mul3A_809 : i32 to index
      %get3A_813 = tpu.vector_load %arg9[%get3A_811, %get3A_812] {strides = array<i32>} : memref<1x4096xf32, #tpu.memory_space<vmem>>, vector<1x16xf32>,
      %get3A_814 = vector.shape_cast %get3A_813 : vector<1x16xf32> to vector<16xf32>
      %get3A_815 = arith.constant 1 : i32
      %get3A_816 = arith.constant 0 : i32
      %get3A_817 = arith.index_cast %get3A_815 : i32 to index
      %get3A_818 = arith.index_cast %get3A_816 : i32 to index
      %get3A_819 = arith.index_cast %mul3A_809 : i32 to index
      %get3A_820 = tpu.vector_load %arg8[%get3A_817, %get3A_818, %get3A_819] {strides = array<i32>} : memref<2x8x4096xf32, #tpu.memory_space<vmem>>, vector<1x1x16xf32>,
      %get3A_821 = vector.shape_cast %get3A_820 : vector<1x1x16xf32> to vector<16xf32>
      %mul3A_822 = arith.mulf %get3A_164, %get3A_821 : vector<16xf32>
      %add3A_823 = arith.addf %get3A_814, %mul3A_822 : vector<16xf32>
      %get3A_824 = arith.constant 1 : i32
      %get3A_825 = arith.constant 1 : i32
      %get3A_826 = arith.index_cast %get3A_824 : i32 to index
      %get3A_827 = arith.index_cast %get3A_825 : i32 to index
      %get3A_828 = arith.index_cast %mul3A_809 : i32 to index
      %get3A_829 = tpu.vector_load %arg8[%get3A_826, %get3A_827, %get3A_828] {strides = array<i32>} : memref<2x8x4096xf32, #tpu.memory_space<vmem>>, vector<1x1x16xf32>,
      %get3A_830 = vector.shape_cast %get3A_829 : vector<1x1x16xf32> to vector<16xf32>
      %mul3A_831 = arith.mulf %get3A_169, %get3A_830 : vector<16xf32>
      %add3A_832 = arith.addf %add3A_823, %mul3A_831 : vector<16xf32>
      %get3A_833 = arith.constant 1 : i32
      %get3A_834 = arith.constant 2 : i32
      %get3A_835 = arith.index_cast %get3A_833 : i32 to index
      %get3A_836 = arith.index_cast %get3A_834 : i32 to index
      %get3A_837 = arith.index_cast %mul3A_809 : i32 to index
      %get3A_838 = tpu.vector_load %arg8[%get3A_835, %get3A_836, %get3A_837] {strides = array<i32>} : memref<2x8x4096xf32, #tpu.memory_space<vmem>>, vector<1x1x16xf32>,
      %get3A_839 = vector.shape_cast %get3A_838 : vector<1x1x16xf32> to vector<16xf32>
      %mul3A_840 = arith.mulf %get3A_174, %get3A_839 : vector<16xf32>
      %add3A_841 = arith.addf %add3A_832, %mul3A_840 : vector<16xf32>
      %get3A_842 = arith.constant 1 : i32
      %get3A_843 = arith.constant 3 : i32
      %get3A_844 = arith.index_cast %get3A_842 : i32 to index
      %get3A_845 = arith.index_cast %get3A_843 : i32 to index
      %get3A_846 = arith.index_cast %mul3A_809 : i32 to index
      %get3A_847 = tpu.vector_load %arg8[%get3A_844, %get3A_845, %get3A_846] {strides = array<i32>} : memref<2x8x4096xf32, #tpu.memory_space<vmem>>, vector<1x1x16xf32>,
      %get3A_848 = vector.shape_cast %get3A_847 : vector<1x1x16xf32> to vector<16xf32>
      %mul3A_849 = arith.mulf %get3A_179, %get3A_848 : vector<16xf32>
      %add3A_850 = arith.addf %add3A_841, %mul3A_849 : vector<16xf32>
      %get3A_851 = arith.constant 1 : i32
      %get3A_852 = arith.constant 4 : i32
      %get3A_853 = arith.index_cast %get3A_851 : i32 to index
      %get3A_854 = arith.index_cast %get3A_852 : i32 to index
      %get3A_855 = arith.index_cast %mul3A_809 : i32 to index
      %get3A_856 = tpu.vector_load %arg8[%get3A_853, %get3A_854, %get3A_855] {strides = array<i32>} : memref<2x8x4096xf32, #tpu.memory_space<vmem>>, vector<1x1x16xf32>,
      %get3A_857 = vector.shape_cast %get3A_856 : vector<1x1x16xf32> to vector<16xf32>
      %mul3A_858 = arith.mulf %get3A_184, %get3A_857 : vector<16xf32>
      %add3A_859 = arith.addf %add3A_850, %mul3A_858 : vector<16xf32>
      %get3A_860 = arith.constant 1 : i32
      %get3A_861 = arith.constant 5 : i32
      %get3A_862 = arith.index_cast %get3A_860 : i32 to index
      %get3A_863 = arith.index_cast %get3A_861 : i32 to index
      %get3A_864 = arith.index_cast %mul3A_809 : i32 to index
      %get3A_865 = tpu.vector_load %arg8[%get3A_862, %get3A_863, %get3A_864] {strides = array<i32>} : memref<2x8x4096xf32, #tpu.memory_space<vmem>>, vector<1x1x16xf32>,
      %get3A_866 = vector.shape_cast %get3A_865 : vector<1x1x16xf32> to vector<16xf32>
      %mul3A_867 = arith.mulf %get3A_189, %get3A_866 : vector<16xf32>
      %add3A_868 = arith.addf %add3A_859, %mul3A_867 : vector<16xf32>
      %get3A_869 = arith.constant 1 : i32
      %get3A_870 = arith.constant 6 : i32
      %get3A_871 = arith.index_cast %get3A_869 : i32 to index
      %get3A_872 = arith.index_cast %get3A_870 : i32 to index
      %get3A_873 = arith.index_cast %mul3A_809 : i32 to index
      %get3A_874 = tpu.vector_load %arg8[%get3A_871, %get3A_872, %get3A_873] {strides = array<i32>} : memref<2x8x4096xf32, #tpu.memory_space<vmem>>, vector<1x1x16xf32>,
      %get3A_875 = vector.shape_cast %get3A_874 : vector<1x1x16xf32> to vector<16xf32>
      %mul3A_876 = arith.mulf %get3A_194, %get3A_875 : vector<16xf32>
      %add3A_877 = arith.addf %add3A_868, %mul3A_876 : vector<16xf32>
      %get3A_878 = arith.constant 1 : i32
      %get3A_879 = arith.constant 7 : i32
      %get3A_880 = arith.index_cast %get3A_878 : i32 to index
      %get3A_881 = arith.index_cast %get3A_879 : i32 to index
      %get3A_882 = arith.index_cast %mul3A_809 : i32 to index
      %get3A_883 = tpu.vector_load %arg8[%get3A_880, %get3A_881, %get3A_882] {strides = array<i32>} : memref<2x8x4096xf32, #tpu.memory_space<vmem>>, vector<1x1x16xf32>,
      %get3A_884 = vector.shape_cast %get3A_883 : vector<1x1x16xf32> to vector<16xf32>
      %mul3A_885 = arith.mulf %get3A_199, %get3A_884 : vector<16xf32>
      %add3A_886 = arith.addf %add3A_877, %mul3A_885 : vector<16xf32>
      %swap3A_887 = arith.constant 0 : i32
      %swap3A_888 = arith.index_cast %swap3A_887 : i32 to index
      %swap3A_889 = arith.index_cast %mul3A_809 : i32 to index
      %swap3A_890 = tpu.vector_load %arg9[%swap3A_888, %swap3A_889] {strides = array<i32>} : memref<1x4096xf32, #tpu.memory_space<vmem>>, vector<1x16xf32>,
      %swap3A_891 = vector.shape_cast %swap3A_890 : vector<1x16xf32> to vector<16xf32>
      %swap3A_892 = vector.shape_cast %add3A_886 : vector<16xf32> to vector<1x16xf32>
      tpu.vector_store %arg9[%swap3A_888, %swap3A_889], %swap3A_892 {strides = array<i32>} : memref<1x4096xf32, #tpu.memory_space<vmem>>, vector<1x16xf32>,
      %scan3A_893 = arith.constant 0 : i32
      %scan3A_894 = arith.constant 6 : i32
      %scan3A_895 = arith.addi %scan3A_367, %scan3A_894 : i32
      %mul3A_896 = arith.constant 16 : i32
      %mul3A_897 = arith.muli %scan3A_895, %mul3A_896 : i32
      %get3A_898 = arith.constant 0 : i32
      %get3A_899 = arith.index_cast %get3A_898 : i32 to index
      %get3A_900 = arith.index_cast %mul3A_897 : i32 to index
      %get3A_901 = tpu.vector_load %arg9[%get3A_899, %get3A_900] {strides = array<i32>} : memref<1x4096xf32, #tpu.memory_space<vmem>>, vector<1x16xf32>,
      %get3A_902 = vector.shape_cast %get3A_901 : vector<1x16xf32> to vector<16xf32>
      %get3A_903 = arith.constant 1 : i32
      %get3A_904 = arith.constant 0 : i32
      %get3A_905 = arith.index_cast %get3A_903 : i32 to index
      %get3A_906 = arith.index_cast %get3A_904 : i32 to index
      %get3A_907 = arith.index_cast %mul3A_897 : i32 to index
      %get3A_908 = tpu.vector_load %arg8[%get3A_905, %get3A_906, %get3A_907] {strides = array<i32>} : memref<2x8x4096xf32, #tpu.memory_space<vmem>>, vector<1x1x16xf32>,
      %get3A_909 = vector.shape_cast %get3A_908 : vector<1x1x16xf32> to vector<16xf32>
      %mul3A_910 = arith.mulf %get3A_164, %get3A_909 : vector<16xf32>
      %add3A_911 = arith.addf %get3A_902, %mul3A_910 : vector<16xf32>
      %get3A_912 = arith.constant 1 : i32
      %get3A_913 = arith.constant 1 : i32
      %get3A_914 = arith.index_cast %get3A_912 : i32 to index
      %get3A_915 = arith.index_cast %get3A_913 : i32 to index
      %get3A_916 = arith.index_cast %mul3A_897 : i32 to index
      %get3A_917 = tpu.vector_load %arg8[%get3A_914, %get3A_915, %get3A_916] {strides = array<i32>} : memref<2x8x4096xf32, #tpu.memory_space<vmem>>, vector<1x1x16xf32>,
      %get3A_918 = vector.shape_cast %get3A_917 : vector<1x1x16xf32> to vector<16xf32>
      %mul3A_919 = arith.mulf %get3A_169, %get3A_918 : vector<16xf32>
      %add3A_920 = arith.addf %add3A_911, %mul3A_919 : vector<16xf32>
      %get3A_921 = arith.constant 1 : i32
      %get3A_922 = arith.constant 2 : i32
      %get3A_923 = arith.index_cast %get3A_921 : i32 to index
      %get3A_924 = arith.index_cast %get3A_922 : i32 to index
      %get3A_925 = arith.index_cast %mul3A_897 : i32 to index
      %get3A_926 = tpu.vector_load %arg8[%get3A_923, %get3A_924, %get3A_925] {strides = array<i32>} : memref<2x8x4096xf32, #tpu.memory_space<vmem>>, vector<1x1x16xf32>,
      %get3A_927 = vector.shape_cast %get3A_926 : vector<1x1x16xf32> to vector<16xf32>
      %mul3A_928 = arith.mulf %get3A_174, %get3A_927 : vector<16xf32>
      %add3A_929 = arith.addf %add3A_920, %mul3A_928 : vector<16xf32>
      %get3A_930 = arith.constant 1 : i32
      %get3A_931 = arith.constant 3 : i32
      %get3A_932 = arith.index_cast %get3A_930 : i32 to index
      %get3A_933 = arith.index_cast %get3A_931 : i32 to index
      %get3A_934 = arith.index_cast %mul3A_897 : i32 to index
      %get3A_935 = tpu.vector_load %arg8[%get3A_932, %get3A_933, %get3A_934] {strides = array<i32>} : memref<2x8x4096xf32, #tpu.memory_space<vmem>>, vector<1x1x16xf32>,
      %get3A_936 = vector.shape_cast %get3A_935 : vector<1x1x16xf32> to vector<16xf32>
      %mul3A_937 = arith.mulf %get3A_179, %get3A_936 : vector<16xf32>
      %add3A_938 = arith.addf %add3A_929, %mul3A_937 : vector<16xf32>
      %get3A_939 = arith.constant 1 : i32
      %get3A_940 = arith.constant 4 : i32
      %get3A_941 = arith.index_cast %get3A_939 : i32 to index
      %get3A_942 = arith.index_cast %get3A_940 : i32 to index
      %get3A_943 = arith.index_cast %mul3A_897 : i32 to index
      %get3A_944 = tpu.vector_load %arg8[%get3A_941, %get3A_942, %get3A_943] {strides = array<i32>} : memref<2x8x4096xf32, #tpu.memory_space<vmem>>, vector<1x1x16xf32>,
      %get3A_945 = vector.shape_cast %get3A_944 : vector<1x1x16xf32> to vector<16xf32>
      %mul3A_946 = arith.mulf %get3A_184, %get3A_945 : vector<16xf32>
      %add3A_947 = arith.addf %add3A_938, %mul3A_946 : vector<16xf32>
      %get3A_948 = arith.constant 1 : i32
      %get3A_949 = arith.constant 5 : i32
      %get3A_950 = arith.index_cast %get3A_948 : i32 to index
      %get3A_951 = arith.index_cast %get3A_949 : i32 to index
      %get3A_952 = arith.index_cast %mul3A_897 : i32 to index
      %get3A_953 = tpu.vector_load %arg8[%get3A_950, %get3A_951, %get3A_952] {strides = array<i32>} : memref<2x8x4096xf32, #tpu.memory_space<vmem>>, vector<1x1x16xf32>,
      %get3A_954 = vector.shape_cast %get3A_953 : vector<1x1x16xf32> to vector<16xf32>
      %mul3A_955 = arith.mulf %get3A_189, %get3A_954 : vector<16xf32>
      %add3A_956 = arith.addf %add3A_947, %mul3A_955 : vector<16xf32>
      %get3A_957 = arith.constant 1 : i32
      %get3A_958 = arith.constant 6 : i32
      %get3A_959 = arith.index_cast %get3A_957 : i32 to index
      %get3A_960 = arith.index_cast %get3A_958 : i32 to index
      %get3A_961 = arith.index_cast %mul3A_897 : i32 to index
      %get3A_962 = tpu.vector_load %arg8[%get3A_959, %get3A_960, %get3A_961] {strides = array<i32>} : memref<2x8x4096xf32, #tpu.memory_space<vmem>>, vector<1x1x16xf32>,
      %get3A_963 = vector.shape_cast %get3A_962 : vector<1x1x16xf32> to vector<16xf32>
      %mul3A_964 = arith.mulf %get3A_194, %get3A_963 : vector<16xf32>
      %add3A_965 = arith.addf %add3A_956, %mul3A_964 : vector<16xf32>
      %get3A_966 = arith.constant 1 : i32
      %get3A_967 = arith.constant 7 : i32
      %get3A_968 = arith.index_cast %get3A_966 : i32 to index
      %get3A_969 = arith.index_cast %get3A_967 : i32 to index
      %get3A_970 = arith.index_cast %mul3A_897 : i32 to index
      %get3A_971 = tpu.vector_load %arg8[%get3A_968, %get3A_969, %get3A_970] {strides = array<i32>} : memref<2x8x4096xf32, #tpu.memory_space<vmem>>, vector<1x1x16xf32>,
      %get3A_972 = vector.shape_cast %get3A_971 : vector<1x1x16xf32> to vector<16xf32>
      %mul3A_973 = arith.mulf %get3A_199, %get3A_972 : vector<16xf32>
      %add3A_974 = arith.addf %add3A_965, %mul3A_973 : vector<16xf32>
      %swap3A_975 = arith.constant 0 : i32
      %swap3A_976 = arith.index_cast %swap3A_975 : i32 to index
      %swap3A_977 = arith.index_cast %mul3A_897 : i32 to index
      %swap3A_978 = tpu.vector_load %arg9[%swap3A_976, %swap3A_977] {strides = array<i32>} : memref<1x4096xf32, #tpu.memory_space<vmem>>, vector<1x16xf32>,
      %swap3A_979 = vector.shape_cast %swap3A_978 : vector<1x16xf32> to vector<16xf32>
      %swap3A_980 = vector.shape_cast %add3A_974 : vector<16xf32> to vector<1x16xf32>
      tpu.vector_store %arg9[%swap3A_976, %swap3A_977], %swap3A_980 {strides = array<i32>} : memref<1x4096xf32, #tpu.memory_space<vmem>>, vector<1x16xf32>,
      %scan3A_981 = arith.constant 0 : i32
      %scan3A_982 = arith.constant 7 : i32
      %scan3A_983 = arith.addi %scan3A_367, %scan3A_982 : i32
      %mul3A_984 = arith.constant 16 : i32
      %mul3A_985 = arith.muli %scan3A_983, %mul3A_984 : i32
      %get3A_986 = arith.constant 0 : i32
      %get3A_987 = arith.index_cast %get3A_986 : i32 to index
      %get3A_988 = arith.index_cast %mul3A_985 : i32 to index
      %get3A_989 = tpu.vector_load %arg9[%get3A_987, %get3A_988] {strides = array<i32>} : memref<1x4096xf32, #tpu.memory_space<vmem>>, vector<1x16xf32>,
      %get3A_990 = vector.shape_cast %get3A_989 : vector<1x16xf32> to vector<16xf32>
      %get3A_991 = arith.constant 1 : i32
      %get3A_992 = arith.constant 0 : i32
      %get3A_993 = arith.index_cast %get3A_991 : i32 to index
      %get3A_994 = arith.index_cast %get3A_992 : i32 to index
      %get3A_995 = arith.index_cast %mul3A_985 : i32 to index
      %get3A_996 = tpu.vector_load %arg8[%get3A_993, %get3A_994, %get3A_995] {strides = array<i32>} : memref<2x8x4096xf32, #tpu.memory_space<vmem>>, vector<1x1x16xf32>,
      %get3A_997 = vector.shape_cast %get3A_996 : vector<1x1x16xf32> to vector<16xf32>
      %mul3A_998 = arith.mulf %get3A_164, %get3A_997 : vector<16xf32>
      %add3A_999 = arith.addf %get3A_990, %mul3A_998 : vector<16xf32>
      %get3A_1000 = arith.constant 1 : i32
      %get3A_1001 = arith.constant 1 : i32
      %get3A_1002 = arith.index_cast %get3A_1000 : i32 to index
      %get3A_1003 = arith.index_cast %get3A_1001 : i32 to index
      %get3A_1004 = arith.index_cast %mul3A_985 : i32 to index
      %get3A_1005 = tpu.vector_load %arg8[%get3A_1002, %get3A_1003, %get3A_1004] {strides = array<i32>} : memref<2x8x4096xf32, #tpu.memory_space<vmem>>, vector<1x1x16xf32>,
      %get3A_1006 = vector.shape_cast %get3A_1005 : vector<1x1x16xf32> to vector<16xf32>
      %mul3A_1007 = arith.mulf %get3A_169, %get3A_1006 : vector<16xf32>
      %add3A_1008 = arith.addf %add3A_999, %mul3A_1007 : vector<16xf32>
      %get3A_1009 = arith.constant 1 : i32
      %get3A_1010 = arith.constant 2 : i32
      %get3A_1011 = arith.index_cast %get3A_1009 : i32 to index
      %get3A_1012 = arith.index_cast %get3A_1010 : i32 to index
      %get3A_1013 = arith.index_cast %mul3A_985 : i32 to index
      %get3A_1014 = tpu.vector_load %arg8[%get3A_1011, %get3A_1012, %get3A_1013] {strides = array<i32>} : memref<2x8x4096xf32, #tpu.memory_space<vmem>>, vector<1x1x16xf32>,
      %get3A_1015 = vector.shape_cast %get3A_1014 : vector<1x1x16xf32> to vector<16xf32>
      %mul3A_1016 = arith.mulf %get3A_174, %get3A_1015 : vector<16xf32>
      %add3A_1017 = arith.addf %add3A_1008, %mul3A_1016 : vector<16xf32>
      %get3A_1018 = arith.constant 1 : i32
      %get3A_1019 = arith.constant 3 : i32
      %get3A_1020 = arith.index_cast %get3A_1018 : i32 to index
      %get3A_1021 = arith.index_cast %get3A_1019 : i32 to index
      %get3A_1022 = arith.index_cast %mul3A_985 : i32 to index
      %get3A_1023 = tpu.vector_load %arg8[%get3A_1020, %get3A_1021, %get3A_1022] {strides = array<i32>} : memref<2x8x4096xf32, #tpu.memory_space<vmem>>, vector<1x1x16xf32>,
      %get3A_1024 = vector.shape_cast %get3A_1023 : vector<1x1x16xf32> to vector<16xf32>
      %mul3A_1025 = arith.mulf %get3A_179, %get3A_1024 : vector<16xf32>
      %add3A_1026 = arith.addf %add3A_1017, %mul3A_1025 : vector<16xf32>
      %get3A_1027 = arith.constant 1 : i32
      %get3A_1028 = arith.constant 4 : i32
      %get3A_1029 = arith.index_cast %get3A_1027 : i32 to index
      %get3A_1030 = arith.index_cast %get3A_1028 : i32 to index
      %get3A_1031 = arith.index_cast %mul3A_985 : i32 to index
      %get3A_1032 = tpu.vector_load %arg8[%get3A_1029, %get3A_1030, %get3A_1031] {strides = array<i32>} : memref<2x8x4096xf32, #tpu.memory_space<vmem>>, vector<1x1x16xf32>,
      %get3A_1033 = vector.shape_cast %get3A_1032 : vector<1x1x16xf32> to vector<16xf32>
      %mul3A_1034 = arith.mulf %get3A_184, %get3A_1033 : vector<16xf32>
      %add3A_1035 = arith.addf %add3A_1026, %mul3A_1034 : vector<16xf32>
      %get3A_1036 = arith.constant 1 : i32
      %get3A_1037 = arith.constant 5 : i32
      %get3A_1038 = arith.index_cast %get3A_1036 : i32 to index
      %get3A_1039 = arith.index_cast %get3A_1037 : i32 to index
      %get3A_1040 = arith.index_cast %mul3A_985 : i32 to index
      %get3A_1041 = tpu.vector_load %arg8[%get3A_1038, %get3A_1039, %get3A_1040] {strides = array<i32>} : memref<2x8x4096xf32, #tpu.memory_space<vmem>>, vector<1x1x16xf32>,
      %get3A_1042 = vector.shape_cast %get3A_1041 : vector<1x1x16xf32> to vector<16xf32>
      %mul3A_1043 = arith.mulf %get3A_189, %get3A_1042 : vector<16xf32>
      %add3A_1044 = arith.addf %add3A_1035, %mul3A_1043 : vector<16xf32>
      %get3A_1045 = arith.constant 1 : i32
      %get3A_1046 = arith.constant 6 : i32
      %get3A_1047 = arith.index_cast %get3A_1045 : i32 to index
      %get3A_1048 = arith.index_cast %get3A_1046 : i32 to index
      %get3A_1049 = arith.index_cast %mul3A_985 : i32 to index
      %get3A_1050 = tpu.vector_load %arg8[%get3A_1047, %get3A_1048, %get3A_1049] {strides = array<i32>} : memref<2x8x4096xf32, #tpu.memory_space<vmem>>, vector<1x1x16xf32>,
      %get3A_1051 = vector.shape_cast %get3A_1050 : vector<1x1x16xf32> to vector<16xf32>
      %mul3A_1052 = arith.mulf %get3A_194, %get3A_1051 : vector<16xf32>
      %add3A_1053 = arith.addf %add3A_1044, %mul3A_1052 : vector<16xf32>
      %get3A_1054 = arith.constant 1 : i32
      %get3A_1055 = arith.constant 7 : i32
      %get3A_1056 = arith.index_cast %get3A_1054 : i32 to index
      %get3A_1057 = arith.index_cast %get3A_1055 : i32 to index
      %get3A_1058 = arith.index_cast %mul3A_985 : i32 to index
      %get3A_1059 = tpu.vector_load %arg8[%get3A_1056, %get3A_1057, %get3A_1058] {strides = array<i32>} : memref<2x8x4096xf32, #tpu.memory_space<vmem>>, vector<1x1x16xf32>,
      %get3A_1060 = vector.shape_cast %get3A_1059 : vector<1x1x16xf32> to vector<16xf32>
      %mul3A_1061 = arith.mulf %get3A_199, %get3A_1060 : vector<16xf32>
      %add3A_1062 = arith.addf %add3A_1053, %mul3A_1061 : vector<16xf32>
      %swap3A_1063 = arith.constant 0 : i32
      %swap3A_1064 = arith.index_cast %swap3A_1063 : i32 to index
      %swap3A_1065 = arith.index_cast %mul3A_985 : i32 to index
      %swap3A_1066 = tpu.vector_load %arg9[%swap3A_1064, %swap3A_1065] {strides = array<i32>} : memref<1x4096xf32, #tpu.memory_space<vmem>>, vector<1x16xf32>,
      %swap3A_1067 = vector.shape_cast %swap3A_1066 : vector<1x16xf32> to vector<16xf32>
      %swap3A_1068 = vector.shape_cast %add3A_1062 : vector<16xf32> to vector<1x16xf32>
      tpu.vector_store %arg9[%swap3A_1064, %swap3A_1065], %swap3A_1068 {strides = array<i32>} : memref<1x4096xf32, #tpu.memory_space<vmem>>, vector<1x16xf32>,
      %scan3A_1069 = arith.constant 0 : i32
      scf.yield %scan3A_1069 : i32
    }
    %scan3A_206 = arith.constant 256 : i32
    %dma_start3A_207 = arith.constant 0 : i32
    %dma_start3A_208 = arith.constant 1 : i32
    %dma_start3A_209 = arith.constant 0 : i32
    %dma_start3A_210 = arith.constant 0 : i32
    %dma_start3A_211 = tpu.memref_slice %arg8[%dma_start3A_208, %dma_start3A_209, %dma_start3A_210] : memref<2x8x4096xf32, #tpu.memory_space<vmem>> -> memref<1x8x4096xf32, #tpu.memory_space<vmem>>
    %dma_start3A_212 = tpu.memref_squeeze %dma_start3A_211 : memref<1x8x4096xf32, #tpu.memory_space<vmem>> -> memref<8x4096xf32, #tpu.memory_space<vmem>>
    %dma_start3A_213 = arith.constant 24 : i32
    %dma_start3A_214 = tpu.memref_slice %arg6[%dma_start3A_207, %dma_start3A_213] : memref<1x32xi32, #tpu.memory_space<vmem>> -> memref<1x8xi32, #tpu.memory_space<vmem>>
    %dma_start3A_215 = tpu.memref_squeeze %dma_start3A_214 : memref<1x8xi32, #tpu.memory_space<vmem>> -> memref<8xi32, #tpu.memory_space<vmem>>
    %dma_start3A_216 = arith.constant 0 : i32
    %dma_start3A_217 = arith.constant 0 : i32
    %dma_start3A_218 = tpu.memref_slice %arg2[%dma_start3A_216, %dma_start3A_217] : memref<4096x4096xf32, #tpu.memory_space<hbm>> -> memref<4096x4096xf32, #tpu.memory_space<hbm>>
    tpu.enqueue_indirect_dma source(%dma_start3A_218 : memref<4096x4096xf32, #tpu.memory_space<hbm>>) target(%dma_start3A_212 : memref<8x4096xf32, #tpu.memory_space<vmem>>) offsets(%dma_start3A_215 : memref<8xi32, #tpu.memory_space<vmem>>) semaphore(%arg10 : memref<!tpu.dma_semaphore, #tpu.memory_space<semaphore_mem>>)
    %dma_wait3A_219 = arith.constant 0 : i32
    %dma_wait3A_220 = arith.constant 0 : i32
    %dma_wait3A_221 = arith.constant 0 : i32
    %dma_wait3A_222 = arith.constant 0 : i32
    %dma_wait3A_223 = tpu.memref_slice %arg8[%dma_wait3A_220, %dma_wait3A_221, %dma_wait3A_222] : memref<2x8x4096xf32, #tpu.memory_space<vmem>> -> memref<1x8x4096xf32, #tpu.memory_space<vmem>>
    %dma_wait3A_224 = tpu.memref_squeeze %dma_wait3A_223 : memref<1x8x4096xf32, #tpu.memory_space<vmem>> -> memref<8x4096xf32, #tpu.memory_space<vmem>>
    %dma_wait3A_225 = arith.constant 16 : i32
    %dma_wait3A_226 = tpu.memref_slice %arg6[%dma_wait3A_219, %dma_wait3A_225] : memref<1x32xi32, #tpu.memory_space<vmem>> -> memref<1x8xi32, #tpu.memory_space<vmem>>
    %dma_wait3A_227 = tpu.memref_squeeze %dma_wait3A_226 : memref<1x8xi32, #tpu.memory_space<vmem>> -> memref<8xi32, #tpu.memory_space<vmem>>
    %dma_wait3A_228 = arith.constant 0 : i32
    %dma_wait3A_229 = arith.constant 0 : i32
    %dma_wait3A_230 = tpu.memref_slice %arg2[%dma_wait3A_228, %dma_wait3A_229] : memref<4096x4096xf32, #tpu.memory_space<hbm>> -> memref<4096x4096xf32, #tpu.memory_space<hbm>>
    tpu.wait_indirect_dma semaphore(%arg10 : memref<!tpu.dma_semaphore, #tpu.memory_space<semaphore_mem>>) src(%dma_wait3A_230 : memref<4096x4096xf32, #tpu.memory_space<hbm>>) dst(%dma_wait3A_224 : memref<8x4096xf32, #tpu.memory_space<vmem>>)
    %get3A_231 = arith.constant 0 : i32
    %get3A_232 = arith.index_cast %get3A_231 : i32 to index
    %get3A_233 = arith.constant 256 : index
    %get3A_234 = tpu.vector_load %arg7[%get3A_232, %get3A_233] {strides = array<i32>} : memref<1x512xf32, #tpu.memory_space<vmem>>, vector<1x16xf32>,
    %get3A_235 = vector.shape_cast %get3A_234 : vector<1x16xf32> to vector<16xf32>
    %get3A_236 = arith.constant 0 : i32
    %get3A_237 = arith.index_cast %get3A_236 : i32 to index
    %get3A_238 = arith.constant 272 : index
    %get3A_239 = tpu.vector_load %arg7[%get3A_237, %get3A_238] {strides = array<i32>} : memref<1x512xf32, #tpu.memory_space<vmem>>, vector<1x16xf32>,
    %get3A_240 = vector.shape_cast %get3A_239 : vector<1x16xf32> to vector<16xf32>
    %get3A_241 = arith.constant 0 : i32
    %get3A_242 = arith.index_cast %get3A_241 : i32 to index
    %get3A_243 = arith.constant 288 : index
    %get3A_244 = tpu.vector_load %arg7[%get3A_242, %get3A_243] {strides = array<i32>} : memref<1x512xf32, #tpu.memory_space<vmem>>, vector<1x16xf32>,
    %get3A_245 = vector.shape_cast %get3A_244 : vector<1x16xf32> to vector<16xf32>
    %get3A_246 = arith.constant 0 : i32
    %get3A_247 = arith.index_cast %get3A_246 : i32 to index
    %get3A_248 = arith.constant 304 : index
    %get3A_249 = tpu.vector_load %arg7[%get3A_247, %get3A_248] {strides = array<i32>} : memref<1x512xf32, #tpu.memory_space<vmem>>, vector<1x16xf32>,
    %get3A_250 = vector.shape_cast %get3A_249 : vector<1x16xf32> to vector<16xf32>
    %get3A_251 = arith.constant 0 : i32
    %get3A_252 = arith.index_cast %get3A_251 : i32 to index
    %get3A_253 = arith.constant 320 : index
    %get3A_254 = tpu.vector_load %arg7[%get3A_252, %get3A_253] {strides = array<i32>} : memref<1x512xf32, #tpu.memory_space<vmem>>, vector<1x16xf32>,
    %get3A_255 = vector.shape_cast %get3A_254 : vector<1x16xf32> to vector<16xf32>
    %get3A_256 = arith.constant 0 : i32
    %get3A_257 = arith.index_cast %get3A_256 : i32 to index
    %get3A_258 = arith.constant 336 : index
    %get3A_259 = tpu.vector_load %arg7[%get3A_257, %get3A_258] {strides = array<i32>} : memref<1x512xf32, #tpu.memory_space<vmem>>, vector<1x16xf32>,
    %get3A_260 = vector.shape_cast %get3A_259 : vector<1x16xf32> to vector<16xf32>
    %get3A_261 = arith.constant 0 : i32
    %get3A_262 = arith.index_cast %get3A_261 : i32 to index
    %get3A_263 = arith.constant 352 : index
    %get3A_264 = tpu.vector_load %arg7[%get3A_262, %get3A_263] {strides = array<i32>} : memref<1x512xf32, #tpu.memory_space<vmem>>, vector<1x16xf32>,
    %get3A_265 = vector.shape_cast %get3A_264 : vector<1x16xf32> to vector<16xf32>
    %get3A_266 = arith.constant 0 : i32
    %get3A_267 = arith.index_cast %get3A_266 : i32 to index
    %get3A_268 = arith.constant 368 : index
    %get3A_269 = tpu.vector_load %arg7[%get3A_267, %get3A_268] {strides = array<i32>} : memref<1x512xf32, #tpu.memory_space<vmem>>, vector<1x16xf32>,
    %get3A_270 = vector.shape_cast %get3A_269 : vector<1x16xf32> to vector<16xf32>
    %scan3A_271 = arith.constant 0 : i32
    %scan3A_272 = arith.constant 0 : i32
    %scan3A_273 = arith.constant 256 : i32
    %scan3A_274 = arith.addi %scan3A_272, %scan3A_273 : i32
    %scan3A_275 = arith.constant 8 : i32
    %scan3A_276 = scf.for %scan3A_367 = %scan3A_272 to %scan3A_274 step %scan3A_275 iter_args(%scan3A_368 = %scan3A_271) -> (i32)  : i32 {
      %mul3A_369 = arith.constant 16 : i32
      %mul3A_370 = arith.muli %scan3A_367, %mul3A_369 : i32
      %get3A_371 = arith.constant 0 : i32
      %get3A_372 = arith.index_cast %get3A_371 : i32 to index
      %get3A_373 = arith.index_cast %mul3A_370 : i32 to index
      %get3A_374 = tpu.vector_load %arg9[%get3A_372, %get3A_373] {strides = array<i32>} : memref<1x4096xf32, #tpu.memory_space<vmem>>, vector<1x16xf32>,
      %get3A_375 = vector.shape_cast %get3A_374 : vector<1x16xf32> to vector<16xf32>
      %get3A_376 = arith.constant 0 : i32
      %get3A_377 = arith.constant 0 : i32
      %get3A_378 = arith.index_cast %get3A_376 : i32 to index
      %get3A_379 = arith.index_cast %get3A_377 : i32 to index
      %get3A_380 = arith.index_cast %mul3A_370 : i32 to index
      %get3A_381 = tpu.vector_load %arg8[%get3A_378, %get3A_379, %get3A_380] {strides = array<i32>} : memref<2x8x4096xf32, #tpu.memory_space<vmem>>, vector<1x1x16xf32>,
      %get3A_382 = vector.shape_cast %get3A_381 : vector<1x1x16xf32> to vector<16xf32>
      %mul3A_383 = arith.mulf %get3A_235, %get3A_382 : vector<16xf32>
      %add3A_384 = arith.addf %get3A_375, %mul3A_383 : vector<16xf32>
      %get3A_385 = arith.constant 0 : i32
      %get3A_386 = arith.constant 1 : i32
      %get3A_387 = arith.index_cast %get3A_385 : i32 to index
      %get3A_388 = arith.index_cast %get3A_386 : i32 to index
      %get3A_389 = arith.index_cast %mul3A_370 : i32 to index
      %get3A_390 = tpu.vector_load %arg8[%get3A_387, %get3A_388, %get3A_389] {strides = array<i32>} : memref<2x8x4096xf32, #tpu.memory_space<vmem>>, vector<1x1x16xf32>,
      %get3A_391 = vector.shape_cast %get3A_390 : vector<1x1x16xf32> to vector<16xf32>
      %mul3A_392 = arith.mulf %get3A_240, %get3A_391 : vector<16xf32>
      %add3A_393 = arith.addf %add3A_384, %mul3A_392 : vector<16xf32>
      %get3A_394 = arith.constant 0 : i32
      %get3A_395 = arith.constant 2 : i32
      %get3A_396 = arith.index_cast %get3A_394 : i32 to index
      %get3A_397 = arith.index_cast %get3A_395 : i32 to index
      %get3A_398 = arith.index_cast %mul3A_370 : i32 to index
      %get3A_399 = tpu.vector_load %arg8[%get3A_396, %get3A_397, %get3A_398] {strides = array<i32>} : memref<2x8x4096xf32, #tpu.memory_space<vmem>>, vector<1x1x16xf32>,
      %get3A_400 = vector.shape_cast %get3A_399 : vector<1x1x16xf32> to vector<16xf32>
      %mul3A_401 = arith.mulf %get3A_245, %get3A_400 : vector<16xf32>
      %add3A_402 = arith.addf %add3A_393, %mul3A_401 : vector<16xf32>
      %get3A_403 = arith.constant 0 : i32
      %get3A_404 = arith.constant 3 : i32
      %get3A_405 = arith.index_cast %get3A_403 : i32 to index
      %get3A_406 = arith.index_cast %get3A_404 : i32 to index
      %get3A_407 = arith.index_cast %mul3A_370 : i32 to index
      %get3A_408 = tpu.vector_load %arg8[%get3A_405, %get3A_406, %get3A_407] {strides = array<i32>} : memref<2x8x4096xf32, #tpu.memory_space<vmem>>, vector<1x1x16xf32>,
      %get3A_409 = vector.shape_cast %get3A_408 : vector<1x1x16xf32> to vector<16xf32>
      %mul3A_410 = arith.mulf %get3A_250, %get3A_409 : vector<16xf32>
      %add3A_411 = arith.addf %add3A_402, %mul3A_410 : vector<16xf32>
      %get3A_412 = arith.constant 0 : i32
      %get3A_413 = arith.constant 4 : i32
      %get3A_414 = arith.index_cast %get3A_412 : i32 to index
      %get3A_415 = arith.index_cast %get3A_413 : i32 to index
      %get3A_416 = arith.index_cast %mul3A_370 : i32 to index
      %get3A_417 = tpu.vector_load %arg8[%get3A_414, %get3A_415, %get3A_416] {strides = array<i32>} : memref<2x8x4096xf32, #tpu.memory_space<vmem>>, vector<1x1x16xf32>,
      %get3A_418 = vector.shape_cast %get3A_417 : vector<1x1x16xf32> to vector<16xf32>
      %mul3A_419 = arith.mulf %get3A_255, %get3A_418 : vector<16xf32>
      %add3A_420 = arith.addf %add3A_411, %mul3A_419 : vector<16xf32>
      %get3A_421 = arith.constant 0 : i32
      %get3A_422 = arith.constant 5 : i32
      %get3A_423 = arith.index_cast %get3A_421 : i32 to index
      %get3A_424 = arith.index_cast %get3A_422 : i32 to index
      %get3A_425 = arith.index_cast %mul3A_370 : i32 to index
      %get3A_426 = tpu.vector_load %arg8[%get3A_423, %get3A_424, %get3A_425] {strides = array<i32>} : memref<2x8x4096xf32, #tpu.memory_space<vmem>>, vector<1x1x16xf32>,
      %get3A_427 = vector.shape_cast %get3A_426 : vector<1x1x16xf32> to vector<16xf32>
      %mul3A_428 = arith.mulf %get3A_260, %get3A_427 : vector<16xf32>
      %add3A_429 = arith.addf %add3A_420, %mul3A_428 : vector<16xf32>
      %get3A_430 = arith.constant 0 : i32
      %get3A_431 = arith.constant 6 : i32
      %get3A_432 = arith.index_cast %get3A_430 : i32 to index
      %get3A_433 = arith.index_cast %get3A_431 : i32 to index
      %get3A_434 = arith.index_cast %mul3A_370 : i32 to index
      %get3A_435 = tpu.vector_load %arg8[%get3A_432, %get3A_433, %get3A_434] {strides = array<i32>} : memref<2x8x4096xf32, #tpu.memory_space<vmem>>, vector<1x1x16xf32>,
      %get3A_436 = vector.shape_cast %get3A_435 : vector<1x1x16xf32> to vector<16xf32>
      %mul3A_437 = arith.mulf %get3A_265, %get3A_436 : vector<16xf32>
      %add3A_438 = arith.addf %add3A_429, %mul3A_437 : vector<16xf32>
      %get3A_439 = arith.constant 0 : i32
      %get3A_440 = arith.constant 7 : i32
      %get3A_441 = arith.index_cast %get3A_439 : i32 to index
      %get3A_442 = arith.index_cast %get3A_440 : i32 to index
      %get3A_443 = arith.index_cast %mul3A_370 : i32 to index
      %get3A_444 = tpu.vector_load %arg8[%get3A_441, %get3A_442, %get3A_443] {strides = array<i32>} : memref<2x8x4096xf32, #tpu.memory_space<vmem>>, vector<1x1x16xf32>,
      %get3A_445 = vector.shape_cast %get3A_444 : vector<1x1x16xf32> to vector<16xf32>
      %mul3A_446 = arith.mulf %get3A_270, %get3A_445 : vector<16xf32>
      %add3A_447 = arith.addf %add3A_438, %mul3A_446 : vector<16xf32>
      %swap3A = arith.constant 0 : i32
      %swap3A_448 = arith.index_cast %swap3A : i32 to index
      %swap3A_449 = arith.index_cast %mul3A_370 : i32 to index
      %swap3A_450 = tpu.vector_load %arg9[%swap3A_448, %swap3A_449] {strides = array<i32>} : memref<1x4096xf32, #tpu.memory_space<vmem>>, vector<1x16xf32>,
      %swap3A_451 = vector.shape_cast %swap3A_450 : vector<1x16xf32> to vector<16xf32>
      %swap3A_452 = vector.shape_cast %add3A_447 : vector<16xf32> to vector<1x16xf32>
      tpu.vector_store %arg9[%swap3A_448, %swap3A_449], %swap3A_452 {strides = array<i32>} : memref<1x4096xf32, #tpu.memory_space<vmem>>, vector<1x16xf32>,
      %scan3A_453 = arith.constant 0 : i32
      %scan3A_454 = arith.constant 1 : i32
      %scan3A_455 = arith.addi %scan3A_367, %scan3A_454 : i32
      %mul3A_456 = arith.constant 16 : i32
      %mul3A_457 = arith.muli %scan3A_455, %mul3A_456 : i32
      %get3A_458 = arith.constant 0 : i32
      %get3A_459 = arith.index_cast %get3A_458 : i32 to index
      %get3A_460 = arith.index_cast %mul3A_457 : i32 to index
      %get3A_461 = tpu.vector_load %arg9[%get3A_459, %get3A_460] {strides = array<i32>} : memref<1x4096xf32, #tpu.memory_space<vmem>>, vector<1x16xf32>,
      %get3A_462 = vector.shape_cast %get3A_461 : vector<1x16xf32> to vector<16xf32>
      %get3A_463 = arith.constant 0 : i32
      %get3A_464 = arith.constant 0 : i32
      %get3A_465 = arith.index_cast %get3A_463 : i32 to index
      %get3A_466 = arith.index_cast %get3A_464 : i32 to index
      %get3A_467 = arith.index_cast %mul3A_457 : i32 to index
      %get3A_468 = tpu.vector_load %arg8[%get3A_465, %get3A_466, %get3A_467] {strides = array<i32>} : memref<2x8x4096xf32, #tpu.memory_space<vmem>>, vector<1x1x16xf32>,
      %get3A_469 = vector.shape_cast %get3A_468 : vector<1x1x16xf32> to vector<16xf32>
      %mul3A_470 = arith.mulf %get3A_235, %get3A_469 : vector<16xf32>
      %add3A_471 = arith.addf %get3A_462, %mul3A_470 : vector<16xf32>
      %get3A_472 = arith.constant 0 : i32
      %get3A_473 = arith.constant 1 : i32
      %get3A_474 = arith.index_cast %get3A_472 : i32 to index
      %get3A_475 = arith.index_cast %get3A_473 : i32 to index
      %get3A_476 = arith.index_cast %mul3A_457 : i32 to index
      %get3A_477 = tpu.vector_load %arg8[%get3A_474, %get3A_475, %get3A_476] {strides = array<i32>} : memref<2x8x4096xf32, #tpu.memory_space<vmem>>, vector<1x1x16xf32>,
      %get3A_478 = vector.shape_cast %get3A_477 : vector<1x1x16xf32> to vector<16xf32>
      %mul3A_479 = arith.mulf %get3A_240, %get3A_478 : vector<16xf32>
      %add3A_480 = arith.addf %add3A_471, %mul3A_479 : vector<16xf32>
      %get3A_481 = arith.constant 0 : i32
      %get3A_482 = arith.constant 2 : i32
      %get3A_483 = arith.index_cast %get3A_481 : i32 to index
      %get3A_484 = arith.index_cast %get3A_482 : i32 to index
      %get3A_485 = arith.index_cast %mul3A_457 : i32 to index
      %get3A_486 = tpu.vector_load %arg8[%get3A_483, %get3A_484, %get3A_485] {strides = array<i32>} : memref<2x8x4096xf32, #tpu.memory_space<vmem>>, vector<1x1x16xf32>,
      %get3A_487 = vector.shape_cast %get3A_486 : vector<1x1x16xf32> to vector<16xf32>
      %mul3A_488 = arith.mulf %get3A_245, %get3A_487 : vector<16xf32>
      %add3A_489 = arith.addf %add3A_480, %mul3A_488 : vector<16xf32>
      %get3A_490 = arith.constant 0 : i32
      %get3A_491 = arith.constant 3 : i32
      %get3A_492 = arith.index_cast %get3A_490 : i32 to index
      %get3A_493 = arith.index_cast %get3A_491 : i32 to index
      %get3A_494 = arith.index_cast %mul3A_457 : i32 to index
      %get3A_495 = tpu.vector_load %arg8[%get3A_492, %get3A_493, %get3A_494] {strides = array<i32>} : memref<2x8x4096xf32, #tpu.memory_space<vmem>>, vector<1x1x16xf32>,
      %get3A_496 = vector.shape_cast %get3A_495 : vector<1x1x16xf32> to vector<16xf32>
      %mul3A_497 = arith.mulf %get3A_250, %get3A_496 : vector<16xf32>
      %add3A_498 = arith.addf %add3A_489, %mul3A_497 : vector<16xf32>
      %get3A_499 = arith.constant 0 : i32
      %get3A_500 = arith.constant 4 : i32
      %get3A_501 = arith.index_cast %get3A_499 : i32 to index
      %get3A_502 = arith.index_cast %get3A_500 : i32 to index
      %get3A_503 = arith.index_cast %mul3A_457 : i32 to index
      %get3A_504 = tpu.vector_load %arg8[%get3A_501, %get3A_502, %get3A_503] {strides = array<i32>} : memref<2x8x4096xf32, #tpu.memory_space<vmem>>, vector<1x1x16xf32>,
      %get3A_505 = vector.shape_cast %get3A_504 : vector<1x1x16xf32> to vector<16xf32>
      %mul3A_506 = arith.mulf %get3A_255, %get3A_505 : vector<16xf32>
      %add3A_507 = arith.addf %add3A_498, %mul3A_506 : vector<16xf32>
      %get3A_508 = arith.constant 0 : i32
      %get3A_509 = arith.constant 5 : i32
      %get3A_510 = arith.index_cast %get3A_508 : i32 to index
      %get3A_511 = arith.index_cast %get3A_509 : i32 to index
      %get3A_512 = arith.index_cast %mul3A_457 : i32 to index
      %get3A_513 = tpu.vector_load %arg8[%get3A_510, %get3A_511, %get3A_512] {strides = array<i32>} : memref<2x8x4096xf32, #tpu.memory_space<vmem>>, vector<1x1x16xf32>,
      %get3A_514 = vector.shape_cast %get3A_513 : vector<1x1x16xf32> to vector<16xf32>
      %mul3A_515 = arith.mulf %get3A_260, %get3A_514 : vector<16xf32>
      %add3A_516 = arith.addf %add3A_507, %mul3A_515 : vector<16xf32>
      %get3A_517 = arith.constant 0 : i32
      %get3A_518 = arith.constant 6 : i32
      %get3A_519 = arith.index_cast %get3A_517 : i32 to index
      %get3A_520 = arith.index_cast %get3A_518 : i32 to index
      %get3A_521 = arith.index_cast %mul3A_457 : i32 to index
      %get3A_522 = tpu.vector_load %arg8[%get3A_519, %get3A_520, %get3A_521] {strides = array<i32>} : memref<2x8x4096xf32, #tpu.memory_space<vmem>>, vector<1x1x16xf32>,
      %get3A_523 = vector.shape_cast %get3A_522 : vector<1x1x16xf32> to vector<16xf32>
      %mul3A_524 = arith.mulf %get3A_265, %get3A_523 : vector<16xf32>
      %add3A_525 = arith.addf %add3A_516, %mul3A_524 : vector<16xf32>
      %get3A_526 = arith.constant 0 : i32
      %get3A_527 = arith.constant 7 : i32
      %get3A_528 = arith.index_cast %get3A_526 : i32 to index
      %get3A_529 = arith.index_cast %get3A_527 : i32 to index
      %get3A_530 = arith.index_cast %mul3A_457 : i32 to index
      %get3A_531 = tpu.vector_load %arg8[%get3A_528, %get3A_529, %get3A_530] {strides = array<i32>} : memref<2x8x4096xf32, #tpu.memory_space<vmem>>, vector<1x1x16xf32>,
      %get3A_532 = vector.shape_cast %get3A_531 : vector<1x1x16xf32> to vector<16xf32>
      %mul3A_533 = arith.mulf %get3A_270, %get3A_532 : vector<16xf32>
      %add3A_534 = arith.addf %add3A_525, %mul3A_533 : vector<16xf32>
      %swap3A_535 = arith.constant 0 : i32
      %swap3A_536 = arith.index_cast %swap3A_535 : i32 to index
      %swap3A_537 = arith.index_cast %mul3A_457 : i32 to index
      %swap3A_538 = tpu.vector_load %arg9[%swap3A_536, %swap3A_537] {strides = array<i32>} : memref<1x4096xf32, #tpu.memory_space<vmem>>, vector<1x16xf32>,
      %swap3A_539 = vector.shape_cast %swap3A_538 : vector<1x16xf32> to vector<16xf32>
      %swap3A_540 = vector.shape_cast %add3A_534 : vector<16xf32> to vector<1x16xf32>
      tpu.vector_store %arg9[%swap3A_536, %swap3A_537], %swap3A_540 {strides = array<i32>} : memref<1x4096xf32, #tpu.memory_space<vmem>>, vector<1x16xf32>,
      %scan3A_541 = arith.constant 0 : i32
      %scan3A_542 = arith.constant 2 : i32
      %scan3A_543 = arith.addi %scan3A_367, %scan3A_542 : i32
      %mul3A_544 = arith.constant 16 : i32
      %mul3A_545 = arith.muli %scan3A_543, %mul3A_544 : i32
      %get3A_546 = arith.constant 0 : i32
      %get3A_547 = arith.index_cast %get3A_546 : i32 to index
      %get3A_548 = arith.index_cast %mul3A_545 : i32 to index
      %get3A_549 = tpu.vector_load %arg9[%get3A_547, %get3A_548] {strides = array<i32>} : memref<1x4096xf32, #tpu.memory_space<vmem>>, vector<1x16xf32>,
      %get3A_550 = vector.shape_cast %get3A_549 : vector<1x16xf32> to vector<16xf32>
      %get3A_551 = arith.constant 0 : i32
      %get3A_552 = arith.constant 0 : i32
      %get3A_553 = arith.index_cast %get3A_551 : i32 to index
      %get3A_554 = arith.index_cast %get3A_552 : i32 to index
      %get3A_555 = arith.index_cast %mul3A_545 : i32 to index
      %get3A_556 = tpu.vector_load %arg8[%get3A_553, %get3A_554, %get3A_555] {strides = array<i32>} : memref<2x8x4096xf32, #tpu.memory_space<vmem>>, vector<1x1x16xf32>,
      %get3A_557 = vector.shape_cast %get3A_556 : vector<1x1x16xf32> to vector<16xf32>
      %mul3A_558 = arith.mulf %get3A_235, %get3A_557 : vector<16xf32>
      %add3A_559 = arith.addf %get3A_550, %mul3A_558 : vector<16xf32>
      %get3A_560 = arith.constant 0 : i32
      %get3A_561 = arith.constant 1 : i32
      %get3A_562 = arith.index_cast %get3A_560 : i32 to index
      %get3A_563 = arith.index_cast %get3A_561 : i32 to index
      %get3A_564 = arith.index_cast %mul3A_545 : i32 to index
      %get3A_565 = tpu.vector_load %arg8[%get3A_562, %get3A_563, %get3A_564] {strides = array<i32>} : memref<2x8x4096xf32, #tpu.memory_space<vmem>>, vector<1x1x16xf32>,
      %get3A_566 = vector.shape_cast %get3A_565 : vector<1x1x16xf32> to vector<16xf32>
      %mul3A_567 = arith.mulf %get3A_240, %get3A_566 : vector<16xf32>
      %add3A_568 = arith.addf %add3A_559, %mul3A_567 : vector<16xf32>
      %get3A_569 = arith.constant 0 : i32
      %get3A_570 = arith.constant 2 : i32
      %get3A_571 = arith.index_cast %get3A_569 : i32 to index
      %get3A_572 = arith.index_cast %get3A_570 : i32 to index
      %get3A_573 = arith.index_cast %mul3A_545 : i32 to index
      %get3A_574 = tpu.vector_load %arg8[%get3A_571, %get3A_572, %get3A_573] {strides = array<i32>} : memref<2x8x4096xf32, #tpu.memory_space<vmem>>, vector<1x1x16xf32>,
      %get3A_575 = vector.shape_cast %get3A_574 : vector<1x1x16xf32> to vector<16xf32>
      %mul3A_576 = arith.mulf %get3A_245, %get3A_575 : vector<16xf32>
      %add3A_577 = arith.addf %add3A_568, %mul3A_576 : vector<16xf32>
      %get3A_578 = arith.constant 0 : i32
      %get3A_579 = arith.constant 3 : i32
      %get3A_580 = arith.index_cast %get3A_578 : i32 to index
      %get3A_581 = arith.index_cast %get3A_579 : i32 to index
      %get3A_582 = arith.index_cast %mul3A_545 : i32 to index
      %get3A_583 = tpu.vector_load %arg8[%get3A_580, %get3A_581, %get3A_582] {strides = array<i32>} : memref<2x8x4096xf32, #tpu.memory_space<vmem>>, vector<1x1x16xf32>,
      %get3A_584 = vector.shape_cast %get3A_583 : vector<1x1x16xf32> to vector<16xf32>
      %mul3A_585 = arith.mulf %get3A_250, %get3A_584 : vector<16xf32>
      %add3A_586 = arith.addf %add3A_577, %mul3A_585 : vector<16xf32>
      %get3A_587 = arith.constant 0 : i32
      %get3A_588 = arith.constant 4 : i32
      %get3A_589 = arith.index_cast %get3A_587 : i32 to index
      %get3A_590 = arith.index_cast %get3A_588 : i32 to index
      %get3A_591 = arith.index_cast %mul3A_545 : i32 to index
      %get3A_592 = tpu.vector_load %arg8[%get3A_589, %get3A_590, %get3A_591] {strides = array<i32>} : memref<2x8x4096xf32, #tpu.memory_space<vmem>>, vector<1x1x16xf32>,
      %get3A_593 = vector.shape_cast %get3A_592 : vector<1x1x16xf32> to vector<16xf32>
      %mul3A_594 = arith.mulf %get3A_255, %get3A_593 : vector<16xf32>
      %add3A_595 = arith.addf %add3A_586, %mul3A_594 : vector<16xf32>
      %get3A_596 = arith.constant 0 : i32
      %get3A_597 = arith.constant 5 : i32
      %get3A_598 = arith.index_cast %get3A_596 : i32 to index
      %get3A_599 = arith.index_cast %get3A_597 : i32 to index
      %get3A_600 = arith.index_cast %mul3A_545 : i32 to index
      %get3A_601 = tpu.vector_load %arg8[%get3A_598, %get3A_599, %get3A_600] {strides = array<i32>} : memref<2x8x4096xf32, #tpu.memory_space<vmem>>, vector<1x1x16xf32>,
      %get3A_602 = vector.shape_cast %get3A_601 : vector<1x1x16xf32> to vector<16xf32>
      %mul3A_603 = arith.mulf %get3A_260, %get3A_602 : vector<16xf32>
      %add3A_604 = arith.addf %add3A_595, %mul3A_603 : vector<16xf32>
      %get3A_605 = arith.constant 0 : i32
      %get3A_606 = arith.constant 6 : i32
      %get3A_607 = arith.index_cast %get3A_605 : i32 to index
      %get3A_608 = arith.index_cast %get3A_606 : i32 to index
      %get3A_609 = arith.index_cast %mul3A_545 : i32 to index
      %get3A_610 = tpu.vector_load %arg8[%get3A_607, %get3A_608, %get3A_609] {strides = array<i32>} : memref<2x8x4096xf32, #tpu.memory_space<vmem>>, vector<1x1x16xf32>,
      %get3A_611 = vector.shape_cast %get3A_610 : vector<1x1x16xf32> to vector<16xf32>
      %mul3A_612 = arith.mulf %get3A_265, %get3A_611 : vector<16xf32>
      %add3A_613 = arith.addf %add3A_604, %mul3A_612 : vector<16xf32>
      %get3A_614 = arith.constant 0 : i32
      %get3A_615 = arith.constant 7 : i32
      %get3A_616 = arith.index_cast %get3A_614 : i32 to index
      %get3A_617 = arith.index_cast %get3A_615 : i32 to index
      %get3A_618 = arith.index_cast %mul3A_545 : i32 to index
      %get3A_619 = tpu.vector_load %arg8[%get3A_616, %get3A_617, %get3A_618] {strides = array<i32>} : memref<2x8x4096xf32, #tpu.memory_space<vmem>>, vector<1x1x16xf32>,
      %get3A_620 = vector.shape_cast %get3A_619 : vector<1x1x16xf32> to vector<16xf32>
      %mul3A_621 = arith.mulf %get3A_270, %get3A_620 : vector<16xf32>
      %add3A_622 = arith.addf %add3A_613, %mul3A_621 : vector<16xf32>
      %swap3A_623 = arith.constant 0 : i32
      %swap3A_624 = arith.index_cast %swap3A_623 : i32 to index
      %swap3A_625 = arith.index_cast %mul3A_545 : i32 to index
      %swap3A_626 = tpu.vector_load %arg9[%swap3A_624, %swap3A_625] {strides = array<i32>} : memref<1x4096xf32, #tpu.memory_space<vmem>>, vector<1x16xf32>,
      %swap3A_627 = vector.shape_cast %swap3A_626 : vector<1x16xf32> to vector<16xf32>
      %swap3A_628 = vector.shape_cast %add3A_622 : vector<16xf32> to vector<1x16xf32>
      tpu.vector_store %arg9[%swap3A_624, %swap3A_625], %swap3A_628 {strides = array<i32>} : memref<1x4096xf32, #tpu.memory_space<vmem>>, vector<1x16xf32>,
      %scan3A_629 = arith.constant 0 : i32
      %scan3A_630 = arith.constant 3 : i32
      %scan3A_631 = arith.addi %scan3A_367, %scan3A_630 : i32
      %mul3A_632 = arith.constant 16 : i32
      %mul3A_633 = arith.muli %scan3A_631, %mul3A_632 : i32
      %get3A_634 = arith.constant 0 : i32
      %get3A_635 = arith.index_cast %get3A_634 : i32 to index
      %get3A_636 = arith.index_cast %mul3A_633 : i32 to index
      %get3A_637 = tpu.vector_load %arg9[%get3A_635, %get3A_636] {strides = array<i32>} : memref<1x4096xf32, #tpu.memory_space<vmem>>, vector<1x16xf32>,
      %get3A_638 = vector.shape_cast %get3A_637 : vector<1x16xf32> to vector<16xf32>
      %get3A_639 = arith.constant 0 : i32
      %get3A_640 = arith.constant 0 : i32
      %get3A_641 = arith.index_cast %get3A_639 : i32 to index
      %get3A_642 = arith.index_cast %get3A_640 : i32 to index
      %get3A_643 = arith.index_cast %mul3A_633 : i32 to index
      %get3A_644 = tpu.vector_load %arg8[%get3A_641, %get3A_642, %get3A_643] {strides = array<i32>} : memref<2x8x4096xf32, #tpu.memory_space<vmem>>, vector<1x1x16xf32>,
      %get3A_645 = vector.shape_cast %get3A_644 : vector<1x1x16xf32> to vector<16xf32>
      %mul3A_646 = arith.mulf %get3A_235, %get3A_645 : vector<16xf32>
      %add3A_647 = arith.addf %get3A_638, %mul3A_646 : vector<16xf32>
      %get3A_648 = arith.constant 0 : i32
      %get3A_649 = arith.constant 1 : i32
      %get3A_650 = arith.index_cast %get3A_648 : i32 to index
      %get3A_651 = arith.index_cast %get3A_649 : i32 to index
      %get3A_652 = arith.index_cast %mul3A_633 : i32 to index
      %get3A_653 = tpu.vector_load %arg8[%get3A_650, %get3A_651, %get3A_652] {strides = array<i32>} : memref<2x8x4096xf32, #tpu.memory_space<vmem>>, vector<1x1x16xf32>,
      %get3A_654 = vector.shape_cast %get3A_653 : vector<1x1x16xf32> to vector<16xf32>
      %mul3A_655 = arith.mulf %get3A_240, %get3A_654 : vector<16xf32>
      %add3A_656 = arith.addf %add3A_647, %mul3A_655 : vector<16xf32>
      %get3A_657 = arith.constant 0 : i32
      %get3A_658 = arith.constant 2 : i32
      %get3A_659 = arith.index_cast %get3A_657 : i32 to index
      %get3A_660 = arith.index_cast %get3A_658 : i32 to index
      %get3A_661 = arith.index_cast %mul3A_633 : i32 to index
      %get3A_662 = tpu.vector_load %arg8[%get3A_659, %get3A_660, %get3A_661] {strides = array<i32>} : memref<2x8x4096xf32, #tpu.memory_space<vmem>>, vector<1x1x16xf32>,
      %get3A_663 = vector.shape_cast %get3A_662 : vector<1x1x16xf32> to vector<16xf32>
      %mul3A_664 = arith.mulf %get3A_245, %get3A_663 : vector<16xf32>
      %add3A_665 = arith.addf %add3A_656, %mul3A_664 : vector<16xf32>
      %get3A_666 = arith.constant 0 : i32
      %get3A_667 = arith.constant 3 : i32
      %get3A_668 = arith.index_cast %get3A_666 : i32 to index
      %get3A_669 = arith.index_cast %get3A_667 : i32 to index
      %get3A_670 = arith.index_cast %mul3A_633 : i32 to index
      %get3A_671 = tpu.vector_load %arg8[%get3A_668, %get3A_669, %get3A_670] {strides = array<i32>} : memref<2x8x4096xf32, #tpu.memory_space<vmem>>, vector<1x1x16xf32>,
      %get3A_672 = vector.shape_cast %get3A_671 : vector<1x1x16xf32> to vector<16xf32>
      %mul3A_673 = arith.mulf %get3A_250, %get3A_672 : vector<16xf32>
      %add3A_674 = arith.addf %add3A_665, %mul3A_673 : vector<16xf32>
      %get3A_675 = arith.constant 0 : i32
      %get3A_676 = arith.constant 4 : i32
      %get3A_677 = arith.index_cast %get3A_675 : i32 to index
      %get3A_678 = arith.index_cast %get3A_676 : i32 to index
      %get3A_679 = arith.index_cast %mul3A_633 : i32 to index
      %get3A_680 = tpu.vector_load %arg8[%get3A_677, %get3A_678, %get3A_679] {strides = array<i32>} : memref<2x8x4096xf32, #tpu.memory_space<vmem>>, vector<1x1x16xf32>,
      %get3A_681 = vector.shape_cast %get3A_680 : vector<1x1x16xf32> to vector<16xf32>
      %mul3A_682 = arith.mulf %get3A_255, %get3A_681 : vector<16xf32>
      %add3A_683 = arith.addf %add3A_674, %mul3A_682 : vector<16xf32>
      %get3A_684 = arith.constant 0 : i32
      %get3A_685 = arith.constant 5 : i32
      %get3A_686 = arith.index_cast %get3A_684 : i32 to index
      %get3A_687 = arith.index_cast %get3A_685 : i32 to index
      %get3A_688 = arith.index_cast %mul3A_633 : i32 to index
      %get3A_689 = tpu.vector_load %arg8[%get3A_686, %get3A_687, %get3A_688] {strides = array<i32>} : memref<2x8x4096xf32, #tpu.memory_space<vmem>>, vector<1x1x16xf32>,
      %get3A_690 = vector.shape_cast %get3A_689 : vector<1x1x16xf32> to vector<16xf32>
      %mul3A_691 = arith.mulf %get3A_260, %get3A_690 : vector<16xf32>
      %add3A_692 = arith.addf %add3A_683, %mul3A_691 : vector<16xf32>
      %get3A_693 = arith.constant 0 : i32
      %get3A_694 = arith.constant 6 : i32
      %get3A_695 = arith.index_cast %get3A_693 : i32 to index
      %get3A_696 = arith.index_cast %get3A_694 : i32 to index
      %get3A_697 = arith.index_cast %mul3A_633 : i32 to index
      %get3A_698 = tpu.vector_load %arg8[%get3A_695, %get3A_696, %get3A_697] {strides = array<i32>} : memref<2x8x4096xf32, #tpu.memory_space<vmem>>, vector<1x1x16xf32>,
      %get3A_699 = vector.shape_cast %get3A_698 : vector<1x1x16xf32> to vector<16xf32>
      %mul3A_700 = arith.mulf %get3A_265, %get3A_699 : vector<16xf32>
      %add3A_701 = arith.addf %add3A_692, %mul3A_700 : vector<16xf32>
      %get3A_702 = arith.constant 0 : i32
      %get3A_703 = arith.constant 7 : i32
      %get3A_704 = arith.index_cast %get3A_702 : i32 to index
      %get3A_705 = arith.index_cast %get3A_703 : i32 to index
      %get3A_706 = arith.index_cast %mul3A_633 : i32 to index
      %get3A_707 = tpu.vector_load %arg8[%get3A_704, %get3A_705, %get3A_706] {strides = array<i32>} : memref<2x8x4096xf32, #tpu.memory_space<vmem>>, vector<1x1x16xf32>,
      %get3A_708 = vector.shape_cast %get3A_707 : vector<1x1x16xf32> to vector<16xf32>
      %mul3A_709 = arith.mulf %get3A_270, %get3A_708 : vector<16xf32>
      %add3A_710 = arith.addf %add3A_701, %mul3A_709 : vector<16xf32>
      %swap3A_711 = arith.constant 0 : i32
      %swap3A_712 = arith.index_cast %swap3A_711 : i32 to index
      %swap3A_713 = arith.index_cast %mul3A_633 : i32 to index
      %swap3A_714 = tpu.vector_load %arg9[%swap3A_712, %swap3A_713] {strides = array<i32>} : memref<1x4096xf32, #tpu.memory_space<vmem>>, vector<1x16xf32>,
      %swap3A_715 = vector.shape_cast %swap3A_714 : vector<1x16xf32> to vector<16xf32>
      %swap3A_716 = vector.shape_cast %add3A_710 : vector<16xf32> to vector<1x16xf32>
      tpu.vector_store %arg9[%swap3A_712, %swap3A_713], %swap3A_716 {strides = array<i32>} : memref<1x4096xf32, #tpu.memory_space<vmem>>, vector<1x16xf32>,
      %scan3A_717 = arith.constant 0 : i32
      %scan3A_718 = arith.constant 4 : i32
      %scan3A_719 = arith.addi %scan3A_367, %scan3A_718 : i32
      %mul3A_720 = arith.constant 16 : i32
      %mul3A_721 = arith.muli %scan3A_719, %mul3A_720 : i32
      %get3A_722 = arith.constant 0 : i32
      %get3A_723 = arith.index_cast %get3A_722 : i32 to index
      %get3A_724 = arith.index_cast %mul3A_721 : i32 to index
      %get3A_725 = tpu.vector_load %arg9[%get3A_723, %get3A_724] {strides = array<i32>} : memref<1x4096xf32, #tpu.memory_space<vmem>>, vector<1x16xf32>,
      %get3A_726 = vector.shape_cast %get3A_725 : vector<1x16xf32> to vector<16xf32>
      %get3A_727 = arith.constant 0 : i32
      %get3A_728 = arith.constant 0 : i32
      %get3A_729 = arith.index_cast %get3A_727 : i32 to index
      %get3A_730 = arith.index_cast %get3A_728 : i32 to index
      %get3A_731 = arith.index_cast %mul3A_721 : i32 to index
      %get3A_732 = tpu.vector_load %arg8[%get3A_729, %get3A_730, %get3A_731] {strides = array<i32>} : memref<2x8x4096xf32, #tpu.memory_space<vmem>>, vector<1x1x16xf32>,
      %get3A_733 = vector.shape_cast %get3A_732 : vector<1x1x16xf32> to vector<16xf32>
      %mul3A_734 = arith.mulf %get3A_235, %get3A_733 : vector<16xf32>
      %add3A_735 = arith.addf %get3A_726, %mul3A_734 : vector<16xf32>
      %get3A_736 = arith.constant 0 : i32
      %get3A_737 = arith.constant 1 : i32
      %get3A_738 = arith.index_cast %get3A_736 : i32 to index
      %get3A_739 = arith.index_cast %get3A_737 : i32 to index
      %get3A_740 = arith.index_cast %mul3A_721 : i32 to index
      %get3A_741 = tpu.vector_load %arg8[%get3A_738, %get3A_739, %get3A_740] {strides = array<i32>} : memref<2x8x4096xf32, #tpu.memory_space<vmem>>, vector<1x1x16xf32>,
      %get3A_742 = vector.shape_cast %get3A_741 : vector<1x1x16xf32> to vector<16xf32>
      %mul3A_743 = arith.mulf %get3A_240, %get3A_742 : vector<16xf32>
      %add3A_744 = arith.addf %add3A_735, %mul3A_743 : vector<16xf32>
      %get3A_745 = arith.constant 0 : i32
      %get3A_746 = arith.constant 2 : i32
      %get3A_747 = arith.index_cast %get3A_745 : i32 to index
      %get3A_748 = arith.index_cast %get3A_746 : i32 to index
      %get3A_749 = arith.index_cast %mul3A_721 : i32 to index
      %get3A_750 = tpu.vector_load %arg8[%get3A_747, %get3A_748, %get3A_749] {strides = array<i32>} : memref<2x8x4096xf32, #tpu.memory_space<vmem>>, vector<1x1x16xf32>,
      %get3A_751 = vector.shape_cast %get3A_750 : vector<1x1x16xf32> to vector<16xf32>
      %mul3A_752 = arith.mulf %get3A_245, %get3A_751 : vector<16xf32>
      %add3A_753 = arith.addf %add3A_744, %mul3A_752 : vector<16xf32>
      %get3A_754 = arith.constant 0 : i32
      %get3A_755 = arith.constant 3 : i32
      %get3A_756 = arith.index_cast %get3A_754 : i32 to index
      %get3A_757 = arith.index_cast %get3A_755 : i32 to index
      %get3A_758 = arith.index_cast %mul3A_721 : i32 to index
      %get3A_759 = tpu.vector_load %arg8[%get3A_756, %get3A_757, %get3A_758] {strides = array<i32>} : memref<2x8x4096xf32, #tpu.memory_space<vmem>>, vector<1x1x16xf32>,
      %get3A_760 = vector.shape_cast %get3A_759 : vector<1x1x16xf32> to vector<16xf32>
      %mul3A_761 = arith.mulf %get3A_250, %get3A_760 : vector<16xf32>
      %add3A_762 = arith.addf %add3A_753, %mul3A_761 : vector<16xf32>
      %get3A_763 = arith.constant 0 : i32
      %get3A_764 = arith.constant 4 : i32
      %get3A_765 = arith.index_cast %get3A_763 : i32 to index
      %get3A_766 = arith.index_cast %get3A_764 : i32 to index
      %get3A_767 = arith.index_cast %mul3A_721 : i32 to index
      %get3A_768 = tpu.vector_load %arg8[%get3A_765, %get3A_766, %get3A_767] {strides = array<i32>} : memref<2x8x4096xf32, #tpu.memory_space<vmem>>, vector<1x1x16xf32>,
      %get3A_769 = vector.shape_cast %get3A_768 : vector<1x1x16xf32> to vector<16xf32>
      %mul3A_770 = arith.mulf %get3A_255, %get3A_769 : vector<16xf32>
      %add3A_771 = arith.addf %add3A_762, %mul3A_770 : vector<16xf32>
      %get3A_772 = arith.constant 0 : i32
      %get3A_773 = arith.constant 5 : i32
      %get3A_774 = arith.index_cast %get3A_772 : i32 to index
      %get3A_775 = arith.index_cast %get3A_773 : i32 to index
      %get3A_776 = arith.index_cast %mul3A_721 : i32 to index
      %get3A_777 = tpu.vector_load %arg8[%get3A_774, %get3A_775, %get3A_776] {strides = array<i32>} : memref<2x8x4096xf32, #tpu.memory_space<vmem>>, vector<1x1x16xf32>,
      %get3A_778 = vector.shape_cast %get3A_777 : vector<1x1x16xf32> to vector<16xf32>
      %mul3A_779 = arith.mulf %get3A_260, %get3A_778 : vector<16xf32>
      %add3A_780 = arith.addf %add3A_771, %mul3A_779 : vector<16xf32>
      %get3A_781 = arith.constant 0 : i32
      %get3A_782 = arith.constant 6 : i32
      %get3A_783 = arith.index_cast %get3A_781 : i32 to index
      %get3A_784 = arith.index_cast %get3A_782 : i32 to index
      %get3A_785 = arith.index_cast %mul3A_721 : i32 to index
      %get3A_786 = tpu.vector_load %arg8[%get3A_783, %get3A_784, %get3A_785] {strides = array<i32>} : memref<2x8x4096xf32, #tpu.memory_space<vmem>>, vector<1x1x16xf32>,
      %get3A_787 = vector.shape_cast %get3A_786 : vector<1x1x16xf32> to vector<16xf32>
      %mul3A_788 = arith.mulf %get3A_265, %get3A_787 : vector<16xf32>
      %add3A_789 = arith.addf %add3A_780, %mul3A_788 : vector<16xf32>
      %get3A_790 = arith.constant 0 : i32
      %get3A_791 = arith.constant 7 : i32
      %get3A_792 = arith.index_cast %get3A_790 : i32 to index
      %get3A_793 = arith.index_cast %get3A_791 : i32 to index
      %get3A_794 = arith.index_cast %mul3A_721 : i32 to index
      %get3A_795 = tpu.vector_load %arg8[%get3A_792, %get3A_793, %get3A_794] {strides = array<i32>} : memref<2x8x4096xf32, #tpu.memory_space<vmem>>, vector<1x1x16xf32>,
      %get3A_796 = vector.shape_cast %get3A_795 : vector<1x1x16xf32> to vector<16xf32>
      %mul3A_797 = arith.mulf %get3A_270, %get3A_796 : vector<16xf32>
      %add3A_798 = arith.addf %add3A_789, %mul3A_797 : vector<16xf32>
      %swap3A_799 = arith.constant 0 : i32
      %swap3A_800 = arith.index_cast %swap3A_799 : i32 to index
      %swap3A_801 = arith.index_cast %mul3A_721 : i32 to index
      %swap3A_802 = tpu.vector_load %arg9[%swap3A_800, %swap3A_801] {strides = array<i32>} : memref<1x4096xf32, #tpu.memory_space<vmem>>, vector<1x16xf32>,
      %swap3A_803 = vector.shape_cast %swap3A_802 : vector<1x16xf32> to vector<16xf32>
      %swap3A_804 = vector.shape_cast %add3A_798 : vector<16xf32> to vector<1x16xf32>
      tpu.vector_store %arg9[%swap3A_800, %swap3A_801], %swap3A_804 {strides = array<i32>} : memref<1x4096xf32, #tpu.memory_space<vmem>>, vector<1x16xf32>,
      %scan3A_805 = arith.constant 0 : i32
      %scan3A_806 = arith.constant 5 : i32
      %scan3A_807 = arith.addi %scan3A_367, %scan3A_806 : i32
      %mul3A_808 = arith.constant 16 : i32
      %mul3A_809 = arith.muli %scan3A_807, %mul3A_808 : i32
      %get3A_810 = arith.constant 0 : i32
      %get3A_811 = arith.index_cast %get3A_810 : i32 to index
      %get3A_812 = arith.index_cast %mul3A_809 : i32 to index
      %get3A_813 = tpu.vector_load %arg9[%get3A_811, %get3A_812] {strides = array<i32>} : memref<1x4096xf32, #tpu.memory_space<vmem>>, vector<1x16xf32>,
      %get3A_814 = vector.shape_cast %get3A_813 : vector<1x16xf32> to vector<16xf32>
      %get3A_815 = arith.constant 0 : i32
      %get3A_816 = arith.constant 0 : i32
      %get3A_817 = arith.index_cast %get3A_815 : i32 to index
      %get3A_818 = arith.index_cast %get3A_816 : i32 to index
      %get3A_819 = arith.index_cast %mul3A_809 : i32 to index
      %get3A_820 = tpu.vector_load %arg8[%get3A_817, %get3A_818, %get3A_819] {strides = array<i32>} : memref<2x8x4096xf32, #tpu.memory_space<vmem>>, vector<1x1x16xf32>,
      %get3A_821 = vector.shape_cast %get3A_820 : vector<1x1x16xf32> to vector<16xf32>
      %mul3A_822 = arith.mulf %get3A_235, %get3A_821 : vector<16xf32>
      %add3A_823 = arith.addf %get3A_814, %mul3A_822 : vector<16xf32>
      %get3A_824 = arith.constant 0 : i32
      %get3A_825 = arith.constant 1 : i32
      %get3A_826 = arith.index_cast %get3A_824 : i32 to index
      %get3A_827 = arith.index_cast %get3A_825 : i32 to index
      %get3A_828 = arith.index_cast %mul3A_809 : i32 to index
      %get3A_829 = tpu.vector_load %arg8[%get3A_826, %get3A_827, %get3A_828] {strides = array<i32>} : memref<2x8x4096xf32, #tpu.memory_space<vmem>>, vector<1x1x16xf32>,
      %get3A_830 = vector.shape_cast %get3A_829 : vector<1x1x16xf32> to vector<16xf32>
      %mul3A_831 = arith.mulf %get3A_240, %get3A_830 : vector<16xf32>
      %add3A_832 = arith.addf %add3A_823, %mul3A_831 : vector<16xf32>
      %get3A_833 = arith.constant 0 : i32
      %get3A_834 = arith.constant 2 : i32
      %get3A_835 = arith.index_cast %get3A_833 : i32 to index
      %get3A_836 = arith.index_cast %get3A_834 : i32 to index
      %get3A_837 = arith.index_cast %mul3A_809 : i32 to index
      %get3A_838 = tpu.vector_load %arg8[%get3A_835, %get3A_836, %get3A_837] {strides = array<i32>} : memref<2x8x4096xf32, #tpu.memory_space<vmem>>, vector<1x1x16xf32>,
      %get3A_839 = vector.shape_cast %get3A_838 : vector<1x1x16xf32> to vector<16xf32>
      %mul3A_840 = arith.mulf %get3A_245, %get3A_839 : vector<16xf32>
      %add3A_841 = arith.addf %add3A_832, %mul3A_840 : vector<16xf32>
      %get3A_842 = arith.constant 0 : i32
      %get3A_843 = arith.constant 3 : i32
      %get3A_844 = arith.index_cast %get3A_842 : i32 to index
      %get3A_845 = arith.index_cast %get3A_843 : i32 to index
      %get3A_846 = arith.index_cast %mul3A_809 : i32 to index
      %get3A_847 = tpu.vector_load %arg8[%get3A_844, %get3A_845, %get3A_846] {strides = array<i32>} : memref<2x8x4096xf32, #tpu.memory_space<vmem>>, vector<1x1x16xf32>,
      %get3A_848 = vector.shape_cast %get3A_847 : vector<1x1x16xf32> to vector<16xf32>
      %mul3A_849 = arith.mulf %get3A_250, %get3A_848 : vector<16xf32>
      %add3A_850 = arith.addf %add3A_841, %mul3A_849 : vector<16xf32>
      %get3A_851 = arith.constant 0 : i32
      %get3A_852 = arith.constant 4 : i32
      %get3A_853 = arith.index_cast %get3A_851 : i32 to index
      %get3A_854 = arith.index_cast %get3A_852 : i32 to index
      %get3A_855 = arith.index_cast %mul3A_809 : i32 to index
      %get3A_856 = tpu.vector_load %arg8[%get3A_853, %get3A_854, %get3A_855] {strides = array<i32>} : memref<2x8x4096xf32, #tpu.memory_space<vmem>>, vector<1x1x16xf32>,
      %get3A_857 = vector.shape_cast %get3A_856 : vector<1x1x16xf32> to vector<16xf32>
      %mul3A_858 = arith.mulf %get3A_255, %get3A_857 : vector<16xf32>
      %add3A_859 = arith.addf %add3A_850, %mul3A_858 : vector<16xf32>
      %get3A_860 = arith.constant 0 : i32
      %get3A_861 = arith.constant 5 : i32
      %get3A_862 = arith.index_cast %get3A_860 : i32 to index
      %get3A_863 = arith.index_cast %get3A_861 : i32 to index
      %get3A_864 = arith.index_cast %mul3A_809 : i32 to index
      %get3A_865 = tpu.vector_load %arg8[%get3A_862, %get3A_863, %get3A_864] {strides = array<i32>} : memref<2x8x4096xf32, #tpu.memory_space<vmem>>, vector<1x1x16xf32>,
      %get3A_866 = vector.shape_cast %get3A_865 : vector<1x1x16xf32> to vector<16xf32>
      %mul3A_867 = arith.mulf %get3A_260, %get3A_866 : vector<16xf32>
      %add3A_868 = arith.addf %add3A_859, %mul3A_867 : vector<16xf32>
      %get3A_869 = arith.constant 0 : i32
      %get3A_870 = arith.constant 6 : i32
      %get3A_871 = arith.index_cast %get3A_869 : i32 to index
      %get3A_872 = arith.index_cast %get3A_870 : i32 to index
      %get3A_873 = arith.index_cast %mul3A_809 : i32 to index
      %get3A_874 = tpu.vector_load %arg8[%get3A_871, %get3A_872, %get3A_873] {strides = array<i32>} : memref<2x8x4096xf32, #tpu.memory_space<vmem>>, vector<1x1x16xf32>,
      %get3A_875 = vector.shape_cast %get3A_874 : vector<1x1x16xf32> to vector<16xf32>
      %mul3A_876 = arith.mulf %get3A_265, %get3A_875 : vector<16xf32>
      %add3A_877 = arith.addf %add3A_868, %mul3A_876 : vector<16xf32>
      %get3A_878 = arith.constant 0 : i32
      %get3A_879 = arith.constant 7 : i32
      %get3A_880 = arith.index_cast %get3A_878 : i32 to index
      %get3A_881 = arith.index_cast %get3A_879 : i32 to index
      %get3A_882 = arith.index_cast %mul3A_809 : i32 to index
      %get3A_883 = tpu.vector_load %arg8[%get3A_880, %get3A_881, %get3A_882] {strides = array<i32>} : memref<2x8x4096xf32, #tpu.memory_space<vmem>>, vector<1x1x16xf32>,
      %get3A_884 = vector.shape_cast %get3A_883 : vector<1x1x16xf32> to vector<16xf32>
      %mul3A_885 = arith.mulf %get3A_270, %get3A_884 : vector<16xf32>
      %add3A_886 = arith.addf %add3A_877, %mul3A_885 : vector<16xf32>
      %swap3A_887 = arith.constant 0 : i32
      %swap3A_888 = arith.index_cast %swap3A_887 : i32 to index
      %swap3A_889 = arith.index_cast %mul3A_809 : i32 to index
      %swap3A_890 = tpu.vector_load %arg9[%swap3A_888, %swap3A_889] {strides = array<i32>} : memref<1x4096xf32, #tpu.memory_space<vmem>>, vector<1x16xf32>,
      %swap3A_891 = vector.shape_cast %swap3A_890 : vector<1x16xf32> to vector<16xf32>
      %swap3A_892 = vector.shape_cast %add3A_886 : vector<16xf32> to vector<1x16xf32>
      tpu.vector_store %arg9[%swap3A_888, %swap3A_889], %swap3A_892 {strides = array<i32>} : memref<1x4096xf32, #tpu.memory_space<vmem>>, vector<1x16xf32>,
      %scan3A_893 = arith.constant 0 : i32
      %scan3A_894 = arith.constant 6 : i32
      %scan3A_895 = arith.addi %scan3A_367, %scan3A_894 : i32
      %mul3A_896 = arith.constant 16 : i32
      %mul3A_897 = arith.muli %scan3A_895, %mul3A_896 : i32
      %get3A_898 = arith.constant 0 : i32
      %get3A_899 = arith.index_cast %get3A_898 : i32 to index
      %get3A_900 = arith.index_cast %mul3A_897 : i32 to index
      %get3A_901 = tpu.vector_load %arg9[%get3A_899, %get3A_900] {strides = array<i32>} : memref<1x4096xf32, #tpu.memory_space<vmem>>, vector<1x16xf32>,
      %get3A_902 = vector.shape_cast %get3A_901 : vector<1x16xf32> to vector<16xf32>
      %get3A_903 = arith.constant 0 : i32
      %get3A_904 = arith.constant 0 : i32
      %get3A_905 = arith.index_cast %get3A_903 : i32 to index
      %get3A_906 = arith.index_cast %get3A_904 : i32 to index
      %get3A_907 = arith.index_cast %mul3A_897 : i32 to index
      %get3A_908 = tpu.vector_load %arg8[%get3A_905, %get3A_906, %get3A_907] {strides = array<i32>} : memref<2x8x4096xf32, #tpu.memory_space<vmem>>, vector<1x1x16xf32>,
      %get3A_909 = vector.shape_cast %get3A_908 : vector<1x1x16xf32> to vector<16xf32>
      %mul3A_910 = arith.mulf %get3A_235, %get3A_909 : vector<16xf32>
      %add3A_911 = arith.addf %get3A_902, %mul3A_910 : vector<16xf32>
      %get3A_912 = arith.constant 0 : i32
      %get3A_913 = arith.constant 1 : i32
      %get3A_914 = arith.index_cast %get3A_912 : i32 to index
      %get3A_915 = arith.index_cast %get3A_913 : i32 to index
      %get3A_916 = arith.index_cast %mul3A_897 : i32 to index
      %get3A_917 = tpu.vector_load %arg8[%get3A_914, %get3A_915, %get3A_916] {strides = array<i32>} : memref<2x8x4096xf32, #tpu.memory_space<vmem>>, vector<1x1x16xf32>,
      %get3A_918 = vector.shape_cast %get3A_917 : vector<1x1x16xf32> to vector<16xf32>
      %mul3A_919 = arith.mulf %get3A_240, %get3A_918 : vector<16xf32>
      %add3A_920 = arith.addf %add3A_911, %mul3A_919 : vector<16xf32>
      %get3A_921 = arith.constant 0 : i32
      %get3A_922 = arith.constant 2 : i32
      %get3A_923 = arith.index_cast %get3A_921 : i32 to index
      %get3A_924 = arith.index_cast %get3A_922 : i32 to index
      %get3A_925 = arith.index_cast %mul3A_897 : i32 to index
      %get3A_926 = tpu.vector_load %arg8[%get3A_923, %get3A_924, %get3A_925] {strides = array<i32>} : memref<2x8x4096xf32, #tpu.memory_space<vmem>>, vector<1x1x16xf32>,
      %get3A_927 = vector.shape_cast %get3A_926 : vector<1x1x16xf32> to vector<16xf32>
      %mul3A_928 = arith.mulf %get3A_245, %get3A_927 : vector<16xf32>
      %add3A_929 = arith.addf %add3A_920, %mul3A_928 : vector<16xf32>
      %get3A_930 = arith.constant 0 : i32
      %get3A_931 = arith.constant 3 : i32
      %get3A_932 = arith.index_cast %get3A_930 : i32 to index
      %get3A_933 = arith.index_cast %get3A_931 : i32 to index
      %get3A_934 = arith.index_cast %mul3A_897 : i32 to index
      %get3A_935 = tpu.vector_load %arg8[%get3A_932, %get3A_933, %get3A_934] {strides = array<i32>} : memref<2x8x4096xf32, #tpu.memory_space<vmem>>, vector<1x1x16xf32>,
      %get3A_936 = vector.shape_cast %get3A_935 : vector<1x1x16xf32> to vector<16xf32>
      %mul3A_937 = arith.mulf %get3A_250, %get3A_936 : vector<16xf32>
      %add3A_938 = arith.addf %add3A_929, %mul3A_937 : vector<16xf32>
      %get3A_939 = arith.constant 0 : i32
      %get3A_940 = arith.constant 4 : i32
      %get3A_941 = arith.index_cast %get3A_939 : i32 to index
      %get3A_942 = arith.index_cast %get3A_940 : i32 to index
      %get3A_943 = arith.index_cast %mul3A_897 : i32 to index
      %get3A_944 = tpu.vector_load %arg8[%get3A_941, %get3A_942, %get3A_943] {strides = array<i32>} : memref<2x8x4096xf32, #tpu.memory_space<vmem>>, vector<1x1x16xf32>,
      %get3A_945 = vector.shape_cast %get3A_944 : vector<1x1x16xf32> to vector<16xf32>
      %mul3A_946 = arith.mulf %get3A_255, %get3A_945 : vector<16xf32>
      %add3A_947 = arith.addf %add3A_938, %mul3A_946 : vector<16xf32>
      %get3A_948 = arith.constant 0 : i32
      %get3A_949 = arith.constant 5 : i32
      %get3A_950 = arith.index_cast %get3A_948 : i32 to index
      %get3A_951 = arith.index_cast %get3A_949 : i32 to index
      %get3A_952 = arith.index_cast %mul3A_897 : i32 to index
      %get3A_953 = tpu.vector_load %arg8[%get3A_950, %get3A_951, %get3A_952] {strides = array<i32>} : memref<2x8x4096xf32, #tpu.memory_space<vmem>>, vector<1x1x16xf32>,
      %get3A_954 = vector.shape_cast %get3A_953 : vector<1x1x16xf32> to vector<16xf32>
      %mul3A_955 = arith.mulf %get3A_260, %get3A_954 : vector<16xf32>
      %add3A_956 = arith.addf %add3A_947, %mul3A_955 : vector<16xf32>
      %get3A_957 = arith.constant 0 : i32
      %get3A_958 = arith.constant 6 : i32
      %get3A_959 = arith.index_cast %get3A_957 : i32 to index
      %get3A_960 = arith.index_cast %get3A_958 : i32 to index
      %get3A_961 = arith.index_cast %mul3A_897 : i32 to index
      %get3A_962 = tpu.vector_load %arg8[%get3A_959, %get3A_960, %get3A_961] {strides = array<i32>} : memref<2x8x4096xf32, #tpu.memory_space<vmem>>, vector<1x1x16xf32>,
      %get3A_963 = vector.shape_cast %get3A_962 : vector<1x1x16xf32> to vector<16xf32>
      %mul3A_964 = arith.mulf %get3A_265, %get3A_963 : vector<16xf32>
      %add3A_965 = arith.addf %add3A_956, %mul3A_964 : vector<16xf32>
      %get3A_966 = arith.constant 0 : i32
      %get3A_967 = arith.constant 7 : i32
      %get3A_968 = arith.index_cast %get3A_966 : i32 to index
      %get3A_969 = arith.index_cast %get3A_967 : i32 to index
      %get3A_970 = arith.index_cast %mul3A_897 : i32 to index
      %get3A_971 = tpu.vector_load %arg8[%get3A_968, %get3A_969, %get3A_970] {strides = array<i32>} : memref<2x8x4096xf32, #tpu.memory_space<vmem>>, vector<1x1x16xf32>,
      %get3A_972 = vector.shape_cast %get3A_971 : vector<1x1x16xf32> to vector<16xf32>
      %mul3A_973 = arith.mulf %get3A_270, %get3A_972 : vector<16xf32>
      %add3A_974 = arith.addf %add3A_965, %mul3A_973 : vector<16xf32>
      %swap3A_975 = arith.constant 0 : i32
      %swap3A_976 = arith.index_cast %swap3A_975 : i32 to index
      %swap3A_977 = arith.index_cast %mul3A_897 : i32 to index
      %swap3A_978 = tpu.vector_load %arg9[%swap3A_976, %swap3A_977] {strides = array<i32>} : memref<1x4096xf32, #tpu.memory_space<vmem>>, vector<1x16xf32>,
      %swap3A_979 = vector.shape_cast %swap3A_978 : vector<1x16xf32> to vector<16xf32>
      %swap3A_980 = vector.shape_cast %add3A_974 : vector<16xf32> to vector<1x16xf32>
      tpu.vector_store %arg9[%swap3A_976, %swap3A_977], %swap3A_980 {strides = array<i32>} : memref<1x4096xf32, #tpu.memory_space<vmem>>, vector<1x16xf32>,
      %scan3A_981 = arith.constant 0 : i32
      %scan3A_982 = arith.constant 7 : i32
      %scan3A_983 = arith.addi %scan3A_367, %scan3A_982 : i32
      %mul3A_984 = arith.constant 16 : i32
      %mul3A_985 = arith.muli %scan3A_983, %mul3A_984 : i32
      %get3A_986 = arith.constant 0 : i32
      %get3A_987 = arith.index_cast %get3A_986 : i32 to index
      %get3A_988 = arith.index_cast %mul3A_985 : i32 to index
      %get3A_989 = tpu.vector_load %arg9[%get3A_987, %get3A_988] {strides = array<i32>} : memref<1x4096xf32, #tpu.memory_space<vmem>>, vector<1x16xf32>,
      %get3A_990 = vector.shape_cast %get3A_989 : vector<1x16xf32> to vector<16xf32>
      %get3A_991 = arith.constant 0 : i32
      %get3A_992 = arith.constant 0 : i32
      %get3A_993 = arith.index_cast %get3A_991 : i32 to index
      %get3A_994 = arith.index_cast %get3A_992 : i32 to index
      %get3A_995 = arith.index_cast %mul3A_985 : i32 to index
      %get3A_996 = tpu.vector_load %arg8[%get3A_993, %get3A_994, %get3A_995] {strides = array<i32>} : memref<2x8x4096xf32, #tpu.memory_space<vmem>>, vector<1x1x16xf32>,
      %get3A_997 = vector.shape_cast %get3A_996 : vector<1x1x16xf32> to vector<16xf32>
      %mul3A_998 = arith.mulf %get3A_235, %get3A_997 : vector<16xf32>
      %add3A_999 = arith.addf %get3A_990, %mul3A_998 : vector<16xf32>
      %get3A_1000 = arith.constant 0 : i32
      %get3A_1001 = arith.constant 1 : i32
      %get3A_1002 = arith.index_cast %get3A_1000 : i32 to index
      %get3A_1003 = arith.index_cast %get3A_1001 : i32 to index
      %get3A_1004 = arith.index_cast %mul3A_985 : i32 to index
      %get3A_1005 = tpu.vector_load %arg8[%get3A_1002, %get3A_1003, %get3A_1004] {strides = array<i32>} : memref<2x8x4096xf32, #tpu.memory_space<vmem>>, vector<1x1x16xf32>,
      %get3A_1006 = vector.shape_cast %get3A_1005 : vector<1x1x16xf32> to vector<16xf32>
      %mul3A_1007 = arith.mulf %get3A_240, %get3A_1006 : vector<16xf32>
      %add3A_1008 = arith.addf %add3A_999, %mul3A_1007 : vector<16xf32>
      %get3A_1009 = arith.constant 0 : i32
      %get3A_1010 = arith.constant 2 : i32
      %get3A_1011 = arith.index_cast %get3A_1009 : i32 to index
      %get3A_1012 = arith.index_cast %get3A_1010 : i32 to index
      %get3A_1013 = arith.index_cast %mul3A_985 : i32 to index
      %get3A_1014 = tpu.vector_load %arg8[%get3A_1011, %get3A_1012, %get3A_1013] {strides = array<i32>} : memref<2x8x4096xf32, #tpu.memory_space<vmem>>, vector<1x1x16xf32>,
      %get3A_1015 = vector.shape_cast %get3A_1014 : vector<1x1x16xf32> to vector<16xf32>
      %mul3A_1016 = arith.mulf %get3A_245, %get3A_1015 : vector<16xf32>
      %add3A_1017 = arith.addf %add3A_1008, %mul3A_1016 : vector<16xf32>
      %get3A_1018 = arith.constant 0 : i32
      %get3A_1019 = arith.constant 3 : i32
      %get3A_1020 = arith.index_cast %get3A_1018 : i32 to index
      %get3A_1021 = arith.index_cast %get3A_1019 : i32 to index
      %get3A_1022 = arith.index_cast %mul3A_985 : i32 to index
      %get3A_1023 = tpu.vector_load %arg8[%get3A_1020, %get3A_1021, %get3A_1022] {strides = array<i32>} : memref<2x8x4096xf32, #tpu.memory_space<vmem>>, vector<1x1x16xf32>,
      %get3A_1024 = vector.shape_cast %get3A_1023 : vector<1x1x16xf32> to vector<16xf32>
      %mul3A_1025 = arith.mulf %get3A_250, %get3A_1024 : vector<16xf32>
      %add3A_1026 = arith.addf %add3A_1017, %mul3A_1025 : vector<16xf32>
      %get3A_1027 = arith.constant 0 : i32
      %get3A_1028 = arith.constant 4 : i32
      %get3A_1029 = arith.index_cast %get3A_1027 : i32 to index
      %get3A_1030 = arith.index_cast %get3A_1028 : i32 to index
      %get3A_1031 = arith.index_cast %mul3A_985 : i32 to index
      %get3A_1032 = tpu.vector_load %arg8[%get3A_1029, %get3A_1030, %get3A_1031] {strides = array<i32>} : memref<2x8x4096xf32, #tpu.memory_space<vmem>>, vector<1x1x16xf32>,
      %get3A_1033 = vector.shape_cast %get3A_1032 : vector<1x1x16xf32> to vector<16xf32>
      %mul3A_1034 = arith.mulf %get3A_255, %get3A_1033 : vector<16xf32>
      %add3A_1035 = arith.addf %add3A_1026, %mul3A_1034 : vector<16xf32>
      %get3A_1036 = arith.constant 0 : i32
      %get3A_1037 = arith.constant 5 : i32
      %get3A_1038 = arith.index_cast %get3A_1036 : i32 to index
      %get3A_1039 = arith.index_cast %get3A_1037 : i32 to index
      %get3A_1040 = arith.index_cast %mul3A_985 : i32 to index
      %get3A_1041 = tpu.vector_load %arg8[%get3A_1038, %get3A_1039, %get3A_1040] {strides = array<i32>} : memref<2x8x4096xf32, #tpu.memory_space<vmem>>, vector<1x1x16xf32>,
      %get3A_1042 = vector.shape_cast %get3A_1041 : vector<1x1x16xf32> to vector<16xf32>
      %mul3A_1043 = arith.mulf %get3A_260, %get3A_1042 : vector<16xf32>
      %add3A_1044 = arith.addf %add3A_1035, %mul3A_1043 : vector<16xf32>
      %get3A_1045 = arith.constant 0 : i32
      %get3A_1046 = arith.constant 6 : i32
      %get3A_1047 = arith.index_cast %get3A_1045 : i32 to index
      %get3A_1048 = arith.index_cast %get3A_1046 : i32 to index
      %get3A_1049 = arith.index_cast %mul3A_985 : i32 to index
      %get3A_1050 = tpu.vector_load %arg8[%get3A_1047, %get3A_1048, %get3A_1049] {strides = array<i32>} : memref<2x8x4096xf32, #tpu.memory_space<vmem>>, vector<1x1x16xf32>,
      %get3A_1051 = vector.shape_cast %get3A_1050 : vector<1x1x16xf32> to vector<16xf32>
      %mul3A_1052 = arith.mulf %get3A_265, %get3A_1051 : vector<16xf32>
      %add3A_1053 = arith.addf %add3A_1044, %mul3A_1052 : vector<16xf32>
      %get3A_1054 = arith.constant 0 : i32
      %get3A_1055 = arith.constant 7 : i32
      %get3A_1056 = arith.index_cast %get3A_1054 : i32 to index
      %get3A_1057 = arith.index_cast %get3A_1055 : i32 to index
      %get3A_1058 = arith.index_cast %mul3A_985 : i32 to index
      %get3A_1059 = tpu.vector_load %arg8[%get3A_1056, %get3A_1057, %get3A_1058] {strides = array<i32>} : memref<2x8x4096xf32, #tpu.memory_space<vmem>>, vector<1x1x16xf32>,
      %get3A_1060 = vector.shape_cast %get3A_1059 : vector<1x1x16xf32> to vector<16xf32>
      %mul3A_1061 = arith.mulf %get3A_270, %get3A_1060 : vector<16xf32>
      %add3A_1062 = arith.addf %add3A_1053, %mul3A_1061 : vector<16xf32>
      %swap3A_1063 = arith.constant 0 : i32
      %swap3A_1064 = arith.index_cast %swap3A_1063 : i32 to index
      %swap3A_1065 = arith.index_cast %mul3A_985 : i32 to index
      %swap3A_1066 = tpu.vector_load %arg9[%swap3A_1064, %swap3A_1065] {strides = array<i32>} : memref<1x4096xf32, #tpu.memory_space<vmem>>, vector<1x16xf32>,
      %swap3A_1067 = vector.shape_cast %swap3A_1066 : vector<1x16xf32> to vector<16xf32>
      %swap3A_1068 = vector.shape_cast %add3A_1062 : vector<16xf32> to vector<1x16xf32>
      tpu.vector_store %arg9[%swap3A_1064, %swap3A_1065], %swap3A_1068 {strides = array<i32>} : memref<1x4096xf32, #tpu.memory_space<vmem>>, vector<1x16xf32>,
      %scan3A_1069 = arith.constant 0 : i32
      scf.yield %scan3A_1069 : i32
    }
    %scan3A_277 = arith.constant 256 : i32
    %dma_wait3A_278 = arith.constant 0 : i32
    %dma_wait3A_279 = arith.constant 1 : i32
    %dma_wait3A_280 = arith.constant 0 : i32
    %dma_wait3A_281 = arith.constant 0 : i32
    %dma_wait3A_282 = tpu.memref_slice %arg8[%dma_wait3A_279, %dma_wait3A_280, %dma_wait3A_281] : memref<2x8x4096xf32, #tpu.memory_space<vmem>> -> memref<1x8x4096xf32, #tpu.memory_space<vmem>>
    %dma_wait3A_283 = tpu.memref_squeeze %dma_wait3A_282 : memref<1x8x4096xf32, #tpu.memory_space<vmem>> -> memref<8x4096xf32, #tpu.memory_space<vmem>>
    %dma_wait3A_284 = arith.constant 24 : i32
    %dma_wait3A_285 = tpu.memref_slice %arg6[%dma_wait3A_278, %dma_wait3A_284] : memref<1x32xi32, #tpu.memory_space<vmem>> -> memref<1x8xi32, #tpu.memory_space<vmem>>
    %dma_wait3A_286 = tpu.memref_squeeze %dma_wait3A_285 : memref<1x8xi32, #tpu.memory_space<vmem>> -> memref<8xi32, #tpu.memory_space<vmem>>
    %dma_wait3A_287 = arith.constant 0 : i32
    %dma_wait3A_288 = arith.constant 0 : i32
    %dma_wait3A_289 = tpu.memref_slice %arg2[%dma_wait3A_287, %dma_wait3A_288] : memref<4096x4096xf32, #tpu.memory_space<hbm>> -> memref<4096x4096xf32, #tpu.memory_space<hbm>>
    tpu.wait_indirect_dma semaphore(%arg10 : memref<!tpu.dma_semaphore, #tpu.memory_space<semaphore_mem>>) src(%dma_wait3A_289 : memref<4096x4096xf32, #tpu.memory_space<hbm>>) dst(%dma_wait3A_283 : memref<8x4096xf32, #tpu.memory_space<vmem>>)
    %get3A_290 = arith.constant 0 : i32
    %get3A_291 = arith.index_cast %get3A_290 : i32 to index
    %get3A_292 = arith.constant 384 : index
    %get3A_293 = tpu.vector_load %arg7[%get3A_291, %get3A_292] {strides = array<i32>} : memref<1x512xf32, #tpu.memory_space<vmem>>, vector<1x16xf32>,
    %get3A_294 = vector.shape_cast %get3A_293 : vector<1x16xf32> to vector<16xf32>
    %get3A_295 = arith.constant 0 : i32
    %get3A_296 = arith.index_cast %get3A_295 : i32 to index
    %get3A_297 = arith.constant 400 : index
    %get3A_298 = tpu.vector_load %arg7[%get3A_296, %get3A_297] {strides = array<i32>} : memref<1x512xf32, #tpu.memory_space<vmem>>, vector<1x16xf32>,
    %get3A_299 = vector.shape_cast %get3A_298 : vector<1x16xf32> to vector<16xf32>
    %get3A_300 = arith.constant 0 : i32
    %get3A_301 = arith.index_cast %get3A_300 : i32 to index
    %get3A_302 = arith.constant 416 : index
    %get3A_303 = tpu.vector_load %arg7[%get3A_301, %get3A_302] {strides = array<i32>} : memref<1x512xf32, #tpu.memory_space<vmem>>, vector<1x16xf32>,
    %get3A_304 = vector.shape_cast %get3A_303 : vector<1x16xf32> to vector<16xf32>
    %get3A_305 = arith.constant 0 : i32
    %get3A_306 = arith.index_cast %get3A_305 : i32 to index
    %get3A_307 = arith.constant 432 : index
    %get3A_308 = tpu.vector_load %arg7[%get3A_306, %get3A_307] {strides = array<i32>} : memref<1x512xf32, #tpu.memory_space<vmem>>, vector<1x16xf32>,
    %get3A_309 = vector.shape_cast %get3A_308 : vector<1x16xf32> to vector<16xf32>
    %get3A_310 = arith.constant 0 : i32
    %get3A_311 = arith.index_cast %get3A_310 : i32 to index
    %get3A_312 = arith.constant 448 : index
    %get3A_313 = tpu.vector_load %arg7[%get3A_311, %get3A_312] {strides = array<i32>} : memref<1x512xf32, #tpu.memory_space<vmem>>, vector<1x16xf32>,
    %get3A_314 = vector.shape_cast %get3A_313 : vector<1x16xf32> to vector<16xf32>
    %get3A_315 = arith.constant 0 : i32
    %get3A_316 = arith.index_cast %get3A_315 : i32 to index
    %get3A_317 = arith.constant 464 : index
    %get3A_318 = tpu.vector_load %arg7[%get3A_316, %get3A_317] {strides = array<i32>} : memref<1x512xf32, #tpu.memory_space<vmem>>, vector<1x16xf32>,
    %get3A_319 = vector.shape_cast %get3A_318 : vector<1x16xf32> to vector<16xf32>
    %get3A_320 = arith.constant 0 : i32
    %get3A_321 = arith.index_cast %get3A_320 : i32 to index
    %get3A_322 = arith.constant 480 : index
    %get3A_323 = tpu.vector_load %arg7[%get3A_321, %get3A_322] {strides = array<i32>} : memref<1x512xf32, #tpu.memory_space<vmem>>, vector<1x16xf32>,
    %get3A_324 = vector.shape_cast %get3A_323 : vector<1x16xf32> to vector<16xf32>
    %get3A_325 = arith.constant 0 : i32
    %get3A_326 = arith.index_cast %get3A_325 : i32 to index
    %get3A_327 = arith.constant 496 : index
    %get3A_328 = tpu.vector_load %arg7[%get3A_326, %get3A_327] {strides = array<i32>} : memref<1x512xf32, #tpu.memory_space<vmem>>, vector<1x16xf32>,
    %get3A_329 = vector.shape_cast %get3A_328 : vector<1x16xf32> to vector<16xf32>
    %scan3A_330 = arith.constant 0 : i32
    %scan3A_331 = arith.constant 0 : i32
    %scan3A_332 = arith.constant 256 : i32
    %scan3A_333 = arith.addi %scan3A_331, %scan3A_332 : i32
    %scan3A_334 = arith.constant 8 : i32
    %scan3A_335 = scf.for %scan3A_367 = %scan3A_331 to %scan3A_333 step %scan3A_334 iter_args(%scan3A_368 = %scan3A_330) -> (i32)  : i32 {
      %mul3A_369 = arith.constant 16 : i32
      %mul3A_370 = arith.muli %scan3A_367, %mul3A_369 : i32
      %get3A_371 = arith.constant 0 : i32
      %get3A_372 = arith.index_cast %get3A_371 : i32 to index
      %get3A_373 = arith.index_cast %mul3A_370 : i32 to index
      %get3A_374 = tpu.vector_load %arg9[%get3A_372, %get3A_373] {strides = array<i32>} : memref<1x4096xf32, #tpu.memory_space<vmem>>, vector<1x16xf32>,
      %get3A_375 = vector.shape_cast %get3A_374 : vector<1x16xf32> to vector<16xf32>
      %get3A_376 = arith.constant 1 : i32
      %get3A_377 = arith.constant 0 : i32
      %get3A_378 = arith.index_cast %get3A_376 : i32 to index
      %get3A_379 = arith.index_cast %get3A_377 : i32 to index
      %get3A_380 = arith.index_cast %mul3A_370 : i32 to index
      %get3A_381 = tpu.vector_load %arg8[%get3A_378, %get3A_379, %get3A_380] {strides = array<i32>} : memref<2x8x4096xf32, #tpu.memory_space<vmem>>, vector<1x1x16xf32>,
      %get3A_382 = vector.shape_cast %get3A_381 : vector<1x1x16xf32> to vector<16xf32>
      %mul3A_383 = arith.mulf %get3A_294, %get3A_382 : vector<16xf32>
      %add3A_384 = arith.addf %get3A_375, %mul3A_383 : vector<16xf32>
      %get3A_385 = arith.constant 1 : i32
      %get3A_386 = arith.constant 1 : i32
      %get3A_387 = arith.index_cast %get3A_385 : i32 to index
      %get3A_388 = arith.index_cast %get3A_386 : i32 to index
      %get3A_389 = arith.index_cast %mul3A_370 : i32 to index
      %get3A_390 = tpu.vector_load %arg8[%get3A_387, %get3A_388, %get3A_389] {strides = array<i32>} : memref<2x8x4096xf32, #tpu.memory_space<vmem>>, vector<1x1x16xf32>,
      %get3A_391 = vector.shape_cast %get3A_390 : vector<1x1x16xf32> to vector<16xf32>
      %mul3A_392 = arith.mulf %get3A_299, %get3A_391 : vector<16xf32>
      %add3A_393 = arith.addf %add3A_384, %mul3A_392 : vector<16xf32>
      %get3A_394 = arith.constant 1 : i32
      %get3A_395 = arith.constant 2 : i32
      %get3A_396 = arith.index_cast %get3A_394 : i32 to index
      %get3A_397 = arith.index_cast %get3A_395 : i32 to index
      %get3A_398 = arith.index_cast %mul3A_370 : i32 to index
      %get3A_399 = tpu.vector_load %arg8[%get3A_396, %get3A_397, %get3A_398] {strides = array<i32>} : memref<2x8x4096xf32, #tpu.memory_space<vmem>>, vector<1x1x16xf32>,
      %get3A_400 = vector.shape_cast %get3A_399 : vector<1x1x16xf32> to vector<16xf32>
      %mul3A_401 = arith.mulf %get3A_304, %get3A_400 : vector<16xf32>
      %add3A_402 = arith.addf %add3A_393, %mul3A_401 : vector<16xf32>
      %get3A_403 = arith.constant 1 : i32
      %get3A_404 = arith.constant 3 : i32
      %get3A_405 = arith.index_cast %get3A_403 : i32 to index
      %get3A_406 = arith.index_cast %get3A_404 : i32 to index
      %get3A_407 = arith.index_cast %mul3A_370 : i32 to index
      %get3A_408 = tpu.vector_load %arg8[%get3A_405, %get3A_406, %get3A_407] {strides = array<i32>} : memref<2x8x4096xf32, #tpu.memory_space<vmem>>, vector<1x1x16xf32>,
      %get3A_409 = vector.shape_cast %get3A_408 : vector<1x1x16xf32> to vector<16xf32>
      %mul3A_410 = arith.mulf %get3A_309, %get3A_409 : vector<16xf32>
      %add3A_411 = arith.addf %add3A_402, %mul3A_410 : vector<16xf32>
      %get3A_412 = arith.constant 1 : i32
      %get3A_413 = arith.constant 4 : i32
      %get3A_414 = arith.index_cast %get3A_412 : i32 to index
      %get3A_415 = arith.index_cast %get3A_413 : i32 to index
      %get3A_416 = arith.index_cast %mul3A_370 : i32 to index
      %get3A_417 = tpu.vector_load %arg8[%get3A_414, %get3A_415, %get3A_416] {strides = array<i32>} : memref<2x8x4096xf32, #tpu.memory_space<vmem>>, vector<1x1x16xf32>,
      %get3A_418 = vector.shape_cast %get3A_417 : vector<1x1x16xf32> to vector<16xf32>
      %mul3A_419 = arith.mulf %get3A_314, %get3A_418 : vector<16xf32>
      %add3A_420 = arith.addf %add3A_411, %mul3A_419 : vector<16xf32>
      %get3A_421 = arith.constant 1 : i32
      %get3A_422 = arith.constant 5 : i32
      %get3A_423 = arith.index_cast %get3A_421 : i32 to index
      %get3A_424 = arith.index_cast %get3A_422 : i32 to index
      %get3A_425 = arith.index_cast %mul3A_370 : i32 to index
      %get3A_426 = tpu.vector_load %arg8[%get3A_423, %get3A_424, %get3A_425] {strides = array<i32>} : memref<2x8x4096xf32, #tpu.memory_space<vmem>>, vector<1x1x16xf32>,
      %get3A_427 = vector.shape_cast %get3A_426 : vector<1x1x16xf32> to vector<16xf32>
      %mul3A_428 = arith.mulf %get3A_319, %get3A_427 : vector<16xf32>
      %add3A_429 = arith.addf %add3A_420, %mul3A_428 : vector<16xf32>
      %get3A_430 = arith.constant 1 : i32
      %get3A_431 = arith.constant 6 : i32
      %get3A_432 = arith.index_cast %get3A_430 : i32 to index
      %get3A_433 = arith.index_cast %get3A_431 : i32 to index
      %get3A_434 = arith.index_cast %mul3A_370 : i32 to index
      %get3A_435 = tpu.vector_load %arg8[%get3A_432, %get3A_433, %get3A_434] {strides = array<i32>} : memref<2x8x4096xf32, #tpu.memory_space<vmem>>, vector<1x1x16xf32>,
      %get3A_436 = vector.shape_cast %get3A_435 : vector<1x1x16xf32> to vector<16xf32>
      %mul3A_437 = arith.mulf %get3A_324, %get3A_436 : vector<16xf32>
      %add3A_438 = arith.addf %add3A_429, %mul3A_437 : vector<16xf32>
      %get3A_439 = arith.constant 1 : i32
      %get3A_440 = arith.constant 7 : i32
      %get3A_441 = arith.index_cast %get3A_439 : i32 to index
      %get3A_442 = arith.index_cast %get3A_440 : i32 to index
      %get3A_443 = arith.index_cast %mul3A_370 : i32 to index
      %get3A_444 = tpu.vector_load %arg8[%get3A_441, %get3A_442, %get3A_443] {strides = array<i32>} : memref<2x8x4096xf32, #tpu.memory_space<vmem>>, vector<1x1x16xf32>,
      %get3A_445 = vector.shape_cast %get3A_444 : vector<1x1x16xf32> to vector<16xf32>
      %mul3A_446 = arith.mulf %get3A_329, %get3A_445 : vector<16xf32>
      %add3A_447 = arith.addf %add3A_438, %mul3A_446 : vector<16xf32>
      %swap3A = arith.constant 0 : i32
      %swap3A_448 = arith.index_cast %swap3A : i32 to index
      %swap3A_449 = arith.index_cast %mul3A_370 : i32 to index
      %swap3A_450 = tpu.vector_load %arg9[%swap3A_448, %swap3A_449] {strides = array<i32>} : memref<1x4096xf32, #tpu.memory_space<vmem>>, vector<1x16xf32>,
      %swap3A_451 = vector.shape_cast %swap3A_450 : vector<1x16xf32> to vector<16xf32>
      %swap3A_452 = vector.shape_cast %add3A_447 : vector<16xf32> to vector<1x16xf32>
      tpu.vector_store %arg9[%swap3A_448, %swap3A_449], %swap3A_452 {strides = array<i32>} : memref<1x4096xf32, #tpu.memory_space<vmem>>, vector<1x16xf32>,
      %scan3A_453 = arith.constant 0 : i32
      %scan3A_454 = arith.constant 1 : i32
      %scan3A_455 = arith.addi %scan3A_367, %scan3A_454 : i32
      %mul3A_456 = arith.constant 16 : i32
      %mul3A_457 = arith.muli %scan3A_455, %mul3A_456 : i32
      %get3A_458 = arith.constant 0 : i32
      %get3A_459 = arith.index_cast %get3A_458 : i32 to index
      %get3A_460 = arith.index_cast %mul3A_457 : i32 to index
      %get3A_461 = tpu.vector_load %arg9[%get3A_459, %get3A_460] {strides = array<i32>} : memref<1x4096xf32, #tpu.memory_space<vmem>>, vector<1x16xf32>,
      %get3A_462 = vector.shape_cast %get3A_461 : vector<1x16xf32> to vector<16xf32>
      %get3A_463 = arith.constant 1 : i32
      %get3A_464 = arith.constant 0 : i32
      %get3A_465 = arith.index_cast %get3A_463 : i32 to index
      %get3A_466 = arith.index_cast %get3A_464 : i32 to index
      %get3A_467 = arith.index_cast %mul3A_457 : i32 to index
      %get3A_468 = tpu.vector_load %arg8[%get3A_465, %get3A_466, %get3A_467] {strides = array<i32>} : memref<2x8x4096xf32, #tpu.memory_space<vmem>>, vector<1x1x16xf32>,
      %get3A_469 = vector.shape_cast %get3A_468 : vector<1x1x16xf32> to vector<16xf32>
      %mul3A_470 = arith.mulf %get3A_294, %get3A_469 : vector<16xf32>
      %add3A_471 = arith.addf %get3A_462, %mul3A_470 : vector<16xf32>
      %get3A_472 = arith.constant 1 : i32
      %get3A_473 = arith.constant 1 : i32
      %get3A_474 = arith.index_cast %get3A_472 : i32 to index
      %get3A_475 = arith.index_cast %get3A_473 : i32 to index
      %get3A_476 = arith.index_cast %mul3A_457 : i32 to index
      %get3A_477 = tpu.vector_load %arg8[%get3A_474, %get3A_475, %get3A_476] {strides = array<i32>} : memref<2x8x4096xf32, #tpu.memory_space<vmem>>, vector<1x1x16xf32>,
      %get3A_478 = vector.shape_cast %get3A_477 : vector<1x1x16xf32> to vector<16xf32>
      %mul3A_479 = arith.mulf %get3A_299, %get3A_478 : vector<16xf32>
      %add3A_480 = arith.addf %add3A_471, %mul3A_479 : vector<16xf32>
      %get3A_481 = arith.constant 1 : i32
      %get3A_482 = arith.constant 2 : i32
      %get3A_483 = arith.index_cast %get3A_481 : i32 to index
      %get3A_484 = arith.index_cast %get3A_482 : i32 to index
      %get3A_485 = arith.index_cast %mul3A_457 : i32 to index
      %get3A_486 = tpu.vector_load %arg8[%get3A_483, %get3A_484, %get3A_485] {strides = array<i32>} : memref<2x8x4096xf32, #tpu.memory_space<vmem>>, vector<1x1x16xf32>,
      %get3A_487 = vector.shape_cast %get3A_486 : vector<1x1x16xf32> to vector<16xf32>
      %mul3A_488 = arith.mulf %get3A_304, %get3A_487 : vector<16xf32>
      %add3A_489 = arith.addf %add3A_480, %mul3A_488 : vector<16xf32>
      %get3A_490 = arith.constant 1 : i32
      %get3A_491 = arith.constant 3 : i32
      %get3A_492 = arith.index_cast %get3A_490 : i32 to index
      %get3A_493 = arith.index_cast %get3A_491 : i32 to index
      %get3A_494 = arith.index_cast %mul3A_457 : i32 to index
      %get3A_495 = tpu.vector_load %arg8[%get3A_492, %get3A_493, %get3A_494] {strides = array<i32>} : memref<2x8x4096xf32, #tpu.memory_space<vmem>>, vector<1x1x16xf32>,
      %get3A_496 = vector.shape_cast %get3A_495 : vector<1x1x16xf32> to vector<16xf32>
      %mul3A_497 = arith.mulf %get3A_309, %get3A_496 : vector<16xf32>
      %add3A_498 = arith.addf %add3A_489, %mul3A_497 : vector<16xf32>
      %get3A_499 = arith.constant 1 : i32
      %get3A_500 = arith.constant 4 : i32
      %get3A_501 = arith.index_cast %get3A_499 : i32 to index
      %get3A_502 = arith.index_cast %get3A_500 : i32 to index
      %get3A_503 = arith.index_cast %mul3A_457 : i32 to index
      %get3A_504 = tpu.vector_load %arg8[%get3A_501, %get3A_502, %get3A_503] {strides = array<i32>} : memref<2x8x4096xf32, #tpu.memory_space<vmem>>, vector<1x1x16xf32>,
      %get3A_505 = vector.shape_cast %get3A_504 : vector<1x1x16xf32> to vector<16xf32>
      %mul3A_506 = arith.mulf %get3A_314, %get3A_505 : vector<16xf32>
      %add3A_507 = arith.addf %add3A_498, %mul3A_506 : vector<16xf32>
      %get3A_508 = arith.constant 1 : i32
      %get3A_509 = arith.constant 5 : i32
      %get3A_510 = arith.index_cast %get3A_508 : i32 to index
      %get3A_511 = arith.index_cast %get3A_509 : i32 to index
      %get3A_512 = arith.index_cast %mul3A_457 : i32 to index
      %get3A_513 = tpu.vector_load %arg8[%get3A_510, %get3A_511, %get3A_512] {strides = array<i32>} : memref<2x8x4096xf32, #tpu.memory_space<vmem>>, vector<1x1x16xf32>,
      %get3A_514 = vector.shape_cast %get3A_513 : vector<1x1x16xf32> to vector<16xf32>
      %mul3A_515 = arith.mulf %get3A_319, %get3A_514 : vector<16xf32>
      %add3A_516 = arith.addf %add3A_507, %mul3A_515 : vector<16xf32>
      %get3A_517 = arith.constant 1 : i32
      %get3A_518 = arith.constant 6 : i32
      %get3A_519 = arith.index_cast %get3A_517 : i32 to index
      %get3A_520 = arith.index_cast %get3A_518 : i32 to index
      %get3A_521 = arith.index_cast %mul3A_457 : i32 to index
      %get3A_522 = tpu.vector_load %arg8[%get3A_519, %get3A_520, %get3A_521] {strides = array<i32>} : memref<2x8x4096xf32, #tpu.memory_space<vmem>>, vector<1x1x16xf32>,
      %get3A_523 = vector.shape_cast %get3A_522 : vector<1x1x16xf32> to vector<16xf32>
      %mul3A_524 = arith.mulf %get3A_324, %get3A_523 : vector<16xf32>
      %add3A_525 = arith.addf %add3A_516, %mul3A_524 : vector<16xf32>
      %get3A_526 = arith.constant 1 : i32
      %get3A_527 = arith.constant 7 : i32
      %get3A_528 = arith.index_cast %get3A_526 : i32 to index
      %get3A_529 = arith.index_cast %get3A_527 : i32 to index
      %get3A_530 = arith.index_cast %mul3A_457 : i32 to index
      %get3A_531 = tpu.vector_load %arg8[%get3A_528, %get3A_529, %get3A_530] {strides = array<i32>} : memref<2x8x4096xf32, #tpu.memory_space<vmem>>, vector<1x1x16xf32>,
      %get3A_532 = vector.shape_cast %get3A_531 : vector<1x1x16xf32> to vector<16xf32>
      %mul3A_533 = arith.mulf %get3A_329, %get3A_532 : vector<16xf32>
      %add3A_534 = arith.addf %add3A_525, %mul3A_533 : vector<16xf32>
      %swap3A_535 = arith.constant 0 : i32
      %swap3A_536 = arith.index_cast %swap3A_535 : i32 to index
      %swap3A_537 = arith.index_cast %mul3A_457 : i32 to index
      %swap3A_538 = tpu.vector_load %arg9[%swap3A_536, %swap3A_537] {strides = array<i32>} : memref<1x4096xf32, #tpu.memory_space<vmem>>, vector<1x16xf32>,
      %swap3A_539 = vector.shape_cast %swap3A_538 : vector<1x16xf32> to vector<16xf32>
      %swap3A_540 = vector.shape_cast %add3A_534 : vector<16xf32> to vector<1x16xf32>
      tpu.vector_store %arg9[%swap3A_536, %swap3A_537], %swap3A_540 {strides = array<i32>} : memref<1x4096xf32, #tpu.memory_space<vmem>>, vector<1x16xf32>,
      %scan3A_541 = arith.constant 0 : i32
      %scan3A_542 = arith.constant 2 : i32
      %scan3A_543 = arith.addi %scan3A_367, %scan3A_542 : i32
      %mul3A_544 = arith.constant 16 : i32
      %mul3A_545 = arith.muli %scan3A_543, %mul3A_544 : i32
      %get3A_546 = arith.constant 0 : i32
      %get3A_547 = arith.index_cast %get3A_546 : i32 to index
      %get3A_548 = arith.index_cast %mul3A_545 : i32 to index
      %get3A_549 = tpu.vector_load %arg9[%get3A_547, %get3A_548] {strides = array<i32>} : memref<1x4096xf32, #tpu.memory_space<vmem>>, vector<1x16xf32>,
      %get3A_550 = vector.shape_cast %get3A_549 : vector<1x16xf32> to vector<16xf32>
      %get3A_551 = arith.constant 1 : i32
      %get3A_552 = arith.constant 0 : i32
      %get3A_553 = arith.index_cast %get3A_551 : i32 to index
      %get3A_554 = arith.index_cast %get3A_552 : i32 to index
      %get3A_555 = arith.index_cast %mul3A_545 : i32 to index
      %get3A_556 = tpu.vector_load %arg8[%get3A_553, %get3A_554, %get3A_555] {strides = array<i32>} : memref<2x8x4096xf32, #tpu.memory_space<vmem>>, vector<1x1x16xf32>,
      %get3A_557 = vector.shape_cast %get3A_556 : vector<1x1x16xf32> to vector<16xf32>
      %mul3A_558 = arith.mulf %get3A_294, %get3A_557 : vector<16xf32>
      %add3A_559 = arith.addf %get3A_550, %mul3A_558 : vector<16xf32>
      %get3A_560 = arith.constant 1 : i32
      %get3A_561 = arith.constant 1 : i32
      %get3A_562 = arith.index_cast %get3A_560 : i32 to index
      %get3A_563 = arith.index_cast %get3A_561 : i32 to index
      %get3A_564 = arith.index_cast %mul3A_545 : i32 to index
      %get3A_565 = tpu.vector_load %arg8[%get3A_562, %get3A_563, %get3A_564] {strides = array<i32>} : memref<2x8x4096xf32, #tpu.memory_space<vmem>>, vector<1x1x16xf32>,
      %get3A_566 = vector.shape_cast %get3A_565 : vector<1x1x16xf32> to vector<16xf32>
      %mul3A_567 = arith.mulf %get3A_299, %get3A_566 : vector<16xf32>
      %add3A_568 = arith.addf %add3A_559, %mul3A_567 : vector<16xf32>
      %get3A_569 = arith.constant 1 : i32
      %get3A_570 = arith.constant 2 : i32
      %get3A_571 = arith.index_cast %get3A_569 : i32 to index
      %get3A_572 = arith.index_cast %get3A_570 : i32 to index
      %get3A_573 = arith.index_cast %mul3A_545 : i32 to index
      %get3A_574 = tpu.vector_load %arg8[%get3A_571, %get3A_572, %get3A_573] {strides = array<i32>} : memref<2x8x4096xf32, #tpu.memory_space<vmem>>, vector<1x1x16xf32>,
      %get3A_575 = vector.shape_cast %get3A_574 : vector<1x1x16xf32> to vector<16xf32>
      %mul3A_576 = arith.mulf %get3A_304, %get3A_575 : vector<16xf32>
      %add3A_577 = arith.addf %add3A_568, %mul3A_576 : vector<16xf32>
      %get3A_578 = arith.constant 1 : i32
      %get3A_579 = arith.constant 3 : i32
      %get3A_580 = arith.index_cast %get3A_578 : i32 to index
      %get3A_581 = arith.index_cast %get3A_579 : i32 to index
      %get3A_582 = arith.index_cast %mul3A_545 : i32 to index
      %get3A_583 = tpu.vector_load %arg8[%get3A_580, %get3A_581, %get3A_582] {strides = array<i32>} : memref<2x8x4096xf32, #tpu.memory_space<vmem>>, vector<1x1x16xf32>,
      %get3A_584 = vector.shape_cast %get3A_583 : vector<1x1x16xf32> to vector<16xf32>
      %mul3A_585 = arith.mulf %get3A_309, %get3A_584 : vector<16xf32>
      %add3A_586 = arith.addf %add3A_577, %mul3A_585 : vector<16xf32>
      %get3A_587 = arith.constant 1 : i32
      %get3A_588 = arith.constant 4 : i32
      %get3A_589 = arith.index_cast %get3A_587 : i32 to index
      %get3A_590 = arith.index_cast %get3A_588 : i32 to index
      %get3A_591 = arith.index_cast %mul3A_545 : i32 to index
      %get3A_592 = tpu.vector_load %arg8[%get3A_589, %get3A_590, %get3A_591] {strides = array<i32>} : memref<2x8x4096xf32, #tpu.memory_space<vmem>>, vector<1x1x16xf32>,
      %get3A_593 = vector.shape_cast %get3A_592 : vector<1x1x16xf32> to vector<16xf32>
      %mul3A_594 = arith.mulf %get3A_314, %get3A_593 : vector<16xf32>
      %add3A_595 = arith.addf %add3A_586, %mul3A_594 : vector<16xf32>
      %get3A_596 = arith.constant 1 : i32
      %get3A_597 = arith.constant 5 : i32
      %get3A_598 = arith.index_cast %get3A_596 : i32 to index
      %get3A_599 = arith.index_cast %get3A_597 : i32 to index
      %get3A_600 = arith.index_cast %mul3A_545 : i32 to index
      %get3A_601 = tpu.vector_load %arg8[%get3A_598, %get3A_599, %get3A_600] {strides = array<i32>} : memref<2x8x4096xf32, #tpu.memory_space<vmem>>, vector<1x1x16xf32>,
      %get3A_602 = vector.shape_cast %get3A_601 : vector<1x1x16xf32> to vector<16xf32>
      %mul3A_603 = arith.mulf %get3A_319, %get3A_602 : vector<16xf32>
      %add3A_604 = arith.addf %add3A_595, %mul3A_603 : vector<16xf32>
      %get3A_605 = arith.constant 1 : i32
      %get3A_606 = arith.constant 6 : i32
      %get3A_607 = arith.index_cast %get3A_605 : i32 to index
      %get3A_608 = arith.index_cast %get3A_606 : i32 to index
      %get3A_609 = arith.index_cast %mul3A_545 : i32 to index
      %get3A_610 = tpu.vector_load %arg8[%get3A_607, %get3A_608, %get3A_609] {strides = array<i32>} : memref<2x8x4096xf32, #tpu.memory_space<vmem>>, vector<1x1x16xf32>,
      %get3A_611 = vector.shape_cast %get3A_610 : vector<1x1x16xf32> to vector<16xf32>
      %mul3A_612 = arith.mulf %get3A_324, %get3A_611 : vector<16xf32>
      %add3A_613 = arith.addf %add3A_604, %mul3A_612 : vector<16xf32>
      %get3A_614 = arith.constant 1 : i32
      %get3A_615 = arith.constant 7 : i32
      %get3A_616 = arith.index_cast %get3A_614 : i32 to index
      %get3A_617 = arith.index_cast %get3A_615 : i32 to index
      %get3A_618 = arith.index_cast %mul3A_545 : i32 to index
      %get3A_619 = tpu.vector_load %arg8[%get3A_616, %get3A_617, %get3A_618] {strides = array<i32>} : memref<2x8x4096xf32, #tpu.memory_space<vmem>>, vector<1x1x16xf32>,
      %get3A_620 = vector.shape_cast %get3A_619 : vector<1x1x16xf32> to vector<16xf32>
      %mul3A_621 = arith.mulf %get3A_329, %get3A_620 : vector<16xf32>
      %add3A_622 = arith.addf %add3A_613, %mul3A_621 : vector<16xf32>
      %swap3A_623 = arith.constant 0 : i32
      %swap3A_624 = arith.index_cast %swap3A_623 : i32 to index
      %swap3A_625 = arith.index_cast %mul3A_545 : i32 to index
      %swap3A_626 = tpu.vector_load %arg9[%swap3A_624, %swap3A_625] {strides = array<i32>} : memref<1x4096xf32, #tpu.memory_space<vmem>>, vector<1x16xf32>,
      %swap3A_627 = vector.shape_cast %swap3A_626 : vector<1x16xf32> to vector<16xf32>
      %swap3A_628 = vector.shape_cast %add3A_622 : vector<16xf32> to vector<1x16xf32>
      tpu.vector_store %arg9[%swap3A_624, %swap3A_625], %swap3A_628 {strides = array<i32>} : memref<1x4096xf32, #tpu.memory_space<vmem>>, vector<1x16xf32>,
      %scan3A_629 = arith.constant 0 : i32
      %scan3A_630 = arith.constant 3 : i32
      %scan3A_631 = arith.addi %scan3A_367, %scan3A_630 : i32
      %mul3A_632 = arith.constant 16 : i32
      %mul3A_633 = arith.muli %scan3A_631, %mul3A_632 : i32
      %get3A_634 = arith.constant 0 : i32
      %get3A_635 = arith.index_cast %get3A_634 : i32 to index
      %get3A_636 = arith.index_cast %mul3A_633 : i32 to index
      %get3A_637 = tpu.vector_load %arg9[%get3A_635, %get3A_636] {strides = array<i32>} : memref<1x4096xf32, #tpu.memory_space<vmem>>, vector<1x16xf32>,
      %get3A_638 = vector.shape_cast %get3A_637 : vector<1x16xf32> to vector<16xf32>
      %get3A_639 = arith.constant 1 : i32
      %get3A_640 = arith.constant 0 : i32
      %get3A_641 = arith.index_cast %get3A_639 : i32 to index
      %get3A_642 = arith.index_cast %get3A_640 : i32 to index
      %get3A_643 = arith.index_cast %mul3A_633 : i32 to index
      %get3A_644 = tpu.vector_load %arg8[%get3A_641, %get3A_642, %get3A_643] {strides = array<i32>} : memref<2x8x4096xf32, #tpu.memory_space<vmem>>, vector<1x1x16xf32>,
      %get3A_645 = vector.shape_cast %get3A_644 : vector<1x1x16xf32> to vector<16xf32>
      %mul3A_646 = arith.mulf %get3A_294, %get3A_645 : vector<16xf32>
      %add3A_647 = arith.addf %get3A_638, %mul3A_646 : vector<16xf32>
      %get3A_648 = arith.constant 1 : i32
      %get3A_649 = arith.constant 1 : i32
      %get3A_650 = arith.index_cast %get3A_648 : i32 to index
      %get3A_651 = arith.index_cast %get3A_649 : i32 to index
      %get3A_652 = arith.index_cast %mul3A_633 : i32 to index
      %get3A_653 = tpu.vector_load %arg8[%get3A_650, %get3A_651, %get3A_652] {strides = array<i32>} : memref<2x8x4096xf32, #tpu.memory_space<vmem>>, vector<1x1x16xf32>,
      %get3A_654 = vector.shape_cast %get3A_653 : vector<1x1x16xf32> to vector<16xf32>
      %mul3A_655 = arith.mulf %get3A_299, %get3A_654 : vector<16xf32>
      %add3A_656 = arith.addf %add3A_647, %mul3A_655 : vector<16xf32>
      %get3A_657 = arith.constant 1 : i32
      %get3A_658 = arith.constant 2 : i32
      %get3A_659 = arith.index_cast %get3A_657 : i32 to index
      %get3A_660 = arith.index_cast %get3A_658 : i32 to index
      %get3A_661 = arith.index_cast %mul3A_633 : i32 to index
      %get3A_662 = tpu.vector_load %arg8[%get3A_659, %get3A_660, %get3A_661] {strides = array<i32>} : memref<2x8x4096xf32, #tpu.memory_space<vmem>>, vector<1x1x16xf32>,
      %get3A_663 = vector.shape_cast %get3A_662 : vector<1x1x16xf32> to vector<16xf32>
      %mul3A_664 = arith.mulf %get3A_304, %get3A_663 : vector<16xf32>
      %add3A_665 = arith.addf %add3A_656, %mul3A_664 : vector<16xf32>
      %get3A_666 = arith.constant 1 : i32
      %get3A_667 = arith.constant 3 : i32
      %get3A_668 = arith.index_cast %get3A_666 : i32 to index
      %get3A_669 = arith.index_cast %get3A_667 : i32 to index
      %get3A_670 = arith.index_cast %mul3A_633 : i32 to index
      %get3A_671 = tpu.vector_load %arg8[%get3A_668, %get3A_669, %get3A_670] {strides = array<i32>} : memref<2x8x4096xf32, #tpu.memory_space<vmem>>, vector<1x1x16xf32>,
      %get3A_672 = vector.shape_cast %get3A_671 : vector<1x1x16xf32> to vector<16xf32>
      %mul3A_673 = arith.mulf %get3A_309, %get3A_672 : vector<16xf32>
      %add3A_674 = arith.addf %add3A_665, %mul3A_673 : vector<16xf32>
      %get3A_675 = arith.constant 1 : i32
      %get3A_676 = arith.constant 4 : i32
      %get3A_677 = arith.index_cast %get3A_675 : i32 to index
      %get3A_678 = arith.index_cast %get3A_676 : i32 to index
      %get3A_679 = arith.index_cast %mul3A_633 : i32 to index
      %get3A_680 = tpu.vector_load %arg8[%get3A_677, %get3A_678, %get3A_679] {strides = array<i32>} : memref<2x8x4096xf32, #tpu.memory_space<vmem>>, vector<1x1x16xf32>,
      %get3A_681 = vector.shape_cast %get3A_680 : vector<1x1x16xf32> to vector<16xf32>
      %mul3A_682 = arith.mulf %get3A_314, %get3A_681 : vector<16xf32>
      %add3A_683 = arith.addf %add3A_674, %mul3A_682 : vector<16xf32>
      %get3A_684 = arith.constant 1 : i32
      %get3A_685 = arith.constant 5 : i32
      %get3A_686 = arith.index_cast %get3A_684 : i32 to index
      %get3A_687 = arith.index_cast %get3A_685 : i32 to index
      %get3A_688 = arith.index_cast %mul3A_633 : i32 to index
      %get3A_689 = tpu.vector_load %arg8[%get3A_686, %get3A_687, %get3A_688] {strides = array<i32>} : memref<2x8x4096xf32, #tpu.memory_space<vmem>>, vector<1x1x16xf32>,
      %get3A_690 = vector.shape_cast %get3A_689 : vector<1x1x16xf32> to vector<16xf32>
      %mul3A_691 = arith.mulf %get3A_319, %get3A_690 : vector<16xf32>
      %add3A_692 = arith.addf %add3A_683, %mul3A_691 : vector<16xf32>
      %get3A_693 = arith.constant 1 : i32
      %get3A_694 = arith.constant 6 : i32
      %get3A_695 = arith.index_cast %get3A_693 : i32 to index
      %get3A_696 = arith.index_cast %get3A_694 : i32 to index
      %get3A_697 = arith.index_cast %mul3A_633 : i32 to index
      %get3A_698 = tpu.vector_load %arg8[%get3A_695, %get3A_696, %get3A_697] {strides = array<i32>} : memref<2x8x4096xf32, #tpu.memory_space<vmem>>, vector<1x1x16xf32>,
      %get3A_699 = vector.shape_cast %get3A_698 : vector<1x1x16xf32> to vector<16xf32>
      %mul3A_700 = arith.mulf %get3A_324, %get3A_699 : vector<16xf32>
      %add3A_701 = arith.addf %add3A_692, %mul3A_700 : vector<16xf32>
      %get3A_702 = arith.constant 1 : i32
      %get3A_703 = arith.constant 7 : i32
      %get3A_704 = arith.index_cast %get3A_702 : i32 to index
      %get3A_705 = arith.index_cast %get3A_703 : i32 to index
      %get3A_706 = arith.index_cast %mul3A_633 : i32 to index
      %get3A_707 = tpu.vector_load %arg8[%get3A_704, %get3A_705, %get3A_706] {strides = array<i32>} : memref<2x8x4096xf32, #tpu.memory_space<vmem>>, vector<1x1x16xf32>,
      %get3A_708 = vector.shape_cast %get3A_707 : vector<1x1x16xf32> to vector<16xf32>
      %mul3A_709 = arith.mulf %get3A_329, %get3A_708 : vector<16xf32>
      %add3A_710 = arith.addf %add3A_701, %mul3A_709 : vector<16xf32>
      %swap3A_711 = arith.constant 0 : i32
      %swap3A_712 = arith.index_cast %swap3A_711 : i32 to index
      %swap3A_713 = arith.index_cast %mul3A_633 : i32 to index
      %swap3A_714 = tpu.vector_load %arg9[%swap3A_712, %swap3A_713] {strides = array<i32>} : memref<1x4096xf32, #tpu.memory_space<vmem>>, vector<1x16xf32>,
      %swap3A_715 = vector.shape_cast %swap3A_714 : vector<1x16xf32> to vector<16xf32>
      %swap3A_716 = vector.shape_cast %add3A_710 : vector<16xf32> to vector<1x16xf32>
      tpu.vector_store %arg9[%swap3A_712, %swap3A_713], %swap3A_716 {strides = array<i32>} : memref<1x4096xf32, #tpu.memory_space<vmem>>, vector<1x16xf32>,
      %scan3A_717 = arith.constant 0 : i32
      %scan3A_718 = arith.constant 4 : i32
      %scan3A_719 = arith.addi %scan3A_367, %scan3A_718 : i32
      %mul3A_720 = arith.constant 16 : i32
      %mul3A_721 = arith.muli %scan3A_719, %mul3A_720 : i32
      %get3A_722 = arith.constant 0 : i32
      %get3A_723 = arith.index_cast %get3A_722 : i32 to index
      %get3A_724 = arith.index_cast %mul3A_721 : i32 to index
      %get3A_725 = tpu.vector_load %arg9[%get3A_723, %get3A_724] {strides = array<i32>} : memref<1x4096xf32, #tpu.memory_space<vmem>>, vector<1x16xf32>,
      %get3A_726 = vector.shape_cast %get3A_725 : vector<1x16xf32> to vector<16xf32>
      %get3A_727 = arith.constant 1 : i32
      %get3A_728 = arith.constant 0 : i32
      %get3A_729 = arith.index_cast %get3A_727 : i32 to index
      %get3A_730 = arith.index_cast %get3A_728 : i32 to index
      %get3A_731 = arith.index_cast %mul3A_721 : i32 to index
      %get3A_732 = tpu.vector_load %arg8[%get3A_729, %get3A_730, %get3A_731] {strides = array<i32>} : memref<2x8x4096xf32, #tpu.memory_space<vmem>>, vector<1x1x16xf32>,
      %get3A_733 = vector.shape_cast %get3A_732 : vector<1x1x16xf32> to vector<16xf32>
      %mul3A_734 = arith.mulf %get3A_294, %get3A_733 : vector<16xf32>
      %add3A_735 = arith.addf %get3A_726, %mul3A_734 : vector<16xf32>
      %get3A_736 = arith.constant 1 : i32
      %get3A_737 = arith.constant 1 : i32
      %get3A_738 = arith.index_cast %get3A_736 : i32 to index
      %get3A_739 = arith.index_cast %get3A_737 : i32 to index
      %get3A_740 = arith.index_cast %mul3A_721 : i32 to index
      %get3A_741 = tpu.vector_load %arg8[%get3A_738, %get3A_739, %get3A_740] {strides = array<i32>} : memref<2x8x4096xf32, #tpu.memory_space<vmem>>, vector<1x1x16xf32>,
      %get3A_742 = vector.shape_cast %get3A_741 : vector<1x1x16xf32> to vector<16xf32>
      %mul3A_743 = arith.mulf %get3A_299, %get3A_742 : vector<16xf32>
      %add3A_744 = arith.addf %add3A_735, %mul3A_743 : vector<16xf32>
      %get3A_745 = arith.constant 1 : i32
      %get3A_746 = arith.constant 2 : i32
      %get3A_747 = arith.index_cast %get3A_745 : i32 to index
      %get3A_748 = arith.index_cast %get3A_746 : i32 to index
      %get3A_749 = arith.index_cast %mul3A_721 : i32 to index
      %get3A_750 = tpu.vector_load %arg8[%get3A_747, %get3A_748, %get3A_749] {strides = array<i32>} : memref<2x8x4096xf32, #tpu.memory_space<vmem>>, vector<1x1x16xf32>,
      %get3A_751 = vector.shape_cast %get3A_750 : vector<1x1x16xf32> to vector<16xf32>
      %mul3A_752 = arith.mulf %get3A_304, %get3A_751 : vector<16xf32>
      %add3A_753 = arith.addf %add3A_744, %mul3A_752 : vector<16xf32>
      %get3A_754 = arith.constant 1 : i32
      %get3A_755 = arith.constant 3 : i32
      %get3A_756 = arith.index_cast %get3A_754 : i32 to index
      %get3A_757 = arith.index_cast %get3A_755 : i32 to index
      %get3A_758 = arith.index_cast %mul3A_721 : i32 to index
      %get3A_759 = tpu.vector_load %arg8[%get3A_756, %get3A_757, %get3A_758] {strides = array<i32>} : memref<2x8x4096xf32, #tpu.memory_space<vmem>>, vector<1x1x16xf32>,
      %get3A_760 = vector.shape_cast %get3A_759 : vector<1x1x16xf32> to vector<16xf32>
      %mul3A_761 = arith.mulf %get3A_309, %get3A_760 : vector<16xf32>
      %add3A_762 = arith.addf %add3A_753, %mul3A_761 : vector<16xf32>
      %get3A_763 = arith.constant 1 : i32
      %get3A_764 = arith.constant 4 : i32
      %get3A_765 = arith.index_cast %get3A_763 : i32 to index
      %get3A_766 = arith.index_cast %get3A_764 : i32 to index
      %get3A_767 = arith.index_cast %mul3A_721 : i32 to index
      %get3A_768 = tpu.vector_load %arg8[%get3A_765, %get3A_766, %get3A_767] {strides = array<i32>} : memref<2x8x4096xf32, #tpu.memory_space<vmem>>, vector<1x1x16xf32>,
      %get3A_769 = vector.shape_cast %get3A_768 : vector<1x1x16xf32> to vector<16xf32>
      %mul3A_770 = arith.mulf %get3A_314, %get3A_769 : vector<16xf32>
      %add3A_771 = arith.addf %add3A_762, %mul3A_770 : vector<16xf32>
      %get3A_772 = arith.constant 1 : i32
      %get3A_773 = arith.constant 5 : i32
      %get3A_774 = arith.index_cast %get3A_772 : i32 to index
      %get3A_775 = arith.index_cast %get3A_773 : i32 to index
      %get3A_776 = arith.index_cast %mul3A_721 : i32 to index
      %get3A_777 = tpu.vector_load %arg8[%get3A_774, %get3A_775, %get3A_776] {strides = array<i32>} : memref<2x8x4096xf32, #tpu.memory_space<vmem>>, vector<1x1x16xf32>,
      %get3A_778 = vector.shape_cast %get3A_777 : vector<1x1x16xf32> to vector<16xf32>
      %mul3A_779 = arith.mulf %get3A_319, %get3A_778 : vector<16xf32>
      %add3A_780 = arith.addf %add3A_771, %mul3A_779 : vector<16xf32>
      %get3A_781 = arith.constant 1 : i32
      %get3A_782 = arith.constant 6 : i32
      %get3A_783 = arith.index_cast %get3A_781 : i32 to index
      %get3A_784 = arith.index_cast %get3A_782 : i32 to index
      %get3A_785 = arith.index_cast %mul3A_721 : i32 to index
      %get3A_786 = tpu.vector_load %arg8[%get3A_783, %get3A_784, %get3A_785] {strides = array<i32>} : memref<2x8x4096xf32, #tpu.memory_space<vmem>>, vector<1x1x16xf32>,
      %get3A_787 = vector.shape_cast %get3A_786 : vector<1x1x16xf32> to vector<16xf32>
      %mul3A_788 = arith.mulf %get3A_324, %get3A_787 : vector<16xf32>
      %add3A_789 = arith.addf %add3A_780, %mul3A_788 : vector<16xf32>
      %get3A_790 = arith.constant 1 : i32
      %get3A_791 = arith.constant 7 : i32
      %get3A_792 = arith.index_cast %get3A_790 : i32 to index
      %get3A_793 = arith.index_cast %get3A_791 : i32 to index
      %get3A_794 = arith.index_cast %mul3A_721 : i32 to index
      %get3A_795 = tpu.vector_load %arg8[%get3A_792, %get3A_793, %get3A_794] {strides = array<i32>} : memref<2x8x4096xf32, #tpu.memory_space<vmem>>, vector<1x1x16xf32>,
      %get3A_796 = vector.shape_cast %get3A_795 : vector<1x1x16xf32> to vector<16xf32>
      %mul3A_797 = arith.mulf %get3A_329, %get3A_796 : vector<16xf32>
      %add3A_798 = arith.addf %add3A_789, %mul3A_797 : vector<16xf32>
      %swap3A_799 = arith.constant 0 : i32
      %swap3A_800 = arith.index_cast %swap3A_799 : i32 to index
      %swap3A_801 = arith.index_cast %mul3A_721 : i32 to index
      %swap3A_802 = tpu.vector_load %arg9[%swap3A_800, %swap3A_801] {strides = array<i32>} : memref<1x4096xf32, #tpu.memory_space<vmem>>, vector<1x16xf32>,
      %swap3A_803 = vector.shape_cast %swap3A_802 : vector<1x16xf32> to vector<16xf32>
      %swap3A_804 = vector.shape_cast %add3A_798 : vector<16xf32> to vector<1x16xf32>
      tpu.vector_store %arg9[%swap3A_800, %swap3A_801], %swap3A_804 {strides = array<i32>} : memref<1x4096xf32, #tpu.memory_space<vmem>>, vector<1x16xf32>,
      %scan3A_805 = arith.constant 0 : i32
      %scan3A_806 = arith.constant 5 : i32
      %scan3A_807 = arith.addi %scan3A_367, %scan3A_806 : i32
      %mul3A_808 = arith.constant 16 : i32
      %mul3A_809 = arith.muli %scan3A_807, %mul3A_808 : i32
      %get3A_810 = arith.constant 0 : i32
      %get3A_811 = arith.index_cast %get3A_810 : i32 to index
      %get3A_812 = arith.index_cast %mul3A_809 : i32 to index
      %get3A_813 = tpu.vector_load %arg9[%get3A_811, %get3A_812] {strides = array<i32>} : memref<1x4096xf32, #tpu.memory_space<vmem>>, vector<1x16xf32>,
      %get3A_814 = vector.shape_cast %get3A_813 : vector<1x16xf32> to vector<16xf32>
      %get3A_815 = arith.constant 1 : i32
      %get3A_816 = arith.constant 0 : i32
      %get3A_817 = arith.index_cast %get3A_815 : i32 to index
      %get3A_818 = arith.index_cast %get3A_816 : i32 to index
      %get3A_819 = arith.index_cast %mul3A_809 : i32 to index
      %get3A_820 = tpu.vector_load %arg8[%get3A_817, %get3A_818, %get3A_819] {strides = array<i32>} : memref<2x8x4096xf32, #tpu.memory_space<vmem>>, vector<1x1x16xf32>,
      %get3A_821 = vector.shape_cast %get3A_820 : vector<1x1x16xf32> to vector<16xf32>
      %mul3A_822 = arith.mulf %get3A_294, %get3A_821 : vector<16xf32>
      %add3A_823 = arith.addf %get3A_814, %mul3A_822 : vector<16xf32>
      %get3A_824 = arith.constant 1 : i32
      %get3A_825 = arith.constant 1 : i32
      %get3A_826 = arith.index_cast %get3A_824 : i32 to index
      %get3A_827 = arith.index_cast %get3A_825 : i32 to index
      %get3A_828 = arith.index_cast %mul3A_809 : i32 to index
      %get3A_829 = tpu.vector_load %arg8[%get3A_826, %get3A_827, %get3A_828] {strides = array<i32>} : memref<2x8x4096xf32, #tpu.memory_space<vmem>>, vector<1x1x16xf32>,
      %get3A_830 = vector.shape_cast %get3A_829 : vector<1x1x16xf32> to vector<16xf32>
      %mul3A_831 = arith.mulf %get3A_299, %get3A_830 : vector<16xf32>
      %add3A_832 = arith.addf %add3A_823, %mul3A_831 : vector<16xf32>
      %get3A_833 = arith.constant 1 : i32
      %get3A_834 = arith.constant 2 : i32
      %get3A_835 = arith.index_cast %get3A_833 : i32 to index
      %get3A_836 = arith.index_cast %get3A_834 : i32 to index
      %get3A_837 = arith.index_cast %mul3A_809 : i32 to index
      %get3A_838 = tpu.vector_load %arg8[%get3A_835, %get3A_836, %get3A_837] {strides = array<i32>} : memref<2x8x4096xf32, #tpu.memory_space<vmem>>, vector<1x1x16xf32>,
      %get3A_839 = vector.shape_cast %get3A_838 : vector<1x1x16xf32> to vector<16xf32>
      %mul3A_840 = arith.mulf %get3A_304, %get3A_839 : vector<16xf32>
      %add3A_841 = arith.addf %add3A_832, %mul3A_840 : vector<16xf32>
      %get3A_842 = arith.constant 1 : i32
      %get3A_843 = arith.constant 3 : i32
      %get3A_844 = arith.index_cast %get3A_842 : i32 to index
      %get3A_845 = arith.index_cast %get3A_843 : i32 to index
      %get3A_846 = arith.index_cast %mul3A_809 : i32 to index
      %get3A_847 = tpu.vector_load %arg8[%get3A_844, %get3A_845, %get3A_846] {strides = array<i32>} : memref<2x8x4096xf32, #tpu.memory_space<vmem>>, vector<1x1x16xf32>,
      %get3A_848 = vector.shape_cast %get3A_847 : vector<1x1x16xf32> to vector<16xf32>
      %mul3A_849 = arith.mulf %get3A_309, %get3A_848 : vector<16xf32>
      %add3A_850 = arith.addf %add3A_841, %mul3A_849 : vector<16xf32>
      %get3A_851 = arith.constant 1 : i32
      %get3A_852 = arith.constant 4 : i32
      %get3A_853 = arith.index_cast %get3A_851 : i32 to index
      %get3A_854 = arith.index_cast %get3A_852 : i32 to index
      %get3A_855 = arith.index_cast %mul3A_809 : i32 to index
      %get3A_856 = tpu.vector_load %arg8[%get3A_853, %get3A_854, %get3A_855] {strides = array<i32>} : memref<2x8x4096xf32, #tpu.memory_space<vmem>>, vector<1x1x16xf32>,
      %get3A_857 = vector.shape_cast %get3A_856 : vector<1x1x16xf32> to vector<16xf32>
      %mul3A_858 = arith.mulf %get3A_314, %get3A_857 : vector<16xf32>
      %add3A_859 = arith.addf %add3A_850, %mul3A_858 : vector<16xf32>
      %get3A_860 = arith.constant 1 : i32
      %get3A_861 = arith.constant 5 : i32
      %get3A_862 = arith.index_cast %get3A_860 : i32 to index
      %get3A_863 = arith.index_cast %get3A_861 : i32 to index
      %get3A_864 = arith.index_cast %mul3A_809 : i32 to index
      %get3A_865 = tpu.vector_load %arg8[%get3A_862, %get3A_863, %get3A_864] {strides = array<i32>} : memref<2x8x4096xf32, #tpu.memory_space<vmem>>, vector<1x1x16xf32>,
      %get3A_866 = vector.shape_cast %get3A_865 : vector<1x1x16xf32> to vector<16xf32>
      %mul3A_867 = arith.mulf %get3A_319, %get3A_866 : vector<16xf32>
      %add3A_868 = arith.addf %add3A_859, %mul3A_867 : vector<16xf32>
      %get3A_869 = arith.constant 1 : i32
      %get3A_870 = arith.constant 6 : i32
      %get3A_871 = arith.index_cast %get3A_869 : i32 to index
      %get3A_872 = arith.index_cast %get3A_870 : i32 to index
      %get3A_873 = arith.index_cast %mul3A_809 : i32 to index
      %get3A_874 = tpu.vector_load %arg8[%get3A_871, %get3A_872, %get3A_873] {strides = array<i32>} : memref<2x8x4096xf32, #tpu.memory_space<vmem>>, vector<1x1x16xf32>,
      %get3A_875 = vector.shape_cast %get3A_874 : vector<1x1x16xf32> to vector<16xf32>
      %mul3A_876 = arith.mulf %get3A_324, %get3A_875 : vector<16xf32>
      %add3A_877 = arith.addf %add3A_868, %mul3A_876 : vector<16xf32>
      %get3A_878 = arith.constant 1 : i32
      %get3A_879 = arith.constant 7 : i32
      %get3A_880 = arith.index_cast %get3A_878 : i32 to index
      %get3A_881 = arith.index_cast %get3A_879 : i32 to index
      %get3A_882 = arith.index_cast %mul3A_809 : i32 to index
      %get3A_883 = tpu.vector_load %arg8[%get3A_880, %get3A_881, %get3A_882] {strides = array<i32>} : memref<2x8x4096xf32, #tpu.memory_space<vmem>>, vector<1x1x16xf32>,
      %get3A_884 = vector.shape_cast %get3A_883 : vector<1x1x16xf32> to vector<16xf32>
      %mul3A_885 = arith.mulf %get3A_329, %get3A_884 : vector<16xf32>
      %add3A_886 = arith.addf %add3A_877, %mul3A_885 : vector<16xf32>
      %swap3A_887 = arith.constant 0 : i32
      %swap3A_888 = arith.index_cast %swap3A_887 : i32 to index
      %swap3A_889 = arith.index_cast %mul3A_809 : i32 to index
      %swap3A_890 = tpu.vector_load %arg9[%swap3A_888, %swap3A_889] {strides = array<i32>} : memref<1x4096xf32, #tpu.memory_space<vmem>>, vector<1x16xf32>,
      %swap3A_891 = vector.shape_cast %swap3A_890 : vector<1x16xf32> to vector<16xf32>
      %swap3A_892 = vector.shape_cast %add3A_886 : vector<16xf32> to vector<1x16xf32>
      tpu.vector_store %arg9[%swap3A_888, %swap3A_889], %swap3A_892 {strides = array<i32>} : memref<1x4096xf32, #tpu.memory_space<vmem>>, vector<1x16xf32>,
      %scan3A_893 = arith.constant 0 : i32
      %scan3A_894 = arith.constant 6 : i32
      %scan3A_895 = arith.addi %scan3A_367, %scan3A_894 : i32
      %mul3A_896 = arith.constant 16 : i32
      %mul3A_897 = arith.muli %scan3A_895, %mul3A_896 : i32
      %get3A_898 = arith.constant 0 : i32
      %get3A_899 = arith.index_cast %get3A_898 : i32 to index
      %get3A_900 = arith.index_cast %mul3A_897 : i32 to index
      %get3A_901 = tpu.vector_load %arg9[%get3A_899, %get3A_900] {strides = array<i32>} : memref<1x4096xf32, #tpu.memory_space<vmem>>, vector<1x16xf32>,
      %get3A_902 = vector.shape_cast %get3A_901 : vector<1x16xf32> to vector<16xf32>
      %get3A_903 = arith.constant 1 : i32
      %get3A_904 = arith.constant 0 : i32
      %get3A_905 = arith.index_cast %get3A_903 : i32 to index
      %get3A_906 = arith.index_cast %get3A_904 : i32 to index
      %get3A_907 = arith.index_cast %mul3A_897 : i32 to index
      %get3A_908 = tpu.vector_load %arg8[%get3A_905, %get3A_906, %get3A_907] {strides = array<i32>} : memref<2x8x4096xf32, #tpu.memory_space<vmem>>, vector<1x1x16xf32>,
      %get3A_909 = vector.shape_cast %get3A_908 : vector<1x1x16xf32> to vector<16xf32>
      %mul3A_910 = arith.mulf %get3A_294, %get3A_909 : vector<16xf32>
      %add3A_911 = arith.addf %get3A_902, %mul3A_910 : vector<16xf32>
      %get3A_912 = arith.constant 1 : i32
      %get3A_913 = arith.constant 1 : i32
      %get3A_914 = arith.index_cast %get3A_912 : i32 to index
      %get3A_915 = arith.index_cast %get3A_913 : i32 to index
      %get3A_916 = arith.index_cast %mul3A_897 : i32 to index
      %get3A_917 = tpu.vector_load %arg8[%get3A_914, %get3A_915, %get3A_916] {strides = array<i32>} : memref<2x8x4096xf32, #tpu.memory_space<vmem>>, vector<1x1x16xf32>,
      %get3A_918 = vector.shape_cast %get3A_917 : vector<1x1x16xf32> to vector<16xf32>
      %mul3A_919 = arith.mulf %get3A_299, %get3A_918 : vector<16xf32>
      %add3A_920 = arith.addf %add3A_911, %mul3A_919 : vector<16xf32>
      %get3A_921 = arith.constant 1 : i32
      %get3A_922 = arith.constant 2 : i32
      %get3A_923 = arith.index_cast %get3A_921 : i32 to index
      %get3A_924 = arith.index_cast %get3A_922 : i32 to index
      %get3A_925 = arith.index_cast %mul3A_897 : i32 to index
      %get3A_926 = tpu.vector_load %arg8[%get3A_923, %get3A_924, %get3A_925] {strides = array<i32>} : memref<2x8x4096xf32, #tpu.memory_space<vmem>>, vector<1x1x16xf32>,
      %get3A_927 = vector.shape_cast %get3A_926 : vector<1x1x16xf32> to vector<16xf32>
      %mul3A_928 = arith.mulf %get3A_304, %get3A_927 : vector<16xf32>
      %add3A_929 = arith.addf %add3A_920, %mul3A_928 : vector<16xf32>
      %get3A_930 = arith.constant 1 : i32
      %get3A_931 = arith.constant 3 : i32
      %get3A_932 = arith.index_cast %get3A_930 : i32 to index
      %get3A_933 = arith.index_cast %get3A_931 : i32 to index
      %get3A_934 = arith.index_cast %mul3A_897 : i32 to index
      %get3A_935 = tpu.vector_load %arg8[%get3A_932, %get3A_933, %get3A_934] {strides = array<i32>} : memref<2x8x4096xf32, #tpu.memory_space<vmem>>, vector<1x1x16xf32>,
      %get3A_936 = vector.shape_cast %get3A_935 : vector<1x1x16xf32> to vector<16xf32>
      %mul3A_937 = arith.mulf %get3A_309, %get3A_936 : vector<16xf32>
      %add3A_938 = arith.addf %add3A_929, %mul3A_937 : vector<16xf32>
      %get3A_939 = arith.constant 1 : i32
      %get3A_940 = arith.constant 4 : i32
      %get3A_941 = arith.index_cast %get3A_939 : i32 to index
      %get3A_942 = arith.index_cast %get3A_940 : i32 to index
      %get3A_943 = arith.index_cast %mul3A_897 : i32 to index
      %get3A_944 = tpu.vector_load %arg8[%get3A_941, %get3A_942, %get3A_943] {strides = array<i32>} : memref<2x8x4096xf32, #tpu.memory_space<vmem>>, vector<1x1x16xf32>,
      %get3A_945 = vector.shape_cast %get3A_944 : vector<1x1x16xf32> to vector<16xf32>
      %mul3A_946 = arith.mulf %get3A_314, %get3A_945 : vector<16xf32>
      %add3A_947 = arith.addf %add3A_938, %mul3A_946 : vector<16xf32>
      %get3A_948 = arith.constant 1 : i32
      %get3A_949 = arith.constant 5 : i32
      %get3A_950 = arith.index_cast %get3A_948 : i32 to index
      %get3A_951 = arith.index_cast %get3A_949 : i32 to index
      %get3A_952 = arith.index_cast %mul3A_897 : i32 to index
      %get3A_953 = tpu.vector_load %arg8[%get3A_950, %get3A_951, %get3A_952] {strides = array<i32>} : memref<2x8x4096xf32, #tpu.memory_space<vmem>>, vector<1x1x16xf32>,
      %get3A_954 = vector.shape_cast %get3A_953 : vector<1x1x16xf32> to vector<16xf32>
      %mul3A_955 = arith.mulf %get3A_319, %get3A_954 : vector<16xf32>
      %add3A_956 = arith.addf %add3A_947, %mul3A_955 : vector<16xf32>
      %get3A_957 = arith.constant 1 : i32
      %get3A_958 = arith.constant 6 : i32
      %get3A_959 = arith.index_cast %get3A_957 : i32 to index
      %get3A_960 = arith.index_cast %get3A_958 : i32 to index
      %get3A_961 = arith.index_cast %mul3A_897 : i32 to index
      %get3A_962 = tpu.vector_load %arg8[%get3A_959, %get3A_960, %get3A_961] {strides = array<i32>} : memref<2x8x4096xf32, #tpu.memory_space<vmem>>, vector<1x1x16xf32>,
      %get3A_963 = vector.shape_cast %get3A_962 : vector<1x1x16xf32> to vector<16xf32>
      %mul3A_964 = arith.mulf %get3A_324, %get3A_963 : vector<16xf32>
      %add3A_965 = arith.addf %add3A_956, %mul3A_964 : vector<16xf32>
      %get3A_966 = arith.constant 1 : i32
      %get3A_967 = arith.constant 7 : i32
      %get3A_968 = arith.index_cast %get3A_966 : i32 to index
      %get3A_969 = arith.index_cast %get3A_967 : i32 to index
      %get3A_970 = arith.index_cast %mul3A_897 : i32 to index
      %get3A_971 = tpu.vector_load %arg8[%get3A_968, %get3A_969, %get3A_970] {strides = array<i32>} : memref<2x8x4096xf32, #tpu.memory_space<vmem>>, vector<1x1x16xf32>,
      %get3A_972 = vector.shape_cast %get3A_971 : vector<1x1x16xf32> to vector<16xf32>
      %mul3A_973 = arith.mulf %get3A_329, %get3A_972 : vector<16xf32>
      %add3A_974 = arith.addf %add3A_965, %mul3A_973 : vector<16xf32>
      %swap3A_975 = arith.constant 0 : i32
      %swap3A_976 = arith.index_cast %swap3A_975 : i32 to index
      %swap3A_977 = arith.index_cast %mul3A_897 : i32 to index
      %swap3A_978 = tpu.vector_load %arg9[%swap3A_976, %swap3A_977] {strides = array<i32>} : memref<1x4096xf32, #tpu.memory_space<vmem>>, vector<1x16xf32>,
      %swap3A_979 = vector.shape_cast %swap3A_978 : vector<1x16xf32> to vector<16xf32>
      %swap3A_980 = vector.shape_cast %add3A_974 : vector<16xf32> to vector<1x16xf32>
      tpu.vector_store %arg9[%swap3A_976, %swap3A_977], %swap3A_980 {strides = array<i32>} : memref<1x4096xf32, #tpu.memory_space<vmem>>, vector<1x16xf32>,
      %scan3A_981 = arith.constant 0 : i32
      %scan3A_982 = arith.constant 7 : i32
      %scan3A_983 = arith.addi %scan3A_367, %scan3A_982 : i32
      %mul3A_984 = arith.constant 16 : i32
      %mul3A_985 = arith.muli %scan3A_983, %mul3A_984 : i32
      %get3A_986 = arith.constant 0 : i32
      %get3A_987 = arith.index_cast %get3A_986 : i32 to index
      %get3A_988 = arith.index_cast %mul3A_985 : i32 to index
      %get3A_989 = tpu.vector_load %arg9[%get3A_987, %get3A_988] {strides = array<i32>} : memref<1x4096xf32, #tpu.memory_space<vmem>>, vector<1x16xf32>,
      %get3A_990 = vector.shape_cast %get3A_989 : vector<1x16xf32> to vector<16xf32>
      %get3A_991 = arith.constant 1 : i32
      %get3A_992 = arith.constant 0 : i32
      %get3A_993 = arith.index_cast %get3A_991 : i32 to index
      %get3A_994 = arith.index_cast %get3A_992 : i32 to index
      %get3A_995 = arith.index_cast %mul3A_985 : i32 to index
      %get3A_996 = tpu.vector_load %arg8[%get3A_993, %get3A_994, %get3A_995] {strides = array<i32>} : memref<2x8x4096xf32, #tpu.memory_space<vmem>>, vector<1x1x16xf32>,
      %get3A_997 = vector.shape_cast %get3A_996 : vector<1x1x16xf32> to vector<16xf32>
      %mul3A_998 = arith.mulf %get3A_294, %get3A_997 : vector<16xf32>
      %add3A_999 = arith.addf %get3A_990, %mul3A_998 : vector<16xf32>
      %get3A_1000 = arith.constant 1 : i32
      %get3A_1001 = arith.constant 1 : i32
      %get3A_1002 = arith.index_cast %get3A_1000 : i32 to index
      %get3A_1003 = arith.index_cast %get3A_1001 : i32 to index
      %get3A_1004 = arith.index_cast %mul3A_985 : i32 to index
      %get3A_1005 = tpu.vector_load %arg8[%get3A_1002, %get3A_1003, %get3A_1004] {strides = array<i32>} : memref<2x8x4096xf32, #tpu.memory_space<vmem>>, vector<1x1x16xf32>,
      %get3A_1006 = vector.shape_cast %get3A_1005 : vector<1x1x16xf32> to vector<16xf32>
      %mul3A_1007 = arith.mulf %get3A_299, %get3A_1006 : vector<16xf32>
      %add3A_1008 = arith.addf %add3A_999, %mul3A_1007 : vector<16xf32>
      %get3A_1009 = arith.constant 1 : i32
      %get3A_1010 = arith.constant 2 : i32
      %get3A_1011 = arith.index_cast %get3A_1009 : i32 to index
      %get3A_1012 = arith.index_cast %get3A_1010 : i32 to index
      %get3A_1013 = arith.index_cast %mul3A_985 : i32 to index
      %get3A_1014 = tpu.vector_load %arg8[%get3A_1011, %get3A_1012, %get3A_1013] {strides = array<i32>} : memref<2x8x4096xf32, #tpu.memory_space<vmem>>, vector<1x1x16xf32>,
      %get3A_1015 = vector.shape_cast %get3A_1014 : vector<1x1x16xf32> to vector<16xf32>
      %mul3A_1016 = arith.mulf %get3A_304, %get3A_1015 : vector<16xf32>
      %add3A_1017 = arith.addf %add3A_1008, %mul3A_1016 : vector<16xf32>
      %get3A_1018 = arith.constant 1 : i32
      %get3A_1019 = arith.constant 3 : i32
      %get3A_1020 = arith.index_cast %get3A_1018 : i32 to index
      %get3A_1021 = arith.index_cast %get3A_1019 : i32 to index
      %get3A_1022 = arith.index_cast %mul3A_985 : i32 to index
      %get3A_1023 = tpu.vector_load %arg8[%get3A_1020, %get3A_1021, %get3A_1022] {strides = array<i32>} : memref<2x8x4096xf32, #tpu.memory_space<vmem>>, vector<1x1x16xf32>,
      %get3A_1024 = vector.shape_cast %get3A_1023 : vector<1x1x16xf32> to vector<16xf32>
      %mul3A_1025 = arith.mulf %get3A_309, %get3A_1024 : vector<16xf32>
      %add3A_1026 = arith.addf %add3A_1017, %mul3A_1025 : vector<16xf32>
      %get3A_1027 = arith.constant 1 : i32
      %get3A_1028 = arith.constant 4 : i32
      %get3A_1029 = arith.index_cast %get3A_1027 : i32 to index
      %get3A_1030 = arith.index_cast %get3A_1028 : i32 to index
      %get3A_1031 = arith.index_cast %mul3A_985 : i32 to index
      %get3A_1032 = tpu.vector_load %arg8[%get3A_1029, %get3A_1030, %get3A_1031] {strides = array<i32>} : memref<2x8x4096xf32, #tpu.memory_space<vmem>>, vector<1x1x16xf32>,
      %get3A_1033 = vector.shape_cast %get3A_1032 : vector<1x1x16xf32> to vector<16xf32>
      %mul3A_1034 = arith.mulf %get3A_314, %get3A_1033 : vector<16xf32>
      %add3A_1035 = arith.addf %add3A_1026, %mul3A_1034 : vector<16xf32>
      %get3A_1036 = arith.constant 1 : i32
      %get3A_1037 = arith.constant 5 : i32
      %get3A_1038 = arith.index_cast %get3A_1036 : i32 to index
      %get3A_1039 = arith.index_cast %get3A_1037 : i32 to index
      %get3A_1040 = arith.index_cast %mul3A_985 : i32 to index
      %get3A_1041 = tpu.vector_load %arg8[%get3A_1038, %get3A_1039, %get3A_1040] {strides = array<i32>} : memref<2x8x4096xf32, #tpu.memory_space<vmem>>, vector<1x1x16xf32>,
      %get3A_1042 = vector.shape_cast %get3A_1041 : vector<1x1x16xf32> to vector<16xf32>
      %mul3A_1043 = arith.mulf %get3A_319, %get3A_1042 : vector<16xf32>
      %add3A_1044 = arith.addf %add3A_1035, %mul3A_1043 : vector<16xf32>
      %get3A_1045 = arith.constant 1 : i32
      %get3A_1046 = arith.constant 6 : i32
      %get3A_1047 = arith.index_cast %get3A_1045 : i32 to index
      %get3A_1048 = arith.index_cast %get3A_1046 : i32 to index
      %get3A_1049 = arith.index_cast %mul3A_985 : i32 to index
      %get3A_1050 = tpu.vector_load %arg8[%get3A_1047, %get3A_1048, %get3A_1049] {strides = array<i32>} : memref<2x8x4096xf32, #tpu.memory_space<vmem>>, vector<1x1x16xf32>,
      %get3A_1051 = vector.shape_cast %get3A_1050 : vector<1x1x16xf32> to vector<16xf32>
      %mul3A_1052 = arith.mulf %get3A_324, %get3A_1051 : vector<16xf32>
      %add3A_1053 = arith.addf %add3A_1044, %mul3A_1052 : vector<16xf32>
      %get3A_1054 = arith.constant 1 : i32
      %get3A_1055 = arith.constant 7 : i32
      %get3A_1056 = arith.index_cast %get3A_1054 : i32 to index
      %get3A_1057 = arith.index_cast %get3A_1055 : i32 to index
      %get3A_1058 = arith.index_cast %mul3A_985 : i32 to index
      %get3A_1059 = tpu.vector_load %arg8[%get3A_1056, %get3A_1057, %get3A_1058] {strides = array<i32>} : memref<2x8x4096xf32, #tpu.memory_space<vmem>>, vector<1x1x16xf32>,
      %get3A_1060 = vector.shape_cast %get3A_1059 : vector<1x1x16xf32> to vector<16xf32>
      %mul3A_1061 = arith.mulf %get3A_329, %get3A_1060 : vector<16xf32>
      %add3A_1062 = arith.addf %add3A_1053, %mul3A_1061 : vector<16xf32>
      %swap3A_1063 = arith.constant 0 : i32
      %swap3A_1064 = arith.index_cast %swap3A_1063 : i32 to index
      %swap3A_1065 = arith.index_cast %mul3A_985 : i32 to index
      %swap3A_1066 = tpu.vector_load %arg9[%swap3A_1064, %swap3A_1065] {strides = array<i32>} : memref<1x4096xf32, #tpu.memory_space<vmem>>, vector<1x16xf32>,
      %swap3A_1067 = vector.shape_cast %swap3A_1066 : vector<1x16xf32> to vector<16xf32>
      %swap3A_1068 = vector.shape_cast %add3A_1062 : vector<16xf32> to vector<1x16xf32>
      tpu.vector_store %arg9[%swap3A_1064, %swap3A_1065], %swap3A_1068 {strides = array<i32>} : memref<1x4096xf32, #tpu.memory_space<vmem>>, vector<1x16xf32>,
      %scan3A_1069 = arith.constant 0 : i32
      scf.yield %scan3A_1069 : i32
    }
    %scan3A_336 = arith.constant 256 : i32
    %mul3A_337 = arith.constant 1 : i32
    %mul3A_338 = arith.muli %add3A, %mul3A_337 : i32
    %add3A_339 = arith.constant 0 : i32
    %add3A_340 = arith.addi %mul3A_338, %add3A_339 : i32
    %dma_start3A_341 = arith.constant 0 : i32
    %dma_start3A_342 = arith.constant 0 : i32
    %dma_start3A_343 = tpu.memref_slice %arg9[%dma_start3A_341, %dma_start3A_342] : memref<1x4096xf32, #tpu.memory_space<vmem>> -> memref<1x4096xf32, #tpu.memory_space<vmem>>
    %dma_start3A_344 = tpu.memref_squeeze %dma_start3A_343 : memref<1x4096xf32, #tpu.memory_space<vmem>> -> memref<4096xf32, #tpu.memory_space<vmem>>
    %dma_start3A_345 = arith.constant 0 : i32
    %dma_start3A_346 = tpu.memref_slice %arg5[%add3A_340, %dma_start3A_345] : memref<32x4096xf32, #tpu.memory_space<hbm>> -> memref<1x4096xf32, #tpu.memory_space<hbm>>
    %dma_start3A_347 = tpu.memref_squeeze %dma_start3A_346 : memref<1x4096xf32, #tpu.memory_space<hbm>> -> memref<4096xf32, #tpu.memory_space<hbm>>
    %dma_start3A_348 = arith.constant 0 : i32
    %dma_start3A_349 = tpu.memref_slice %arg5[%add3A_340, %dma_start3A_348] : memref<32x4096xf32, #tpu.memory_space<hbm>> -> memref<1x4096xf32, #tpu.memory_space<hbm>>
    %dma_start3A_350 = tpu.memref_squeeze %dma_start3A_349 : memref<1x4096xf32, #tpu.memory_space<hbm>> -> memref<4096xf32, #tpu.memory_space<hbm>>
    %dma_start3A_351 = arith.constant 0 : i32
    %dma_start3A_352 = tpu.memref_slice %arg9[%dma_start3A_341, %dma_start3A_351] : memref<1x4096xf32, #tpu.memory_space<vmem>> -> memref<1x4096xf32, #tpu.memory_space<vmem>>
    %dma_start3A_353 = tpu.memref_squeeze %dma_start3A_352 : memref<1x4096xf32, #tpu.memory_space<vmem>> -> memref<4096xf32, #tpu.memory_space<vmem>>
    tpu.enqueue_dma source(%dma_start3A_353 : memref<4096xf32, #tpu.memory_space<vmem>>) target(%dma_start3A_350 : memref<4096xf32, #tpu.memory_space<hbm>>) target_semaphore(%arg13 : memref<!tpu.dma_semaphore, #tpu.memory_space<semaphore_mem>>)
    %dma_wait3A_354 = arith.constant 0 : i32
    %dma_wait3A_355 = arith.constant 0 : i32
    %dma_wait3A_356 = tpu.memref_slice %arg9[%dma_wait3A_354, %dma_wait3A_355] : memref<1x4096xf32, #tpu.memory_space<vmem>> -> memref<1x4096xf32, #tpu.memory_space<vmem>>
    %dma_wait3A_357 = tpu.memref_squeeze %dma_wait3A_356 : memref<1x4096xf32, #tpu.memory_space<vmem>> -> memref<4096xf32, #tpu.memory_space<vmem>>
    %dma_wait3A_358 = arith.constant 0 : i32
    %dma_wait3A_359 = tpu.memref_slice %arg5[%add3A_340, %dma_wait3A_358] : memref<32x4096xf32, #tpu.memory_space<hbm>> -> memref<1x4096xf32, #tpu.memory_space<hbm>>
    %dma_wait3A_360 = tpu.memref_squeeze %dma_wait3A_359 : memref<1x4096xf32, #tpu.memory_space<hbm>> -> memref<4096xf32, #tpu.memory_space<hbm>>
    %dma_wait3A_361 = arith.constant 0 : i32
    %dma_wait3A_362 = tpu.memref_slice %arg5[%add3A_340, %dma_wait3A_361] : memref<32x4096xf32, #tpu.memory_space<hbm>> -> memref<1x4096xf32, #tpu.memory_space<hbm>>
    %dma_wait3A_363 = tpu.memref_squeeze %dma_wait3A_362 : memref<1x4096xf32, #tpu.memory_space<hbm>> -> memref<4096xf32, #tpu.memory_space<hbm>>
    %dma_wait3A_364 = arith.constant 0 : i32
    %dma_wait3A_365 = tpu.memref_slice %arg9[%dma_wait3A_354, %dma_wait3A_364] : memref<1x4096xf32, #tpu.memory_space<vmem>> -> memref<1x4096xf32, #tpu.memory_space<vmem>>
    %dma_wait3A_366 = tpu.memref_squeeze %dma_wait3A_365 : memref<1x4096xf32, #tpu.memory_space<vmem>> -> memref<4096xf32, #tpu.memory_space<vmem>>
    tpu.wait_dma2 semaphore(%arg13 : memref<!tpu.dma_semaphore, #tpu.memory_space<semaphore_mem>>) src(%dma_wait3A_366 : memref<4096xf32, #tpu.memory_space<vmem>>) dst(%dma_wait3A_363 : memref<4096xf32, #tpu.memory_space<hbm>>)
    return
  }
}

module attributes {stable_mosaic.version = 14 : i64} {
  func.func @_fwd3_body(%arg0: i32, %arg1: memref<64x4096xf32, #tpu.memory_space<vmem>>, %arg2: memref<512x4096xf32, #tpu.memory_space<vmem>>, %arg3: memref<1x512xf32, #tpu.memory_space<vmem>>, %arg4: memref<64x512xf32, #tpu.memory_space<vmem>>) attributes {dimension_semantics = [#tpu.dimension_semantics<arbitrary>], iteration_bounds = array<i64: 8>, scalar_prefetch = 0 : i64, scratch_operands = 0 : i64, tpu.core_type = #tpu.core_type<tc>, window_params = [{pipeline_mode = #tpu.pipeline_mode<synchronous>, transform_indices = @transform_0, window_bounds = array<i64: 64, 4096>}, {transform_indices = @transform_1, window_bounds = array<i64: 512, 4096>}, {transform_indices = @transform_2, window_bounds = array<i64: 1, 512>}, {transform_indices = @transform_3, window_bounds = array<i64: 64, 512>}]} {
    %get3A = arith.constant 0 : index
    %get3A_0 = arith.constant 0 : index
    %get3A_1 = vector.load %arg1[%get3A, %get3A_0] : memref<64x4096xf32, #tpu.memory_space<vmem>>, vector<64x4096xf32>
    %get3A_2 = arith.constant 0 : index
    %get3A_3 = arith.constant 0 : index
    %get3A_4 = vector.load %arg2[%get3A_2, %get3A_3] : memref<512x4096xf32, #tpu.memory_space<vmem>>, vector<512x4096xf32>
    %dot_general3A = arith.constant dense<0.000000e+00> : vector<64x512xf32>
    %dot_general3A_5 = tpu.matmul %get3A_1, %get3A_4, %dot_general3A {dimension_numbers = #tpu.dot_dimension_numbers<[1], [1], [0], [0], [0, 0, 1, 0], [], []>, transpose_lhs_hint = false} : vector<64x4096xf32>, vector<512x4096xf32>, vector<64x512xf32> -> vector<64x512xf32>
    %get3A_6 = arith.constant 0 : index
    %get3A_7 = arith.constant 0 : index
    %get3A_8 = vector.load %arg3[%get3A_6, %get3A_7] : memref<1x512xf32, #tpu.memory_space<vmem>>, vector<1x512xf32>
    %add3A = vector.broadcast %get3A_8 : vector<1x512xf32> to vector<64x512xf32>
    %add3A_9 = arith.addf %dot_general3A_5, %add3A : vector<64x512xf32>
    %swap3A = arith.constant 0 : index
    %swap3A_10 = arith.constant 0 : index
    %swap3A_11 = vector.load %arg4[%swap3A, %swap3A_10] : memref<64x512xf32, #tpu.memory_space<vmem>>, vector<64x512xf32>
    tpu.vector_store %arg4[%swap3A, %swap3A_10], %add3A_9 {strides = array<i32>} : memref<64x512xf32, #tpu.memory_space<vmem>>, vector<64x512xf32>,
    return
  }
  func.func @transform_0(%arg0: i32) -> (i32, i32) {
    %c0_i32 = arith.constant 0 : i32
    %c0_i32_0 = arith.constant 0 : i32
    %c0_i32_1 = arith.constant 0 : i32
    return %c0_i32, %c0_i32_0 : i32, i32
  }
  func.func @transform_1(%arg0: i32) -> (i32, i32) {
    %c0_i32 = arith.constant 0 : i32
    %c0_i32_0 = arith.constant 0 : i32
    return %arg0, %c0_i32 : i32, i32
  }
  func.func @transform_2(%arg0: i32) -> (i32, i32) {
    %c0_i32 = arith.constant 0 : i32
    %c0_i32_0 = arith.constant 0 : i32
    return %c0_i32, %arg0 : i32, i32
  }
  func.func @transform_3(%arg0: i32) -> (i32, i32) {
    %c0_i32 = arith.constant 0 : i32
    %c0_i32_0 = arith.constant 0 : i32
    return %c0_i32, %arg0 : i32, i32
  }
}

module attributes {stable_mosaic.version = 14 : i64} {
  func.func @_fwd2_body(%arg0: i32, %arg1: memref<64x4096xf32, #tpu.memory_space<vmem>>, %arg2: memref<512x4096xf32, #tpu.memory_space<vmem>>, %arg3: memref<1x512xf32, #tpu.memory_space<vmem>>, %arg4: memref<64x512xf32, #tpu.memory_space<vmem>>, %arg5: memref<64x512xf32, #tpu.memory_space<vmem>>) attributes {dimension_semantics = [#tpu.dimension_semantics<arbitrary>], iteration_bounds = array<i64: 8>, scalar_prefetch = 0 : i64, scratch_operands = 0 : i64, tpu.core_type = #tpu.core_type<tc>, window_params = [{pipeline_mode = #tpu.pipeline_mode<synchronous>, transform_indices = @transform_0, window_bounds = array<i64: 64, 4096>}, {transform_indices = @transform_1, window_bounds = array<i64: 512, 4096>}, {transform_indices = @transform_2, window_bounds = array<i64: 1, 512>}, {transform_indices = @transform_3, window_bounds = array<i64: 64, 512>}, {transform_indices = @transform_4, window_bounds = array<i64: 64, 512>}]} {
    %get3A = arith.constant 0 : index
    %get3A_0 = arith.constant 0 : index
    %get3A_1 = vector.load %arg1[%get3A, %get3A_0] : memref<64x4096xf32, #tpu.memory_space<vmem>>, vector<64x4096xf32>
    %get3A_2 = arith.constant 0 : index
    %get3A_3 = arith.constant 0 : index
    %get3A_4 = vector.load %arg2[%get3A_2, %get3A_3] : memref<512x4096xf32, #tpu.memory_space<vmem>>, vector<512x4096xf32>
    %dot_general3A = arith.constant dense<0.000000e+00> : vector<64x512xf32>
    %dot_general3A_5 = tpu.matmul %get3A_1, %get3A_4, %dot_general3A {dimension_numbers = #tpu.dot_dimension_numbers<[1], [1], [0], [0], [0, 0, 1, 0], [], []>, transpose_lhs_hint = false} : vector<64x4096xf32>, vector<512x4096xf32>, vector<64x512xf32> -> vector<64x512xf32>
    %get3A_6 = arith.constant 0 : index
    %get3A_7 = arith.constant 0 : index
    %get3A_8 = vector.load %arg3[%get3A_6, %get3A_7] : memref<1x512xf32, #tpu.memory_space<vmem>>, vector<1x512xf32>
    %add3A = vector.broadcast %get3A_8 : vector<1x512xf32> to vector<64x512xf32>
    %add3A_9 = arith.addf %dot_general3A_5, %add3A : vector<64x512xf32>
    %swap3A = arith.constant 0 : index
    %swap3A_10 = arith.constant 0 : index
    %swap3A_11 = vector.load %arg4[%swap3A, %swap3A_10] : memref<64x512xf32, #tpu.memory_space<vmem>>, vector<64x512xf32>
    tpu.vector_store %arg4[%swap3A, %swap3A_10], %add3A_9 {strides = array<i32>} : memref<64x512xf32, #tpu.memory_space<vmem>>, vector<64x512xf32>,
    %max3A = arith.constant 0.000000e+00 : f32
    %max3A_12 = vector.broadcast %max3A : f32 to vector<64x512xf32>
    %max3A_13 = arith.maximumf %add3A_9, %max3A_12 : vector<64x512xf32>
    %swap3A_14 = arith.constant 0 : index
    %swap3A_15 = arith.constant 0 : index
    %swap3A_16 = vector.load %arg5[%swap3A_14, %swap3A_15] : memref<64x512xf32, #tpu.memory_space<vmem>>, vector<64x512xf32>
    tpu.vector_store %arg5[%swap3A_14, %swap3A_15], %max3A_13 {strides = array<i32>} : memref<64x512xf32, #tpu.memory_space<vmem>>, vector<64x512xf32>,
    return
  }
  func.func @transform_0(%arg0: i32) -> (i32, i32) {
    %c0_i32 = arith.constant 0 : i32
    %c0_i32_0 = arith.constant 0 : i32
    %c0_i32_1 = arith.constant 0 : i32
    return %c0_i32, %c0_i32_0 : i32, i32
  }
  func.func @transform_1(%arg0: i32) -> (i32, i32) {
    %c0_i32 = arith.constant 0 : i32
    %c0_i32_0 = arith.constant 0 : i32
    return %arg0, %c0_i32 : i32, i32
  }
  func.func @transform_2(%arg0: i32) -> (i32, i32) {
    %c0_i32 = arith.constant 0 : i32
    %c0_i32_0 = arith.constant 0 : i32
    return %c0_i32, %arg0 : i32, i32
  }
  func.func @transform_3(%arg0: i32) -> (i32, i32) {
    %c0_i32 = arith.constant 0 : i32
    %c0_i32_0 = arith.constant 0 : i32
    return %c0_i32, %arg0 : i32, i32
  }
  func.func @transform_4(%arg0: i32) -> (i32, i32) {
    %c0_i32 = arith.constant 0 : i32
    %c0_i32_0 = arith.constant 0 : i32
    return %c0_i32, %arg0 : i32, i32
  }
}

module attributes {stable_mosaic.version = 14 : i64} {
  func.func @_fwd1_body(%arg0: i32, %arg1: memref<64x4096xf32, #tpu.memory_space<vmem>>, %arg2: memref<512x4096xf32, #tpu.memory_space<vmem>>, %arg3: memref<1x512xf32, #tpu.memory_space<vmem>>, %arg4: memref<64x512xf32, #tpu.memory_space<vmem>>, %arg5: memref<1x512xf32, #tpu.memory_space<vmem>>) attributes {dimension_semantics = [#tpu.dimension_semantics<arbitrary>], iteration_bounds = array<i64: 8>, scalar_prefetch = 0 : i64, scratch_operands = 0 : i64, tpu.core_type = #tpu.core_type<tc>, window_params = [{pipeline_mode = #tpu.pipeline_mode<synchronous>, transform_indices = @transform_0, window_bounds = array<i64: 64, 4096>}, {transform_indices = @transform_1, window_bounds = array<i64: 512, 4096>}, {transform_indices = @transform_2, window_bounds = array<i64: 1, 512>}, {transform_indices = @transform_3, window_bounds = array<i64: 64, 512>}, {transform_indices = @transform_4, window_bounds = array<i64: 1, 512>}]} {
    %get3A = arith.constant 0 : index
    %get3A_0 = arith.constant 0 : index
    %get3A_1 = vector.load %arg1[%get3A, %get3A_0] : memref<64x4096xf32, #tpu.memory_space<vmem>>, vector<64x4096xf32>
    %get3A_2 = arith.constant 0 : index
    %get3A_3 = arith.constant 0 : index
    %get3A_4 = vector.load %arg2[%get3A_2, %get3A_3] : memref<512x4096xf32, #tpu.memory_space<vmem>>, vector<512x4096xf32>
    %dot_general3A = arith.constant dense<0.000000e+00> : vector<64x512xf32>
    %dot_general3A_5 = tpu.matmul %get3A_1, %get3A_4, %dot_general3A {dimension_numbers = #tpu.dot_dimension_numbers<[1], [1], [0], [0], [0, 0, 1, 0], [], []>, transpose_lhs_hint = false} : vector<64x4096xf32>, vector<512x4096xf32>, vector<64x512xf32> -> vector<64x512xf32>
    %get3A_6 = arith.constant 0 : index
    %get3A_7 = arith.constant 0 : index
    %get3A_8 = vector.load %arg3[%get3A_6, %get3A_7] : memref<1x512xf32, #tpu.memory_space<vmem>>, vector<1x512xf32>
    %add3A = vector.broadcast %get3A_8 : vector<1x512xf32> to vector<64x512xf32>
    %add3A_9 = arith.addf %dot_general3A_5, %add3A : vector<64x512xf32>
    %max3A = arith.constant 0.000000e+00 : f32
    %max3A_10 = vector.broadcast %max3A : f32 to vector<64x512xf32>
    %max3A_11 = arith.maximumf %add3A_9, %max3A_10 : vector<64x512xf32>
    %swap3A = arith.constant 0 : index
    %swap3A_12 = arith.constant 0 : index
    %swap3A_13 = vector.load %arg4[%swap3A, %swap3A_12] : memref<64x512xf32, #tpu.memory_space<vmem>>, vector<64x512xf32>
    tpu.vector_store %arg4[%swap3A, %swap3A_12], %max3A_11 {strides = array<i32>} : memref<64x512xf32, #tpu.memory_space<vmem>>, vector<64x512xf32>,
    %broadcast_in_dim3A = arith.constant 1.000000e+00 : f32
    %broadcast_in_dim3A_14 = vector.broadcast %broadcast_in_dim3A : f32 to vector<1x4096xf32>
    %get3A_15 = arith.constant 0 : index
    %get3A_16 = arith.constant 0 : index
    %get3A_17 = vector.load %arg2[%get3A_15, %get3A_16] : memref<512x4096xf32, #tpu.memory_space<vmem>>, vector<512x4096xf32>
    %dot_general3A_18 = arith.constant dense<0.000000e+00> : vector<1x512xf32>
    %dot_general3A_19 = tpu.matmul %broadcast_in_dim3A_14, %get3A_17, %dot_general3A_18 {dimension_numbers = #tpu.dot_dimension_numbers<[1], [1], [0], [0], [0, 0, 1, 0], [], []>, transpose_lhs_hint = false} : vector<1x4096xf32>, vector<512x4096xf32>, vector<1x512xf32> -> vector<1x512xf32>
    %get3A_20 = arith.constant 0 : index
    %get3A_21 = arith.constant 0 : index
    %get3A_22 = vector.load %arg3[%get3A_20, %get3A_21] : memref<1x512xf32, #tpu.memory_space<vmem>>, vector<1x512xf32>
    %add3A_23 = arith.addf %dot_general3A_19, %get3A_22 : vector<1x512xf32>
    %swap3A_24 = arith.constant 0 : index
    %swap3A_25 = arith.constant 0 : index
    %swap3A_26 = vector.load %arg5[%swap3A_24, %swap3A_25] : memref<1x512xf32, #tpu.memory_space<vmem>>, vector<1x512xf32>
    tpu.vector_store %arg5[%swap3A_24, %swap3A_25], %add3A_23 {strides = array<i32>} : memref<1x512xf32, #tpu.memory_space<vmem>>, vector<1x512xf32>,
    return
  }
  func.func @transform_0(%arg0: i32) -> (i32, i32) {
    %c0_i32 = arith.constant 0 : i32
    %c0_i32_0 = arith.constant 0 : i32
    %c0_i32_1 = arith.constant 0 : i32
    return %c0_i32, %c0_i32_0 : i32, i32
  }
  func.func @transform_1(%arg0: i32) -> (i32, i32) {
    %c0_i32 = arith.constant 0 : i32
    %c0_i32_0 = arith.constant 0 : i32
    return %arg0, %c0_i32 : i32, i32
  }
  func.func @transform_2(%arg0: i32) -> (i32, i32) {
    %c0_i32 = arith.constant 0 : i32
    %c0_i32_0 = arith.constant 0 : i32
    return %c0_i32, %arg0 : i32, i32
  }
  func.func @transform_3(%arg0: i32) -> (i32, i32) {
    %c0_i32 = arith.constant 0 : i32
    %c0_i32_0 = arith.constant 0 : i32
    return %c0_i32, %arg0 : i32, i32
  }
  func.func @transform_4(%arg0: i32) -> (i32, i32) {
    %c0_i32 = arith.constant 0 : i32
    %c0_i32_0 = arith.constant 0 : i32
    return %c0_i32, %arg0 : i32, i32
  }
}

module attributes {stable_mosaic.version = 14 : i64} {
  func.func @_topk_body(%arg0: memref<64x4096xf32, #tpu.memory_space<vmem>>, %arg1: memref<1x1xi32, #tpu.memory_space<vmem>>, %arg2: memref<32x32xi32, #tpu.memory_space<vmem>>, %arg3: memref<32x512xf32, #tpu.memory_space<vmem>>, %arg4: memref<32x4096xf32, #tpu.memory_space<vmem>>) attributes {dimension_semantics = [], scalar_prefetch = 0 : i64, scratch_operands = 0 : i64, tpu.core_type = #tpu.core_type<tc>} {
    %get3A = arith.constant 0 : index
    %get3A_0 = arith.constant 0 : index
    %get3A_1 = vector.load %arg0[%get3A, %get3A_0] : memref<64x4096xf32, #tpu.memory_space<vmem>>, vector<64x4096xf32>
    %reduce_max3A = arith.constant dense<0xFF800000> : vector<64xf32>
    %reduce_max3A_2 = vector.multi_reduction <maximumf>, %get3A_1, %reduce_max3A [1] : vector<64x4096xf32> to vector<64xf32>
    %broadcast_in_dim3A = vector.shape_cast %reduce_max3A_2 : vector<64xf32> to vector<64x1xf32>
    %sub3A = vector.broadcast %broadcast_in_dim3A : vector<64x1xf32> to vector<64x4096xf32>
    %sub3A_3 = arith.subf %get3A_1, %sub3A : vector<64x4096xf32>
    %exp3A = math.exp %sub3A_3 : vector<64x4096xf32>
    %reduce_sum3A = arith.constant dense<0.000000e+00> : vector<64xf32>
    %reduce_sum3A_4 = vector.multi_reduction <add>, %exp3A, %reduce_sum3A [1] : vector<64x4096xf32> to vector<64xf32>
    %broadcast_in_dim3A_5 = vector.shape_cast %reduce_sum3A_4 : vector<64xf32> to vector<64x1xf32>
    %div3A = vector.broadcast %broadcast_in_dim3A_5 : vector<64x1xf32> to vector<64x4096xf32>
    %div3A_6 = arith.divf %exp3A, %div3A : vector<64x4096xf32>
    %iota3A = tpu.iota {dimensions = array<i32: 1>} : vector<64x4096xi32>
    %ge3A = arith.constant 0.000000e+00 : f32
    %ge3A_7 = vector.broadcast %ge3A : f32 to vector<64x4096xf32>
    %ge3A_8 = arith.cmpf oge, %get3A_1, %ge3A_7 : vector<64x4096xf32>
    %add3A = arith.constant 9.99999997E-7 : f32
    %add3A_9 = vector.broadcast %add3A : f32 to vector<64x4096xf32>
    %add3A_10 = arith.addf %get3A_1, %add3A_9 : vector<64x4096xf32>
    %sub3A_11 = arith.constant 9.99999997E-7 : f32
    %sub3A_12 = vector.broadcast %sub3A_11 : f32 to vector<64x4096xf32>
    %sub3A_13 = arith.subf %get3A_1, %sub3A_12 : vector<64x4096xf32>
    %select_n3A = arith.select %ge3A_8, %add3A_10, %sub3A_13 : vector<64x4096xi1>, vector<64x4096xf32>
    %div3A_14 = arith.divf %div3A_6, %select_n3A : vector<64x4096xf32>
    %get3A_15 = arith.constant 0 : index
    %get3A_16 = arith.constant 0 : index
    %get3A_17 = vector.load %arg1[%get3A_15, %get3A_16] : memref<1x1xi32, #tpu.memory_space<vmem>>, vector<1x1xi32>
    %get3A_18 = vector.extract %get3A_17[0, 0] : i32 from vector<1x1xi32>
    %broadcast_in_dim3A_19 = arith.constant 0.000000e+00 : f32
    %broadcast_in_dim3A_20 = vector.broadcast %broadcast_in_dim3A_19 : f32 to vector<32x4096xf32>
    %reduce_max3A_21 = arith.constant dense<0xFF800000> : vector<64xf32>
    %reduce_max3A_22 = vector.multi_reduction <maximumf>, %div3A_6, %reduce_max3A_21 [1] : vector<64x4096xf32> to vector<64xf32>
    %broadcast_in_dim3A_23 = vector.shape_cast %reduce_max3A_22 : vector<64xf32> to vector<64x1xf32>
    %eq3A = vector.broadcast %broadcast_in_dim3A_23 : vector<64x1xf32> to vector<64x4096xf32>
    %eq3A_24 = arith.cmpf oeq, %div3A_6, %eq3A : vector<64x4096xf32>
    %jit3A = arith.constant 4096 : i32
    %broadcast_in_dim3A_25 = vector.broadcast %jit3A : i32 to vector<64x4096xi32>
    %select_n3A_26 = arith.select %eq3A_24, %iota3A, %broadcast_in_dim3A_25 : vector<64x4096xi1>, vector<64x4096xi32>
    %reduce_min3A = arith.constant dense<2147483647> : vector<64xi32>
    %reduce_min3A_27 = vector.multi_reduction <minsi>, %select_n3A_26, %reduce_min3A [1] : vector<64x4096xi32> to vector<64xi32>
    %broadcast_in_dim3A_28 = vector.shape_cast %reduce_min3A_27 : vector<64xi32> to vector<64x1xi32>
    %eq3A_29 = vector.broadcast %broadcast_in_dim3A_28 : vector<64x1xi32> to vector<64x4096xi32>
    %eq3A_30 = arith.cmpi eq, %iota3A, %eq3A_29 : vector<64x4096xi32>
    %jit3A_31 = arith.constant 0.000000e+00 : f32
    %broadcast_in_dim3A_32 = vector.broadcast %jit3A_31 : f32 to vector<64x4096xf32>
    %select_n3A_33 = arith.select %eq3A_30, %div3A_14, %broadcast_in_dim3A_32 : vector<64x4096xi1>, vector<64x4096xf32>
    %reduce_sum3A_34 = arith.constant dense<0.000000e+00> : vector<64xf32>
    %reduce_sum3A_35 = vector.multi_reduction <add>, %select_n3A_33, %reduce_sum3A_34 [1] : vector<64x4096xf32> to vector<64xf32>
    %broadcast_in_dim3A_36 = vector.shape_cast %reduce_sum3A_35 : vector<64xf32> to vector<64x1xf32>
    %gt3A = arith.constant 0 : i32
    %gt3A_37 = arith.cmpi sgt, %get3A_18, %gt3A : i32
    %jit3A_38 = arith.constant 0.000000e+00 : f32
    %broadcast_in_dim3A_39 = vector.broadcast %jit3A_38 : f32 to vector<64x1xf32>
    %select_n3A_40 = arith.select %gt3A_37, %broadcast_in_dim3A_36, %broadcast_in_dim3A_39 : vector<64x1xf32>
    %slice3A = vector.extract_strided_slice %broadcast_in_dim3A_28 {offsets = [0, 0], sizes = [32, 1], strides = [1, 1]} : vector<64x1xi32> to vector<32x1xi32>
    %slice3A_41 = vector.extract_strided_slice %select_n3A_40 {offsets = [0, 0], sizes = [32, 1], strides = [1, 1]} : vector<64x1xf32> to vector<32x1xf32>
    %broadcast_in_dim3A_42 = vector.shape_cast %slice3A_41 : vector<32x1xf32> to vector<32x1xf32>
    %broadcast_in_dim3A_43 = vector.broadcast %broadcast_in_dim3A_42 : vector<32x1xf32> to vector<32x16xf32>
    %slice3A_44 = vector.extract_strided_slice %eq3A_30 {offsets = [32, 0], sizes = [32, 4096], strides = [1, 1]} : vector<64x4096xi1> to vector<32x4096xi1>
    %slice3A_45 = vector.extract_strided_slice %select_n3A_40 {offsets = [32, 0], sizes = [32, 1], strides = [1, 1]} : vector<64x1xf32> to vector<32x1xf32>
    %jit3A_46 = arith.constant 0.000000e+00 : f32
    %broadcast_in_dim3A_47 = vector.shape_cast %slice3A_45 : vector<32x1xf32> to vector<32x1xf32>
    %broadcast_in_dim3A_48 = vector.broadcast %broadcast_in_dim3A_47 : vector<32x1xf32> to vector<32x4096xf32>
    %broadcast_in_dim3A_49 = vector.broadcast %jit3A_46 : f32 to vector<32x4096xf32>
    %select_n3A_50 = arith.select %slice3A_44, %broadcast_in_dim3A_48, %broadcast_in_dim3A_49 : vector<32x4096xi1>, vector<32x4096xf32>
    %add3A_51 = arith.addf %broadcast_in_dim3A_20, %select_n3A_50 : vector<32x4096xf32>
    %jit3A_52 = arith.constant -1.000000e+00 : f32
    %broadcast_in_dim3A_53 = vector.broadcast %jit3A_52 : f32 to vector<64x4096xf32>
    %select_n3A_54 = arith.select %eq3A_30, %broadcast_in_dim3A_53, %div3A_6 : vector<64x4096xi1>, vector<64x4096xf32>
    %reduce_max3A_55 = arith.constant dense<0xFF800000> : vector<64xf32>
    %reduce_max3A_56 = vector.multi_reduction <maximumf>, %select_n3A_54, %reduce_max3A_55 [1] : vector<64x4096xf32> to vector<64xf32>
    %broadcast_in_dim3A_57 = vector.shape_cast %reduce_max3A_56 : vector<64xf32> to vector<64x1xf32>
    %eq3A_58 = vector.broadcast %broadcast_in_dim3A_57 : vector<64x1xf32> to vector<64x4096xf32>
    %eq3A_59 = arith.cmpf oeq, %select_n3A_54, %eq3A_58 : vector<64x4096xf32>
    %jit3A_60 = arith.constant 4096 : i32
    %broadcast_in_dim3A_61 = vector.broadcast %jit3A_60 : i32 to vector<64x4096xi32>
    %select_n3A_62 = arith.select %eq3A_59, %iota3A, %broadcast_in_dim3A_61 : vector<64x4096xi1>, vector<64x4096xi32>
    %reduce_min3A_63 = arith.constant dense<2147483647> : vector<64xi32>
    %reduce_min3A_64 = vector.multi_reduction <minsi>, %select_n3A_62, %reduce_min3A_63 [1] : vector<64x4096xi32> to vector<64xi32>
    %broadcast_in_dim3A_65 = vector.shape_cast %reduce_min3A_64 : vector<64xi32> to vector<64x1xi32>
    %eq3A_66 = vector.broadcast %broadcast_in_dim3A_65 : vector<64x1xi32> to vector<64x4096xi32>
    %eq3A_67 = arith.cmpi eq, %iota3A, %eq3A_66 : vector<64x4096xi32>
    %jit3A_68 = arith.constant 0.000000e+00 : f32
    %broadcast_in_dim3A_69 = vector.broadcast %jit3A_68 : f32 to vector<64x4096xf32>
    %select_n3A_70 = arith.select %eq3A_67, %div3A_14, %broadcast_in_dim3A_69 : vector<64x4096xi1>, vector<64x4096xf32>
    %reduce_sum3A_71 = arith.constant dense<0.000000e+00> : vector<64xf32>
    %reduce_sum3A_72 = vector.multi_reduction <add>, %select_n3A_70, %reduce_sum3A_71 [1] : vector<64x4096xf32> to vector<64xf32>
    %broadcast_in_dim3A_73 = vector.shape_cast %reduce_sum3A_72 : vector<64xf32> to vector<64x1xf32>
    %gt3A_74 = arith.constant 1 : i32
    %gt3A_75 = arith.cmpi sgt, %get3A_18, %gt3A_74 : i32
    %jit3A_76 = arith.constant 0.000000e+00 : f32
    %broadcast_in_dim3A_77 = vector.broadcast %jit3A_76 : f32 to vector<64x1xf32>
    %select_n3A_78 = arith.select %gt3A_75, %broadcast_in_dim3A_73, %broadcast_in_dim3A_77 : vector<64x1xf32>
    %slice3A_79 = vector.extract_strided_slice %broadcast_in_dim3A_65 {offsets = [0, 0], sizes = [32, 1], strides = [1, 1]} : vector<64x1xi32> to vector<32x1xi32>
    %slice3A_80 = vector.extract_strided_slice %select_n3A_78 {offsets = [0, 0], sizes = [32, 1], strides = [1, 1]} : vector<64x1xf32> to vector<32x1xf32>
    %broadcast_in_dim3A_81 = vector.shape_cast %slice3A_80 : vector<32x1xf32> to vector<32x1xf32>
    %broadcast_in_dim3A_82 = vector.broadcast %broadcast_in_dim3A_81 : vector<32x1xf32> to vector<32x16xf32>
    %slice3A_83 = vector.extract_strided_slice %eq3A_67 {offsets = [32, 0], sizes = [32, 4096], strides = [1, 1]} : vector<64x4096xi1> to vector<32x4096xi1>
    %slice3A_84 = vector.extract_strided_slice %select_n3A_78 {offsets = [32, 0], sizes = [32, 1], strides = [1, 1]} : vector<64x1xf32> to vector<32x1xf32>
    %jit3A_85 = arith.constant 0.000000e+00 : f32
    %broadcast_in_dim3A_86 = vector.shape_cast %slice3A_84 : vector<32x1xf32> to vector<32x1xf32>
    %broadcast_in_dim3A_87 = vector.broadcast %broadcast_in_dim3A_86 : vector<32x1xf32> to vector<32x4096xf32>
    %broadcast_in_dim3A_88 = vector.broadcast %jit3A_85 : f32 to vector<32x4096xf32>
    %select_n3A_89 = arith.select %slice3A_83, %broadcast_in_dim3A_87, %broadcast_in_dim3A_88 : vector<32x4096xi1>, vector<32x4096xf32>
    %add3A_90 = arith.addf %add3A_51, %select_n3A_89 : vector<32x4096xf32>
    %jit3A_91 = arith.constant -1.000000e+00 : f32
    %broadcast_in_dim3A_92 = vector.broadcast %jit3A_91 : f32 to vector<64x4096xf32>
    %select_n3A_93 = arith.select %eq3A_67, %broadcast_in_dim3A_92, %select_n3A_54 : vector<64x4096xi1>, vector<64x4096xf32>
    %reduce_max3A_94 = arith.constant dense<0xFF800000> : vector<64xf32>
    %reduce_max3A_95 = vector.multi_reduction <maximumf>, %select_n3A_93, %reduce_max3A_94 [1] : vector<64x4096xf32> to vector<64xf32>
    %broadcast_in_dim3A_96 = vector.shape_cast %reduce_max3A_95 : vector<64xf32> to vector<64x1xf32>
    %eq3A_97 = vector.broadcast %broadcast_in_dim3A_96 : vector<64x1xf32> to vector<64x4096xf32>
    %eq3A_98 = arith.cmpf oeq, %select_n3A_93, %eq3A_97 : vector<64x4096xf32>
    %jit3A_99 = arith.constant 4096 : i32
    %broadcast_in_dim3A_100 = vector.broadcast %jit3A_99 : i32 to vector<64x4096xi32>
    %select_n3A_101 = arith.select %eq3A_98, %iota3A, %broadcast_in_dim3A_100 : vector<64x4096xi1>, vector<64x4096xi32>
    %reduce_min3A_102 = arith.constant dense<2147483647> : vector<64xi32>
    %reduce_min3A_103 = vector.multi_reduction <minsi>, %select_n3A_101, %reduce_min3A_102 [1] : vector<64x4096xi32> to vector<64xi32>
    %broadcast_in_dim3A_104 = vector.shape_cast %reduce_min3A_103 : vector<64xi32> to vector<64x1xi32>
    %eq3A_105 = vector.broadcast %broadcast_in_dim3A_104 : vector<64x1xi32> to vector<64x4096xi32>
    %eq3A_106 = arith.cmpi eq, %iota3A, %eq3A_105 : vector<64x4096xi32>
    %jit3A_107 = arith.constant 0.000000e+00 : f32
    %broadcast_in_dim3A_108 = vector.broadcast %jit3A_107 : f32 to vector<64x4096xf32>
    %select_n3A_109 = arith.select %eq3A_106, %div3A_14, %broadcast_in_dim3A_108 : vector<64x4096xi1>, vector<64x4096xf32>
    %reduce_sum3A_110 = arith.constant dense<0.000000e+00> : vector<64xf32>
    %reduce_sum3A_111 = vector.multi_reduction <add>, %select_n3A_109, %reduce_sum3A_110 [1] : vector<64x4096xf32> to vector<64xf32>
    %broadcast_in_dim3A_112 = vector.shape_cast %reduce_sum3A_111 : vector<64xf32> to vector<64x1xf32>
    %gt3A_113 = arith.constant 2 : i32
    %gt3A_114 = arith.cmpi sgt, %get3A_18, %gt3A_113 : i32
    %jit3A_115 = arith.constant 0.000000e+00 : f32
    %broadcast_in_dim3A_116 = vector.broadcast %jit3A_115 : f32 to vector<64x1xf32>
    %select_n3A_117 = arith.select %gt3A_114, %broadcast_in_dim3A_112, %broadcast_in_dim3A_116 : vector<64x1xf32>
    %slice3A_118 = vector.extract_strided_slice %broadcast_in_dim3A_104 {offsets = [0, 0], sizes = [32, 1], strides = [1, 1]} : vector<64x1xi32> to vector<32x1xi32>
    %slice3A_119 = vector.extract_strided_slice %select_n3A_117 {offsets = [0, 0], sizes = [32, 1], strides = [1, 1]} : vector<64x1xf32> to vector<32x1xf32>
    %broadcast_in_dim3A_120 = vector.shape_cast %slice3A_119 : vector<32x1xf32> to vector<32x1xf32>
    %broadcast_in_dim3A_121 = vector.broadcast %broadcast_in_dim3A_120 : vector<32x1xf32> to vector<32x16xf32>
    %slice3A_122 = vector.extract_strided_slice %eq3A_106 {offsets = [32, 0], sizes = [32, 4096], strides = [1, 1]} : vector<64x4096xi1> to vector<32x4096xi1>
    %slice3A_123 = vector.extract_strided_slice %select_n3A_117 {offsets = [32, 0], sizes = [32, 1], strides = [1, 1]} : vector<64x1xf32> to vector<32x1xf32>
    %jit3A_124 = arith.constant 0.000000e+00 : f32
    %broadcast_in_dim3A_125 = vector.shape_cast %slice3A_123 : vector<32x1xf32> to vector<32x1xf32>
    %broadcast_in_dim3A_126 = vector.broadcast %broadcast_in_dim3A_125 : vector<32x1xf32> to vector<32x4096xf32>
    %broadcast_in_dim3A_127 = vector.broadcast %jit3A_124 : f32 to vector<32x4096xf32>
    %select_n3A_128 = arith.select %slice3A_122, %broadcast_in_dim3A_126, %broadcast_in_dim3A_127 : vector<32x4096xi1>, vector<32x4096xf32>
    %add3A_129 = arith.addf %add3A_90, %select_n3A_128 : vector<32x4096xf32>
    %jit3A_130 = arith.constant -1.000000e+00 : f32
    %broadcast_in_dim3A_131 = vector.broadcast %jit3A_130 : f32 to vector<64x4096xf32>
    %select_n3A_132 = arith.select %eq3A_106, %broadcast_in_dim3A_131, %select_n3A_93 : vector<64x4096xi1>, vector<64x4096xf32>
    %reduce_max3A_133 = arith.constant dense<0xFF800000> : vector<64xf32>
    %reduce_max3A_134 = vector.multi_reduction <maximumf>, %select_n3A_132, %reduce_max3A_133 [1] : vector<64x4096xf32> to vector<64xf32>
    %broadcast_in_dim3A_135 = vector.shape_cast %reduce_max3A_134 : vector<64xf32> to vector<64x1xf32>
    %eq3A_136 = vector.broadcast %broadcast_in_dim3A_135 : vector<64x1xf32> to vector<64x4096xf32>
    %eq3A_137 = arith.cmpf oeq, %select_n3A_132, %eq3A_136 : vector<64x4096xf32>
    %jit3A_138 = arith.constant 4096 : i32
    %broadcast_in_dim3A_139 = vector.broadcast %jit3A_138 : i32 to vector<64x4096xi32>
    %select_n3A_140 = arith.select %eq3A_137, %iota3A, %broadcast_in_dim3A_139 : vector<64x4096xi1>, vector<64x4096xi32>
    %reduce_min3A_141 = arith.constant dense<2147483647> : vector<64xi32>
    %reduce_min3A_142 = vector.multi_reduction <minsi>, %select_n3A_140, %reduce_min3A_141 [1] : vector<64x4096xi32> to vector<64xi32>
    %broadcast_in_dim3A_143 = vector.shape_cast %reduce_min3A_142 : vector<64xi32> to vector<64x1xi32>
    %eq3A_144 = vector.broadcast %broadcast_in_dim3A_143 : vector<64x1xi32> to vector<64x4096xi32>
    %eq3A_145 = arith.cmpi eq, %iota3A, %eq3A_144 : vector<64x4096xi32>
    %jit3A_146 = arith.constant 0.000000e+00 : f32
    %broadcast_in_dim3A_147 = vector.broadcast %jit3A_146 : f32 to vector<64x4096xf32>
    %select_n3A_148 = arith.select %eq3A_145, %div3A_14, %broadcast_in_dim3A_147 : vector<64x4096xi1>, vector<64x4096xf32>
    %reduce_sum3A_149 = arith.constant dense<0.000000e+00> : vector<64xf32>
    %reduce_sum3A_150 = vector.multi_reduction <add>, %select_n3A_148, %reduce_sum3A_149 [1] : vector<64x4096xf32> to vector<64xf32>
    %broadcast_in_dim3A_151 = vector.shape_cast %reduce_sum3A_150 : vector<64xf32> to vector<64x1xf32>
    %gt3A_152 = arith.constant 3 : i32
    %gt3A_153 = arith.cmpi sgt, %get3A_18, %gt3A_152 : i32
    %jit3A_154 = arith.constant 0.000000e+00 : f32
    %broadcast_in_dim3A_155 = vector.broadcast %jit3A_154 : f32 to vector<64x1xf32>
    %select_n3A_156 = arith.select %gt3A_153, %broadcast_in_dim3A_151, %broadcast_in_dim3A_155 : vector<64x1xf32>
    %slice3A_157 = vector.extract_strided_slice %broadcast_in_dim3A_143 {offsets = [0, 0], sizes = [32, 1], strides = [1, 1]} : vector<64x1xi32> to vector<32x1xi32>
    %slice3A_158 = vector.extract_strided_slice %select_n3A_156 {offsets = [0, 0], sizes = [32, 1], strides = [1, 1]} : vector<64x1xf32> to vector<32x1xf32>
    %broadcast_in_dim3A_159 = vector.shape_cast %slice3A_158 : vector<32x1xf32> to vector<32x1xf32>
    %broadcast_in_dim3A_160 = vector.broadcast %broadcast_in_dim3A_159 : vector<32x1xf32> to vector<32x16xf32>
    %slice3A_161 = vector.extract_strided_slice %eq3A_145 {offsets = [32, 0], sizes = [32, 4096], strides = [1, 1]} : vector<64x4096xi1> to vector<32x4096xi1>
    %slice3A_162 = vector.extract_strided_slice %select_n3A_156 {offsets = [32, 0], sizes = [32, 1], strides = [1, 1]} : vector<64x1xf32> to vector<32x1xf32>
    %jit3A_163 = arith.constant 0.000000e+00 : f32
    %broadcast_in_dim3A_164 = vector.shape_cast %slice3A_162 : vector<32x1xf32> to vector<32x1xf32>
    %broadcast_in_dim3A_165 = vector.broadcast %broadcast_in_dim3A_164 : vector<32x1xf32> to vector<32x4096xf32>
    %broadcast_in_dim3A_166 = vector.broadcast %jit3A_163 : f32 to vector<32x4096xf32>
    %select_n3A_167 = arith.select %slice3A_161, %broadcast_in_dim3A_165, %broadcast_in_dim3A_166 : vector<32x4096xi1>, vector<32x4096xf32>
    %add3A_168 = arith.addf %add3A_129, %select_n3A_167 : vector<32x4096xf32>
    %jit3A_169 = arith.constant -1.000000e+00 : f32
    %broadcast_in_dim3A_170 = vector.broadcast %jit3A_169 : f32 to vector<64x4096xf32>
    %select_n3A_171 = arith.select %eq3A_145, %broadcast_in_dim3A_170, %select_n3A_132 : vector<64x4096xi1>, vector<64x4096xf32>
    %reduce_max3A_172 = arith.constant dense<0xFF800000> : vector<64xf32>
    %reduce_max3A_173 = vector.multi_reduction <maximumf>, %select_n3A_171, %reduce_max3A_172 [1] : vector<64x4096xf32> to vector<64xf32>
    %broadcast_in_dim3A_174 = vector.shape_cast %reduce_max3A_173 : vector<64xf32> to vector<64x1xf32>
    %eq3A_175 = vector.broadcast %broadcast_in_dim3A_174 : vector<64x1xf32> to vector<64x4096xf32>
    %eq3A_176 = arith.cmpf oeq, %select_n3A_171, %eq3A_175 : vector<64x4096xf32>
    %jit3A_177 = arith.constant 4096 : i32
    %broadcast_in_dim3A_178 = vector.broadcast %jit3A_177 : i32 to vector<64x4096xi32>
    %select_n3A_179 = arith.select %eq3A_176, %iota3A, %broadcast_in_dim3A_178 : vector<64x4096xi1>, vector<64x4096xi32>
    %reduce_min3A_180 = arith.constant dense<2147483647> : vector<64xi32>
    %reduce_min3A_181 = vector.multi_reduction <minsi>, %select_n3A_179, %reduce_min3A_180 [1] : vector<64x4096xi32> to vector<64xi32>
    %broadcast_in_dim3A_182 = vector.shape_cast %reduce_min3A_181 : vector<64xi32> to vector<64x1xi32>
    %eq3A_183 = vector.broadcast %broadcast_in_dim3A_182 : vector<64x1xi32> to vector<64x4096xi32>
    %eq3A_184 = arith.cmpi eq, %iota3A, %eq3A_183 : vector<64x4096xi32>
    %jit3A_185 = arith.constant 0.000000e+00 : f32
    %broadcast_in_dim3A_186 = vector.broadcast %jit3A_185 : f32 to vector<64x4096xf32>
    %select_n3A_187 = arith.select %eq3A_184, %div3A_14, %broadcast_in_dim3A_186 : vector<64x4096xi1>, vector<64x4096xf32>
    %reduce_sum3A_188 = arith.constant dense<0.000000e+00> : vector<64xf32>
    %reduce_sum3A_189 = vector.multi_reduction <add>, %select_n3A_187, %reduce_sum3A_188 [1] : vector<64x4096xf32> to vector<64xf32>
    %broadcast_in_dim3A_190 = vector.shape_cast %reduce_sum3A_189 : vector<64xf32> to vector<64x1xf32>
    %gt3A_191 = arith.constant 4 : i32
    %gt3A_192 = arith.cmpi sgt, %get3A_18, %gt3A_191 : i32
    %jit3A_193 = arith.constant 0.000000e+00 : f32
    %broadcast_in_dim3A_194 = vector.broadcast %jit3A_193 : f32 to vector<64x1xf32>
    %select_n3A_195 = arith.select %gt3A_192, %broadcast_in_dim3A_190, %broadcast_in_dim3A_194 : vector<64x1xf32>
    %slice3A_196 = vector.extract_strided_slice %broadcast_in_dim3A_182 {offsets = [0, 0], sizes = [32, 1], strides = [1, 1]} : vector<64x1xi32> to vector<32x1xi32>
    %slice3A_197 = vector.extract_strided_slice %select_n3A_195 {offsets = [0, 0], sizes = [32, 1], strides = [1, 1]} : vector<64x1xf32> to vector<32x1xf32>
    %broadcast_in_dim3A_198 = vector.shape_cast %slice3A_197 : vector<32x1xf32> to vector<32x1xf32>
    %broadcast_in_dim3A_199 = vector.broadcast %broadcast_in_dim3A_198 : vector<32x1xf32> to vector<32x16xf32>
    %slice3A_200 = vector.extract_strided_slice %eq3A_184 {offsets = [32, 0], sizes = [32, 4096], strides = [1, 1]} : vector<64x4096xi1> to vector<32x4096xi1>
    %slice3A_201 = vector.extract_strided_slice %select_n3A_195 {offsets = [32, 0], sizes = [32, 1], strides = [1, 1]} : vector<64x1xf32> to vector<32x1xf32>
    %jit3A_202 = arith.constant 0.000000e+00 : f32
    %broadcast_in_dim3A_203 = vector.shape_cast %slice3A_201 : vector<32x1xf32> to vector<32x1xf32>
    %broadcast_in_dim3A_204 = vector.broadcast %broadcast_in_dim3A_203 : vector<32x1xf32> to vector<32x4096xf32>
    %broadcast_in_dim3A_205 = vector.broadcast %jit3A_202 : f32 to vector<32x4096xf32>
    %select_n3A_206 = arith.select %slice3A_200, %broadcast_in_dim3A_204, %broadcast_in_dim3A_205 : vector<32x4096xi1>, vector<32x4096xf32>
    %add3A_207 = arith.addf %add3A_168, %select_n3A_206 : vector<32x4096xf32>
    %jit3A_208 = arith.constant -1.000000e+00 : f32
    %broadcast_in_dim3A_209 = vector.broadcast %jit3A_208 : f32 to vector<64x4096xf32>
    %select_n3A_210 = arith.select %eq3A_184, %broadcast_in_dim3A_209, %select_n3A_171 : vector<64x4096xi1>, vector<64x4096xf32>
    %reduce_max3A_211 = arith.constant dense<0xFF800000> : vector<64xf32>
    %reduce_max3A_212 = vector.multi_reduction <maximumf>, %select_n3A_210, %reduce_max3A_211 [1] : vector<64x4096xf32> to vector<64xf32>
    %broadcast_in_dim3A_213 = vector.shape_cast %reduce_max3A_212 : vector<64xf32> to vector<64x1xf32>
    %eq3A_214 = vector.broadcast %broadcast_in_dim3A_213 : vector<64x1xf32> to vector<64x4096xf32>
    %eq3A_215 = arith.cmpf oeq, %select_n3A_210, %eq3A_214 : vector<64x4096xf32>
    %jit3A_216 = arith.constant 4096 : i32
    %broadcast_in_dim3A_217 = vector.broadcast %jit3A_216 : i32 to vector<64x4096xi32>
    %select_n3A_218 = arith.select %eq3A_215, %iota3A, %broadcast_in_dim3A_217 : vector<64x4096xi1>, vector<64x4096xi32>
    %reduce_min3A_219 = arith.constant dense<2147483647> : vector<64xi32>
    %reduce_min3A_220 = vector.multi_reduction <minsi>, %select_n3A_218, %reduce_min3A_219 [1] : vector<64x4096xi32> to vector<64xi32>
    %broadcast_in_dim3A_221 = vector.shape_cast %reduce_min3A_220 : vector<64xi32> to vector<64x1xi32>
    %eq3A_222 = vector.broadcast %broadcast_in_dim3A_221 : vector<64x1xi32> to vector<64x4096xi32>
    %eq3A_223 = arith.cmpi eq, %iota3A, %eq3A_222 : vector<64x4096xi32>
    %jit3A_224 = arith.constant 0.000000e+00 : f32
    %broadcast_in_dim3A_225 = vector.broadcast %jit3A_224 : f32 to vector<64x4096xf32>
    %select_n3A_226 = arith.select %eq3A_223, %div3A_14, %broadcast_in_dim3A_225 : vector<64x4096xi1>, vector<64x4096xf32>
    %reduce_sum3A_227 = arith.constant dense<0.000000e+00> : vector<64xf32>
    %reduce_sum3A_228 = vector.multi_reduction <add>, %select_n3A_226, %reduce_sum3A_227 [1] : vector<64x4096xf32> to vector<64xf32>
    %broadcast_in_dim3A_229 = vector.shape_cast %reduce_sum3A_228 : vector<64xf32> to vector<64x1xf32>
    %gt3A_230 = arith.constant 5 : i32
    %gt3A_231 = arith.cmpi sgt, %get3A_18, %gt3A_230 : i32
    %jit3A_232 = arith.constant 0.000000e+00 : f32
    %broadcast_in_dim3A_233 = vector.broadcast %jit3A_232 : f32 to vector<64x1xf32>
    %select_n3A_234 = arith.select %gt3A_231, %broadcast_in_dim3A_229, %broadcast_in_dim3A_233 : vector<64x1xf32>
    %slice3A_235 = vector.extract_strided_slice %broadcast_in_dim3A_221 {offsets = [0, 0], sizes = [32, 1], strides = [1, 1]} : vector<64x1xi32> to vector<32x1xi32>
    %slice3A_236 = vector.extract_strided_slice %select_n3A_234 {offsets = [0, 0], sizes = [32, 1], strides = [1, 1]} : vector<64x1xf32> to vector<32x1xf32>
    %broadcast_in_dim3A_237 = vector.shape_cast %slice3A_236 : vector<32x1xf32> to vector<32x1xf32>
    %broadcast_in_dim3A_238 = vector.broadcast %broadcast_in_dim3A_237 : vector<32x1xf32> to vector<32x16xf32>
    %slice3A_239 = vector.extract_strided_slice %eq3A_223 {offsets = [32, 0], sizes = [32, 4096], strides = [1, 1]} : vector<64x4096xi1> to vector<32x4096xi1>
    %slice3A_240 = vector.extract_strided_slice %select_n3A_234 {offsets = [32, 0], sizes = [32, 1], strides = [1, 1]} : vector<64x1xf32> to vector<32x1xf32>
    %jit3A_241 = arith.constant 0.000000e+00 : f32
    %broadcast_in_dim3A_242 = vector.shape_cast %slice3A_240 : vector<32x1xf32> to vector<32x1xf32>
    %broadcast_in_dim3A_243 = vector.broadcast %broadcast_in_dim3A_242 : vector<32x1xf32> to vector<32x4096xf32>
    %broadcast_in_dim3A_244 = vector.broadcast %jit3A_241 : f32 to vector<32x4096xf32>
    %select_n3A_245 = arith.select %slice3A_239, %broadcast_in_dim3A_243, %broadcast_in_dim3A_244 : vector<32x4096xi1>, vector<32x4096xf32>
    %add3A_246 = arith.addf %add3A_207, %select_n3A_245 : vector<32x4096xf32>
    %jit3A_247 = arith.constant -1.000000e+00 : f32
    %broadcast_in_dim3A_248 = vector.broadcast %jit3A_247 : f32 to vector<64x4096xf32>
    %select_n3A_249 = arith.select %eq3A_223, %broadcast_in_dim3A_248, %select_n3A_210 : vector<64x4096xi1>, vector<64x4096xf32>
    %reduce_max3A_250 = arith.constant dense<0xFF800000> : vector<64xf32>
    %reduce_max3A_251 = vector.multi_reduction <maximumf>, %select_n3A_249, %reduce_max3A_250 [1] : vector<64x4096xf32> to vector<64xf32>
    %broadcast_in_dim3A_252 = vector.shape_cast %reduce_max3A_251 : vector<64xf32> to vector<64x1xf32>
    %eq3A_253 = vector.broadcast %broadcast_in_dim3A_252 : vector<64x1xf32> to vector<64x4096xf32>
    %eq3A_254 = arith.cmpf oeq, %select_n3A_249, %eq3A_253 : vector<64x4096xf32>
    %jit3A_255 = arith.constant 4096 : i32
    %broadcast_in_dim3A_256 = vector.broadcast %jit3A_255 : i32 to vector<64x4096xi32>
    %select_n3A_257 = arith.select %eq3A_254, %iota3A, %broadcast_in_dim3A_256 : vector<64x4096xi1>, vector<64x4096xi32>
    %reduce_min3A_258 = arith.constant dense<2147483647> : vector<64xi32>
    %reduce_min3A_259 = vector.multi_reduction <minsi>, %select_n3A_257, %reduce_min3A_258 [1] : vector<64x4096xi32> to vector<64xi32>
    %broadcast_in_dim3A_260 = vector.shape_cast %reduce_min3A_259 : vector<64xi32> to vector<64x1xi32>
    %eq3A_261 = vector.broadcast %broadcast_in_dim3A_260 : vector<64x1xi32> to vector<64x4096xi32>
    %eq3A_262 = arith.cmpi eq, %iota3A, %eq3A_261 : vector<64x4096xi32>
    %jit3A_263 = arith.constant 0.000000e+00 : f32
    %broadcast_in_dim3A_264 = vector.broadcast %jit3A_263 : f32 to vector<64x4096xf32>
    %select_n3A_265 = arith.select %eq3A_262, %div3A_14, %broadcast_in_dim3A_264 : vector<64x4096xi1>, vector<64x4096xf32>
    %reduce_sum3A_266 = arith.constant dense<0.000000e+00> : vector<64xf32>
    %reduce_sum3A_267 = vector.multi_reduction <add>, %select_n3A_265, %reduce_sum3A_266 [1] : vector<64x4096xf32> to vector<64xf32>
    %broadcast_in_dim3A_268 = vector.shape_cast %reduce_sum3A_267 : vector<64xf32> to vector<64x1xf32>
    %gt3A_269 = arith.constant 6 : i32
    %gt3A_270 = arith.cmpi sgt, %get3A_18, %gt3A_269 : i32
    %jit3A_271 = arith.constant 0.000000e+00 : f32
    %broadcast_in_dim3A_272 = vector.broadcast %jit3A_271 : f32 to vector<64x1xf32>
    %select_n3A_273 = arith.select %gt3A_270, %broadcast_in_dim3A_268, %broadcast_in_dim3A_272 : vector<64x1xf32>
    %slice3A_274 = vector.extract_strided_slice %broadcast_in_dim3A_260 {offsets = [0, 0], sizes = [32, 1], strides = [1, 1]} : vector<64x1xi32> to vector<32x1xi32>
    %slice3A_275 = vector.extract_strided_slice %select_n3A_273 {offsets = [0, 0], sizes = [32, 1], strides = [1, 1]} : vector<64x1xf32> to vector<32x1xf32>
    %broadcast_in_dim3A_276 = vector.shape_cast %slice3A_275 : vector<32x1xf32> to vector<32x1xf32>
    %broadcast_in_dim3A_277 = vector.broadcast %broadcast_in_dim3A_276 : vector<32x1xf32> to vector<32x16xf32>
    %slice3A_278 = vector.extract_strided_slice %eq3A_262 {offsets = [32, 0], sizes = [32, 4096], strides = [1, 1]} : vector<64x4096xi1> to vector<32x4096xi1>
    %slice3A_279 = vector.extract_strided_slice %select_n3A_273 {offsets = [32, 0], sizes = [32, 1], strides = [1, 1]} : vector<64x1xf32> to vector<32x1xf32>
    %jit3A_280 = arith.constant 0.000000e+00 : f32
    %broadcast_in_dim3A_281 = vector.shape_cast %slice3A_279 : vector<32x1xf32> to vector<32x1xf32>
    %broadcast_in_dim3A_282 = vector.broadcast %broadcast_in_dim3A_281 : vector<32x1xf32> to vector<32x4096xf32>
    %broadcast_in_dim3A_283 = vector.broadcast %jit3A_280 : f32 to vector<32x4096xf32>
    %select_n3A_284 = arith.select %slice3A_278, %broadcast_in_dim3A_282, %broadcast_in_dim3A_283 : vector<32x4096xi1>, vector<32x4096xf32>
    %add3A_285 = arith.addf %add3A_246, %select_n3A_284 : vector<32x4096xf32>
    %jit3A_286 = arith.constant -1.000000e+00 : f32
    %broadcast_in_dim3A_287 = vector.broadcast %jit3A_286 : f32 to vector<64x4096xf32>
    %select_n3A_288 = arith.select %eq3A_262, %broadcast_in_dim3A_287, %select_n3A_249 : vector<64x4096xi1>, vector<64x4096xf32>
    %reduce_max3A_289 = arith.constant dense<0xFF800000> : vector<64xf32>
    %reduce_max3A_290 = vector.multi_reduction <maximumf>, %select_n3A_288, %reduce_max3A_289 [1] : vector<64x4096xf32> to vector<64xf32>
    %broadcast_in_dim3A_291 = vector.shape_cast %reduce_max3A_290 : vector<64xf32> to vector<64x1xf32>
    %eq3A_292 = vector.broadcast %broadcast_in_dim3A_291 : vector<64x1xf32> to vector<64x4096xf32>
    %eq3A_293 = arith.cmpf oeq, %select_n3A_288, %eq3A_292 : vector<64x4096xf32>
    %jit3A_294 = arith.constant 4096 : i32
    %broadcast_in_dim3A_295 = vector.broadcast %jit3A_294 : i32 to vector<64x4096xi32>
    %select_n3A_296 = arith.select %eq3A_293, %iota3A, %broadcast_in_dim3A_295 : vector<64x4096xi1>, vector<64x4096xi32>
    %reduce_min3A_297 = arith.constant dense<2147483647> : vector<64xi32>
    %reduce_min3A_298 = vector.multi_reduction <minsi>, %select_n3A_296, %reduce_min3A_297 [1] : vector<64x4096xi32> to vector<64xi32>
    %broadcast_in_dim3A_299 = vector.shape_cast %reduce_min3A_298 : vector<64xi32> to vector<64x1xi32>
    %eq3A_300 = vector.broadcast %broadcast_in_dim3A_299 : vector<64x1xi32> to vector<64x4096xi32>
    %eq3A_301 = arith.cmpi eq, %iota3A, %eq3A_300 : vector<64x4096xi32>
    %jit3A_302 = arith.constant 0.000000e+00 : f32
    %broadcast_in_dim3A_303 = vector.broadcast %jit3A_302 : f32 to vector<64x4096xf32>
    %select_n3A_304 = arith.select %eq3A_301, %div3A_14, %broadcast_in_dim3A_303 : vector<64x4096xi1>, vector<64x4096xf32>
    %reduce_sum3A_305 = arith.constant dense<0.000000e+00> : vector<64xf32>
    %reduce_sum3A_306 = vector.multi_reduction <add>, %select_n3A_304, %reduce_sum3A_305 [1] : vector<64x4096xf32> to vector<64xf32>
    %broadcast_in_dim3A_307 = vector.shape_cast %reduce_sum3A_306 : vector<64xf32> to vector<64x1xf32>
    %gt3A_308 = arith.constant 7 : i32
    %gt3A_309 = arith.cmpi sgt, %get3A_18, %gt3A_308 : i32
    %jit3A_310 = arith.constant 0.000000e+00 : f32
    %broadcast_in_dim3A_311 = vector.broadcast %jit3A_310 : f32 to vector<64x1xf32>
    %select_n3A_312 = arith.select %gt3A_309, %broadcast_in_dim3A_307, %broadcast_in_dim3A_311 : vector<64x1xf32>
    %slice3A_313 = vector.extract_strided_slice %broadcast_in_dim3A_299 {offsets = [0, 0], sizes = [32, 1], strides = [1, 1]} : vector<64x1xi32> to vector<32x1xi32>
    %slice3A_314 = vector.extract_strided_slice %select_n3A_312 {offsets = [0, 0], sizes = [32, 1], strides = [1, 1]} : vector<64x1xf32> to vector<32x1xf32>
    %broadcast_in_dim3A_315 = vector.shape_cast %slice3A_314 : vector<32x1xf32> to vector<32x1xf32>
    %broadcast_in_dim3A_316 = vector.broadcast %broadcast_in_dim3A_315 : vector<32x1xf32> to vector<32x16xf32>
    %slice3A_317 = vector.extract_strided_slice %eq3A_301 {offsets = [32, 0], sizes = [32, 4096], strides = [1, 1]} : vector<64x4096xi1> to vector<32x4096xi1>
    %slice3A_318 = vector.extract_strided_slice %select_n3A_312 {offsets = [32, 0], sizes = [32, 1], strides = [1, 1]} : vector<64x1xf32> to vector<32x1xf32>
    %jit3A_319 = arith.constant 0.000000e+00 : f32
    %broadcast_in_dim3A_320 = vector.shape_cast %slice3A_318 : vector<32x1xf32> to vector<32x1xf32>
    %broadcast_in_dim3A_321 = vector.broadcast %broadcast_in_dim3A_320 : vector<32x1xf32> to vector<32x4096xf32>
    %broadcast_in_dim3A_322 = vector.broadcast %jit3A_319 : f32 to vector<32x4096xf32>
    %select_n3A_323 = arith.select %slice3A_317, %broadcast_in_dim3A_321, %broadcast_in_dim3A_322 : vector<32x4096xi1>, vector<32x4096xf32>
    %add3A_324 = arith.addf %add3A_285, %select_n3A_323 : vector<32x4096xf32>
    %jit3A_325 = arith.constant -1.000000e+00 : f32
    %broadcast_in_dim3A_326 = vector.broadcast %jit3A_325 : f32 to vector<64x4096xf32>
    %select_n3A_327 = arith.select %eq3A_301, %broadcast_in_dim3A_326, %select_n3A_288 : vector<64x4096xi1>, vector<64x4096xf32>
    %reduce_max3A_328 = arith.constant dense<0xFF800000> : vector<64xf32>
    %reduce_max3A_329 = vector.multi_reduction <maximumf>, %select_n3A_327, %reduce_max3A_328 [1] : vector<64x4096xf32> to vector<64xf32>
    %broadcast_in_dim3A_330 = vector.shape_cast %reduce_max3A_329 : vector<64xf32> to vector<64x1xf32>
    %eq3A_331 = vector.broadcast %broadcast_in_dim3A_330 : vector<64x1xf32> to vector<64x4096xf32>
    %eq3A_332 = arith.cmpf oeq, %select_n3A_327, %eq3A_331 : vector<64x4096xf32>
    %jit3A_333 = arith.constant 4096 : i32
    %broadcast_in_dim3A_334 = vector.broadcast %jit3A_333 : i32 to vector<64x4096xi32>
    %select_n3A_335 = arith.select %eq3A_332, %iota3A, %broadcast_in_dim3A_334 : vector<64x4096xi1>, vector<64x4096xi32>
    %reduce_min3A_336 = arith.constant dense<2147483647> : vector<64xi32>
    %reduce_min3A_337 = vector.multi_reduction <minsi>, %select_n3A_335, %reduce_min3A_336 [1] : vector<64x4096xi32> to vector<64xi32>
    %broadcast_in_dim3A_338 = vector.shape_cast %reduce_min3A_337 : vector<64xi32> to vector<64x1xi32>
    %eq3A_339 = vector.broadcast %broadcast_in_dim3A_338 : vector<64x1xi32> to vector<64x4096xi32>
    %eq3A_340 = arith.cmpi eq, %iota3A, %eq3A_339 : vector<64x4096xi32>
    %jit3A_341 = arith.constant 0.000000e+00 : f32
    %broadcast_in_dim3A_342 = vector.broadcast %jit3A_341 : f32 to vector<64x4096xf32>
    %select_n3A_343 = arith.select %eq3A_340, %div3A_14, %broadcast_in_dim3A_342 : vector<64x4096xi1>, vector<64x4096xf32>
    %reduce_sum3A_344 = arith.constant dense<0.000000e+00> : vector<64xf32>
    %reduce_sum3A_345 = vector.multi_reduction <add>, %select_n3A_343, %reduce_sum3A_344 [1] : vector<64x4096xf32> to vector<64xf32>
    %broadcast_in_dim3A_346 = vector.shape_cast %reduce_sum3A_345 : vector<64xf32> to vector<64x1xf32>
    %gt3A_347 = arith.constant 8 : i32
    %gt3A_348 = arith.cmpi sgt, %get3A_18, %gt3A_347 : i32
    %jit3A_349 = arith.constant 0.000000e+00 : f32
    %broadcast_in_dim3A_350 = vector.broadcast %jit3A_349 : f32 to vector<64x1xf32>
    %select_n3A_351 = arith.select %gt3A_348, %broadcast_in_dim3A_346, %broadcast_in_dim3A_350 : vector<64x1xf32>
    %slice3A_352 = vector.extract_strided_slice %broadcast_in_dim3A_338 {offsets = [0, 0], sizes = [32, 1], strides = [1, 1]} : vector<64x1xi32> to vector<32x1xi32>
    %slice3A_353 = vector.extract_strided_slice %select_n3A_351 {offsets = [0, 0], sizes = [32, 1], strides = [1, 1]} : vector<64x1xf32> to vector<32x1xf32>
    %broadcast_in_dim3A_354 = vector.shape_cast %slice3A_353 : vector<32x1xf32> to vector<32x1xf32>
    %broadcast_in_dim3A_355 = vector.broadcast %broadcast_in_dim3A_354 : vector<32x1xf32> to vector<32x16xf32>
    %slice3A_356 = vector.extract_strided_slice %eq3A_340 {offsets = [32, 0], sizes = [32, 4096], strides = [1, 1]} : vector<64x4096xi1> to vector<32x4096xi1>
    %slice3A_357 = vector.extract_strided_slice %select_n3A_351 {offsets = [32, 0], sizes = [32, 1], strides = [1, 1]} : vector<64x1xf32> to vector<32x1xf32>
    %jit3A_358 = arith.constant 0.000000e+00 : f32
    %broadcast_in_dim3A_359 = vector.shape_cast %slice3A_357 : vector<32x1xf32> to vector<32x1xf32>
    %broadcast_in_dim3A_360 = vector.broadcast %broadcast_in_dim3A_359 : vector<32x1xf32> to vector<32x4096xf32>
    %broadcast_in_dim3A_361 = vector.broadcast %jit3A_358 : f32 to vector<32x4096xf32>
    %select_n3A_362 = arith.select %slice3A_356, %broadcast_in_dim3A_360, %broadcast_in_dim3A_361 : vector<32x4096xi1>, vector<32x4096xf32>
    %add3A_363 = arith.addf %add3A_324, %select_n3A_362 : vector<32x4096xf32>
    %jit3A_364 = arith.constant -1.000000e+00 : f32
    %broadcast_in_dim3A_365 = vector.broadcast %jit3A_364 : f32 to vector<64x4096xf32>
    %select_n3A_366 = arith.select %eq3A_340, %broadcast_in_dim3A_365, %select_n3A_327 : vector<64x4096xi1>, vector<64x4096xf32>
    %reduce_max3A_367 = arith.constant dense<0xFF800000> : vector<64xf32>
    %reduce_max3A_368 = vector.multi_reduction <maximumf>, %select_n3A_366, %reduce_max3A_367 [1] : vector<64x4096xf32> to vector<64xf32>
    %broadcast_in_dim3A_369 = vector.shape_cast %reduce_max3A_368 : vector<64xf32> to vector<64x1xf32>
    %eq3A_370 = vector.broadcast %broadcast_in_dim3A_369 : vector<64x1xf32> to vector<64x4096xf32>
    %eq3A_371 = arith.cmpf oeq, %select_n3A_366, %eq3A_370 : vector<64x4096xf32>
    %jit3A_372 = arith.constant 4096 : i32
    %broadcast_in_dim3A_373 = vector.broadcast %jit3A_372 : i32 to vector<64x4096xi32>
    %select_n3A_374 = arith.select %eq3A_371, %iota3A, %broadcast_in_dim3A_373 : vector<64x4096xi1>, vector<64x4096xi32>
    %reduce_min3A_375 = arith.constant dense<2147483647> : vector<64xi32>
    %reduce_min3A_376 = vector.multi_reduction <minsi>, %select_n3A_374, %reduce_min3A_375 [1] : vector<64x4096xi32> to vector<64xi32>
    %broadcast_in_dim3A_377 = vector.shape_cast %reduce_min3A_376 : vector<64xi32> to vector<64x1xi32>
    %eq3A_378 = vector.broadcast %broadcast_in_dim3A_377 : vector<64x1xi32> to vector<64x4096xi32>
    %eq3A_379 = arith.cmpi eq, %iota3A, %eq3A_378 : vector<64x4096xi32>
    %jit3A_380 = arith.constant 0.000000e+00 : f32
    %broadcast_in_dim3A_381 = vector.broadcast %jit3A_380 : f32 to vector<64x4096xf32>
    %select_n3A_382 = arith.select %eq3A_379, %div3A_14, %broadcast_in_dim3A_381 : vector<64x4096xi1>, vector<64x4096xf32>
    %reduce_sum3A_383 = arith.constant dense<0.000000e+00> : vector<64xf32>
    %reduce_sum3A_384 = vector.multi_reduction <add>, %select_n3A_382, %reduce_sum3A_383 [1] : vector<64x4096xf32> to vector<64xf32>
    %broadcast_in_dim3A_385 = vector.shape_cast %reduce_sum3A_384 : vector<64xf32> to vector<64x1xf32>
    %gt3A_386 = arith.constant 9 : i32
    %gt3A_387 = arith.cmpi sgt, %get3A_18, %gt3A_386 : i32
    %jit3A_388 = arith.constant 0.000000e+00 : f32
    %broadcast_in_dim3A_389 = vector.broadcast %jit3A_388 : f32 to vector<64x1xf32>
    %select_n3A_390 = arith.select %gt3A_387, %broadcast_in_dim3A_385, %broadcast_in_dim3A_389 : vector<64x1xf32>
    %slice3A_391 = vector.extract_strided_slice %broadcast_in_dim3A_377 {offsets = [0, 0], sizes = [32, 1], strides = [1, 1]} : vector<64x1xi32> to vector<32x1xi32>
    %slice3A_392 = vector.extract_strided_slice %select_n3A_390 {offsets = [0, 0], sizes = [32, 1], strides = [1, 1]} : vector<64x1xf32> to vector<32x1xf32>
    %broadcast_in_dim3A_393 = vector.shape_cast %slice3A_392 : vector<32x1xf32> to vector<32x1xf32>
    %broadcast_in_dim3A_394 = vector.broadcast %broadcast_in_dim3A_393 : vector<32x1xf32> to vector<32x16xf32>
    %slice3A_395 = vector.extract_strided_slice %eq3A_379 {offsets = [32, 0], sizes = [32, 4096], strides = [1, 1]} : vector<64x4096xi1> to vector<32x4096xi1>
    %slice3A_396 = vector.extract_strided_slice %select_n3A_390 {offsets = [32, 0], sizes = [32, 1], strides = [1, 1]} : vector<64x1xf32> to vector<32x1xf32>
    %jit3A_397 = arith.constant 0.000000e+00 : f32
    %broadcast_in_dim3A_398 = vector.shape_cast %slice3A_396 : vector<32x1xf32> to vector<32x1xf32>
    %broadcast_in_dim3A_399 = vector.broadcast %broadcast_in_dim3A_398 : vector<32x1xf32> to vector<32x4096xf32>
    %broadcast_in_dim3A_400 = vector.broadcast %jit3A_397 : f32 to vector<32x4096xf32>
    %select_n3A_401 = arith.select %slice3A_395, %broadcast_in_dim3A_399, %broadcast_in_dim3A_400 : vector<32x4096xi1>, vector<32x4096xf32>
    %add3A_402 = arith.addf %add3A_363, %select_n3A_401 : vector<32x4096xf32>
    %jit3A_403 = arith.constant -1.000000e+00 : f32
    %broadcast_in_dim3A_404 = vector.broadcast %jit3A_403 : f32 to vector<64x4096xf32>
    %select_n3A_405 = arith.select %eq3A_379, %broadcast_in_dim3A_404, %select_n3A_366 : vector<64x4096xi1>, vector<64x4096xf32>
    %reduce_max3A_406 = arith.constant dense<0xFF800000> : vector<64xf32>
    %reduce_max3A_407 = vector.multi_reduction <maximumf>, %select_n3A_405, %reduce_max3A_406 [1] : vector<64x4096xf32> to vector<64xf32>
    %broadcast_in_dim3A_408 = vector.shape_cast %reduce_max3A_407 : vector<64xf32> to vector<64x1xf32>
    %eq3A_409 = vector.broadcast %broadcast_in_dim3A_408 : vector<64x1xf32> to vector<64x4096xf32>
    %eq3A_410 = arith.cmpf oeq, %select_n3A_405, %eq3A_409 : vector<64x4096xf32>
    %jit3A_411 = arith.constant 4096 : i32
    %broadcast_in_dim3A_412 = vector.broadcast %jit3A_411 : i32 to vector<64x4096xi32>
    %select_n3A_413 = arith.select %eq3A_410, %iota3A, %broadcast_in_dim3A_412 : vector<64x4096xi1>, vector<64x4096xi32>
    %reduce_min3A_414 = arith.constant dense<2147483647> : vector<64xi32>
    %reduce_min3A_415 = vector.multi_reduction <minsi>, %select_n3A_413, %reduce_min3A_414 [1] : vector<64x4096xi32> to vector<64xi32>
    %broadcast_in_dim3A_416 = vector.shape_cast %reduce_min3A_415 : vector<64xi32> to vector<64x1xi32>
    %eq3A_417 = vector.broadcast %broadcast_in_dim3A_416 : vector<64x1xi32> to vector<64x4096xi32>
    %eq3A_418 = arith.cmpi eq, %iota3A, %eq3A_417 : vector<64x4096xi32>
    %jit3A_419 = arith.constant 0.000000e+00 : f32
    %broadcast_in_dim3A_420 = vector.broadcast %jit3A_419 : f32 to vector<64x4096xf32>
    %select_n3A_421 = arith.select %eq3A_418, %div3A_14, %broadcast_in_dim3A_420 : vector<64x4096xi1>, vector<64x4096xf32>
    %reduce_sum3A_422 = arith.constant dense<0.000000e+00> : vector<64xf32>
    %reduce_sum3A_423 = vector.multi_reduction <add>, %select_n3A_421, %reduce_sum3A_422 [1] : vector<64x4096xf32> to vector<64xf32>
    %broadcast_in_dim3A_424 = vector.shape_cast %reduce_sum3A_423 : vector<64xf32> to vector<64x1xf32>
    %gt3A_425 = arith.constant 10 : i32
    %gt3A_426 = arith.cmpi sgt, %get3A_18, %gt3A_425 : i32
    %jit3A_427 = arith.constant 0.000000e+00 : f32
    %broadcast_in_dim3A_428 = vector.broadcast %jit3A_427 : f32 to vector<64x1xf32>
    %select_n3A_429 = arith.select %gt3A_426, %broadcast_in_dim3A_424, %broadcast_in_dim3A_428 : vector<64x1xf32>
    %slice3A_430 = vector.extract_strided_slice %broadcast_in_dim3A_416 {offsets = [0, 0], sizes = [32, 1], strides = [1, 1]} : vector<64x1xi32> to vector<32x1xi32>
    %slice3A_431 = vector.extract_strided_slice %select_n3A_429 {offsets = [0, 0], sizes = [32, 1], strides = [1, 1]} : vector<64x1xf32> to vector<32x1xf32>
    %broadcast_in_dim3A_432 = vector.shape_cast %slice3A_431 : vector<32x1xf32> to vector<32x1xf32>
    %broadcast_in_dim3A_433 = vector.broadcast %broadcast_in_dim3A_432 : vector<32x1xf32> to vector<32x16xf32>
    %slice3A_434 = vector.extract_strided_slice %eq3A_418 {offsets = [32, 0], sizes = [32, 4096], strides = [1, 1]} : vector<64x4096xi1> to vector<32x4096xi1>
    %slice3A_435 = vector.extract_strided_slice %select_n3A_429 {offsets = [32, 0], sizes = [32, 1], strides = [1, 1]} : vector<64x1xf32> to vector<32x1xf32>
    %jit3A_436 = arith.constant 0.000000e+00 : f32
    %broadcast_in_dim3A_437 = vector.shape_cast %slice3A_435 : vector<32x1xf32> to vector<32x1xf32>
    %broadcast_in_dim3A_438 = vector.broadcast %broadcast_in_dim3A_437 : vector<32x1xf32> to vector<32x4096xf32>
    %broadcast_in_dim3A_439 = vector.broadcast %jit3A_436 : f32 to vector<32x4096xf32>
    %select_n3A_440 = arith.select %slice3A_434, %broadcast_in_dim3A_438, %broadcast_in_dim3A_439 : vector<32x4096xi1>, vector<32x4096xf32>
    %add3A_441 = arith.addf %add3A_402, %select_n3A_440 : vector<32x4096xf32>
    %jit3A_442 = arith.constant -1.000000e+00 : f32
    %broadcast_in_dim3A_443 = vector.broadcast %jit3A_442 : f32 to vector<64x4096xf32>
    %select_n3A_444 = arith.select %eq3A_418, %broadcast_in_dim3A_443, %select_n3A_405 : vector<64x4096xi1>, vector<64x4096xf32>
    %reduce_max3A_445 = arith.constant dense<0xFF800000> : vector<64xf32>
    %reduce_max3A_446 = vector.multi_reduction <maximumf>, %select_n3A_444, %reduce_max3A_445 [1] : vector<64x4096xf32> to vector<64xf32>
    %broadcast_in_dim3A_447 = vector.shape_cast %reduce_max3A_446 : vector<64xf32> to vector<64x1xf32>
    %eq3A_448 = vector.broadcast %broadcast_in_dim3A_447 : vector<64x1xf32> to vector<64x4096xf32>
    %eq3A_449 = arith.cmpf oeq, %select_n3A_444, %eq3A_448 : vector<64x4096xf32>
    %jit3A_450 = arith.constant 4096 : i32
    %broadcast_in_dim3A_451 = vector.broadcast %jit3A_450 : i32 to vector<64x4096xi32>
    %select_n3A_452 = arith.select %eq3A_449, %iota3A, %broadcast_in_dim3A_451 : vector<64x4096xi1>, vector<64x4096xi32>
    %reduce_min3A_453 = arith.constant dense<2147483647> : vector<64xi32>
    %reduce_min3A_454 = vector.multi_reduction <minsi>, %select_n3A_452, %reduce_min3A_453 [1] : vector<64x4096xi32> to vector<64xi32>
    %broadcast_in_dim3A_455 = vector.shape_cast %reduce_min3A_454 : vector<64xi32> to vector<64x1xi32>
    %eq3A_456 = vector.broadcast %broadcast_in_dim3A_455 : vector<64x1xi32> to vector<64x4096xi32>
    %eq3A_457 = arith.cmpi eq, %iota3A, %eq3A_456 : vector<64x4096xi32>
    %jit3A_458 = arith.constant 0.000000e+00 : f32
    %broadcast_in_dim3A_459 = vector.broadcast %jit3A_458 : f32 to vector<64x4096xf32>
    %select_n3A_460 = arith.select %eq3A_457, %div3A_14, %broadcast_in_dim3A_459 : vector<64x4096xi1>, vector<64x4096xf32>
    %reduce_sum3A_461 = arith.constant dense<0.000000e+00> : vector<64xf32>
    %reduce_sum3A_462 = vector.multi_reduction <add>, %select_n3A_460, %reduce_sum3A_461 [1] : vector<64x4096xf32> to vector<64xf32>
    %broadcast_in_dim3A_463 = vector.shape_cast %reduce_sum3A_462 : vector<64xf32> to vector<64x1xf32>
    %gt3A_464 = arith.constant 11 : i32
    %gt3A_465 = arith.cmpi sgt, %get3A_18, %gt3A_464 : i32
    %jit3A_466 = arith.constant 0.000000e+00 : f32
    %broadcast_in_dim3A_467 = vector.broadcast %jit3A_466 : f32 to vector<64x1xf32>
    %select_n3A_468 = arith.select %gt3A_465, %broadcast_in_dim3A_463, %broadcast_in_dim3A_467 : vector<64x1xf32>
    %slice3A_469 = vector.extract_strided_slice %broadcast_in_dim3A_455 {offsets = [0, 0], sizes = [32, 1], strides = [1, 1]} : vector<64x1xi32> to vector<32x1xi32>
    %slice3A_470 = vector.extract_strided_slice %select_n3A_468 {offsets = [0, 0], sizes = [32, 1], strides = [1, 1]} : vector<64x1xf32> to vector<32x1xf32>
    %broadcast_in_dim3A_471 = vector.shape_cast %slice3A_470 : vector<32x1xf32> to vector<32x1xf32>
    %broadcast_in_dim3A_472 = vector.broadcast %broadcast_in_dim3A_471 : vector<32x1xf32> to vector<32x16xf32>
    %slice3A_473 = vector.extract_strided_slice %eq3A_457 {offsets = [32, 0], sizes = [32, 4096], strides = [1, 1]} : vector<64x4096xi1> to vector<32x4096xi1>
    %slice3A_474 = vector.extract_strided_slice %select_n3A_468 {offsets = [32, 0], sizes = [32, 1], strides = [1, 1]} : vector<64x1xf32> to vector<32x1xf32>
    %jit3A_475 = arith.constant 0.000000e+00 : f32
    %broadcast_in_dim3A_476 = vector.shape_cast %slice3A_474 : vector<32x1xf32> to vector<32x1xf32>
    %broadcast_in_dim3A_477 = vector.broadcast %broadcast_in_dim3A_476 : vector<32x1xf32> to vector<32x4096xf32>
    %broadcast_in_dim3A_478 = vector.broadcast %jit3A_475 : f32 to vector<32x4096xf32>
    %select_n3A_479 = arith.select %slice3A_473, %broadcast_in_dim3A_477, %broadcast_in_dim3A_478 : vector<32x4096xi1>, vector<32x4096xf32>
    %add3A_480 = arith.addf %add3A_441, %select_n3A_479 : vector<32x4096xf32>
    %jit3A_481 = arith.constant -1.000000e+00 : f32
    %broadcast_in_dim3A_482 = vector.broadcast %jit3A_481 : f32 to vector<64x4096xf32>
    %select_n3A_483 = arith.select %eq3A_457, %broadcast_in_dim3A_482, %select_n3A_444 : vector<64x4096xi1>, vector<64x4096xf32>
    %reduce_max3A_484 = arith.constant dense<0xFF800000> : vector<64xf32>
    %reduce_max3A_485 = vector.multi_reduction <maximumf>, %select_n3A_483, %reduce_max3A_484 [1] : vector<64x4096xf32> to vector<64xf32>
    %broadcast_in_dim3A_486 = vector.shape_cast %reduce_max3A_485 : vector<64xf32> to vector<64x1xf32>
    %eq3A_487 = vector.broadcast %broadcast_in_dim3A_486 : vector<64x1xf32> to vector<64x4096xf32>
    %eq3A_488 = arith.cmpf oeq, %select_n3A_483, %eq3A_487 : vector<64x4096xf32>
    %jit3A_489 = arith.constant 4096 : i32
    %broadcast_in_dim3A_490 = vector.broadcast %jit3A_489 : i32 to vector<64x4096xi32>
    %select_n3A_491 = arith.select %eq3A_488, %iota3A, %broadcast_in_dim3A_490 : vector<64x4096xi1>, vector<64x4096xi32>
    %reduce_min3A_492 = arith.constant dense<2147483647> : vector<64xi32>
    %reduce_min3A_493 = vector.multi_reduction <minsi>, %select_n3A_491, %reduce_min3A_492 [1] : vector<64x4096xi32> to vector<64xi32>
    %broadcast_in_dim3A_494 = vector.shape_cast %reduce_min3A_493 : vector<64xi32> to vector<64x1xi32>
    %eq3A_495 = vector.broadcast %broadcast_in_dim3A_494 : vector<64x1xi32> to vector<64x4096xi32>
    %eq3A_496 = arith.cmpi eq, %iota3A, %eq3A_495 : vector<64x4096xi32>
    %jit3A_497 = arith.constant 0.000000e+00 : f32
    %broadcast_in_dim3A_498 = vector.broadcast %jit3A_497 : f32 to vector<64x4096xf32>
    %select_n3A_499 = arith.select %eq3A_496, %div3A_14, %broadcast_in_dim3A_498 : vector<64x4096xi1>, vector<64x4096xf32>
    %reduce_sum3A_500 = arith.constant dense<0.000000e+00> : vector<64xf32>
    %reduce_sum3A_501 = vector.multi_reduction <add>, %select_n3A_499, %reduce_sum3A_500 [1] : vector<64x4096xf32> to vector<64xf32>
    %broadcast_in_dim3A_502 = vector.shape_cast %reduce_sum3A_501 : vector<64xf32> to vector<64x1xf32>
    %gt3A_503 = arith.constant 12 : i32
    %gt3A_504 = arith.cmpi sgt, %get3A_18, %gt3A_503 : i32
    %jit3A_505 = arith.constant 0.000000e+00 : f32
    %broadcast_in_dim3A_506 = vector.broadcast %jit3A_505 : f32 to vector<64x1xf32>
    %select_n3A_507 = arith.select %gt3A_504, %broadcast_in_dim3A_502, %broadcast_in_dim3A_506 : vector<64x1xf32>
    %slice3A_508 = vector.extract_strided_slice %broadcast_in_dim3A_494 {offsets = [0, 0], sizes = [32, 1], strides = [1, 1]} : vector<64x1xi32> to vector<32x1xi32>
    %slice3A_509 = vector.extract_strided_slice %select_n3A_507 {offsets = [0, 0], sizes = [32, 1], strides = [1, 1]} : vector<64x1xf32> to vector<32x1xf32>
    %broadcast_in_dim3A_510 = vector.shape_cast %slice3A_509 : vector<32x1xf32> to vector<32x1xf32>
    %broadcast_in_dim3A_511 = vector.broadcast %broadcast_in_dim3A_510 : vector<32x1xf32> to vector<32x16xf32>
    %slice3A_512 = vector.extract_strided_slice %eq3A_496 {offsets = [32, 0], sizes = [32, 4096], strides = [1, 1]} : vector<64x4096xi1> to vector<32x4096xi1>
    %slice3A_513 = vector.extract_strided_slice %select_n3A_507 {offsets = [32, 0], sizes = [32, 1], strides = [1, 1]} : vector<64x1xf32> to vector<32x1xf32>
    %jit3A_514 = arith.constant 0.000000e+00 : f32
    %broadcast_in_dim3A_515 = vector.shape_cast %slice3A_513 : vector<32x1xf32> to vector<32x1xf32>
    %broadcast_in_dim3A_516 = vector.broadcast %broadcast_in_dim3A_515 : vector<32x1xf32> to vector<32x4096xf32>
    %broadcast_in_dim3A_517 = vector.broadcast %jit3A_514 : f32 to vector<32x4096xf32>
    %select_n3A_518 = arith.select %slice3A_512, %broadcast_in_dim3A_516, %broadcast_in_dim3A_517 : vector<32x4096xi1>, vector<32x4096xf32>
    %add3A_519 = arith.addf %add3A_480, %select_n3A_518 : vector<32x4096xf32>
    %jit3A_520 = arith.constant -1.000000e+00 : f32
    %broadcast_in_dim3A_521 = vector.broadcast %jit3A_520 : f32 to vector<64x4096xf32>
    %select_n3A_522 = arith.select %eq3A_496, %broadcast_in_dim3A_521, %select_n3A_483 : vector<64x4096xi1>, vector<64x4096xf32>
    %reduce_max3A_523 = arith.constant dense<0xFF800000> : vector<64xf32>
    %reduce_max3A_524 = vector.multi_reduction <maximumf>, %select_n3A_522, %reduce_max3A_523 [1] : vector<64x4096xf32> to vector<64xf32>
    %broadcast_in_dim3A_525 = vector.shape_cast %reduce_max3A_524 : vector<64xf32> to vector<64x1xf32>
    %eq3A_526 = vector.broadcast %broadcast_in_dim3A_525 : vector<64x1xf32> to vector<64x4096xf32>
    %eq3A_527 = arith.cmpf oeq, %select_n3A_522, %eq3A_526 : vector<64x4096xf32>
    %jit3A_528 = arith.constant 4096 : i32
    %broadcast_in_dim3A_529 = vector.broadcast %jit3A_528 : i32 to vector<64x4096xi32>
    %select_n3A_530 = arith.select %eq3A_527, %iota3A, %broadcast_in_dim3A_529 : vector<64x4096xi1>, vector<64x4096xi32>
    %reduce_min3A_531 = arith.constant dense<2147483647> : vector<64xi32>
    %reduce_min3A_532 = vector.multi_reduction <minsi>, %select_n3A_530, %reduce_min3A_531 [1] : vector<64x4096xi32> to vector<64xi32>
    %broadcast_in_dim3A_533 = vector.shape_cast %reduce_min3A_532 : vector<64xi32> to vector<64x1xi32>
    %eq3A_534 = vector.broadcast %broadcast_in_dim3A_533 : vector<64x1xi32> to vector<64x4096xi32>
    %eq3A_535 = arith.cmpi eq, %iota3A, %eq3A_534 : vector<64x4096xi32>
    %jit3A_536 = arith.constant 0.000000e+00 : f32
    %broadcast_in_dim3A_537 = vector.broadcast %jit3A_536 : f32 to vector<64x4096xf32>
    %select_n3A_538 = arith.select %eq3A_535, %div3A_14, %broadcast_in_dim3A_537 : vector<64x4096xi1>, vector<64x4096xf32>
    %reduce_sum3A_539 = arith.constant dense<0.000000e+00> : vector<64xf32>
    %reduce_sum3A_540 = vector.multi_reduction <add>, %select_n3A_538, %reduce_sum3A_539 [1] : vector<64x4096xf32> to vector<64xf32>
    %broadcast_in_dim3A_541 = vector.shape_cast %reduce_sum3A_540 : vector<64xf32> to vector<64x1xf32>
    %gt3A_542 = arith.constant 13 : i32
    %gt3A_543 = arith.cmpi sgt, %get3A_18, %gt3A_542 : i32
    %jit3A_544 = arith.constant 0.000000e+00 : f32
    %broadcast_in_dim3A_545 = vector.broadcast %jit3A_544 : f32 to vector<64x1xf32>
    %select_n3A_546 = arith.select %gt3A_543, %broadcast_in_dim3A_541, %broadcast_in_dim3A_545 : vector<64x1xf32>
    %slice3A_547 = vector.extract_strided_slice %broadcast_in_dim3A_533 {offsets = [0, 0], sizes = [32, 1], strides = [1, 1]} : vector<64x1xi32> to vector<32x1xi32>
    %slice3A_548 = vector.extract_strided_slice %select_n3A_546 {offsets = [0, 0], sizes = [32, 1], strides = [1, 1]} : vector<64x1xf32> to vector<32x1xf32>
    %broadcast_in_dim3A_549 = vector.shape_cast %slice3A_548 : vector<32x1xf32> to vector<32x1xf32>
    %broadcast_in_dim3A_550 = vector.broadcast %broadcast_in_dim3A_549 : vector<32x1xf32> to vector<32x16xf32>
    %slice3A_551 = vector.extract_strided_slice %eq3A_535 {offsets = [32, 0], sizes = [32, 4096], strides = [1, 1]} : vector<64x4096xi1> to vector<32x4096xi1>
    %slice3A_552 = vector.extract_strided_slice %select_n3A_546 {offsets = [32, 0], sizes = [32, 1], strides = [1, 1]} : vector<64x1xf32> to vector<32x1xf32>
    %jit3A_553 = arith.constant 0.000000e+00 : f32
    %broadcast_in_dim3A_554 = vector.shape_cast %slice3A_552 : vector<32x1xf32> to vector<32x1xf32>
    %broadcast_in_dim3A_555 = vector.broadcast %broadcast_in_dim3A_554 : vector<32x1xf32> to vector<32x4096xf32>
    %broadcast_in_dim3A_556 = vector.broadcast %jit3A_553 : f32 to vector<32x4096xf32>
    %select_n3A_557 = arith.select %slice3A_551, %broadcast_in_dim3A_555, %broadcast_in_dim3A_556 : vector<32x4096xi1>, vector<32x4096xf32>
    %add3A_558 = arith.addf %add3A_519, %select_n3A_557 : vector<32x4096xf32>
    %jit3A_559 = arith.constant -1.000000e+00 : f32
    %broadcast_in_dim3A_560 = vector.broadcast %jit3A_559 : f32 to vector<64x4096xf32>
    %select_n3A_561 = arith.select %eq3A_535, %broadcast_in_dim3A_560, %select_n3A_522 : vector<64x4096xi1>, vector<64x4096xf32>
    %reduce_max3A_562 = arith.constant dense<0xFF800000> : vector<64xf32>
    %reduce_max3A_563 = vector.multi_reduction <maximumf>, %select_n3A_561, %reduce_max3A_562 [1] : vector<64x4096xf32> to vector<64xf32>
    %broadcast_in_dim3A_564 = vector.shape_cast %reduce_max3A_563 : vector<64xf32> to vector<64x1xf32>
    %eq3A_565 = vector.broadcast %broadcast_in_dim3A_564 : vector<64x1xf32> to vector<64x4096xf32>
    %eq3A_566 = arith.cmpf oeq, %select_n3A_561, %eq3A_565 : vector<64x4096xf32>
    %jit3A_567 = arith.constant 4096 : i32
    %broadcast_in_dim3A_568 = vector.broadcast %jit3A_567 : i32 to vector<64x4096xi32>
    %select_n3A_569 = arith.select %eq3A_566, %iota3A, %broadcast_in_dim3A_568 : vector<64x4096xi1>, vector<64x4096xi32>
    %reduce_min3A_570 = arith.constant dense<2147483647> : vector<64xi32>
    %reduce_min3A_571 = vector.multi_reduction <minsi>, %select_n3A_569, %reduce_min3A_570 [1] : vector<64x4096xi32> to vector<64xi32>
    %broadcast_in_dim3A_572 = vector.shape_cast %reduce_min3A_571 : vector<64xi32> to vector<64x1xi32>
    %eq3A_573 = vector.broadcast %broadcast_in_dim3A_572 : vector<64x1xi32> to vector<64x4096xi32>
    %eq3A_574 = arith.cmpi eq, %iota3A, %eq3A_573 : vector<64x4096xi32>
    %jit3A_575 = arith.constant 0.000000e+00 : f32
    %broadcast_in_dim3A_576 = vector.broadcast %jit3A_575 : f32 to vector<64x4096xf32>
    %select_n3A_577 = arith.select %eq3A_574, %div3A_14, %broadcast_in_dim3A_576 : vector<64x4096xi1>, vector<64x4096xf32>
    %reduce_sum3A_578 = arith.constant dense<0.000000e+00> : vector<64xf32>
    %reduce_sum3A_579 = vector.multi_reduction <add>, %select_n3A_577, %reduce_sum3A_578 [1] : vector<64x4096xf32> to vector<64xf32>
    %broadcast_in_dim3A_580 = vector.shape_cast %reduce_sum3A_579 : vector<64xf32> to vector<64x1xf32>
    %gt3A_581 = arith.constant 14 : i32
    %gt3A_582 = arith.cmpi sgt, %get3A_18, %gt3A_581 : i32
    %jit3A_583 = arith.constant 0.000000e+00 : f32
    %broadcast_in_dim3A_584 = vector.broadcast %jit3A_583 : f32 to vector<64x1xf32>
    %select_n3A_585 = arith.select %gt3A_582, %broadcast_in_dim3A_580, %broadcast_in_dim3A_584 : vector<64x1xf32>
    %slice3A_586 = vector.extract_strided_slice %broadcast_in_dim3A_572 {offsets = [0, 0], sizes = [32, 1], strides = [1, 1]} : vector<64x1xi32> to vector<32x1xi32>
    %slice3A_587 = vector.extract_strided_slice %select_n3A_585 {offsets = [0, 0], sizes = [32, 1], strides = [1, 1]} : vector<64x1xf32> to vector<32x1xf32>
    %broadcast_in_dim3A_588 = vector.shape_cast %slice3A_587 : vector<32x1xf32> to vector<32x1xf32>
    %broadcast_in_dim3A_589 = vector.broadcast %broadcast_in_dim3A_588 : vector<32x1xf32> to vector<32x16xf32>
    %slice3A_590 = vector.extract_strided_slice %eq3A_574 {offsets = [32, 0], sizes = [32, 4096], strides = [1, 1]} : vector<64x4096xi1> to vector<32x4096xi1>
    %slice3A_591 = vector.extract_strided_slice %select_n3A_585 {offsets = [32, 0], sizes = [32, 1], strides = [1, 1]} : vector<64x1xf32> to vector<32x1xf32>
    %jit3A_592 = arith.constant 0.000000e+00 : f32
    %broadcast_in_dim3A_593 = vector.shape_cast %slice3A_591 : vector<32x1xf32> to vector<32x1xf32>
    %broadcast_in_dim3A_594 = vector.broadcast %broadcast_in_dim3A_593 : vector<32x1xf32> to vector<32x4096xf32>
    %broadcast_in_dim3A_595 = vector.broadcast %jit3A_592 : f32 to vector<32x4096xf32>
    %select_n3A_596 = arith.select %slice3A_590, %broadcast_in_dim3A_594, %broadcast_in_dim3A_595 : vector<32x4096xi1>, vector<32x4096xf32>
    %add3A_597 = arith.addf %add3A_558, %select_n3A_596 : vector<32x4096xf32>
    %jit3A_598 = arith.constant -1.000000e+00 : f32
    %broadcast_in_dim3A_599 = vector.broadcast %jit3A_598 : f32 to vector<64x4096xf32>
    %select_n3A_600 = arith.select %eq3A_574, %broadcast_in_dim3A_599, %select_n3A_561 : vector<64x4096xi1>, vector<64x4096xf32>
    %reduce_max3A_601 = arith.constant dense<0xFF800000> : vector<64xf32>
    %reduce_max3A_602 = vector.multi_reduction <maximumf>, %select_n3A_600, %reduce_max3A_601 [1] : vector<64x4096xf32> to vector<64xf32>
    %broadcast_in_dim3A_603 = vector.shape_cast %reduce_max3A_602 : vector<64xf32> to vector<64x1xf32>
    %eq3A_604 = vector.broadcast %broadcast_in_dim3A_603 : vector<64x1xf32> to vector<64x4096xf32>
    %eq3A_605 = arith.cmpf oeq, %select_n3A_600, %eq3A_604 : vector<64x4096xf32>
    %jit3A_606 = arith.constant 4096 : i32
    %broadcast_in_dim3A_607 = vector.broadcast %jit3A_606 : i32 to vector<64x4096xi32>
    %select_n3A_608 = arith.select %eq3A_605, %iota3A, %broadcast_in_dim3A_607 : vector<64x4096xi1>, vector<64x4096xi32>
    %reduce_min3A_609 = arith.constant dense<2147483647> : vector<64xi32>
    %reduce_min3A_610 = vector.multi_reduction <minsi>, %select_n3A_608, %reduce_min3A_609 [1] : vector<64x4096xi32> to vector<64xi32>
    %broadcast_in_dim3A_611 = vector.shape_cast %reduce_min3A_610 : vector<64xi32> to vector<64x1xi32>
    %eq3A_612 = vector.broadcast %broadcast_in_dim3A_611 : vector<64x1xi32> to vector<64x4096xi32>
    %eq3A_613 = arith.cmpi eq, %iota3A, %eq3A_612 : vector<64x4096xi32>
    %jit3A_614 = arith.constant 0.000000e+00 : f32
    %broadcast_in_dim3A_615 = vector.broadcast %jit3A_614 : f32 to vector<64x4096xf32>
    %select_n3A_616 = arith.select %eq3A_613, %div3A_14, %broadcast_in_dim3A_615 : vector<64x4096xi1>, vector<64x4096xf32>
    %reduce_sum3A_617 = arith.constant dense<0.000000e+00> : vector<64xf32>
    %reduce_sum3A_618 = vector.multi_reduction <add>, %select_n3A_616, %reduce_sum3A_617 [1] : vector<64x4096xf32> to vector<64xf32>
    %broadcast_in_dim3A_619 = vector.shape_cast %reduce_sum3A_618 : vector<64xf32> to vector<64x1xf32>
    %gt3A_620 = arith.constant 15 : i32
    %gt3A_621 = arith.cmpi sgt, %get3A_18, %gt3A_620 : i32
    %jit3A_622 = arith.constant 0.000000e+00 : f32
    %broadcast_in_dim3A_623 = vector.broadcast %jit3A_622 : f32 to vector<64x1xf32>
    %select_n3A_624 = arith.select %gt3A_621, %broadcast_in_dim3A_619, %broadcast_in_dim3A_623 : vector<64x1xf32>
    %slice3A_625 = vector.extract_strided_slice %broadcast_in_dim3A_611 {offsets = [0, 0], sizes = [32, 1], strides = [1, 1]} : vector<64x1xi32> to vector<32x1xi32>
    %slice3A_626 = vector.extract_strided_slice %select_n3A_624 {offsets = [0, 0], sizes = [32, 1], strides = [1, 1]} : vector<64x1xf32> to vector<32x1xf32>
    %broadcast_in_dim3A_627 = vector.shape_cast %slice3A_626 : vector<32x1xf32> to vector<32x1xf32>
    %broadcast_in_dim3A_628 = vector.broadcast %broadcast_in_dim3A_627 : vector<32x1xf32> to vector<32x16xf32>
    %slice3A_629 = vector.extract_strided_slice %eq3A_613 {offsets = [32, 0], sizes = [32, 4096], strides = [1, 1]} : vector<64x4096xi1> to vector<32x4096xi1>
    %slice3A_630 = vector.extract_strided_slice %select_n3A_624 {offsets = [32, 0], sizes = [32, 1], strides = [1, 1]} : vector<64x1xf32> to vector<32x1xf32>
    %jit3A_631 = arith.constant 0.000000e+00 : f32
    %broadcast_in_dim3A_632 = vector.shape_cast %slice3A_630 : vector<32x1xf32> to vector<32x1xf32>
    %broadcast_in_dim3A_633 = vector.broadcast %broadcast_in_dim3A_632 : vector<32x1xf32> to vector<32x4096xf32>
    %broadcast_in_dim3A_634 = vector.broadcast %jit3A_631 : f32 to vector<32x4096xf32>
    %select_n3A_635 = arith.select %slice3A_629, %broadcast_in_dim3A_633, %broadcast_in_dim3A_634 : vector<32x4096xi1>, vector<32x4096xf32>
    %add3A_636 = arith.addf %add3A_597, %select_n3A_635 : vector<32x4096xf32>
    %jit3A_637 = arith.constant -1.000000e+00 : f32
    %broadcast_in_dim3A_638 = vector.broadcast %jit3A_637 : f32 to vector<64x4096xf32>
    %select_n3A_639 = arith.select %eq3A_613, %broadcast_in_dim3A_638, %select_n3A_600 : vector<64x4096xi1>, vector<64x4096xf32>
    %reduce_max3A_640 = arith.constant dense<0xFF800000> : vector<64xf32>
    %reduce_max3A_641 = vector.multi_reduction <maximumf>, %select_n3A_639, %reduce_max3A_640 [1] : vector<64x4096xf32> to vector<64xf32>
    %broadcast_in_dim3A_642 = vector.shape_cast %reduce_max3A_641 : vector<64xf32> to vector<64x1xf32>
    %eq3A_643 = vector.broadcast %broadcast_in_dim3A_642 : vector<64x1xf32> to vector<64x4096xf32>
    %eq3A_644 = arith.cmpf oeq, %select_n3A_639, %eq3A_643 : vector<64x4096xf32>
    %jit3A_645 = arith.constant 4096 : i32
    %broadcast_in_dim3A_646 = vector.broadcast %jit3A_645 : i32 to vector<64x4096xi32>
    %select_n3A_647 = arith.select %eq3A_644, %iota3A, %broadcast_in_dim3A_646 : vector<64x4096xi1>, vector<64x4096xi32>
    %reduce_min3A_648 = arith.constant dense<2147483647> : vector<64xi32>
    %reduce_min3A_649 = vector.multi_reduction <minsi>, %select_n3A_647, %reduce_min3A_648 [1] : vector<64x4096xi32> to vector<64xi32>
    %broadcast_in_dim3A_650 = vector.shape_cast %reduce_min3A_649 : vector<64xi32> to vector<64x1xi32>
    %eq3A_651 = vector.broadcast %broadcast_in_dim3A_650 : vector<64x1xi32> to vector<64x4096xi32>
    %eq3A_652 = arith.cmpi eq, %iota3A, %eq3A_651 : vector<64x4096xi32>
    %jit3A_653 = arith.constant 0.000000e+00 : f32
    %broadcast_in_dim3A_654 = vector.broadcast %jit3A_653 : f32 to vector<64x4096xf32>
    %select_n3A_655 = arith.select %eq3A_652, %div3A_14, %broadcast_in_dim3A_654 : vector<64x4096xi1>, vector<64x4096xf32>
    %reduce_sum3A_656 = arith.constant dense<0.000000e+00> : vector<64xf32>
    %reduce_sum3A_657 = vector.multi_reduction <add>, %select_n3A_655, %reduce_sum3A_656 [1] : vector<64x4096xf32> to vector<64xf32>
    %broadcast_in_dim3A_658 = vector.shape_cast %reduce_sum3A_657 : vector<64xf32> to vector<64x1xf32>
    %gt3A_659 = arith.constant 16 : i32
    %gt3A_660 = arith.cmpi sgt, %get3A_18, %gt3A_659 : i32
    %jit3A_661 = arith.constant 0.000000e+00 : f32
    %broadcast_in_dim3A_662 = vector.broadcast %jit3A_661 : f32 to vector<64x1xf32>
    %select_n3A_663 = arith.select %gt3A_660, %broadcast_in_dim3A_658, %broadcast_in_dim3A_662 : vector<64x1xf32>
    %slice3A_664 = vector.extract_strided_slice %broadcast_in_dim3A_650 {offsets = [0, 0], sizes = [32, 1], strides = [1, 1]} : vector<64x1xi32> to vector<32x1xi32>
    %slice3A_665 = vector.extract_strided_slice %select_n3A_663 {offsets = [0, 0], sizes = [32, 1], strides = [1, 1]} : vector<64x1xf32> to vector<32x1xf32>
    %broadcast_in_dim3A_666 = vector.shape_cast %slice3A_665 : vector<32x1xf32> to vector<32x1xf32>
    %broadcast_in_dim3A_667 = vector.broadcast %broadcast_in_dim3A_666 : vector<32x1xf32> to vector<32x16xf32>
    %slice3A_668 = vector.extract_strided_slice %eq3A_652 {offsets = [32, 0], sizes = [32, 4096], strides = [1, 1]} : vector<64x4096xi1> to vector<32x4096xi1>
    %slice3A_669 = vector.extract_strided_slice %select_n3A_663 {offsets = [32, 0], sizes = [32, 1], strides = [1, 1]} : vector<64x1xf32> to vector<32x1xf32>
    %jit3A_670 = arith.constant 0.000000e+00 : f32
    %broadcast_in_dim3A_671 = vector.shape_cast %slice3A_669 : vector<32x1xf32> to vector<32x1xf32>
    %broadcast_in_dim3A_672 = vector.broadcast %broadcast_in_dim3A_671 : vector<32x1xf32> to vector<32x4096xf32>
    %broadcast_in_dim3A_673 = vector.broadcast %jit3A_670 : f32 to vector<32x4096xf32>
    %select_n3A_674 = arith.select %slice3A_668, %broadcast_in_dim3A_672, %broadcast_in_dim3A_673 : vector<32x4096xi1>, vector<32x4096xf32>
    %add3A_675 = arith.addf %add3A_636, %select_n3A_674 : vector<32x4096xf32>
    %jit3A_676 = arith.constant -1.000000e+00 : f32
    %broadcast_in_dim3A_677 = vector.broadcast %jit3A_676 : f32 to vector<64x4096xf32>
    %select_n3A_678 = arith.select %eq3A_652, %broadcast_in_dim3A_677, %select_n3A_639 : vector<64x4096xi1>, vector<64x4096xf32>
    %reduce_max3A_679 = arith.constant dense<0xFF800000> : vector<64xf32>
    %reduce_max3A_680 = vector.multi_reduction <maximumf>, %select_n3A_678, %reduce_max3A_679 [1] : vector<64x4096xf32> to vector<64xf32>
    %broadcast_in_dim3A_681 = vector.shape_cast %reduce_max3A_680 : vector<64xf32> to vector<64x1xf32>
    %eq3A_682 = vector.broadcast %broadcast_in_dim3A_681 : vector<64x1xf32> to vector<64x4096xf32>
    %eq3A_683 = arith.cmpf oeq, %select_n3A_678, %eq3A_682 : vector<64x4096xf32>
    %jit3A_684 = arith.constant 4096 : i32
    %broadcast_in_dim3A_685 = vector.broadcast %jit3A_684 : i32 to vector<64x4096xi32>
    %select_n3A_686 = arith.select %eq3A_683, %iota3A, %broadcast_in_dim3A_685 : vector<64x4096xi1>, vector<64x4096xi32>
    %reduce_min3A_687 = arith.constant dense<2147483647> : vector<64xi32>
    %reduce_min3A_688 = vector.multi_reduction <minsi>, %select_n3A_686, %reduce_min3A_687 [1] : vector<64x4096xi32> to vector<64xi32>
    %broadcast_in_dim3A_689 = vector.shape_cast %reduce_min3A_688 : vector<64xi32> to vector<64x1xi32>
    %eq3A_690 = vector.broadcast %broadcast_in_dim3A_689 : vector<64x1xi32> to vector<64x4096xi32>
    %eq3A_691 = arith.cmpi eq, %iota3A, %eq3A_690 : vector<64x4096xi32>
    %jit3A_692 = arith.constant 0.000000e+00 : f32
    %broadcast_in_dim3A_693 = vector.broadcast %jit3A_692 : f32 to vector<64x4096xf32>
    %select_n3A_694 = arith.select %eq3A_691, %div3A_14, %broadcast_in_dim3A_693 : vector<64x4096xi1>, vector<64x4096xf32>
    %reduce_sum3A_695 = arith.constant dense<0.000000e+00> : vector<64xf32>
    %reduce_sum3A_696 = vector.multi_reduction <add>, %select_n3A_694, %reduce_sum3A_695 [1] : vector<64x4096xf32> to vector<64xf32>
    %broadcast_in_dim3A_697 = vector.shape_cast %reduce_sum3A_696 : vector<64xf32> to vector<64x1xf32>
    %gt3A_698 = arith.constant 17 : i32
    %gt3A_699 = arith.cmpi sgt, %get3A_18, %gt3A_698 : i32
    %jit3A_700 = arith.constant 0.000000e+00 : f32
    %broadcast_in_dim3A_701 = vector.broadcast %jit3A_700 : f32 to vector<64x1xf32>
    %select_n3A_702 = arith.select %gt3A_699, %broadcast_in_dim3A_697, %broadcast_in_dim3A_701 : vector<64x1xf32>
    %slice3A_703 = vector.extract_strided_slice %broadcast_in_dim3A_689 {offsets = [0, 0], sizes = [32, 1], strides = [1, 1]} : vector<64x1xi32> to vector<32x1xi32>
    %slice3A_704 = vector.extract_strided_slice %select_n3A_702 {offsets = [0, 0], sizes = [32, 1], strides = [1, 1]} : vector<64x1xf32> to vector<32x1xf32>
    %broadcast_in_dim3A_705 = vector.shape_cast %slice3A_704 : vector<32x1xf32> to vector<32x1xf32>
    %broadcast_in_dim3A_706 = vector.broadcast %broadcast_in_dim3A_705 : vector<32x1xf32> to vector<32x16xf32>
    %slice3A_707 = vector.extract_strided_slice %eq3A_691 {offsets = [32, 0], sizes = [32, 4096], strides = [1, 1]} : vector<64x4096xi1> to vector<32x4096xi1>
    %slice3A_708 = vector.extract_strided_slice %select_n3A_702 {offsets = [32, 0], sizes = [32, 1], strides = [1, 1]} : vector<64x1xf32> to vector<32x1xf32>
    %jit3A_709 = arith.constant 0.000000e+00 : f32
    %broadcast_in_dim3A_710 = vector.shape_cast %slice3A_708 : vector<32x1xf32> to vector<32x1xf32>
    %broadcast_in_dim3A_711 = vector.broadcast %broadcast_in_dim3A_710 : vector<32x1xf32> to vector<32x4096xf32>
    %broadcast_in_dim3A_712 = vector.broadcast %jit3A_709 : f32 to vector<32x4096xf32>
    %select_n3A_713 = arith.select %slice3A_707, %broadcast_in_dim3A_711, %broadcast_in_dim3A_712 : vector<32x4096xi1>, vector<32x4096xf32>
    %add3A_714 = arith.addf %add3A_675, %select_n3A_713 : vector<32x4096xf32>
    %jit3A_715 = arith.constant -1.000000e+00 : f32
    %broadcast_in_dim3A_716 = vector.broadcast %jit3A_715 : f32 to vector<64x4096xf32>
    %select_n3A_717 = arith.select %eq3A_691, %broadcast_in_dim3A_716, %select_n3A_678 : vector<64x4096xi1>, vector<64x4096xf32>
    %reduce_max3A_718 = arith.constant dense<0xFF800000> : vector<64xf32>
    %reduce_max3A_719 = vector.multi_reduction <maximumf>, %select_n3A_717, %reduce_max3A_718 [1] : vector<64x4096xf32> to vector<64xf32>
    %broadcast_in_dim3A_720 = vector.shape_cast %reduce_max3A_719 : vector<64xf32> to vector<64x1xf32>
    %eq3A_721 = vector.broadcast %broadcast_in_dim3A_720 : vector<64x1xf32> to vector<64x4096xf32>
    %eq3A_722 = arith.cmpf oeq, %select_n3A_717, %eq3A_721 : vector<64x4096xf32>
    %jit3A_723 = arith.constant 4096 : i32
    %broadcast_in_dim3A_724 = vector.broadcast %jit3A_723 : i32 to vector<64x4096xi32>
    %select_n3A_725 = arith.select %eq3A_722, %iota3A, %broadcast_in_dim3A_724 : vector<64x4096xi1>, vector<64x4096xi32>
    %reduce_min3A_726 = arith.constant dense<2147483647> : vector<64xi32>
    %reduce_min3A_727 = vector.multi_reduction <minsi>, %select_n3A_725, %reduce_min3A_726 [1] : vector<64x4096xi32> to vector<64xi32>
    %broadcast_in_dim3A_728 = vector.shape_cast %reduce_min3A_727 : vector<64xi32> to vector<64x1xi32>
    %eq3A_729 = vector.broadcast %broadcast_in_dim3A_728 : vector<64x1xi32> to vector<64x4096xi32>
    %eq3A_730 = arith.cmpi eq, %iota3A, %eq3A_729 : vector<64x4096xi32>
    %jit3A_731 = arith.constant 0.000000e+00 : f32
    %broadcast_in_dim3A_732 = vector.broadcast %jit3A_731 : f32 to vector<64x4096xf32>
    %select_n3A_733 = arith.select %eq3A_730, %div3A_14, %broadcast_in_dim3A_732 : vector<64x4096xi1>, vector<64x4096xf32>
    %reduce_sum3A_734 = arith.constant dense<0.000000e+00> : vector<64xf32>
    %reduce_sum3A_735 = vector.multi_reduction <add>, %select_n3A_733, %reduce_sum3A_734 [1] : vector<64x4096xf32> to vector<64xf32>
    %broadcast_in_dim3A_736 = vector.shape_cast %reduce_sum3A_735 : vector<64xf32> to vector<64x1xf32>
    %gt3A_737 = arith.constant 18 : i32
    %gt3A_738 = arith.cmpi sgt, %get3A_18, %gt3A_737 : i32
    %jit3A_739 = arith.constant 0.000000e+00 : f32
    %broadcast_in_dim3A_740 = vector.broadcast %jit3A_739 : f32 to vector<64x1xf32>
    %select_n3A_741 = arith.select %gt3A_738, %broadcast_in_dim3A_736, %broadcast_in_dim3A_740 : vector<64x1xf32>
    %slice3A_742 = vector.extract_strided_slice %broadcast_in_dim3A_728 {offsets = [0, 0], sizes = [32, 1], strides = [1, 1]} : vector<64x1xi32> to vector<32x1xi32>
    %slice3A_743 = vector.extract_strided_slice %select_n3A_741 {offsets = [0, 0], sizes = [32, 1], strides = [1, 1]} : vector<64x1xf32> to vector<32x1xf32>
    %broadcast_in_dim3A_744 = vector.shape_cast %slice3A_743 : vector<32x1xf32> to vector<32x1xf32>
    %broadcast_in_dim3A_745 = vector.broadcast %broadcast_in_dim3A_744 : vector<32x1xf32> to vector<32x16xf32>
    %slice3A_746 = vector.extract_strided_slice %eq3A_730 {offsets = [32, 0], sizes = [32, 4096], strides = [1, 1]} : vector<64x4096xi1> to vector<32x4096xi1>
    %slice3A_747 = vector.extract_strided_slice %select_n3A_741 {offsets = [32, 0], sizes = [32, 1], strides = [1, 1]} : vector<64x1xf32> to vector<32x1xf32>
    %jit3A_748 = arith.constant 0.000000e+00 : f32
    %broadcast_in_dim3A_749 = vector.shape_cast %slice3A_747 : vector<32x1xf32> to vector<32x1xf32>
    %broadcast_in_dim3A_750 = vector.broadcast %broadcast_in_dim3A_749 : vector<32x1xf32> to vector<32x4096xf32>
    %broadcast_in_dim3A_751 = vector.broadcast %jit3A_748 : f32 to vector<32x4096xf32>
    %select_n3A_752 = arith.select %slice3A_746, %broadcast_in_dim3A_750, %broadcast_in_dim3A_751 : vector<32x4096xi1>, vector<32x4096xf32>
    %add3A_753 = arith.addf %add3A_714, %select_n3A_752 : vector<32x4096xf32>
    %jit3A_754 = arith.constant -1.000000e+00 : f32
    %broadcast_in_dim3A_755 = vector.broadcast %jit3A_754 : f32 to vector<64x4096xf32>
    %select_n3A_756 = arith.select %eq3A_730, %broadcast_in_dim3A_755, %select_n3A_717 : vector<64x4096xi1>, vector<64x4096xf32>
    %reduce_max3A_757 = arith.constant dense<0xFF800000> : vector<64xf32>
    %reduce_max3A_758 = vector.multi_reduction <maximumf>, %select_n3A_756, %reduce_max3A_757 [1] : vector<64x4096xf32> to vector<64xf32>
    %broadcast_in_dim3A_759 = vector.shape_cast %reduce_max3A_758 : vector<64xf32> to vector<64x1xf32>
    %eq3A_760 = vector.broadcast %broadcast_in_dim3A_759 : vector<64x1xf32> to vector<64x4096xf32>
    %eq3A_761 = arith.cmpf oeq, %select_n3A_756, %eq3A_760 : vector<64x4096xf32>
    %jit3A_762 = arith.constant 4096 : i32
    %broadcast_in_dim3A_763 = vector.broadcast %jit3A_762 : i32 to vector<64x4096xi32>
    %select_n3A_764 = arith.select %eq3A_761, %iota3A, %broadcast_in_dim3A_763 : vector<64x4096xi1>, vector<64x4096xi32>
    %reduce_min3A_765 = arith.constant dense<2147483647> : vector<64xi32>
    %reduce_min3A_766 = vector.multi_reduction <minsi>, %select_n3A_764, %reduce_min3A_765 [1] : vector<64x4096xi32> to vector<64xi32>
    %broadcast_in_dim3A_767 = vector.shape_cast %reduce_min3A_766 : vector<64xi32> to vector<64x1xi32>
    %eq3A_768 = vector.broadcast %broadcast_in_dim3A_767 : vector<64x1xi32> to vector<64x4096xi32>
    %eq3A_769 = arith.cmpi eq, %iota3A, %eq3A_768 : vector<64x4096xi32>
    %jit3A_770 = arith.constant 0.000000e+00 : f32
    %broadcast_in_dim3A_771 = vector.broadcast %jit3A_770 : f32 to vector<64x4096xf32>
    %select_n3A_772 = arith.select %eq3A_769, %div3A_14, %broadcast_in_dim3A_771 : vector<64x4096xi1>, vector<64x4096xf32>
    %reduce_sum3A_773 = arith.constant dense<0.000000e+00> : vector<64xf32>
    %reduce_sum3A_774 = vector.multi_reduction <add>, %select_n3A_772, %reduce_sum3A_773 [1] : vector<64x4096xf32> to vector<64xf32>
    %broadcast_in_dim3A_775 = vector.shape_cast %reduce_sum3A_774 : vector<64xf32> to vector<64x1xf32>
    %gt3A_776 = arith.constant 19 : i32
    %gt3A_777 = arith.cmpi sgt, %get3A_18, %gt3A_776 : i32
    %jit3A_778 = arith.constant 0.000000e+00 : f32
    %broadcast_in_dim3A_779 = vector.broadcast %jit3A_778 : f32 to vector<64x1xf32>
    %select_n3A_780 = arith.select %gt3A_777, %broadcast_in_dim3A_775, %broadcast_in_dim3A_779 : vector<64x1xf32>
    %slice3A_781 = vector.extract_strided_slice %broadcast_in_dim3A_767 {offsets = [0, 0], sizes = [32, 1], strides = [1, 1]} : vector<64x1xi32> to vector<32x1xi32>
    %slice3A_782 = vector.extract_strided_slice %select_n3A_780 {offsets = [0, 0], sizes = [32, 1], strides = [1, 1]} : vector<64x1xf32> to vector<32x1xf32>
    %broadcast_in_dim3A_783 = vector.shape_cast %slice3A_782 : vector<32x1xf32> to vector<32x1xf32>
    %broadcast_in_dim3A_784 = vector.broadcast %broadcast_in_dim3A_783 : vector<32x1xf32> to vector<32x16xf32>
    %slice3A_785 = vector.extract_strided_slice %eq3A_769 {offsets = [32, 0], sizes = [32, 4096], strides = [1, 1]} : vector<64x4096xi1> to vector<32x4096xi1>
    %slice3A_786 = vector.extract_strided_slice %select_n3A_780 {offsets = [32, 0], sizes = [32, 1], strides = [1, 1]} : vector<64x1xf32> to vector<32x1xf32>
    %jit3A_787 = arith.constant 0.000000e+00 : f32
    %broadcast_in_dim3A_788 = vector.shape_cast %slice3A_786 : vector<32x1xf32> to vector<32x1xf32>
    %broadcast_in_dim3A_789 = vector.broadcast %broadcast_in_dim3A_788 : vector<32x1xf32> to vector<32x4096xf32>
    %broadcast_in_dim3A_790 = vector.broadcast %jit3A_787 : f32 to vector<32x4096xf32>
    %select_n3A_791 = arith.select %slice3A_785, %broadcast_in_dim3A_789, %broadcast_in_dim3A_790 : vector<32x4096xi1>, vector<32x4096xf32>
    %add3A_792 = arith.addf %add3A_753, %select_n3A_791 : vector<32x4096xf32>
    %jit3A_793 = arith.constant -1.000000e+00 : f32
    %broadcast_in_dim3A_794 = vector.broadcast %jit3A_793 : f32 to vector<64x4096xf32>
    %select_n3A_795 = arith.select %eq3A_769, %broadcast_in_dim3A_794, %select_n3A_756 : vector<64x4096xi1>, vector<64x4096xf32>
    %reduce_max3A_796 = arith.constant dense<0xFF800000> : vector<64xf32>
    %reduce_max3A_797 = vector.multi_reduction <maximumf>, %select_n3A_795, %reduce_max3A_796 [1] : vector<64x4096xf32> to vector<64xf32>
    %broadcast_in_dim3A_798 = vector.shape_cast %reduce_max3A_797 : vector<64xf32> to vector<64x1xf32>
    %eq3A_799 = vector.broadcast %broadcast_in_dim3A_798 : vector<64x1xf32> to vector<64x4096xf32>
    %eq3A_800 = arith.cmpf oeq, %select_n3A_795, %eq3A_799 : vector<64x4096xf32>
    %jit3A_801 = arith.constant 4096 : i32
    %broadcast_in_dim3A_802 = vector.broadcast %jit3A_801 : i32 to vector<64x4096xi32>
    %select_n3A_803 = arith.select %eq3A_800, %iota3A, %broadcast_in_dim3A_802 : vector<64x4096xi1>, vector<64x4096xi32>
    %reduce_min3A_804 = arith.constant dense<2147483647> : vector<64xi32>
    %reduce_min3A_805 = vector.multi_reduction <minsi>, %select_n3A_803, %reduce_min3A_804 [1] : vector<64x4096xi32> to vector<64xi32>
    %broadcast_in_dim3A_806 = vector.shape_cast %reduce_min3A_805 : vector<64xi32> to vector<64x1xi32>
    %eq3A_807 = vector.broadcast %broadcast_in_dim3A_806 : vector<64x1xi32> to vector<64x4096xi32>
    %eq3A_808 = arith.cmpi eq, %iota3A, %eq3A_807 : vector<64x4096xi32>
    %jit3A_809 = arith.constant 0.000000e+00 : f32
    %broadcast_in_dim3A_810 = vector.broadcast %jit3A_809 : f32 to vector<64x4096xf32>
    %select_n3A_811 = arith.select %eq3A_808, %div3A_14, %broadcast_in_dim3A_810 : vector<64x4096xi1>, vector<64x4096xf32>
    %reduce_sum3A_812 = arith.constant dense<0.000000e+00> : vector<64xf32>
    %reduce_sum3A_813 = vector.multi_reduction <add>, %select_n3A_811, %reduce_sum3A_812 [1] : vector<64x4096xf32> to vector<64xf32>
    %broadcast_in_dim3A_814 = vector.shape_cast %reduce_sum3A_813 : vector<64xf32> to vector<64x1xf32>
    %gt3A_815 = arith.constant 20 : i32
    %gt3A_816 = arith.cmpi sgt, %get3A_18, %gt3A_815 : i32
    %jit3A_817 = arith.constant 0.000000e+00 : f32
    %broadcast_in_dim3A_818 = vector.broadcast %jit3A_817 : f32 to vector<64x1xf32>
    %select_n3A_819 = arith.select %gt3A_816, %broadcast_in_dim3A_814, %broadcast_in_dim3A_818 : vector<64x1xf32>
    %slice3A_820 = vector.extract_strided_slice %broadcast_in_dim3A_806 {offsets = [0, 0], sizes = [32, 1], strides = [1, 1]} : vector<64x1xi32> to vector<32x1xi32>
    %slice3A_821 = vector.extract_strided_slice %select_n3A_819 {offsets = [0, 0], sizes = [32, 1], strides = [1, 1]} : vector<64x1xf32> to vector<32x1xf32>
    %broadcast_in_dim3A_822 = vector.shape_cast %slice3A_821 : vector<32x1xf32> to vector<32x1xf32>
    %broadcast_in_dim3A_823 = vector.broadcast %broadcast_in_dim3A_822 : vector<32x1xf32> to vector<32x16xf32>
    %slice3A_824 = vector.extract_strided_slice %eq3A_808 {offsets = [32, 0], sizes = [32, 4096], strides = [1, 1]} : vector<64x4096xi1> to vector<32x4096xi1>
    %slice3A_825 = vector.extract_strided_slice %select_n3A_819 {offsets = [32, 0], sizes = [32, 1], strides = [1, 1]} : vector<64x1xf32> to vector<32x1xf32>
    %jit3A_826 = arith.constant 0.000000e+00 : f32
    %broadcast_in_dim3A_827 = vector.shape_cast %slice3A_825 : vector<32x1xf32> to vector<32x1xf32>
    %broadcast_in_dim3A_828 = vector.broadcast %broadcast_in_dim3A_827 : vector<32x1xf32> to vector<32x4096xf32>
    %broadcast_in_dim3A_829 = vector.broadcast %jit3A_826 : f32 to vector<32x4096xf32>
    %select_n3A_830 = arith.select %slice3A_824, %broadcast_in_dim3A_828, %broadcast_in_dim3A_829 : vector<32x4096xi1>, vector<32x4096xf32>
    %add3A_831 = arith.addf %add3A_792, %select_n3A_830 : vector<32x4096xf32>
    %jit3A_832 = arith.constant -1.000000e+00 : f32
    %broadcast_in_dim3A_833 = vector.broadcast %jit3A_832 : f32 to vector<64x4096xf32>
    %select_n3A_834 = arith.select %eq3A_808, %broadcast_in_dim3A_833, %select_n3A_795 : vector<64x4096xi1>, vector<64x4096xf32>
    %reduce_max3A_835 = arith.constant dense<0xFF800000> : vector<64xf32>
    %reduce_max3A_836 = vector.multi_reduction <maximumf>, %select_n3A_834, %reduce_max3A_835 [1] : vector<64x4096xf32> to vector<64xf32>
    %broadcast_in_dim3A_837 = vector.shape_cast %reduce_max3A_836 : vector<64xf32> to vector<64x1xf32>
    %eq3A_838 = vector.broadcast %broadcast_in_dim3A_837 : vector<64x1xf32> to vector<64x4096xf32>
    %eq3A_839 = arith.cmpf oeq, %select_n3A_834, %eq3A_838 : vector<64x4096xf32>
    %jit3A_840 = arith.constant 4096 : i32
    %broadcast_in_dim3A_841 = vector.broadcast %jit3A_840 : i32 to vector<64x4096xi32>
    %select_n3A_842 = arith.select %eq3A_839, %iota3A, %broadcast_in_dim3A_841 : vector<64x4096xi1>, vector<64x4096xi32>
    %reduce_min3A_843 = arith.constant dense<2147483647> : vector<64xi32>
    %reduce_min3A_844 = vector.multi_reduction <minsi>, %select_n3A_842, %reduce_min3A_843 [1] : vector<64x4096xi32> to vector<64xi32>
    %broadcast_in_dim3A_845 = vector.shape_cast %reduce_min3A_844 : vector<64xi32> to vector<64x1xi32>
    %eq3A_846 = vector.broadcast %broadcast_in_dim3A_845 : vector<64x1xi32> to vector<64x4096xi32>
    %eq3A_847 = arith.cmpi eq, %iota3A, %eq3A_846 : vector<64x4096xi32>
    %jit3A_848 = arith.constant 0.000000e+00 : f32
    %broadcast_in_dim3A_849 = vector.broadcast %jit3A_848 : f32 to vector<64x4096xf32>
    %select_n3A_850 = arith.select %eq3A_847, %div3A_14, %broadcast_in_dim3A_849 : vector<64x4096xi1>, vector<64x4096xf32>
    %reduce_sum3A_851 = arith.constant dense<0.000000e+00> : vector<64xf32>
    %reduce_sum3A_852 = vector.multi_reduction <add>, %select_n3A_850, %reduce_sum3A_851 [1] : vector<64x4096xf32> to vector<64xf32>
    %broadcast_in_dim3A_853 = vector.shape_cast %reduce_sum3A_852 : vector<64xf32> to vector<64x1xf32>
    %gt3A_854 = arith.constant 21 : i32
    %gt3A_855 = arith.cmpi sgt, %get3A_18, %gt3A_854 : i32
    %jit3A_856 = arith.constant 0.000000e+00 : f32
    %broadcast_in_dim3A_857 = vector.broadcast %jit3A_856 : f32 to vector<64x1xf32>
    %select_n3A_858 = arith.select %gt3A_855, %broadcast_in_dim3A_853, %broadcast_in_dim3A_857 : vector<64x1xf32>
    %slice3A_859 = vector.extract_strided_slice %broadcast_in_dim3A_845 {offsets = [0, 0], sizes = [32, 1], strides = [1, 1]} : vector<64x1xi32> to vector<32x1xi32>
    %slice3A_860 = vector.extract_strided_slice %select_n3A_858 {offsets = [0, 0], sizes = [32, 1], strides = [1, 1]} : vector<64x1xf32> to vector<32x1xf32>
    %broadcast_in_dim3A_861 = vector.shape_cast %slice3A_860 : vector<32x1xf32> to vector<32x1xf32>
    %broadcast_in_dim3A_862 = vector.broadcast %broadcast_in_dim3A_861 : vector<32x1xf32> to vector<32x16xf32>
    %slice3A_863 = vector.extract_strided_slice %eq3A_847 {offsets = [32, 0], sizes = [32, 4096], strides = [1, 1]} : vector<64x4096xi1> to vector<32x4096xi1>
    %slice3A_864 = vector.extract_strided_slice %select_n3A_858 {offsets = [32, 0], sizes = [32, 1], strides = [1, 1]} : vector<64x1xf32> to vector<32x1xf32>
    %jit3A_865 = arith.constant 0.000000e+00 : f32
    %broadcast_in_dim3A_866 = vector.shape_cast %slice3A_864 : vector<32x1xf32> to vector<32x1xf32>
    %broadcast_in_dim3A_867 = vector.broadcast %broadcast_in_dim3A_866 : vector<32x1xf32> to vector<32x4096xf32>
    %broadcast_in_dim3A_868 = vector.broadcast %jit3A_865 : f32 to vector<32x4096xf32>
    %select_n3A_869 = arith.select %slice3A_863, %broadcast_in_dim3A_867, %broadcast_in_dim3A_868 : vector<32x4096xi1>, vector<32x4096xf32>
    %add3A_870 = arith.addf %add3A_831, %select_n3A_869 : vector<32x4096xf32>
    %jit3A_871 = arith.constant -1.000000e+00 : f32
    %broadcast_in_dim3A_872 = vector.broadcast %jit3A_871 : f32 to vector<64x4096xf32>
    %select_n3A_873 = arith.select %eq3A_847, %broadcast_in_dim3A_872, %select_n3A_834 : vector<64x4096xi1>, vector<64x4096xf32>
    %reduce_max3A_874 = arith.constant dense<0xFF800000> : vector<64xf32>
    %reduce_max3A_875 = vector.multi_reduction <maximumf>, %select_n3A_873, %reduce_max3A_874 [1] : vector<64x4096xf32> to vector<64xf32>
    %broadcast_in_dim3A_876 = vector.shape_cast %reduce_max3A_875 : vector<64xf32> to vector<64x1xf32>
    %eq3A_877 = vector.broadcast %broadcast_in_dim3A_876 : vector<64x1xf32> to vector<64x4096xf32>
    %eq3A_878 = arith.cmpf oeq, %select_n3A_873, %eq3A_877 : vector<64x4096xf32>
    %jit3A_879 = arith.constant 4096 : i32
    %broadcast_in_dim3A_880 = vector.broadcast %jit3A_879 : i32 to vector<64x4096xi32>
    %select_n3A_881 = arith.select %eq3A_878, %iota3A, %broadcast_in_dim3A_880 : vector<64x4096xi1>, vector<64x4096xi32>
    %reduce_min3A_882 = arith.constant dense<2147483647> : vector<64xi32>
    %reduce_min3A_883 = vector.multi_reduction <minsi>, %select_n3A_881, %reduce_min3A_882 [1] : vector<64x4096xi32> to vector<64xi32>
    %broadcast_in_dim3A_884 = vector.shape_cast %reduce_min3A_883 : vector<64xi32> to vector<64x1xi32>
    %eq3A_885 = vector.broadcast %broadcast_in_dim3A_884 : vector<64x1xi32> to vector<64x4096xi32>
    %eq3A_886 = arith.cmpi eq, %iota3A, %eq3A_885 : vector<64x4096xi32>
    %jit3A_887 = arith.constant 0.000000e+00 : f32
    %broadcast_in_dim3A_888 = vector.broadcast %jit3A_887 : f32 to vector<64x4096xf32>
    %select_n3A_889 = arith.select %eq3A_886, %div3A_14, %broadcast_in_dim3A_888 : vector<64x4096xi1>, vector<64x4096xf32>
    %reduce_sum3A_890 = arith.constant dense<0.000000e+00> : vector<64xf32>
    %reduce_sum3A_891 = vector.multi_reduction <add>, %select_n3A_889, %reduce_sum3A_890 [1] : vector<64x4096xf32> to vector<64xf32>
    %broadcast_in_dim3A_892 = vector.shape_cast %reduce_sum3A_891 : vector<64xf32> to vector<64x1xf32>
    %gt3A_893 = arith.constant 22 : i32
    %gt3A_894 = arith.cmpi sgt, %get3A_18, %gt3A_893 : i32
    %jit3A_895 = arith.constant 0.000000e+00 : f32
    %broadcast_in_dim3A_896 = vector.broadcast %jit3A_895 : f32 to vector<64x1xf32>
    %select_n3A_897 = arith.select %gt3A_894, %broadcast_in_dim3A_892, %broadcast_in_dim3A_896 : vector<64x1xf32>
    %slice3A_898 = vector.extract_strided_slice %broadcast_in_dim3A_884 {offsets = [0, 0], sizes = [32, 1], strides = [1, 1]} : vector<64x1xi32> to vector<32x1xi32>
    %slice3A_899 = vector.extract_strided_slice %select_n3A_897 {offsets = [0, 0], sizes = [32, 1], strides = [1, 1]} : vector<64x1xf32> to vector<32x1xf32>
    %broadcast_in_dim3A_900 = vector.shape_cast %slice3A_899 : vector<32x1xf32> to vector<32x1xf32>
    %broadcast_in_dim3A_901 = vector.broadcast %broadcast_in_dim3A_900 : vector<32x1xf32> to vector<32x16xf32>
    %slice3A_902 = vector.extract_strided_slice %eq3A_886 {offsets = [32, 0], sizes = [32, 4096], strides = [1, 1]} : vector<64x4096xi1> to vector<32x4096xi1>
    %slice3A_903 = vector.extract_strided_slice %select_n3A_897 {offsets = [32, 0], sizes = [32, 1], strides = [1, 1]} : vector<64x1xf32> to vector<32x1xf32>
    %jit3A_904 = arith.constant 0.000000e+00 : f32
    %broadcast_in_dim3A_905 = vector.shape_cast %slice3A_903 : vector<32x1xf32> to vector<32x1xf32>
    %broadcast_in_dim3A_906 = vector.broadcast %broadcast_in_dim3A_905 : vector<32x1xf32> to vector<32x4096xf32>
    %broadcast_in_dim3A_907 = vector.broadcast %jit3A_904 : f32 to vector<32x4096xf32>
    %select_n3A_908 = arith.select %slice3A_902, %broadcast_in_dim3A_906, %broadcast_in_dim3A_907 : vector<32x4096xi1>, vector<32x4096xf32>
    %add3A_909 = arith.addf %add3A_870, %select_n3A_908 : vector<32x4096xf32>
    %jit3A_910 = arith.constant -1.000000e+00 : f32
    %broadcast_in_dim3A_911 = vector.broadcast %jit3A_910 : f32 to vector<64x4096xf32>
    %select_n3A_912 = arith.select %eq3A_886, %broadcast_in_dim3A_911, %select_n3A_873 : vector<64x4096xi1>, vector<64x4096xf32>
    %reduce_max3A_913 = arith.constant dense<0xFF800000> : vector<64xf32>
    %reduce_max3A_914 = vector.multi_reduction <maximumf>, %select_n3A_912, %reduce_max3A_913 [1] : vector<64x4096xf32> to vector<64xf32>
    %broadcast_in_dim3A_915 = vector.shape_cast %reduce_max3A_914 : vector<64xf32> to vector<64x1xf32>
    %eq3A_916 = vector.broadcast %broadcast_in_dim3A_915 : vector<64x1xf32> to vector<64x4096xf32>
    %eq3A_917 = arith.cmpf oeq, %select_n3A_912, %eq3A_916 : vector<64x4096xf32>
    %jit3A_918 = arith.constant 4096 : i32
    %broadcast_in_dim3A_919 = vector.broadcast %jit3A_918 : i32 to vector<64x4096xi32>
    %select_n3A_920 = arith.select %eq3A_917, %iota3A, %broadcast_in_dim3A_919 : vector<64x4096xi1>, vector<64x4096xi32>
    %reduce_min3A_921 = arith.constant dense<2147483647> : vector<64xi32>
    %reduce_min3A_922 = vector.multi_reduction <minsi>, %select_n3A_920, %reduce_min3A_921 [1] : vector<64x4096xi32> to vector<64xi32>
    %broadcast_in_dim3A_923 = vector.shape_cast %reduce_min3A_922 : vector<64xi32> to vector<64x1xi32>
    %eq3A_924 = vector.broadcast %broadcast_in_dim3A_923 : vector<64x1xi32> to vector<64x4096xi32>
    %eq3A_925 = arith.cmpi eq, %iota3A, %eq3A_924 : vector<64x4096xi32>
    %jit3A_926 = arith.constant 0.000000e+00 : f32
    %broadcast_in_dim3A_927 = vector.broadcast %jit3A_926 : f32 to vector<64x4096xf32>
    %select_n3A_928 = arith.select %eq3A_925, %div3A_14, %broadcast_in_dim3A_927 : vector<64x4096xi1>, vector<64x4096xf32>
    %reduce_sum3A_929 = arith.constant dense<0.000000e+00> : vector<64xf32>
    %reduce_sum3A_930 = vector.multi_reduction <add>, %select_n3A_928, %reduce_sum3A_929 [1] : vector<64x4096xf32> to vector<64xf32>
    %broadcast_in_dim3A_931 = vector.shape_cast %reduce_sum3A_930 : vector<64xf32> to vector<64x1xf32>
    %gt3A_932 = arith.constant 23 : i32
    %gt3A_933 = arith.cmpi sgt, %get3A_18, %gt3A_932 : i32
    %jit3A_934 = arith.constant 0.000000e+00 : f32
    %broadcast_in_dim3A_935 = vector.broadcast %jit3A_934 : f32 to vector<64x1xf32>
    %select_n3A_936 = arith.select %gt3A_933, %broadcast_in_dim3A_931, %broadcast_in_dim3A_935 : vector<64x1xf32>
    %slice3A_937 = vector.extract_strided_slice %broadcast_in_dim3A_923 {offsets = [0, 0], sizes = [32, 1], strides = [1, 1]} : vector<64x1xi32> to vector<32x1xi32>
    %slice3A_938 = vector.extract_strided_slice %select_n3A_936 {offsets = [0, 0], sizes = [32, 1], strides = [1, 1]} : vector<64x1xf32> to vector<32x1xf32>
    %broadcast_in_dim3A_939 = vector.shape_cast %slice3A_938 : vector<32x1xf32> to vector<32x1xf32>
    %broadcast_in_dim3A_940 = vector.broadcast %broadcast_in_dim3A_939 : vector<32x1xf32> to vector<32x16xf32>
    %slice3A_941 = vector.extract_strided_slice %eq3A_925 {offsets = [32, 0], sizes = [32, 4096], strides = [1, 1]} : vector<64x4096xi1> to vector<32x4096xi1>
    %slice3A_942 = vector.extract_strided_slice %select_n3A_936 {offsets = [32, 0], sizes = [32, 1], strides = [1, 1]} : vector<64x1xf32> to vector<32x1xf32>
    %jit3A_943 = arith.constant 0.000000e+00 : f32
    %broadcast_in_dim3A_944 = vector.shape_cast %slice3A_942 : vector<32x1xf32> to vector<32x1xf32>
    %broadcast_in_dim3A_945 = vector.broadcast %broadcast_in_dim3A_944 : vector<32x1xf32> to vector<32x4096xf32>
    %broadcast_in_dim3A_946 = vector.broadcast %jit3A_943 : f32 to vector<32x4096xf32>
    %select_n3A_947 = arith.select %slice3A_941, %broadcast_in_dim3A_945, %broadcast_in_dim3A_946 : vector<32x4096xi1>, vector<32x4096xf32>
    %add3A_948 = arith.addf %add3A_909, %select_n3A_947 : vector<32x4096xf32>
    %jit3A_949 = arith.constant -1.000000e+00 : f32
    %broadcast_in_dim3A_950 = vector.broadcast %jit3A_949 : f32 to vector<64x4096xf32>
    %select_n3A_951 = arith.select %eq3A_925, %broadcast_in_dim3A_950, %select_n3A_912 : vector<64x4096xi1>, vector<64x4096xf32>
    %reduce_max3A_952 = arith.constant dense<0xFF800000> : vector<64xf32>
    %reduce_max3A_953 = vector.multi_reduction <maximumf>, %select_n3A_951, %reduce_max3A_952 [1] : vector<64x4096xf32> to vector<64xf32>
    %broadcast_in_dim3A_954 = vector.shape_cast %reduce_max3A_953 : vector<64xf32> to vector<64x1xf32>
    %eq3A_955 = vector.broadcast %broadcast_in_dim3A_954 : vector<64x1xf32> to vector<64x4096xf32>
    %eq3A_956 = arith.cmpf oeq, %select_n3A_951, %eq3A_955 : vector<64x4096xf32>
    %jit3A_957 = arith.constant 4096 : i32
    %broadcast_in_dim3A_958 = vector.broadcast %jit3A_957 : i32 to vector<64x4096xi32>
    %select_n3A_959 = arith.select %eq3A_956, %iota3A, %broadcast_in_dim3A_958 : vector<64x4096xi1>, vector<64x4096xi32>
    %reduce_min3A_960 = arith.constant dense<2147483647> : vector<64xi32>
    %reduce_min3A_961 = vector.multi_reduction <minsi>, %select_n3A_959, %reduce_min3A_960 [1] : vector<64x4096xi32> to vector<64xi32>
    %broadcast_in_dim3A_962 = vector.shape_cast %reduce_min3A_961 : vector<64xi32> to vector<64x1xi32>
    %eq3A_963 = vector.broadcast %broadcast_in_dim3A_962 : vector<64x1xi32> to vector<64x4096xi32>
    %eq3A_964 = arith.cmpi eq, %iota3A, %eq3A_963 : vector<64x4096xi32>
    %jit3A_965 = arith.constant 0.000000e+00 : f32
    %broadcast_in_dim3A_966 = vector.broadcast %jit3A_965 : f32 to vector<64x4096xf32>
    %select_n3A_967 = arith.select %eq3A_964, %div3A_14, %broadcast_in_dim3A_966 : vector<64x4096xi1>, vector<64x4096xf32>
    %reduce_sum3A_968 = arith.constant dense<0.000000e+00> : vector<64xf32>
    %reduce_sum3A_969 = vector.multi_reduction <add>, %select_n3A_967, %reduce_sum3A_968 [1] : vector<64x4096xf32> to vector<64xf32>
    %broadcast_in_dim3A_970 = vector.shape_cast %reduce_sum3A_969 : vector<64xf32> to vector<64x1xf32>
    %gt3A_971 = arith.constant 24 : i32
    %gt3A_972 = arith.cmpi sgt, %get3A_18, %gt3A_971 : i32
    %jit3A_973 = arith.constant 0.000000e+00 : f32
    %broadcast_in_dim3A_974 = vector.broadcast %jit3A_973 : f32 to vector<64x1xf32>
    %select_n3A_975 = arith.select %gt3A_972, %broadcast_in_dim3A_970, %broadcast_in_dim3A_974 : vector<64x1xf32>
    %slice3A_976 = vector.extract_strided_slice %broadcast_in_dim3A_962 {offsets = [0, 0], sizes = [32, 1], strides = [1, 1]} : vector<64x1xi32> to vector<32x1xi32>
    %slice3A_977 = vector.extract_strided_slice %select_n3A_975 {offsets = [0, 0], sizes = [32, 1], strides = [1, 1]} : vector<64x1xf32> to vector<32x1xf32>
    %broadcast_in_dim3A_978 = vector.shape_cast %slice3A_977 : vector<32x1xf32> to vector<32x1xf32>
    %broadcast_in_dim3A_979 = vector.broadcast %broadcast_in_dim3A_978 : vector<32x1xf32> to vector<32x16xf32>
    %slice3A_980 = vector.extract_strided_slice %eq3A_964 {offsets = [32, 0], sizes = [32, 4096], strides = [1, 1]} : vector<64x4096xi1> to vector<32x4096xi1>
    %slice3A_981 = vector.extract_strided_slice %select_n3A_975 {offsets = [32, 0], sizes = [32, 1], strides = [1, 1]} : vector<64x1xf32> to vector<32x1xf32>
    %jit3A_982 = arith.constant 0.000000e+00 : f32
    %broadcast_in_dim3A_983 = vector.shape_cast %slice3A_981 : vector<32x1xf32> to vector<32x1xf32>
    %broadcast_in_dim3A_984 = vector.broadcast %broadcast_in_dim3A_983 : vector<32x1xf32> to vector<32x4096xf32>
    %broadcast_in_dim3A_985 = vector.broadcast %jit3A_982 : f32 to vector<32x4096xf32>
    %select_n3A_986 = arith.select %slice3A_980, %broadcast_in_dim3A_984, %broadcast_in_dim3A_985 : vector<32x4096xi1>, vector<32x4096xf32>
    %add3A_987 = arith.addf %add3A_948, %select_n3A_986 : vector<32x4096xf32>
    %jit3A_988 = arith.constant -1.000000e+00 : f32
    %broadcast_in_dim3A_989 = vector.broadcast %jit3A_988 : f32 to vector<64x4096xf32>
    %select_n3A_990 = arith.select %eq3A_964, %broadcast_in_dim3A_989, %select_n3A_951 : vector<64x4096xi1>, vector<64x4096xf32>
    %reduce_max3A_991 = arith.constant dense<0xFF800000> : vector<64xf32>
    %reduce_max3A_992 = vector.multi_reduction <maximumf>, %select_n3A_990, %reduce_max3A_991 [1] : vector<64x4096xf32> to vector<64xf32>
    %broadcast_in_dim3A_993 = vector.shape_cast %reduce_max3A_992 : vector<64xf32> to vector<64x1xf32>
    %eq3A_994 = vector.broadcast %broadcast_in_dim3A_993 : vector<64x1xf32> to vector<64x4096xf32>
    %eq3A_995 = arith.cmpf oeq, %select_n3A_990, %eq3A_994 : vector<64x4096xf32>
    %jit3A_996 = arith.constant 4096 : i32
    %broadcast_in_dim3A_997 = vector.broadcast %jit3A_996 : i32 to vector<64x4096xi32>
    %select_n3A_998 = arith.select %eq3A_995, %iota3A, %broadcast_in_dim3A_997 : vector<64x4096xi1>, vector<64x4096xi32>
    %reduce_min3A_999 = arith.constant dense<2147483647> : vector<64xi32>
    %reduce_min3A_1000 = vector.multi_reduction <minsi>, %select_n3A_998, %reduce_min3A_999 [1] : vector<64x4096xi32> to vector<64xi32>
    %broadcast_in_dim3A_1001 = vector.shape_cast %reduce_min3A_1000 : vector<64xi32> to vector<64x1xi32>
    %eq3A_1002 = vector.broadcast %broadcast_in_dim3A_1001 : vector<64x1xi32> to vector<64x4096xi32>
    %eq3A_1003 = arith.cmpi eq, %iota3A, %eq3A_1002 : vector<64x4096xi32>
    %jit3A_1004 = arith.constant 0.000000e+00 : f32
    %broadcast_in_dim3A_1005 = vector.broadcast %jit3A_1004 : f32 to vector<64x4096xf32>
    %select_n3A_1006 = arith.select %eq3A_1003, %div3A_14, %broadcast_in_dim3A_1005 : vector<64x4096xi1>, vector<64x4096xf32>
    %reduce_sum3A_1007 = arith.constant dense<0.000000e+00> : vector<64xf32>
    %reduce_sum3A_1008 = vector.multi_reduction <add>, %select_n3A_1006, %reduce_sum3A_1007 [1] : vector<64x4096xf32> to vector<64xf32>
    %broadcast_in_dim3A_1009 = vector.shape_cast %reduce_sum3A_1008 : vector<64xf32> to vector<64x1xf32>
    %gt3A_1010 = arith.constant 25 : i32
    %gt3A_1011 = arith.cmpi sgt, %get3A_18, %gt3A_1010 : i32
    %jit3A_1012 = arith.constant 0.000000e+00 : f32
    %broadcast_in_dim3A_1013 = vector.broadcast %jit3A_1012 : f32 to vector<64x1xf32>
    %select_n3A_1014 = arith.select %gt3A_1011, %broadcast_in_dim3A_1009, %broadcast_in_dim3A_1013 : vector<64x1xf32>
    %slice3A_1015 = vector.extract_strided_slice %broadcast_in_dim3A_1001 {offsets = [0, 0], sizes = [32, 1], strides = [1, 1]} : vector<64x1xi32> to vector<32x1xi32>
    %slice3A_1016 = vector.extract_strided_slice %select_n3A_1014 {offsets = [0, 0], sizes = [32, 1], strides = [1, 1]} : vector<64x1xf32> to vector<32x1xf32>
    %broadcast_in_dim3A_1017 = vector.shape_cast %slice3A_1016 : vector<32x1xf32> to vector<32x1xf32>
    %broadcast_in_dim3A_1018 = vector.broadcast %broadcast_in_dim3A_1017 : vector<32x1xf32> to vector<32x16xf32>
    %slice3A_1019 = vector.extract_strided_slice %eq3A_1003 {offsets = [32, 0], sizes = [32, 4096], strides = [1, 1]} : vector<64x4096xi1> to vector<32x4096xi1>
    %slice3A_1020 = vector.extract_strided_slice %select_n3A_1014 {offsets = [32, 0], sizes = [32, 1], strides = [1, 1]} : vector<64x1xf32> to vector<32x1xf32>
    %jit3A_1021 = arith.constant 0.000000e+00 : f32
    %broadcast_in_dim3A_1022 = vector.shape_cast %slice3A_1020 : vector<32x1xf32> to vector<32x1xf32>
    %broadcast_in_dim3A_1023 = vector.broadcast %broadcast_in_dim3A_1022 : vector<32x1xf32> to vector<32x4096xf32>
    %broadcast_in_dim3A_1024 = vector.broadcast %jit3A_1021 : f32 to vector<32x4096xf32>
    %select_n3A_1025 = arith.select %slice3A_1019, %broadcast_in_dim3A_1023, %broadcast_in_dim3A_1024 : vector<32x4096xi1>, vector<32x4096xf32>
    %add3A_1026 = arith.addf %add3A_987, %select_n3A_1025 : vector<32x4096xf32>
    %jit3A_1027 = arith.constant -1.000000e+00 : f32
    %broadcast_in_dim3A_1028 = vector.broadcast %jit3A_1027 : f32 to vector<64x4096xf32>
    %select_n3A_1029 = arith.select %eq3A_1003, %broadcast_in_dim3A_1028, %select_n3A_990 : vector<64x4096xi1>, vector<64x4096xf32>
    %reduce_max3A_1030 = arith.constant dense<0xFF800000> : vector<64xf32>
    %reduce_max3A_1031 = vector.multi_reduction <maximumf>, %select_n3A_1029, %reduce_max3A_1030 [1] : vector<64x4096xf32> to vector<64xf32>
    %broadcast_in_dim3A_1032 = vector.shape_cast %reduce_max3A_1031 : vector<64xf32> to vector<64x1xf32>
    %eq3A_1033 = vector.broadcast %broadcast_in_dim3A_1032 : vector<64x1xf32> to vector<64x4096xf32>
    %eq3A_1034 = arith.cmpf oeq, %select_n3A_1029, %eq3A_1033 : vector<64x4096xf32>
    %jit3A_1035 = arith.constant 4096 : i32
    %broadcast_in_dim3A_1036 = vector.broadcast %jit3A_1035 : i32 to vector<64x4096xi32>
    %select_n3A_1037 = arith.select %eq3A_1034, %iota3A, %broadcast_in_dim3A_1036 : vector<64x4096xi1>, vector<64x4096xi32>
    %reduce_min3A_1038 = arith.constant dense<2147483647> : vector<64xi32>
    %reduce_min3A_1039 = vector.multi_reduction <minsi>, %select_n3A_1037, %reduce_min3A_1038 [1] : vector<64x4096xi32> to vector<64xi32>
    %broadcast_in_dim3A_1040 = vector.shape_cast %reduce_min3A_1039 : vector<64xi32> to vector<64x1xi32>
    %eq3A_1041 = vector.broadcast %broadcast_in_dim3A_1040 : vector<64x1xi32> to vector<64x4096xi32>
    %eq3A_1042 = arith.cmpi eq, %iota3A, %eq3A_1041 : vector<64x4096xi32>
    %jit3A_1043 = arith.constant 0.000000e+00 : f32
    %broadcast_in_dim3A_1044 = vector.broadcast %jit3A_1043 : f32 to vector<64x4096xf32>
    %select_n3A_1045 = arith.select %eq3A_1042, %div3A_14, %broadcast_in_dim3A_1044 : vector<64x4096xi1>, vector<64x4096xf32>
    %reduce_sum3A_1046 = arith.constant dense<0.000000e+00> : vector<64xf32>
    %reduce_sum3A_1047 = vector.multi_reduction <add>, %select_n3A_1045, %reduce_sum3A_1046 [1] : vector<64x4096xf32> to vector<64xf32>
    %broadcast_in_dim3A_1048 = vector.shape_cast %reduce_sum3A_1047 : vector<64xf32> to vector<64x1xf32>
    %gt3A_1049 = arith.constant 26 : i32
    %gt3A_1050 = arith.cmpi sgt, %get3A_18, %gt3A_1049 : i32
    %jit3A_1051 = arith.constant 0.000000e+00 : f32
    %broadcast_in_dim3A_1052 = vector.broadcast %jit3A_1051 : f32 to vector<64x1xf32>
    %select_n3A_1053 = arith.select %gt3A_1050, %broadcast_in_dim3A_1048, %broadcast_in_dim3A_1052 : vector<64x1xf32>
    %slice3A_1054 = vector.extract_strided_slice %broadcast_in_dim3A_1040 {offsets = [0, 0], sizes = [32, 1], strides = [1, 1]} : vector<64x1xi32> to vector<32x1xi32>
    %slice3A_1055 = vector.extract_strided_slice %select_n3A_1053 {offsets = [0, 0], sizes = [32, 1], strides = [1, 1]} : vector<64x1xf32> to vector<32x1xf32>
    %broadcast_in_dim3A_1056 = vector.shape_cast %slice3A_1055 : vector<32x1xf32> to vector<32x1xf32>
    %broadcast_in_dim3A_1057 = vector.broadcast %broadcast_in_dim3A_1056 : vector<32x1xf32> to vector<32x16xf32>
    %slice3A_1058 = vector.extract_strided_slice %eq3A_1042 {offsets = [32, 0], sizes = [32, 4096], strides = [1, 1]} : vector<64x4096xi1> to vector<32x4096xi1>
    %slice3A_1059 = vector.extract_strided_slice %select_n3A_1053 {offsets = [32, 0], sizes = [32, 1], strides = [1, 1]} : vector<64x1xf32> to vector<32x1xf32>
    %jit3A_1060 = arith.constant 0.000000e+00 : f32
    %broadcast_in_dim3A_1061 = vector.shape_cast %slice3A_1059 : vector<32x1xf32> to vector<32x1xf32>
    %broadcast_in_dim3A_1062 = vector.broadcast %broadcast_in_dim3A_1061 : vector<32x1xf32> to vector<32x4096xf32>
    %broadcast_in_dim3A_1063 = vector.broadcast %jit3A_1060 : f32 to vector<32x4096xf32>
    %select_n3A_1064 = arith.select %slice3A_1058, %broadcast_in_dim3A_1062, %broadcast_in_dim3A_1063 : vector<32x4096xi1>, vector<32x4096xf32>
    %add3A_1065 = arith.addf %add3A_1026, %select_n3A_1064 : vector<32x4096xf32>
    %jit3A_1066 = arith.constant -1.000000e+00 : f32
    %broadcast_in_dim3A_1067 = vector.broadcast %jit3A_1066 : f32 to vector<64x4096xf32>
    %select_n3A_1068 = arith.select %eq3A_1042, %broadcast_in_dim3A_1067, %select_n3A_1029 : vector<64x4096xi1>, vector<64x4096xf32>
    %reduce_max3A_1069 = arith.constant dense<0xFF800000> : vector<64xf32>
    %reduce_max3A_1070 = vector.multi_reduction <maximumf>, %select_n3A_1068, %reduce_max3A_1069 [1] : vector<64x4096xf32> to vector<64xf32>
    %broadcast_in_dim3A_1071 = vector.shape_cast %reduce_max3A_1070 : vector<64xf32> to vector<64x1xf32>
    %eq3A_1072 = vector.broadcast %broadcast_in_dim3A_1071 : vector<64x1xf32> to vector<64x4096xf32>
    %eq3A_1073 = arith.cmpf oeq, %select_n3A_1068, %eq3A_1072 : vector<64x4096xf32>
    %jit3A_1074 = arith.constant 4096 : i32
    %broadcast_in_dim3A_1075 = vector.broadcast %jit3A_1074 : i32 to vector<64x4096xi32>
    %select_n3A_1076 = arith.select %eq3A_1073, %iota3A, %broadcast_in_dim3A_1075 : vector<64x4096xi1>, vector<64x4096xi32>
    %reduce_min3A_1077 = arith.constant dense<2147483647> : vector<64xi32>
    %reduce_min3A_1078 = vector.multi_reduction <minsi>, %select_n3A_1076, %reduce_min3A_1077 [1] : vector<64x4096xi32> to vector<64xi32>
    %broadcast_in_dim3A_1079 = vector.shape_cast %reduce_min3A_1078 : vector<64xi32> to vector<64x1xi32>
    %eq3A_1080 = vector.broadcast %broadcast_in_dim3A_1079 : vector<64x1xi32> to vector<64x4096xi32>
    %eq3A_1081 = arith.cmpi eq, %iota3A, %eq3A_1080 : vector<64x4096xi32>
    %jit3A_1082 = arith.constant 0.000000e+00 : f32
    %broadcast_in_dim3A_1083 = vector.broadcast %jit3A_1082 : f32 to vector<64x4096xf32>
    %select_n3A_1084 = arith.select %eq3A_1081, %div3A_14, %broadcast_in_dim3A_1083 : vector<64x4096xi1>, vector<64x4096xf32>
    %reduce_sum3A_1085 = arith.constant dense<0.000000e+00> : vector<64xf32>
    %reduce_sum3A_1086 = vector.multi_reduction <add>, %select_n3A_1084, %reduce_sum3A_1085 [1] : vector<64x4096xf32> to vector<64xf32>
    %broadcast_in_dim3A_1087 = vector.shape_cast %reduce_sum3A_1086 : vector<64xf32> to vector<64x1xf32>
    %gt3A_1088 = arith.constant 27 : i32
    %gt3A_1089 = arith.cmpi sgt, %get3A_18, %gt3A_1088 : i32
    %jit3A_1090 = arith.constant 0.000000e+00 : f32
    %broadcast_in_dim3A_1091 = vector.broadcast %jit3A_1090 : f32 to vector<64x1xf32>
    %select_n3A_1092 = arith.select %gt3A_1089, %broadcast_in_dim3A_1087, %broadcast_in_dim3A_1091 : vector<64x1xf32>
    %slice3A_1093 = vector.extract_strided_slice %broadcast_in_dim3A_1079 {offsets = [0, 0], sizes = [32, 1], strides = [1, 1]} : vector<64x1xi32> to vector<32x1xi32>
    %slice3A_1094 = vector.extract_strided_slice %select_n3A_1092 {offsets = [0, 0], sizes = [32, 1], strides = [1, 1]} : vector<64x1xf32> to vector<32x1xf32>
    %broadcast_in_dim3A_1095 = vector.shape_cast %slice3A_1094 : vector<32x1xf32> to vector<32x1xf32>
    %broadcast_in_dim3A_1096 = vector.broadcast %broadcast_in_dim3A_1095 : vector<32x1xf32> to vector<32x16xf32>
    %slice3A_1097 = vector.extract_strided_slice %eq3A_1081 {offsets = [32, 0], sizes = [32, 4096], strides = [1, 1]} : vector<64x4096xi1> to vector<32x4096xi1>
    %slice3A_1098 = vector.extract_strided_slice %select_n3A_1092 {offsets = [32, 0], sizes = [32, 1], strides = [1, 1]} : vector<64x1xf32> to vector<32x1xf32>
    %jit3A_1099 = arith.constant 0.000000e+00 : f32
    %broadcast_in_dim3A_1100 = vector.shape_cast %slice3A_1098 : vector<32x1xf32> to vector<32x1xf32>
    %broadcast_in_dim3A_1101 = vector.broadcast %broadcast_in_dim3A_1100 : vector<32x1xf32> to vector<32x4096xf32>
    %broadcast_in_dim3A_1102 = vector.broadcast %jit3A_1099 : f32 to vector<32x4096xf32>
    %select_n3A_1103 = arith.select %slice3A_1097, %broadcast_in_dim3A_1101, %broadcast_in_dim3A_1102 : vector<32x4096xi1>, vector<32x4096xf32>
    %add3A_1104 = arith.addf %add3A_1065, %select_n3A_1103 : vector<32x4096xf32>
    %jit3A_1105 = arith.constant -1.000000e+00 : f32
    %broadcast_in_dim3A_1106 = vector.broadcast %jit3A_1105 : f32 to vector<64x4096xf32>
    %select_n3A_1107 = arith.select %eq3A_1081, %broadcast_in_dim3A_1106, %select_n3A_1068 : vector<64x4096xi1>, vector<64x4096xf32>
    %reduce_max3A_1108 = arith.constant dense<0xFF800000> : vector<64xf32>
    %reduce_max3A_1109 = vector.multi_reduction <maximumf>, %select_n3A_1107, %reduce_max3A_1108 [1] : vector<64x4096xf32> to vector<64xf32>
    %broadcast_in_dim3A_1110 = vector.shape_cast %reduce_max3A_1109 : vector<64xf32> to vector<64x1xf32>
    %eq3A_1111 = vector.broadcast %broadcast_in_dim3A_1110 : vector<64x1xf32> to vector<64x4096xf32>
    %eq3A_1112 = arith.cmpf oeq, %select_n3A_1107, %eq3A_1111 : vector<64x4096xf32>
    %jit3A_1113 = arith.constant 4096 : i32
    %broadcast_in_dim3A_1114 = vector.broadcast %jit3A_1113 : i32 to vector<64x4096xi32>
    %select_n3A_1115 = arith.select %eq3A_1112, %iota3A, %broadcast_in_dim3A_1114 : vector<64x4096xi1>, vector<64x4096xi32>
    %reduce_min3A_1116 = arith.constant dense<2147483647> : vector<64xi32>
    %reduce_min3A_1117 = vector.multi_reduction <minsi>, %select_n3A_1115, %reduce_min3A_1116 [1] : vector<64x4096xi32> to vector<64xi32>
    %broadcast_in_dim3A_1118 = vector.shape_cast %reduce_min3A_1117 : vector<64xi32> to vector<64x1xi32>
    %eq3A_1119 = vector.broadcast %broadcast_in_dim3A_1118 : vector<64x1xi32> to vector<64x4096xi32>
    %eq3A_1120 = arith.cmpi eq, %iota3A, %eq3A_1119 : vector<64x4096xi32>
    %jit3A_1121 = arith.constant 0.000000e+00 : f32
    %broadcast_in_dim3A_1122 = vector.broadcast %jit3A_1121 : f32 to vector<64x4096xf32>
    %select_n3A_1123 = arith.select %eq3A_1120, %div3A_14, %broadcast_in_dim3A_1122 : vector<64x4096xi1>, vector<64x4096xf32>
    %reduce_sum3A_1124 = arith.constant dense<0.000000e+00> : vector<64xf32>
    %reduce_sum3A_1125 = vector.multi_reduction <add>, %select_n3A_1123, %reduce_sum3A_1124 [1] : vector<64x4096xf32> to vector<64xf32>
    %broadcast_in_dim3A_1126 = vector.shape_cast %reduce_sum3A_1125 : vector<64xf32> to vector<64x1xf32>
    %gt3A_1127 = arith.constant 28 : i32
    %gt3A_1128 = arith.cmpi sgt, %get3A_18, %gt3A_1127 : i32
    %jit3A_1129 = arith.constant 0.000000e+00 : f32
    %broadcast_in_dim3A_1130 = vector.broadcast %jit3A_1129 : f32 to vector<64x1xf32>
    %select_n3A_1131 = arith.select %gt3A_1128, %broadcast_in_dim3A_1126, %broadcast_in_dim3A_1130 : vector<64x1xf32>
    %slice3A_1132 = vector.extract_strided_slice %broadcast_in_dim3A_1118 {offsets = [0, 0], sizes = [32, 1], strides = [1, 1]} : vector<64x1xi32> to vector<32x1xi32>
    %slice3A_1133 = vector.extract_strided_slice %select_n3A_1131 {offsets = [0, 0], sizes = [32, 1], strides = [1, 1]} : vector<64x1xf32> to vector<32x1xf32>
    %broadcast_in_dim3A_1134 = vector.shape_cast %slice3A_1133 : vector<32x1xf32> to vector<32x1xf32>
    %broadcast_in_dim3A_1135 = vector.broadcast %broadcast_in_dim3A_1134 : vector<32x1xf32> to vector<32x16xf32>
    %slice3A_1136 = vector.extract_strided_slice %eq3A_1120 {offsets = [32, 0], sizes = [32, 4096], strides = [1, 1]} : vector<64x4096xi1> to vector<32x4096xi1>
    %slice3A_1137 = vector.extract_strided_slice %select_n3A_1131 {offsets = [32, 0], sizes = [32, 1], strides = [1, 1]} : vector<64x1xf32> to vector<32x1xf32>
    %jit3A_1138 = arith.constant 0.000000e+00 : f32
    %broadcast_in_dim3A_1139 = vector.shape_cast %slice3A_1137 : vector<32x1xf32> to vector<32x1xf32>
    %broadcast_in_dim3A_1140 = vector.broadcast %broadcast_in_dim3A_1139 : vector<32x1xf32> to vector<32x4096xf32>
    %broadcast_in_dim3A_1141 = vector.broadcast %jit3A_1138 : f32 to vector<32x4096xf32>
    %select_n3A_1142 = arith.select %slice3A_1136, %broadcast_in_dim3A_1140, %broadcast_in_dim3A_1141 : vector<32x4096xi1>, vector<32x4096xf32>
    %add3A_1143 = arith.addf %add3A_1104, %select_n3A_1142 : vector<32x4096xf32>
    %jit3A_1144 = arith.constant -1.000000e+00 : f32
    %broadcast_in_dim3A_1145 = vector.broadcast %jit3A_1144 : f32 to vector<64x4096xf32>
    %select_n3A_1146 = arith.select %eq3A_1120, %broadcast_in_dim3A_1145, %select_n3A_1107 : vector<64x4096xi1>, vector<64x4096xf32>
    %reduce_max3A_1147 = arith.constant dense<0xFF800000> : vector<64xf32>
    %reduce_max3A_1148 = vector.multi_reduction <maximumf>, %select_n3A_1146, %reduce_max3A_1147 [1] : vector<64x4096xf32> to vector<64xf32>
    %broadcast_in_dim3A_1149 = vector.shape_cast %reduce_max3A_1148 : vector<64xf32> to vector<64x1xf32>
    %eq3A_1150 = vector.broadcast %broadcast_in_dim3A_1149 : vector<64x1xf32> to vector<64x4096xf32>
    %eq3A_1151 = arith.cmpf oeq, %select_n3A_1146, %eq3A_1150 : vector<64x4096xf32>
    %jit3A_1152 = arith.constant 4096 : i32
    %broadcast_in_dim3A_1153 = vector.broadcast %jit3A_1152 : i32 to vector<64x4096xi32>
    %select_n3A_1154 = arith.select %eq3A_1151, %iota3A, %broadcast_in_dim3A_1153 : vector<64x4096xi1>, vector<64x4096xi32>
    %reduce_min3A_1155 = arith.constant dense<2147483647> : vector<64xi32>
    %reduce_min3A_1156 = vector.multi_reduction <minsi>, %select_n3A_1154, %reduce_min3A_1155 [1] : vector<64x4096xi32> to vector<64xi32>
    %broadcast_in_dim3A_1157 = vector.shape_cast %reduce_min3A_1156 : vector<64xi32> to vector<64x1xi32>
    %eq3A_1158 = vector.broadcast %broadcast_in_dim3A_1157 : vector<64x1xi32> to vector<64x4096xi32>
    %eq3A_1159 = arith.cmpi eq, %iota3A, %eq3A_1158 : vector<64x4096xi32>
    %jit3A_1160 = arith.constant 0.000000e+00 : f32
    %broadcast_in_dim3A_1161 = vector.broadcast %jit3A_1160 : f32 to vector<64x4096xf32>
    %select_n3A_1162 = arith.select %eq3A_1159, %div3A_14, %broadcast_in_dim3A_1161 : vector<64x4096xi1>, vector<64x4096xf32>
    %reduce_sum3A_1163 = arith.constant dense<0.000000e+00> : vector<64xf32>
    %reduce_sum3A_1164 = vector.multi_reduction <add>, %select_n3A_1162, %reduce_sum3A_1163 [1] : vector<64x4096xf32> to vector<64xf32>
    %broadcast_in_dim3A_1165 = vector.shape_cast %reduce_sum3A_1164 : vector<64xf32> to vector<64x1xf32>
    %gt3A_1166 = arith.constant 29 : i32
    %gt3A_1167 = arith.cmpi sgt, %get3A_18, %gt3A_1166 : i32
    %jit3A_1168 = arith.constant 0.000000e+00 : f32
    %broadcast_in_dim3A_1169 = vector.broadcast %jit3A_1168 : f32 to vector<64x1xf32>
    %select_n3A_1170 = arith.select %gt3A_1167, %broadcast_in_dim3A_1165, %broadcast_in_dim3A_1169 : vector<64x1xf32>
    %slice3A_1171 = vector.extract_strided_slice %broadcast_in_dim3A_1157 {offsets = [0, 0], sizes = [32, 1], strides = [1, 1]} : vector<64x1xi32> to vector<32x1xi32>
    %slice3A_1172 = vector.extract_strided_slice %select_n3A_1170 {offsets = [0, 0], sizes = [32, 1], strides = [1, 1]} : vector<64x1xf32> to vector<32x1xf32>
    %broadcast_in_dim3A_1173 = vector.shape_cast %slice3A_1172 : vector<32x1xf32> to vector<32x1xf32>
    %broadcast_in_dim3A_1174 = vector.broadcast %broadcast_in_dim3A_1173 : vector<32x1xf32> to vector<32x16xf32>
    %slice3A_1175 = vector.extract_strided_slice %eq3A_1159 {offsets = [32, 0], sizes = [32, 4096], strides = [1, 1]} : vector<64x4096xi1> to vector<32x4096xi1>
    %slice3A_1176 = vector.extract_strided_slice %select_n3A_1170 {offsets = [32, 0], sizes = [32, 1], strides = [1, 1]} : vector<64x1xf32> to vector<32x1xf32>
    %jit3A_1177 = arith.constant 0.000000e+00 : f32
    %broadcast_in_dim3A_1178 = vector.shape_cast %slice3A_1176 : vector<32x1xf32> to vector<32x1xf32>
    %broadcast_in_dim3A_1179 = vector.broadcast %broadcast_in_dim3A_1178 : vector<32x1xf32> to vector<32x4096xf32>
    %broadcast_in_dim3A_1180 = vector.broadcast %jit3A_1177 : f32 to vector<32x4096xf32>
    %select_n3A_1181 = arith.select %slice3A_1175, %broadcast_in_dim3A_1179, %broadcast_in_dim3A_1180 : vector<32x4096xi1>, vector<32x4096xf32>
    %add3A_1182 = arith.addf %add3A_1143, %select_n3A_1181 : vector<32x4096xf32>
    %jit3A_1183 = arith.constant -1.000000e+00 : f32
    %broadcast_in_dim3A_1184 = vector.broadcast %jit3A_1183 : f32 to vector<64x4096xf32>
    %select_n3A_1185 = arith.select %eq3A_1159, %broadcast_in_dim3A_1184, %select_n3A_1146 : vector<64x4096xi1>, vector<64x4096xf32>
    %reduce_max3A_1186 = arith.constant dense<0xFF800000> : vector<64xf32>
    %reduce_max3A_1187 = vector.multi_reduction <maximumf>, %select_n3A_1185, %reduce_max3A_1186 [1] : vector<64x4096xf32> to vector<64xf32>
    %broadcast_in_dim3A_1188 = vector.shape_cast %reduce_max3A_1187 : vector<64xf32> to vector<64x1xf32>
    %eq3A_1189 = vector.broadcast %broadcast_in_dim3A_1188 : vector<64x1xf32> to vector<64x4096xf32>
    %eq3A_1190 = arith.cmpf oeq, %select_n3A_1185, %eq3A_1189 : vector<64x4096xf32>
    %jit3A_1191 = arith.constant 4096 : i32
    %broadcast_in_dim3A_1192 = vector.broadcast %jit3A_1191 : i32 to vector<64x4096xi32>
    %select_n3A_1193 = arith.select %eq3A_1190, %iota3A, %broadcast_in_dim3A_1192 : vector<64x4096xi1>, vector<64x4096xi32>
    %reduce_min3A_1194 = arith.constant dense<2147483647> : vector<64xi32>
    %reduce_min3A_1195 = vector.multi_reduction <minsi>, %select_n3A_1193, %reduce_min3A_1194 [1] : vector<64x4096xi32> to vector<64xi32>
    %broadcast_in_dim3A_1196 = vector.shape_cast %reduce_min3A_1195 : vector<64xi32> to vector<64x1xi32>
    %eq3A_1197 = vector.broadcast %broadcast_in_dim3A_1196 : vector<64x1xi32> to vector<64x4096xi32>
    %eq3A_1198 = arith.cmpi eq, %iota3A, %eq3A_1197 : vector<64x4096xi32>
    %jit3A_1199 = arith.constant 0.000000e+00 : f32
    %broadcast_in_dim3A_1200 = vector.broadcast %jit3A_1199 : f32 to vector<64x4096xf32>
    %select_n3A_1201 = arith.select %eq3A_1198, %div3A_14, %broadcast_in_dim3A_1200 : vector<64x4096xi1>, vector<64x4096xf32>
    %reduce_sum3A_1202 = arith.constant dense<0.000000e+00> : vector<64xf32>
    %reduce_sum3A_1203 = vector.multi_reduction <add>, %select_n3A_1201, %reduce_sum3A_1202 [1] : vector<64x4096xf32> to vector<64xf32>
    %broadcast_in_dim3A_1204 = vector.shape_cast %reduce_sum3A_1203 : vector<64xf32> to vector<64x1xf32>
    %gt3A_1205 = arith.constant 30 : i32
    %gt3A_1206 = arith.cmpi sgt, %get3A_18, %gt3A_1205 : i32
    %jit3A_1207 = arith.constant 0.000000e+00 : f32
    %broadcast_in_dim3A_1208 = vector.broadcast %jit3A_1207 : f32 to vector<64x1xf32>
    %select_n3A_1209 = arith.select %gt3A_1206, %broadcast_in_dim3A_1204, %broadcast_in_dim3A_1208 : vector<64x1xf32>
    %slice3A_1210 = vector.extract_strided_slice %broadcast_in_dim3A_1196 {offsets = [0, 0], sizes = [32, 1], strides = [1, 1]} : vector<64x1xi32> to vector<32x1xi32>
    %slice3A_1211 = vector.extract_strided_slice %select_n3A_1209 {offsets = [0, 0], sizes = [32, 1], strides = [1, 1]} : vector<64x1xf32> to vector<32x1xf32>
    %broadcast_in_dim3A_1212 = vector.shape_cast %slice3A_1211 : vector<32x1xf32> to vector<32x1xf32>
    %broadcast_in_dim3A_1213 = vector.broadcast %broadcast_in_dim3A_1212 : vector<32x1xf32> to vector<32x16xf32>
    %slice3A_1214 = vector.extract_strided_slice %eq3A_1198 {offsets = [32, 0], sizes = [32, 4096], strides = [1, 1]} : vector<64x4096xi1> to vector<32x4096xi1>
    %slice3A_1215 = vector.extract_strided_slice %select_n3A_1209 {offsets = [32, 0], sizes = [32, 1], strides = [1, 1]} : vector<64x1xf32> to vector<32x1xf32>
    %jit3A_1216 = arith.constant 0.000000e+00 : f32
    %broadcast_in_dim3A_1217 = vector.shape_cast %slice3A_1215 : vector<32x1xf32> to vector<32x1xf32>
    %broadcast_in_dim3A_1218 = vector.broadcast %broadcast_in_dim3A_1217 : vector<32x1xf32> to vector<32x4096xf32>
    %broadcast_in_dim3A_1219 = vector.broadcast %jit3A_1216 : f32 to vector<32x4096xf32>
    %select_n3A_1220 = arith.select %slice3A_1214, %broadcast_in_dim3A_1218, %broadcast_in_dim3A_1219 : vector<32x4096xi1>, vector<32x4096xf32>
    %add3A_1221 = arith.addf %add3A_1182, %select_n3A_1220 : vector<32x4096xf32>
    %jit3A_1222 = arith.constant -1.000000e+00 : f32
    %broadcast_in_dim3A_1223 = vector.broadcast %jit3A_1222 : f32 to vector<64x4096xf32>
    %select_n3A_1224 = arith.select %eq3A_1198, %broadcast_in_dim3A_1223, %select_n3A_1185 : vector<64x4096xi1>, vector<64x4096xf32>
    %reduce_max3A_1225 = arith.constant dense<0xFF800000> : vector<64xf32>
    %reduce_max3A_1226 = vector.multi_reduction <maximumf>, %select_n3A_1224, %reduce_max3A_1225 [1] : vector<64x4096xf32> to vector<64xf32>
    %broadcast_in_dim3A_1227 = vector.shape_cast %reduce_max3A_1226 : vector<64xf32> to vector<64x1xf32>
    %eq3A_1228 = vector.broadcast %broadcast_in_dim3A_1227 : vector<64x1xf32> to vector<64x4096xf32>
    %eq3A_1229 = arith.cmpf oeq, %select_n3A_1224, %eq3A_1228 : vector<64x4096xf32>
    %jit3A_1230 = arith.constant 4096 : i32
    %broadcast_in_dim3A_1231 = vector.broadcast %jit3A_1230 : i32 to vector<64x4096xi32>
    %select_n3A_1232 = arith.select %eq3A_1229, %iota3A, %broadcast_in_dim3A_1231 : vector<64x4096xi1>, vector<64x4096xi32>
    %reduce_min3A_1233 = arith.constant dense<2147483647> : vector<64xi32>
    %reduce_min3A_1234 = vector.multi_reduction <minsi>, %select_n3A_1232, %reduce_min3A_1233 [1] : vector<64x4096xi32> to vector<64xi32>
    %broadcast_in_dim3A_1235 = vector.shape_cast %reduce_min3A_1234 : vector<64xi32> to vector<64x1xi32>
    %eq3A_1236 = vector.broadcast %broadcast_in_dim3A_1235 : vector<64x1xi32> to vector<64x4096xi32>
    %eq3A_1237 = arith.cmpi eq, %iota3A, %eq3A_1236 : vector<64x4096xi32>
    %jit3A_1238 = arith.constant 0.000000e+00 : f32
    %broadcast_in_dim3A_1239 = vector.broadcast %jit3A_1238 : f32 to vector<64x4096xf32>
    %select_n3A_1240 = arith.select %eq3A_1237, %div3A_14, %broadcast_in_dim3A_1239 : vector<64x4096xi1>, vector<64x4096xf32>
    %reduce_sum3A_1241 = arith.constant dense<0.000000e+00> : vector<64xf32>
    %reduce_sum3A_1242 = vector.multi_reduction <add>, %select_n3A_1240, %reduce_sum3A_1241 [1] : vector<64x4096xf32> to vector<64xf32>
    %broadcast_in_dim3A_1243 = vector.shape_cast %reduce_sum3A_1242 : vector<64xf32> to vector<64x1xf32>
    %gt3A_1244 = arith.constant 31 : i32
    %gt3A_1245 = arith.cmpi sgt, %get3A_18, %gt3A_1244 : i32
    %jit3A_1246 = arith.constant 0.000000e+00 : f32
    %broadcast_in_dim3A_1247 = vector.broadcast %jit3A_1246 : f32 to vector<64x1xf32>
    %select_n3A_1248 = arith.select %gt3A_1245, %broadcast_in_dim3A_1243, %broadcast_in_dim3A_1247 : vector<64x1xf32>
    %slice3A_1249 = vector.extract_strided_slice %broadcast_in_dim3A_1235 {offsets = [0, 0], sizes = [32, 1], strides = [1, 1]} : vector<64x1xi32> to vector<32x1xi32>
    %slice3A_1250 = vector.extract_strided_slice %select_n3A_1248 {offsets = [0, 0], sizes = [32, 1], strides = [1, 1]} : vector<64x1xf32> to vector<32x1xf32>
    %broadcast_in_dim3A_1251 = vector.shape_cast %slice3A_1250 : vector<32x1xf32> to vector<32x1xf32>
    %broadcast_in_dim3A_1252 = vector.broadcast %broadcast_in_dim3A_1251 : vector<32x1xf32> to vector<32x16xf32>
    %slice3A_1253 = vector.extract_strided_slice %eq3A_1237 {offsets = [32, 0], sizes = [32, 4096], strides = [1, 1]} : vector<64x4096xi1> to vector<32x4096xi1>
    %slice3A_1254 = vector.extract_strided_slice %select_n3A_1248 {offsets = [32, 0], sizes = [32, 1], strides = [1, 1]} : vector<64x1xf32> to vector<32x1xf32>
    %jit3A_1255 = arith.constant 0.000000e+00 : f32
    %broadcast_in_dim3A_1256 = vector.shape_cast %slice3A_1254 : vector<32x1xf32> to vector<32x1xf32>
    %broadcast_in_dim3A_1257 = vector.broadcast %broadcast_in_dim3A_1256 : vector<32x1xf32> to vector<32x4096xf32>
    %broadcast_in_dim3A_1258 = vector.broadcast %jit3A_1255 : f32 to vector<32x4096xf32>
    %select_n3A_1259 = arith.select %slice3A_1253, %broadcast_in_dim3A_1257, %broadcast_in_dim3A_1258 : vector<32x4096xi1>, vector<32x4096xf32>
    %add3A_1260 = arith.addf %add3A_1221, %select_n3A_1259 : vector<32x4096xf32>
    %concatenate3A = tpu.concatenate %slice3A, %slice3A_79, %slice3A_118, %slice3A_157, %slice3A_196, %slice3A_235, %slice3A_274, %slice3A_313, %slice3A_352, %slice3A_391, %slice3A_430, %slice3A_469, %slice3A_508, %slice3A_547, %slice3A_586, %slice3A_625, %slice3A_664, %slice3A_703, %slice3A_742, %slice3A_781, %slice3A_820, %slice3A_859, %slice3A_898, %slice3A_937, %slice3A_976, %slice3A_1015, %slice3A_1054, %slice3A_1093, %slice3A_1132, %slice3A_1171, %slice3A_1210, %slice3A_1249 in 1 : vector<32x1xi32>, vector<32x1xi32>, vector<32x1xi32>, vector<32x1xi32>, vector<32x1xi32>, vector<32x1xi32>, vector<32x1xi32>, vector<32x1xi32>, vector<32x1xi32>, vector<32x1xi32>, vector<32x1xi32>, vector<32x1xi32>, vector<32x1xi32>, vector<32x1xi32>, vector<32x1xi32>, vector<32x1xi32>, vector<32x1xi32>, vector<32x1xi32>, vector<32x1xi32>, vector<32x1xi32>, vector<32x1xi32>, vector<32x1xi32>, vector<32x1xi32>, vector<32x1xi32>, vector<32x1xi32>, vector<32x1xi32>, vector<32x1xi32>, vector<32x1xi32>, vector<32x1xi32>, vector<32x1xi32>, vector<32x1xi32>, vector<32x1xi32> -> vector<32x32xi32>
    %swap3A = arith.constant 0 : index
    %swap3A_1261 = arith.constant 0 : index
    %swap3A_1262 = vector.load %arg2[%swap3A, %swap3A_1261] : memref<32x32xi32, #tpu.memory_space<vmem>>, vector<32x32xi32>
    tpu.vector_store %arg2[%swap3A, %swap3A_1261], %concatenate3A {strides = array<i32>} : memref<32x32xi32, #tpu.memory_space<vmem>>, vector<32x32xi32>,
    %concatenate3A_1263 = tpu.concatenate %broadcast_in_dim3A_43, %broadcast_in_dim3A_82, %broadcast_in_dim3A_121, %broadcast_in_dim3A_160, %broadcast_in_dim3A_199, %broadcast_in_dim3A_238, %broadcast_in_dim3A_277, %broadcast_in_dim3A_316, %broadcast_in_dim3A_355, %broadcast_in_dim3A_394, %broadcast_in_dim3A_433, %broadcast_in_dim3A_472, %broadcast_in_dim3A_511, %broadcast_in_dim3A_550, %broadcast_in_dim3A_589, %broadcast_in_dim3A_628, %broadcast_in_dim3A_667, %broadcast_in_dim3A_706, %broadcast_in_dim3A_745, %broadcast_in_dim3A_784, %broadcast_in_dim3A_823, %broadcast_in_dim3A_862, %broadcast_in_dim3A_901, %broadcast_in_dim3A_940, %broadcast_in_dim3A_979, %broadcast_in_dim3A_1018, %broadcast_in_dim3A_1057, %broadcast_in_dim3A_1096, %broadcast_in_dim3A_1135, %broadcast_in_dim3A_1174, %broadcast_in_dim3A_1213, %broadcast_in_dim3A_1252 in 1 : vector<32x16xf32>, vector<32x16xf32>, vector<32x16xf32>, vector<32x16xf32>, vector<32x16xf32>, vector<32x16xf32>, vector<32x16xf32>, vector<32x16xf32>, vector<32x16xf32>, vector<32x16xf32>, vector<32x16xf32>, vector<32x16xf32>, vector<32x16xf32>, vector<32x16xf32>, vector<32x16xf32>, vector<32x16xf32>, vector<32x16xf32>, vector<32x16xf32>, vector<32x16xf32>, vector<32x16xf32>, vector<32x16xf32>, vector<32x16xf32>, vector<32x16xf32>, vector<32x16xf32>, vector<32x16xf32>, vector<32x16xf32>, vector<32x16xf32>, vector<32x16xf32>, vector<32x16xf32>, vector<32x16xf32>, vector<32x16xf32>, vector<32x16xf32> -> vector<32x512xf32>
    %swap3A_1264 = arith.constant 0 : index
    %swap3A_1265 = arith.constant 0 : index
    %swap3A_1266 = vector.load %arg3[%swap3A_1264, %swap3A_1265] : memref<32x512xf32, #tpu.memory_space<vmem>>, vector<32x512xf32>
    tpu.vector_store %arg3[%swap3A_1264, %swap3A_1265], %concatenate3A_1263 {strides = array<i32>} : memref<32x512xf32, #tpu.memory_space<vmem>>, vector<32x512xf32>,
    %swap3A_1267 = arith.constant 0 : index
    %swap3A_1268 = arith.constant 0 : index
    %swap3A_1269 = vector.load %arg4[%swap3A_1267, %swap3A_1268] : memref<32x4096xf32, #tpu.memory_space<vmem>>, vector<32x4096xf32>
    tpu.vector_store %arg4[%swap3A_1267, %swap3A_1268], %add3A_1260 {strides = array<i32>} : memref<32x4096xf32, #tpu.memory_space<vmem>>, vector<32x4096xf32>,
    return
  }
}

module attributes {stable_mosaic.version = 14 : i64} {
  func.func @_bwd3_body(%arg0: i32, %arg1: memref<32x4096xf32, #tpu.memory_space<vmem>>, %arg2: memref<4096x512xf32, #tpu.memory_space<vmem>>, %arg3: memref<32x512xf32, #tpu.memory_space<vmem>>, %arg4: memref<32x512xf32, #tpu.memory_space<vmem>>, %arg5: memref<32x512xf32, #tpu.memory_space<vmem>>) attributes {dimension_semantics = [#tpu.dimension_semantics<arbitrary>], iteration_bounds = array<i64: 8>, scalar_prefetch = 0 : i64, scratch_operands = 0 : i64, tpu.core_type = #tpu.core_type<tc>, window_params = [{pipeline_mode = #tpu.pipeline_mode<synchronous>, transform_indices = @transform_0, window_bounds = array<i64: 32, 4096>}, {transform_indices = @transform_1, window_bounds = array<i64: 4096, 512>}, {transform_indices = @transform_2, window_bounds = array<i64: 32, 512>}, {transform_indices = @transform_3, window_bounds = array<i64: 32, 512>}, {transform_indices = @transform_4, window_bounds = array<i64: 32, 512>}]} {
    %get3A = arith.constant 0 : index
    %get3A_0 = arith.constant 0 : index
    %get3A_1 = vector.load %arg1[%get3A, %get3A_0] : memref<32x4096xf32, #tpu.memory_space<vmem>>, vector<32x4096xf32>
    %get3A_2 = arith.constant 0 : index
    %get3A_3 = arith.constant 0 : index
    %get3A_4 = vector.load %arg2[%get3A_2, %get3A_3] : memref<4096x512xf32, #tpu.memory_space<vmem>>, vector<4096x512xf32>
    %dot_general3A = arith.constant dense<0.000000e+00> : vector<32x512xf32>
    %dot_general3A_5 = tpu.matmul %get3A_1, %get3A_4, %dot_general3A {dimension_numbers = #tpu.dot_dimension_numbers<[1], [0], [0], [1], [0, 0, 1, 1], [], []>, transpose_lhs_hint = false} : vector<32x4096xf32>, vector<4096x512xf32>, vector<32x512xf32> -> vector<32x512xf32>
    %get3A_6 = arith.constant 0 : index
    %get3A_7 = arith.constant 0 : index
    %get3A_8 = vector.load %arg3[%get3A_6, %get3A_7] : memref<32x512xf32, #tpu.memory_space<vmem>>, vector<32x512xf32>
    %mul3A = arith.mulf %get3A_8, %dot_general3A_5 : vector<32x512xf32>
    %get3A_9 = arith.constant 0 : index
    %get3A_10 = arith.constant 0 : index
    %get3A_11 = vector.load %arg4[%get3A_9, %get3A_10] : memref<32x512xf32, #tpu.memory_space<vmem>>, vector<32x512xf32>
    %ge3A = arith.constant 0.000000e+00 : f32
    %ge3A_12 = vector.broadcast %ge3A : f32 to vector<32x512xf32>
    %ge3A_13 = arith.cmpf oge, %get3A_11, %ge3A_12 : vector<32x512xf32>
    %add3A = arith.constant 9.99999997E-7 : f32
    %add3A_14 = vector.broadcast %add3A : f32 to vector<32x512xf32>
    %add3A_15 = arith.addf %get3A_11, %add3A_14 : vector<32x512xf32>
    %sub3A = arith.constant 9.99999997E-7 : f32
    %sub3A_16 = vector.broadcast %sub3A : f32 to vector<32x512xf32>
    %sub3A_17 = arith.subf %get3A_11, %sub3A_16 : vector<32x512xf32>
    %select_n3A = arith.select %ge3A_13, %add3A_15, %sub3A_17 : vector<32x512xi1>, vector<32x512xf32>
    %div3A = arith.divf %mul3A, %select_n3A : vector<32x512xf32>
    %swap3A = arith.constant 0 : index
    %swap3A_18 = arith.constant 0 : index
    %swap3A_19 = vector.load %arg5[%swap3A, %swap3A_18] : memref<32x512xf32, #tpu.memory_space<vmem>>, vector<32x512xf32>
    tpu.vector_store %arg5[%swap3A, %swap3A_18], %div3A {strides = array<i32>} : memref<32x512xf32, #tpu.memory_space<vmem>>, vector<32x512xf32>,
    return
  }
  func.func @transform_0(%arg0: i32) -> (i32, i32) {
    %c0_i32 = arith.constant 0 : i32
    %c0_i32_0 = arith.constant 0 : i32
    %c0_i32_1 = arith.constant 0 : i32
    return %c0_i32, %c0_i32_0 : i32, i32
  }
  func.func @transform_1(%arg0: i32) -> (i32, i32) {
    %c0_i32 = arith.constant 0 : i32
    %c0_i32_0 = arith.constant 0 : i32
    return %c0_i32, %arg0 : i32, i32
  }
  func.func @transform_2(%arg0: i32) -> (i32, i32) {
    %c1_i32 = arith.constant 1 : i32
    %c0_i32 = arith.constant 0 : i32
    return %c1_i32, %arg0 : i32, i32
  }
  func.func @transform_3(%arg0: i32) -> (i32, i32) {
    %c1_i32 = arith.constant 1 : i32
    %c0_i32 = arith.constant 0 : i32
    return %c1_i32, %arg0 : i32, i32
  }
  func.func @transform_4(%arg0: i32) -> (i32, i32) {
    %c0_i32 = arith.constant 0 : i32
    %c0_i32_0 = arith.constant 0 : i32
    return %c0_i32, %arg0 : i32, i32
  }
}

module attributes {stable_mosaic.version = 14 : i64} {
  func.func @_bwd2_body(%arg0: i32, %arg1: memref<32x4096xf32, #tpu.memory_space<vmem>>, %arg2: memref<32x4096xf32, #tpu.memory_space<vmem>>, %arg3: memref<32x4096xf32, #tpu.memory_space<vmem>>, %arg4: memref<32x4096xf32, #tpu.memory_space<vmem>>, %arg5: memref<4096x512xf32, #tpu.memory_space<vmem>>, %arg6: memref<64x512xf32, #tpu.memory_space<vmem>>, %arg7: memref<1x512xf32, #tpu.memory_space<vmem>>, %arg8: memref<64x512xf32, #tpu.memory_space<vmem>>) attributes {dimension_semantics = [#tpu.dimension_semantics<arbitrary>], iteration_bounds = array<i64: 8>, scalar_prefetch = 0 : i64, scratch_operands = 0 : i64, tpu.core_type = #tpu.core_type<tc>, window_params = [{pipeline_mode = #tpu.pipeline_mode<synchronous>, transform_indices = @transform_0, window_bounds = array<i64: 32, 4096>}, {pipeline_mode = #tpu.pipeline_mode<synchronous>, transform_indices = @transform_1, window_bounds = array<i64: 32, 4096>}, {transform_indices = @transform_2, window_bounds = array<i64: 32, 4096>}, {transform_indices = @transform_3, window_bounds = array<i64: 32, 4096>}, {transform_indices = @transform_4, window_bounds = array<i64: 4096, 512>}, {transform_indices = @transform_5, window_bounds = array<i64: 64, 512>}, {transform_indices = @transform_6, window_bounds = array<i64: 1, 512>}, {transform_indices = @transform_7, window_bounds = array<i64: 64, 512>}]} {
    %get3A = arith.constant 0 : index
    %get3A_0 = arith.constant 0 : index
    %get3A_1 = vector.load %arg3[%get3A, %get3A_0] : memref<32x4096xf32, #tpu.memory_space<vmem>>, vector<32x4096xf32>
    %get3A_2 = arith.constant 0 : index
    %get3A_3 = arith.constant 0 : index
    %get3A_4 = vector.load %arg1[%get3A_2, %get3A_3] : memref<32x4096xf32, #tpu.memory_space<vmem>>, vector<32x4096xf32>
    %mul3A = arith.mulf %get3A_1, %get3A_4 : vector<32x4096xf32>
    %get3A_5 = arith.constant 0 : index
    %get3A_6 = arith.constant 0 : index
    %get3A_7 = vector.load %arg4[%get3A_5, %get3A_6] : memref<32x4096xf32, #tpu.memory_space<vmem>>, vector<32x4096xf32>
    %ge3A = arith.constant 0.000000e+00 : f32
    %ge3A_8 = vector.broadcast %ge3A : f32 to vector<32x4096xf32>
    %ge3A_9 = arith.cmpf oge, %get3A_7, %ge3A_8 : vector<32x4096xf32>
    %add3A = arith.constant 9.99999997E-7 : f32
    %add3A_10 = vector.broadcast %add3A : f32 to vector<32x4096xf32>
    %add3A_11 = arith.addf %get3A_7, %add3A_10 : vector<32x4096xf32>
    %sub3A = arith.constant 9.99999997E-7 : f32
    %sub3A_12 = vector.broadcast %sub3A : f32 to vector<32x4096xf32>
    %sub3A_13 = arith.subf %get3A_7, %sub3A_12 : vector<32x4096xf32>
    %select_n3A = arith.select %ge3A_9, %add3A_11, %sub3A_13 : vector<32x4096xi1>, vector<32x4096xf32>
    %div3A = arith.divf %mul3A, %select_n3A : vector<32x4096xf32>
    %get3A_14 = arith.constant 0 : index
    %get3A_15 = arith.constant 0 : index
    %get3A_16 = vector.load %arg5[%get3A_14, %get3A_15] : memref<4096x512xf32, #tpu.memory_space<vmem>>, vector<4096x512xf32>
    %dot_general3A = arith.constant dense<0.000000e+00> : vector<32x512xf32>
    %dot_general3A_17 = tpu.matmul %div3A, %get3A_16, %dot_general3A {dimension_numbers = #tpu.dot_dimension_numbers<[1], [0], [0], [1], [0, 0, 1, 1], [], []>, transpose_lhs_hint = false} : vector<32x4096xf32>, vector<4096x512xf32>, vector<32x512xf32> -> vector<32x512xf32>
    %get3A_18 = arith.constant 0 : index
    %get3A_19 = arith.constant 0 : index
    %get3A_20 = vector.load %arg2[%get3A_18, %get3A_19] : memref<32x4096xf32, #tpu.memory_space<vmem>>, vector<32x4096xf32>
    %get3A_21 = arith.constant 0 : index
    %get3A_22 = arith.constant 0 : index
    %get3A_23 = vector.load %arg5[%get3A_21, %get3A_22] : memref<4096x512xf32, #tpu.memory_space<vmem>>, vector<4096x512xf32>
    %dot_general3A_24 = arith.constant dense<0.000000e+00> : vector<32x512xf32>
    %dot_general3A_25 = tpu.matmul %get3A_20, %get3A_23, %dot_general3A_24 {dimension_numbers = #tpu.dot_dimension_numbers<[1], [0], [0], [1], [0, 0, 1, 1], [], []>, transpose_lhs_hint = false} : vector<32x4096xf32>, vector<4096x512xf32>, vector<32x512xf32> -> vector<32x512xf32>
    %concatenate3A = tpu.concatenate %dot_general3A_17, %dot_general3A_25 in 0 : vector<32x512xf32>, vector<32x512xf32> -> vector<64x512xf32>
    %get3A_26 = arith.constant 0 : index
    %get3A_27 = arith.constant 0 : index
    %get3A_28 = vector.load %arg6[%get3A_26, %get3A_27] : memref<64x512xf32, #tpu.memory_space<vmem>>, vector<64x512xf32>
    %mul3A_29 = arith.mulf %get3A_28, %concatenate3A : vector<64x512xf32>
    %get3A_30 = arith.constant 0 : index
    %get3A_31 = arith.constant 0 : index
    %get3A_32 = vector.load %arg7[%get3A_30, %get3A_31] : memref<1x512xf32, #tpu.memory_space<vmem>>, vector<1x512xf32>
    %ge3A_33 = arith.constant 0.000000e+00 : f32
    %ge3A_34 = vector.broadcast %ge3A_33 : f32 to vector<1x512xf32>
    %ge3A_35 = arith.cmpf oge, %get3A_32, %ge3A_34 : vector<1x512xf32>
    %add3A_36 = arith.constant 9.99999997E-7 : f32
    %add3A_37 = vector.broadcast %add3A_36 : f32 to vector<1x512xf32>
    %add3A_38 = arith.addf %get3A_32, %add3A_37 : vector<1x512xf32>
    %sub3A_39 = arith.constant 9.99999997E-7 : f32
    %sub3A_40 = vector.broadcast %sub3A_39 : f32 to vector<1x512xf32>
    %sub3A_41 = arith.subf %get3A_32, %sub3A_40 : vector<1x512xf32>
    %select_n3A_42 = arith.select %ge3A_35, %add3A_38, %sub3A_41 : vector<1x512xi1>, vector<1x512xf32>
    %div3A_43 = vector.broadcast %select_n3A_42 : vector<1x512xf32> to vector<64x512xf32>
    %div3A_44 = arith.divf %mul3A_29, %div3A_43 : vector<64x512xf32>
    %swap3A = arith.constant 0 : index
    %swap3A_45 = arith.constant 0 : index
    %swap3A_46 = vector.load %arg8[%swap3A, %swap3A_45] : memref<64x512xf32, #tpu.memory_space<vmem>>, vector<64x512xf32>
    tpu.vector_store %arg8[%swap3A, %swap3A_45], %div3A_44 {strides = array<i32>} : memref<64x512xf32, #tpu.memory_space<vmem>>, vector<64x512xf32>,
    return
  }
  func.func @transform_0(%arg0: i32) -> (i32, i32) {
    %c0_i32 = arith.constant 0 : i32
    %c0_i32_0 = arith.constant 0 : i32
    %c0_i32_1 = arith.constant 0 : i32
    return %c0_i32, %c0_i32_0 : i32, i32
  }
  func.func @transform_1(%arg0: i32) -> (i32, i32) {
    %c0_i32 = arith.constant 0 : i32
    %c0_i32_0 = arith.constant 0 : i32
    %c0_i32_1 = arith.constant 0 : i32
    return %c0_i32, %c0_i32_0 : i32, i32
  }
  func.func @transform_2(%arg0: i32) -> (i32, i32) {
    %c0_i32 = arith.constant 0 : i32
    %c0_i32_0 = arith.constant 0 : i32
    %c0_i32_1 = arith.constant 0 : i32
    return %c0_i32, %c0_i32_0 : i32, i32
  }
  func.func @transform_3(%arg0: i32) -> (i32, i32) {
    %c0_i32 = arith.constant 0 : i32
    %c0_i32_0 = arith.constant 0 : i32
    %c0_i32_1 = arith.constant 0 : i32
    return %c0_i32, %c0_i32_0 : i32, i32
  }
  func.func @transform_4(%arg0: i32) -> (i32, i32) {
    %c0_i32 = arith.constant 0 : i32
    %c0_i32_0 = arith.constant 0 : i32
    return %c0_i32, %arg0 : i32, i32
  }
  func.func @transform_5(%arg0: i32) -> (i32, i32) {
    %c0_i32 = arith.constant 0 : i32
    %c0_i32_0 = arith.constant 0 : i32
    return %c0_i32, %arg0 : i32, i32
  }
  func.func @transform_6(%arg0: i32) -> (i32, i32) {
    %c0_i32 = arith.constant 0 : i32
    %c0_i32_0 = arith.constant 0 : i32
    return %c0_i32, %arg0 : i32, i32
  }
  func.func @transform_7(%arg0: i32) -> (i32, i32) {
    %c0_i32 = arith.constant 0 : i32
    %c0_i32_0 = arith.constant 0 : i32
    return %c0_i32, %arg0 : i32, i32
  }
}

module attributes {stable_mosaic.version = 14 : i64} {
  func.func @_bwd1_body(%arg0: i32, %arg1: memref<64x4096xf32, #tpu.memory_space<vmem>>, %arg2: memref<4096x512xf32, #tpu.memory_space<vmem>>, %arg3: memref<64x512xf32, #tpu.memory_space<vmem>>) attributes {dimension_semantics = [#tpu.dimension_semantics<arbitrary>], iteration_bounds = array<i64: 8>, scalar_prefetch = 0 : i64, scratch_operands = 0 : i64, tpu.core_type = #tpu.core_type<tc>, window_params = [{pipeline_mode = #tpu.pipeline_mode<synchronous>, transform_indices = @transform_0, window_bounds = array<i64: 64, 4096>}, {transform_indices = @transform_1, window_bounds = array<i64: 4096, 512>}, {transform_indices = @transform_2, window_bounds = array<i64: 64, 512>}]} {
    %get3A = arith.constant 0 : index
    %get3A_0 = arith.constant 0 : index
    %get3A_1 = vector.load %arg1[%get3A, %get3A_0] : memref<64x4096xf32, #tpu.memory_space<vmem>>, vector<64x4096xf32>
    %get3A_2 = arith.constant 0 : index
    %get3A_3 = arith.constant 0 : index
    %get3A_4 = vector.load %arg2[%get3A_2, %get3A_3] : memref<4096x512xf32, #tpu.memory_space<vmem>>, vector<4096x512xf32>
    %dot_general3A = arith.constant dense<0.000000e+00> : vector<64x512xf32>
    %dot_general3A_5 = tpu.matmul %get3A_1, %get3A_4, %dot_general3A {dimension_numbers = #tpu.dot_dimension_numbers<[1], [0], [0], [1], [0, 0, 1, 1], [], []>, transpose_lhs_hint = false} : vector<64x4096xf32>, vector<4096x512xf32>, vector<64x512xf32> -> vector<64x512xf32>
    %swap3A = arith.constant 0 : index
    %swap3A_6 = arith.constant 0 : index
    %swap3A_7 = vector.load %arg3[%swap3A, %swap3A_6] : memref<64x512xf32, #tpu.memory_space<vmem>>, vector<64x512xf32>
    tpu.vector_store %arg3[%swap3A, %swap3A_6], %dot_general3A_5 {strides = array<i32>} : memref<64x512xf32, #tpu.memory_space<vmem>>, vector<64x512xf32>,
    return
  }
  func.func @transform_0(%arg0: i32) -> (i32, i32) {
    %c0_i32 = arith.constant 0 : i32
    %c0_i32_0 = arith.constant 0 : i32
    %c0_i32_1 = arith.constant 0 : i32
    return %c0_i32, %c0_i32_0 : i32, i32
  }
  func.func @transform_1(%arg0: i32) -> (i32, i32) {
    %c0_i32 = arith.constant 0 : i32
    %c0_i32_0 = arith.constant 0 : i32
    return %c0_i32, %arg0 : i32, i32
  }
  func.func @transform_2(%arg0: i32) -> (i32, i32) {
    %c0_i32 = arith.constant 0 : i32
    %c0_i32_0 = arith.constant 0 : i32
    return %c0_i32, %arg0 : i32, i32
  }
}

</mosaic_0001>

<sc_bundles>
// kernel: kernel.10.cloned.1.call-start
scs
__scs_entry_jumppad:
0x0: {  	(pc) =	sbr.rel $0x88, $3  }
0x1: {  	(tag) =	ssettag $0x0;
	lr =	simm.s32 $0x1  }
0x2: {  	[smem:$0x3F99] =	sst lr;
	_ =	strace $0xD0000000  }
0x3: {  	_ = 	snop  }
0x4: {  	_ = 	snop  }
0x5: {  	_ = 	snop  }
0x6: {  	_ = 	snop  }
0x7: {  	_ = 	snop  }
__scs_overlays_trampoline_lowered:
0x8: {  	[smem:$0x3FA8] =	sst s0  }
0x9: {  	[smem:$0x3FA9] =	sst s1  }
0xa: {  	[smem:$0x3FAA] =	sst s2  }
0xb: {  	[smem:$0x3FAB] =	sst s3  }
0xc: {  	[smem:$0x3FAC] =	sst s4  }
0xd: {  	[smem:$0x3FAD] =	sst s5  }
0xe: {  	[smem:$0x3FAE] =	sst s6  }
0xf: {  	[smem:$0x3FAF] =	sst s7  }
0x10: {  	[smem:$0x3FB0] =	sst s8  }
0x11: {  	[smem:$0x3FB1] =	sst s9;
	s0 =	simm.s32 @!p0 $0x0  }
0x12: {  	s1 =	sld [smem:$0x3F97];
	s0 =	simm.s32 @p0 $0x1  }
0x13: {  	[smem:$0x3FB2] =	sst s0;
	s0 =	simm.s32 @!p1 $0x0  }
0x14: {  	s2 =	sld [smem:$0x3F96];
	s0 =	simm.s32 @p1 $0x1  }
0x15: {  	[smem:$0x3FB3] =	sst s0;
	s0 =	simm.s32 @!p2 $0x0  }
0x16: {  	s3 =	sld [smem:$0x3FDB];
	s0 =	simm.s32 @p2 $0x1  }
0x17: {  	s4 =	simm.s32 $0x1BF5;
	[smem:$0x3FB5] =	sst s0  }
0x18: {  	s0 =	sld [smem:$0x3F98];
	_ =	swait.ge [sflag:s4], $0x0  }
0x19: {  	s7 =	sld [smem:$0x3F99]  }
0x1a: {  	s8 =	sadd.s32 $0xFFFFE003, lr  }
0x1b: {  	s9 =	sadd.s32 $0xFFFFFEF7, lr;
	s5 =	simm.s32 $0xFFFFFFFF;
	p2 =	slt.u32 s8, $0xFFFFF086  }
0x1c: {  	p1 =	slt.u32 s9, $0xF7A;
	s5 =	simm.s32 @!p2 $0x0  }
0x1d: {  	s5 =	simm.s32 @p1 $0x1;
	p0 =	seq.s32 s7, s2  }
0x1e: {  	s7 =	smul.u32 @!p0 $0xF7A, s2;
	p2 =	seq.s32 @!p0 s5, $0x0  }
0x1f: {  	s9 =	smul.u32 $0xF7A, s1;
	s8 =	simm.s32 @!p0 $0x1BF5;
	p2 =	por !p2, p0  }
0x20: {  	[sflag:s8] =	ssyncset.s32 @!p0 $0xFFFFF086;
	s6 =	sadd.s32 @!p0 s3, s7;
	s7 =	simm.s32 @!p0 $0x108  }
0x21: {  	s3 =	sadd.s32 s3, s9;
	s6 =	sadd.s32 @!p0 $0x88, s6;
	s7 =	simm.s32 @p2 $0x1082  }
0x22: {  	[simem:s7], [sflag:s8] =	dma.local @!p0 [hbm:s6], $0xF7A  }
0x23: {  	s9 =	sor.u32 $0xD0000000, s2;
	s6 =	simm.s32 $0x108;
	_ =	swait.ge @!p0 [sflag:s8], $0x0  }
0x24: {  	s3 =	sadd.s32 $0x88, s3;
	s6 =	simm.s32 @!p1 $0x1082;
	[sflag:s4] =	ssyncset.s32 $0xFFFFF086  }
0x25: {  	[simem:s6], [sflag:s4] =	dma.local [hbm:s3], $0xF7A  }
0x26: {  	[smem:$0x3F99] =	sst s1;
	(tag) =	ssettag s2;
	_ =	strace s9  }
0x27: {  	s1 =	sld [smem:$0x3FA9]  }
0x28: {  	s2 =	sld [smem:$0x3FAA]  }
0x29: {  	s4 =	sld [smem:$0x3FAC]  }
0x2a: {  	p0 =	seq.s32 s5, $0x0;
	s5 =	sld [smem:$0x3FAD]  }
0x2b: {  	s6 =	sld [smem:$0x3FAE]  }
0x2c: {  	s7 =	sld [smem:$0x3FAF]  }
0x2d: {  	s3 =	simm.s32 $0x108;
	s8 =	sld [smem:$0x3FB0]  }
0x2e: {  	s3 =	simm.s32 @!p0 $0x1082;
	s9 =	sld [smem:$0x3FB1]  }
0x2f: {  	lr =	sadd.s32 s0, s3;
	s0 =	sld [smem:$0x3FA8]  }
0x30: {  	s3 =	sld [smem:$0x3FAB]  }
0x31: {  	[smem:$0x3FB4] =	sst s10  }
0x32: {  	s10 =	sld [smem:$0x3FB2];
	_ =	sdelay $0x3  }
0x33: {  	p0 =	seq.s32 s10, $0x1;
	s10 =	sld [smem:$0x3FB4];
	_ =	sdelay $0x3  }
0x34: {  	[smem:$0x3FB4] =	sst s10  }
0x35: {  	s10 =	sld [smem:$0x3FB3];
	_ =	sdelay $0x3  }
0x36: {  	p1 =	seq.s32 s10, $0x1;
	s10 =	sld [smem:$0x3FB4];
	_ =	sdelay $0x3  }
0x37: {  	[smem:$0x3FB4] =	sst s10  }
0x38: {  	s10 =	sld [smem:$0x3FB5]  }
0x39: {  	_ = 	snop;
	(pc) =	sbr.ind lr, $3  }
0x3a: {  	_ = 	snop  }
0x3b: {  	_ = 	snop  }
0x3c: {  	p2 =	seq.s32 s10, $0x1;
	s10 =	sld [smem:$0x3FB4]  }
0x3d: {  	_ =	shalt  }
0x3e: {  	_ =	shalt  }
0x3f: {  	_ =	shalt  }
0x40: {  	_ =	shalt  }
0x41: {  	_ =	shalt  }
0x42: {  	_ =	shalt  }
0x43: {  	_ =	shalt  }
0x44: {  	_ =	shalt  }
0x45: {  	_ =	shalt  }
0x46: {  	_ =	shalt  }
0x47: {  	_ =	shalt  }
0x48: {  	_ =	shalt  }
0x49: {  	_ =	shalt  }
0x4a: {  	_ =	shalt  }
0x4b: {  	_ =	shalt  }
0x4c: {  	_ =	shalt  }
0x4d: {  	_ =	shalt  }
0x4e: {  	_ =	shalt  }
0x4f: {  	_ =	shalt  }
0x50: {  	_ =	shalt  }
0x51: {  	_ =	shalt  }
0x52: {  	_ =	shalt  }
0x53: {  	_ =	shalt  }
0x54: {  	_ =	shalt  }
0x55: {  	_ =	shalt  }
0x56: {  	_ =	shalt  }
0x57: {  	_ =	shalt  }
0x58: {  	_ =	shalt  }
0x59: {  	_ =	shalt  }
0x5a: {  	_ =	shalt  }
0x5b: {  	_ =	shalt  }
0x5c: {  	_ =	shalt  }
0x5d: {  	_ =	shalt  }
0x5e: {  	_ =	shalt  }
0x5f: {  	_ =	shalt  }
0x60: {  	_ =	shalt  }
0x61: {  	_ =	shalt  }
0x62: {  	_ =	shalt  }
0x63: {  	_ =	shalt  }
0x64: {  	_ =	shalt  }
0x65: {  	_ =	shalt  }
0x66: {  	_ =	shalt  }
0x67: {  	_ =	shalt  }
0x68: {  	_ =	shalt  }
0x69: {  	_ =	shalt  }
0x6a: {  	_ =	shalt  }
0x6b: {  	_ =	shalt  }
0x6c: {  	_ =	shalt  }
0x6d: {  	_ =	shalt  }
0x6e: {  	_ =	shalt  }
0x6f: {  	_ =	shalt  }
0x70: {  	_ =	shalt  }
0x71: {  	_ =	shalt  }
0x72: {  	_ =	shalt  }
0x73: {  	_ =	shalt  }
0x74: {  	_ =	shalt  }
0x75: {  	_ =	shalt  }
0x76: {  	_ =	shalt  }
0x77: {  	_ =	shalt  }
0x78: {  	_ =	shalt  }
0x79: {  	_ =	shalt  }
0x7a: {  	_ =	shalt  }
0x7b: {  	_ =	shalt  }
0x7c: {  	_ =	shalt  }
0x7d: {  	_ =	shalt  }
0x7e: {  	_ =	shalt  }
0x7f: {  	_ =	shalt  }
0x80: {  	_ =	shalt  }
0x81: {  	_ =	shalt  }
0x82: {  	_ =	shalt  }
0x83: {  	_ =	shalt  }
0x84: {  	_ =	shalt  }
0x85: {  	_ =	shalt  }
0x86: {  	_ =	shalt  }
0x87: {  	_ =	shalt  }
.Lfunc_end0:
.L_simem_size_0:
called_computation_lowered:
.L_overlay_start_0:
0x88: {  	s2 =	sld [smem:$0x3FD9]  }
0x89: {  	s3 =	sld [smem:$0x3FFE];
	_ =	sdelay $0x1  }
0x8a: {  	s1 =	srdreg.scid  }
0x8b: {  	s0 =	sand.u32 $0x1, s1  }
0x8c: {  	s17 =	sshll.u32 s0, $0xA;
	s2 =	sadd.s32 s3, s2  }
0x8d: {  	s2 =	sadd.s32 s2, s17  }
0x8e: {  	[smem:$0x3FC0] =	sst s2  }
0x8f: {  	_ = 	snop  }
0x90: {  	s2 =	sld [smem:$0x3FC3]  }
0x91: {  	s18 =	sld [smem:$0x3FD0];
	(tm) =	ssettm $0x1  }
0x92: {  	s4 =	sld [smem:$0x3FFB];
	_ =	sdelay $0x3  }
0x93: {  	_ =	strace s4  }
0x94: {  	s4 =	sld [smem:$0x3FFC];
	_ =	sdelay $0x3  }
0x95: {  	_ =	strace s4  }
0x96: {  	s4 =	sld [smem:$0x3FFD];
	_ =	sdelay $0x3  }
0x97: {  	_ =	strace s4  }
0x98: {  	_ =	strace $0x8FFFFFFF  }
0x99: {  	s19 =	sld [smem:$0x3FDB];
	_ =	sdelay $0x1  }
0x9a: {  	s5 =	simm.s32 $_scs_section_size  }
0x9b: {  	s6 =	simm.s32 $_size__tile_overlayer_lowered;
	s7 =	simm.s32 $_tile_overlayer_lowered  }
0x9c: {  	s22 =	simm.s32 $0x1BFF;
	s21 =	sshll.u32 s7, $0x1;
	s4 =	sadd.s32 s5, s19  }
0x9d: {  	s8 =	simm.s32 $0x0;
	s20 =	sshll.u32 s6, $0x1;
	s6 =	sadd.s32 s21, s4  }
0x9e: {  	[timem:s8], [sflag:s22] =	dma.local [hbm:s6], s20  }
0x9f: {  	_ =	swait.ge [sflag:s22], s20  }
0xa0: {  	s5 =	ssub.s32 $0x0, s20;
	[sflag:s22] =	ssyncset.done $0x0  }
0xa1: {  	[sflag:s22] =	ssyncadd.s32 s5;
	_ =	sdelay $0x1  }
0xa2: {  	s23 =	simm.s32 $0x1B8B  }
0xa3: {  	_ =	swait.ge [sflag:s23], $0x1  }
0xa4: {  	[sflag:s23] =	ssyncset.done $0x0  }
0xa5: {  	s25 =	simm.s32 $0x1B8E;
	s24 =	sld [smem:$0x3FFE];
	[sflag:s23] =	ssyncadd.s32 $0xFFFFFFFF  }
0xa6: {  	s26 =	simm.s32 $execute0_lowered;
	[smem:$0x3FD2] =	sst s25  }
0xa7: {  	s6 =	sshll.u32 s26, $0x1;
	_ =	strace $0x80000046;
	[dreg:$0x1] =	wrdreg $0xFFFFFFFF  }
0xa8: {  	s28 =	simm.s32 $_size_execute0_lowered;
	s4 =	sadd.s32 s4, s6;
	[dreg:$0x0] =	wrdreg $0x0  }
0xa9: {  	s6 =	sshll.u32 s28, $0x1;
	[dreg:$0x2] =	wrdreg s4  }
0xaa: {  	[dreg:$0x3] =	wrdreg s6  }
0xab: {  	[dreg:$0x4] =	wrdreg $0xC0  }
0xac: {  	_ =	task [dreg:s8], $0x5FFFF  }
0xad: {  	[dreg:$0x1] =	wrdreg $0xFFFFFFFF  }
0xae: {  	[dreg:$0x0] =	wrdreg $0x60  }
0xaf: {  	[dreg:$0x2] =	wrdreg s2  }
0xb0: {  	[dreg:$0x3] =	wrdreg s24  }
0xb1: {  	[dreg:$0x4] =	wrdreg s18  }
0xb2: {  	[dreg:$0x5] =	wrdreg $0x9  }
0xb3: {  	_ =	task.clear_ibuf [dreg:s8], $0x6FFFF;
	_ =	strace $0x90000046  }
0xb4: {  	s29 =	simm.s32 $0x9;
	_ =	strace $0x80000048  }
0xb5: {  	_ =	swait.ge [sflag:s29], $0x1  }
0xb6: {  	[sflag:s29] =	ssyncadd.s32 $0xFFFFFFFF  }
0xb7: {  	_ =	strace $0x90000048  }
0xb8: {  	_ =	sfence  }
0xb9: {  	s30 =	sld [smem:$0x0];
	_ =	sdelay $0x2  }
0xba: {  	s31 =	sshll.u32 s1, $0xD;
	s1 =	sshrl.u32 s1, $0x2  }
0xbb: {  	s3 =	sand.u32 $0x4000, s31;
	s1 =	sadd.s32 s1, s30  }
0xbc: {  	s0 =	sor.u32 s3, s0;
	s1 =	sshll.u32 s1, $0x11  }
0xbd: {  	s0 =	sor.u32 s1, s0  }
0xbe: {  	s0 =	sadd.s32 $0x8F2B, s0  }
0xbf: {  	[sflag:s0] =	ssyncadd.remote.s32 $0x1  }
0xc0: {  	_ =	sfence.sel $0xFFFF  }
0xc1: {  	[dreg:$0x0] =	wrdreg $0xFFFFFFFF;
	(pc) =	sbr.abs _section_cstart, $3  }
0xc2: {  	[dreg:$0x1] =	wrdreg $0xFFFFFFFF  }
0xc3: {  	_ =	task.clear_ibuf [dreg:s8], $0x2FFFF;
	_ =	strace $0x9FFFFFFF  }
0xc4: {  	(tm) =	ssettm $0x7FFFFFFF  }
0xc5: {  	_ =	shalt  }
tec
execute0_lowered:
.L_overlay_start_1:
0x0: {  	(tag) =	ssettag $0x1  }
0x1: {  	s1 =	rddreg [dreg:$0x0]  }
0x2: {  	s0 =	rddreg [dreg:$0x1]  }
0x3: {  	s2 =	rddreg [dreg:$0x2]  }
0x4: {  	s3 =	simm.s32 $0x0;
	s4 =	srdreg.scid;
	s6 =	stileid.u32  }
0x5: {  	s28 =	simm.s32 $0xE280;
	s29 =	simm.s32 $0xEA80;
	s30 =	simm.s32 $0xF280  }
0x6: {  	s31 =	simm.s32 $0xFA80;
	[smem:$0x7FF] =	sst s3;
	s4 =	sand.u32 $0x1, s4  }
0x7: {  	s5 =	sshll.u32 s6, $0x8;
	s17 =	sshrl.u32 s6, $0x2;
	s8 =	sadd.s32 $0x300, s1  }
0x8: {  	s9 =	sadd.s32 $0x400, s1;
	s10 =	sadd.s32 $0x500, s1;
	s11 =	sadd.s32 $0x600, s1  }
0x9: {  	s12 =	sadd.s32 $0x700, s1;
	s13 =	sadd.s32 $0x800, s1;
	s14 =	sadd.s32 $0x900, s1  }
0xa: {  	s15 =	sadd.s32 $0xA00, s1;
	s16 =	sadd.s32 $0xB00, s1;
	s18 =	sadd.s32 $0xD00, s1  }
0xb: {  	s19 =	sadd.s32 $0xE00, s1;
	s20 =	sadd.s32 $0xF00, s1;
	s23 =	sshll.u32 s4, $0x7  }
0xc: {  	s5 =	sand.u32 $0x300, s5;
	s24 =	sshll.u32 s17, $0xA;
	s7 =	sshll.u32 s17, $0xC  }
0xd: {  	_ =	strace $0x80000047;
	s4 =	ssub.s32 $0x2, s4;
	s26 =	sshll.u32 s17, $0xF  }
0xe: {  	s17 =	sadd.s32 $0xC00, s1;
	s5 =	sor.u32 s23, s5;
	s25 =	sshrl.u32 s4, $0x1  }
0xf: {  	s23 =	simm.s32 $0x3;
	s6 =	sor.u32 s24, s5;
	s7 =	sor.u32 s7, s5  }
0x10: {  	s4 =	ssub.s32 s4, s25;
	s24 =	simm.s32 $0x400;
	s6 =	sshrl.u32 s6, $0x3  }
0x11: {  	s25 =	simm.s32 $0x2;
	s7 =	sshrl.u32 s7, $0x3;
	s6 =	sadd.s32 s6, s0  }
0x12: {  	s22 =	smax.u32 s4, $0x1;
	s0 =	sadd.s32 s7, s0;
	s6 =	sadd.s32 $0x2000, s6  }
0x13: {  	s4 =	simm.s32 $0x0;
	s0 =	sadd.s32 $0x1800, s0;
	[dreg:$0x4] =	wrdreg s6  }
0x14: {  	v0 =	vlaneseq.u32;
	s7 =	sadd.s32 $0x200, s1;
	[dreg:$0x5] =	wrdreg s0;
	s0 =	sor.u32 s26, s5  }
0x15: {  	v1 =	vshrl.u32 v0, $0x3;
	s6 =	sadd.s32 $0x100, s1;
	s26 =	simm.s32 $0x80;
	s0 =	sshrl.u32 s0, $0x3  }
0x16: {  	vm0 =	vmmov $0xffff;
	v0 =	vand.u32 $0x7, v0;
	v1 =	vmul.u32 $0x8, v1;
	s21 =	sadd.s32 s2, s0;
	s0 =	simm.s32 $0x1;
	s2 =	simm.s32 $0x4  }
.LBB2_1:
0x17: {  	s5 =	rddreg [dreg:$0x4]  }
0x18: {  	[tilespmem:s3], [sflag:$0x2] =	stream.linear.gather [hbm4b:s5+s3], $0x80, $0x38;
	[tilespmem:$0x11280] =	vst v63  }
0x19: {  	s5 =	rddreg [dreg:$0x5]  }
0x1a: {  	[tilespmem:s26], [sflag:$0x3] =	stream.strided.gather [hbm4b:s5+s26], $0x200, s24, s26, $0x38;
	[tilespmem:$0x11280] =	vst v63  }
0x1b: {  	_ =	swait.ge [sflag:s25], $0x80  }
0x1c: {  	[sflag:s25] =	ssyncset.done $0x0  }
0x1d: {  	[sflag:s25] =	ssyncadd.s32 $0xFFFFFF80  }
0x1e: {  	v2 =	vld.msk [tilespmem:$0x0], $0xff;
	_ =	sdelay $0x4  }
0x1f: {  	v3 =	vshll.u32 v2, $0x5  }
0x20: {  	v2 =	vand.u32 $0x7, v2;
	v3 =	vand.u32 $0xFFFFFF00, v3  }
0x21: {  	v2 =	vor.u32 v2, v3  }
0x22: {  	v2 =	vperm.xlane v2, v0;
	_ =	sdelay $0x1  }
0x23: {  	v2 =	vadd.s32 v1, v2;
	_ =	sdelay $0x3  }
0x24: {  	s24 =	simm.s32 $0x280  }
0x25: {  	[tilespmem:s24], [sflag:$0x1] =	stream.indirect_vreg.gather [hbm4b:s1+s3], $0x80, v2, vm0, $0xb8;
	[tilespmem:$0x11280] =	vst v63  }
0x26: {  	s26 =	simm.s32 $0xA80  }
0x27: {  	[tilespmem:s26], [sflag:$0x1] =	stream.indirect_vreg.gather [hbm4b:s6+s3], $0x80, v2, vm0, $0xb8;
	[tilespmem:$0x11280] =	vst v63  }
0x28: {  	s24 =	simm.s32 $0x1280  }
0x29: {  	[tilespmem:s24], [sflag:$0x1] =	stream.indirect_vreg.gather [hbm4b:s7+s3], $0x80, v2, vm0, $0xb8;
	[tilespmem:$0x11280] =	vst v63  }
0x2a: {  	s26 =	simm.s32 $0x1A80  }
0x2b: {  	[tilespmem:s26], [sflag:$0x1] =	stream.indirect_vreg.gather [hbm4b:s8+s3], $0x80, v2, vm0, $0xb8;
	[tilespmem:$0x11280] =	vst v63  }
0x2c: {  	s24 =	simm.s32 $0x2280  }
0x2d: {  	[tilespmem:s24], [sflag:$0x1] =	stream.indirect_vreg.gather [hbm4b:s9+s3], $0x80, v2, vm0, $0xb8;
	[tilespmem:$0x11280] =	vst v63  }
0x2e: {  	s26 =	simm.s32 $0x2A80  }
0x2f: {  	[tilespmem:s26], [sflag:$0x1] =	stream.indirect_vreg.gather [hbm4b:s10+s3], $0x80, v2, vm0, $0xb8;
	[tilespmem:$0x11280] =	vst v63  }
0x30: {  	s24 =	simm.s32 $0x3280  }
0x31: {  	[tilespmem:s24], [sflag:$0x1] =	stream.indirect_vreg.gather [hbm4b:s11+s3], $0x80, v2, vm0, $0xb8;
	[tilespmem:$0x11280] =	vst v63  }
0x32: {  	s26 =	simm.s32 $0x3A80  }
0x33: {  	[tilespmem:s26], [sflag:$0x1] =	stream.indirect_vreg.gather [hbm4b:s12+s3], $0x80, v2, vm0, $0xb8;
	[tilespmem:$0x11280] =	vst v63  }
0x34: {  	s24 =	simm.s32 $0x4280  }
0x35: {  	[tilespmem:s24], [sflag:$0x1] =	stream.indirect_vreg.gather [hbm4b:s13+s3], $0x80, v2, vm0, $0xb8;
	[tilespmem:$0x11280] =	vst v63  }
0x36: {  	s26 =	simm.s32 $0x4A80  }
0x37: {  	[tilespmem:s26], [sflag:$0x1] =	stream.indirect_vreg.gather [hbm4b:s14+s3], $0x80, v2, vm0, $0xb8;
	[tilespmem:$0x11280] =	vst v63  }
0x38: {  	s24 =	simm.s32 $0x5280  }
0x39: {  	[tilespmem:s24], [sflag:$0x1] =	stream.indirect_vreg.gather [hbm4b:s15+s3], $0x80, v2, vm0, $0xb8;
	[tilespmem:$0x11280] =	vst v63  }
0x3a: {  	s26 =	simm.s32 $0x5A80  }
0x3b: {  	[tilespmem:s26], [sflag:$0x1] =	stream.indirect_vreg.gather [hbm4b:s16+s3], $0x80, v2, vm0, $0xb8;
	[tilespmem:$0x11280] =	vst v63  }
0x3c: {  	s24 =	simm.s32 $0x6280  }
0x3d: {  	[tilespmem:s24], [sflag:$0x1] =	stream.indirect_vreg.gather [hbm4b:s17+s3], $0x80, v2, vm0, $0xb8;
	[tilespmem:$0x11280] =	vst v63  }
0x3e: {  	s26 =	simm.s32 $0x6A80  }
0x3f: {  	[tilespmem:s26], [sflag:$0x1] =	stream.indirect_vreg.gather [hbm4b:s18+s3], $0x80, v2, vm0, $0xb8;
	[tilespmem:$0x11280] =	vst v63  }
0x40: {  	s24 =	simm.s32 $0x7280  }
0x41: {  	[tilespmem:s24], [sflag:$0x1] =	stream.indirect_vreg.gather [hbm4b:s19+s3], $0x80, v2, vm0, $0xb8;
	[tilespmem:$0x11280] =	vst v63  }
0x42: {  	s26 =	simm.s32 $0x7A80  }
0x43: {  	[tilespmem:s26], [sflag:$0x1] =	stream.indirect_vreg.gather [hbm4b:s20+s3], $0x80, v2, vm0, $0xb8;
	[tilespmem:$0x11280] =	vst v63  }
0x44: {  	_ =	swait.ge [sflag:s23], $0x200  }
0x45: {  	[sflag:s23] =	ssyncset.done $0x0  }
0x46: {  	[sflag:s23] =	ssyncadd.s32 $0xFFFFFE00  }
0x47: {  	v2 =	vld.msk [tilespmem:$0x8], $0xff;
	_ =	sdelay $0x4  }
0x48: {  	v3 =	vshll.u32 v2, $0x5  }
0x49: {  	v2 =	vand.u32 $0x7, v2;
	v3 =	vand.u32 $0xFFFFFF00, v3  }
0x4a: {  	v2 =	vor.u32 v2, v3  }
0x4b: {  	v2 =	vperm.xlane v2, v0;
	_ =	sdelay $0x1  }
0x4c: {  	v2 =	vadd.s32 v1, v2;
	_ =	sdelay $0x3  }
0x4d: {  	s24 =	simm.s32 $0x8280  }
0x4e: {  	[tilespmem:s24], [sflag:$0x1] =	stream.indirect_vreg.gather [hbm4b:s1+s3], $0x80, v2, vm0, $0xb8;
	[tilespmem:$0x11280] =	vst v63  }
0x4f: {  	s26 =	simm.s32 $0x8A80  }
0x50: {  	[tilespmem:s26], [sflag:$0x1] =	stream.indirect_vreg.gather [hbm4b:s6+s3], $0x80, v2, vm0, $0xb8;
	[tilespmem:$0x11280] =	vst v63  }
0x51: {  	s24 =	simm.s32 $0x9280  }
0x52: {  	[tilespmem:s24], [sflag:$0x1] =	stream.indirect_vreg.gather [hbm4b:s7+s3], $0x80, v2, vm0, $0xb8;
	[tilespmem:$0x11280] =	vst v63  }
0x53: {  	s26 =	simm.s32 $0x9A80  }
0x54: {  	[tilespmem:s26], [sflag:$0x1] =	stream.indirect_vreg.gather [hbm4b:s8+s3], $0x80, v2, vm0, $0xb8;
	[tilespmem:$0x11280] =	vst v63  }
0x55: {  	s24 =	simm.s32 $0xA280  }
0x56: {  	[tilespmem:s24], [sflag:$0x1] =	stream.indirect_vreg.gather [hbm4b:s9+s3], $0x80, v2, vm0, $0xb8;
	[tilespmem:$0x11280] =	vst v63  }
0x57: {  	s26 =	simm.s32 $0xAA80  }
0x58: {  	[tilespmem:s26], [sflag:$0x1] =	stream.indirect_vreg.gather [hbm4b:s10+s3], $0x80, v2, vm0, $0xb8;
	[tilespmem:$0x11280] =	vst v63  }
0x59: {  	s24 =	simm.s32 $0xB280  }
0x5a: {  	[tilespmem:s24], [sflag:$0x1] =	stream.indirect_vreg.gather [hbm4b:s11+s3], $0x80, v2, vm0, $0xb8;
	[tilespmem:$0x11280] =	vst v63  }
0x5b: {  	s26 =	simm.s32 $0xBA80  }
0x5c: {  	[tilespmem:s26], [sflag:$0x1] =	stream.indirect_vreg.gather [hbm4b:s12+s3], $0x80, v2, vm0, $0xb8;
	[tilespmem:$0x11280] =	vst v63  }
0x5d: {  	s24 =	simm.s32 $0xC280  }
0x5e: {  	[tilespmem:s24], [sflag:$0x1] =	stream.indirect_vreg.gather [hbm4b:s13+s3], $0x80, v2, vm0, $0xb8;
	[tilespmem:$0x11280] =	vst v63  }
0x5f: {  	s26 =	simm.s32 $0xCA80  }
0x60: {  	[tilespmem:s26], [sflag:$0x1] =	stream.indirect_vreg.gather [hbm4b:s14+s3], $0x80, v2, vm0, $0xb8;
	[tilespmem:$0x11280] =	vst v63  }
0x61: {  	s24 =	simm.s32 $0xD280  }
0x62: {  	[tilespmem:s24], [sflag:$0x1] =	stream.indirect_vreg.gather [hbm4b:s15+s3], $0x80, v2, vm0, $0xb8;
	[tilespmem:$0x11280] =	vst v63  }
0x63: {  	s26 =	simm.s32 $0xDA80  }
0x64: {  	[tilespmem:s26], [sflag:$0x1] =	stream.indirect_vreg.gather [hbm4b:s16+s3], $0x80, v2, vm0, $0xb8;
	[tilespmem:$0x11280] =	vst v63  }
0x65: {  	_ = 	snop  }
0x66: {  	[tilespmem:s28], [sflag:$0x1] =	stream.indirect_vreg.gather [hbm4b:s17+s3], $0x80, v2, vm0, $0xb8;
	[tilespmem:$0x11280] =	vst v63  }
0x67: {  	_ = 	snop  }
0x68: {  	[tilespmem:s29], [sflag:$0x1] =	stream.indirect_vreg.gather [hbm4b:s18+s3], $0x80, v2, vm0, $0xb8;
	[tilespmem:$0x11280] =	vst v63  }
0x69: {  	_ = 	snop  }
0x6a: {  	[tilespmem:s30], [sflag:$0x1] =	stream.indirect_vreg.gather [hbm4b:s19+s3], $0x80, v2, vm0, $0xb8;
	[tilespmem:$0x11280] =	vst v63  }
0x6b: {  	_ = 	snop  }
0x6c: {  	[tilespmem:s31], [sflag:$0x1] =	stream.indirect_vreg.gather [hbm4b:s20+s3], $0x80, v2, vm0, $0xb8;
	[tilespmem:$0x11280] =	vst v63  }
0x6d: {  	_ =	swait.ge [sflag:s0], $0x8000  }
0x6e: {  	[sflag:s0] =	ssyncset.done $0x0  }
0x6f: {  	[sflag:s0] =	ssyncadd.s32 $0xFFFF8000  }
0x70: {  	s5 =	simm.s32 $0x480;
	v2 =	vld [tilespmem:$0x80]  }
0x71: {  	v6 =	vld [tilespmem:s5+$0xFFFFFE00]  }
0x72: {  	v3 =	vld [tilespmem:$0x90]  }
0x73: {  	v7 =	vld [tilespmem:s5+$0xFFFFFE80]  }
0x74: {  	v4 =	vld [tilespmem:$0xA0]  }
0x75: {  	v8 =	vld [tilespmem:s5+$0xFFFFFF00]  }
0x76: {  	v5 =	vld [tilespmem:$0xB0];
	v9 =	vmul.f32 v6, v2  }
0x77: {  	v10 =	vld [tilespmem:s5+$0xFFFFFF80]  }
0x78: {  	v12 =	vld [tilespmem:s5+$0x0];
	v11 =	vmul.f32 v7, v3;
	v9 =	vadd.f32 $0.0e+00, v9  }
0x79: {  	v6 =	vld [tilespmem:$0xC0]  }
0x7a: {  	v13 =	vld [tilespmem:s5+$0x80];
	v9 =	vadd.f32 v11, v9;
	v11 =	vmul.f32 v8, v4  }
0x7b: {  	v7 =	vld [tilespmem:$0xD0]  }
0x7c: {  	v14 =	vld [tilespmem:s5+$0x100];
	v10 =	vmul.f32 v10, v5;
	v11 =	vadd.f32 v11, v9  }
0x7d: {  	v8 =	vld [tilespmem:$0xE0]  }
0x7e: {  	v21 =	vld [tilespmem:s5+$0x180];
	v10 =	vadd.f32 v10, v11;
	v11 =	vmul.f32 v12, v6  }
0x7f: {  	v9 =	vld [tilespmem:$0xF0]  }
0x80: {  	v10 =	vadd.f32 v11, v10;
	v11 =	vmul.f32 v13, v7;
	_ =	sdelay $0x1  }
0x81: {  	v10 =	vadd.f32 v11, v10;
	v11 =	vmul.f32 v14, v8;
	_ =	sdelay $0x1  }
0x82: {  	v10 =	vadd.f32 v11, v10;
	v11 =	vmul.f32 v21, v9;
	_ =	sdelay $0x1  }
0x83: {  	v10 =	vadd.f32 v11, v10  }
0x84: {  	s24 =	simm.s32 $0x102C0  }
0x85: {  	[tilespmem:s24+$0xFFFFFFC0] =	vst v10  }
0x86: {  	v10 =	vld [tilespmem:s5+$0xFFFFFE10];
	_ =	sdelay $0x1  }
0x87: {  	v11 =	vld [tilespmem:s5+$0xFFFFFE90];
	_ =	sdelay $0x1  }
0x88: {  	v22 =	vld [tilespmem:s5+$0xFFFFFF10]  }
0x89: {  	v10 =	vmul.f32 v10, v2  }
0x8a: {  	v23 =	vld [tilespmem:s5+$0xFFFFFF90]  }
0x8b: {  	v11 =	vmul.f32 v11, v3;
	v10 =	vadd.f32 $0.0e+00, v10  }
0x8c: {  	v24 =	vld [tilespmem:s5+$0x10]  }
0x8d: {  	v10 =	vadd.f32 v11, v10;
	v11 =	vmul.f32 v22, v4  }
0x8e: {  	v25 =	vld [tilespmem:s5+$0x90]  }
0x8f: {  	v10 =	vadd.f32 v11, v10;
	v11 =	vmul.f32 v23, v5  }
0x90: {  	v26 =	vld [tilespmem:s5+$0x110]  }
0x91: {  	v10 =	vadd.f32 v11, v10;
	v11 =	vmul.f32 v24, v6  }
0x92: {  	v27 =	vld [tilespmem:s5+$0x190]  }
0x93: {  	v10 =	vadd.f32 v11, v10;
	v11 =	vmul.f32 v25, v7;
	_ =	sdelay $0x1  }
0x94: {  	v10 =	vadd.f32 v11, v10;
	v11 =	vmul.f32 v26, v8;
	_ =	sdelay $0x1  }
0x95: {  	v10 =	vadd.f32 v11, v10;
	v11 =	vmul.f32 v27, v9;
	_ =	sdelay $0x1  }
0x96: {  	v10 =	vadd.f32 v11, v10;
	_ =	sdelay $0x1  }
0x97: {  	[tilespmem:s24+$0xFFFFFFD0] =	vst v10  }
0x98: {  	v10 =	vld [tilespmem:s5+$0xFFFFFE20];
	_ =	sdelay $0x1  }
0x99: {  	v11 =	vld [tilespmem:s5+$0xFFFFFEA0];
	_ =	sdelay $0x1  }
0x9a: {  	v28 =	vld [tilespmem:s5+$0xFFFFFF20]  }
0x9b: {  	v10 =	vmul.f32 v10, v2  }
0x9c: {  	v29 =	vld [tilespmem:s5+$0xFFFFFFA0]  }
0x9d: {  	v11 =	vmul.f32 v11, v3;
	v10 =	vadd.f32 $0.0e+00, v10  }
0x9e: {  	v30 =	vld [tilespmem:s5+$0x20]  }
0x9f: {  	v10 =	vadd.f32 v11, v10;
	v11 =	vmul.f32 v28, v4  }
0xa0: {  	v31 =	vld [tilespmem:s5+$0xA0]  }
0xa1: {  	v10 =	vadd.f32 v11, v10;
	v11 =	vmul.f32 v29, v5  }
0xa2: {  	v32 =	vld [tilespmem:s5+$0x120]  }
0xa3: {  	v10 =	vadd.f32 v11, v10;
	v11 =	vmul.f32 v30, v6  }
0xa4: {  	v33 =	vld [tilespmem:s5+$0x1A0]  }
0xa5: {  	v10 =	vadd.f32 v11, v10;
	v11 =	vmul.f32 v31, v7;
	_ =	sdelay $0x1  }
0xa6: {  	v10 =	vadd.f32 v11, v10;
	v11 =	vmul.f32 v32, v8;
	_ =	sdelay $0x1  }
0xa7: {  	v10 =	vadd.f32 v11, v10;
	v11 =	vmul.f32 v33, v9;
	_ =	sdelay $0x1  }
0xa8: {  	v10 =	vadd.f32 v11, v10;
	_ =	sdelay $0x1  }
0xa9: {  	[tilespmem:s24+$0xFFFFFFE0] =	vst v10  }
0xaa: {  	v10 =	vld [tilespmem:s5+$0xFFFFFE30];
	_ =	sdelay $0x1  }
0xab: {  	v11 =	vld [tilespmem:s5+$0xFFFFFEB0];
	_ =	sdelay $0x1  }
0xac: {  	v34 =	vld [tilespmem:s5+$0xFFFFFF30]  }
0xad: {  	v10 =	vmul.f32 v10, v2  }
0xae: {  	v35 =	vld [tilespmem:s5+$0xFFFFFFB0]  }
0xaf: {  	v11 =	vmul.f32 v11, v3;
	v10 =	vadd.f32 $0.0e+00, v10  }
0xb0: {  	v36 =	vld [tilespmem:s5+$0x30]  }
0xb1: {  	v10 =	vadd.f32 v11, v10;
	v11 =	vmul.f32 v34, v4  }
0xb2: {  	v37 =	vld [tilespmem:s5+$0xB0]  }
0xb3: {  	v10 =	vadd.f32 v11, v10;
	v11 =	vmul.f32 v35, v5  }
0xb4: {  	v38 =	vld [tilespmem:s5+$0x130]  }
0xb5: {  	v10 =	vadd.f32 v11, v10;
	v11 =	vmul.f32 v36, v6  }
0xb6: {  	v39 =	vld [tilespmem:s5+$0x1B0]  }
0xb7: {  	v10 =	vadd.f32 v11, v10;
	v11 =	vmul.f32 v37, v7;
	_ =	sdelay $0x1  }
0xb8: {  	v10 =	vadd.f32 v11, v10;
	v11 =	vmul.f32 v38, v8;
	_ =	sdelay $0x1  }
0xb9: {  	v10 =	vadd.f32 v11, v10;
	v11 =	vmul.f32 v39, v9;
	_ =	sdelay $0x1  }
0xba: {  	v10 =	vadd.f32 v11, v10;
	_ =	sdelay $0x1  }
0xbb: {  	[tilespmem:s24+$0xFFFFFFF0] =	vst v10  }
0xbc: {  	v10 =	vld [tilespmem:s5+$0xFFFFFE40];
	_ =	sdelay $0x1  }
0xbd: {  	v11 =	vld [tilespmem:s5+$0xFFFFFEC0];
	_ =	sdelay $0x1  }
0xbe: {  	v40 =	vld [tilespmem:s5+$0xFFFFFF40]  }
0xbf: {  	v10 =	vmul.f32 v10, v2  }
0xc0: {  	v41 =	vld [tilespmem:s5+$0xFFFFFFC0]  }
0xc1: {  	v11 =	vmul.f32 v11, v3;
	v10 =	vadd.f32 $0.0e+00, v10  }
0xc2: {  	v42 =	vld [tilespmem:s5+$0x40]  }
0xc3: {  	v10 =	vadd.f32 v11, v10;
	v11 =	vmul.f32 v40, v4  }
0xc4: {  	v43 =	vld [tilespmem:s5+$0xC0]  }
0xc5: {  	v10 =	vadd.f32 v11, v10;
	v11 =	vmul.f32 v41, v5  }
0xc6: {  	v44 =	vld [tilespmem:s5+$0x140]  }
0xc7: {  	v10 =	vadd.f32 v11, v10;
	v11 =	vmul.f32 v42, v6  }
0xc8: {  	v45 =	vld [tilespmem:s5+$0x1C0]  }
0xc9: {  	v10 =	vadd.f32 v11, v10;
	v11 =	vmul.f32 v43, v7;
	_ =	sdelay $0x1  }
0xca: {  	v10 =	vadd.f32 v11, v10;
	v11 =	vmul.f32 v44, v8;
	_ =	sdelay $0x1  }
0xcb: {  	v10 =	vadd.f32 v11, v10;
	v11 =	vmul.f32 v45, v9;
	_ =	sdelay $0x1  }
0xcc: {  	v10 =	vadd.f32 v11, v10;
	_ =	sdelay $0x1  }
0xcd: {  	[tilespmem:s24+$0x0] =	vst v10  }
0xce: {  	v10 =	vld [tilespmem:s5+$0xFFFFFE50];
	_ =	sdelay $0x1  }
0xcf: {  	v11 =	vld [tilespmem:s5+$0xFFFFFED0];
	_ =	sdelay $0x1  }
0xd0: {  	v46 =	vld [tilespmem:s5+$0xFFFFFF50]  }
0xd1: {  	v10 =	vmul.f32 v10, v2  }
0xd2: {  	v47 =	vld [tilespmem:s5+$0xFFFFFFD0]  }
0xd3: {  	v11 =	vmul.f32 v11, v3;
	v10 =	vadd.f32 $0.0e+00, v10  }
0xd4: {  	v48 =	vld [tilespmem:s5+$0x50]  }
0xd5: {  	v10 =	vadd.f32 v11, v10;
	v11 =	vmul.f32 v46, v4  }
0xd6: {  	v49 =	vld [tilespmem:s5+$0xD0]  }
0xd7: {  	v10 =	vadd.f32 v11, v10;
	v11 =	vmul.f32 v47, v5  }
0xd8: {  	v50 =	vld [tilespmem:s5+$0x150]  }
0xd9: {  	v10 =	vadd.f32 v11, v10;
	v11 =	vmul.f32 v48, v6  }
0xda: {  	v51 =	vld [tilespmem:s5+$0x1D0]  }
0xdb: {  	v10 =	vadd.f32 v11, v10;
	v11 =	vmul.f32 v49, v7;
	_ =	sdelay $0x1  }
0xdc: {  	v10 =	vadd.f32 v11, v10;
	v11 =	vmul.f32 v50, v8;
	_ =	sdelay $0x1  }
0xdd: {  	v10 =	vadd.f32 v11, v10;
	v11 =	vmul.f32 v51, v9;
	_ =	sdelay $0x1  }
0xde: {  	v10 =	vadd.f32 v11, v10;
	_ =	sdelay $0x1  }
0xdf: {  	[tilespmem:s24+$0x10] =	vst v10  }
0xe0: {  	v10 =	vld [tilespmem:s5+$0xFFFFFE60];
	_ =	sdelay $0x1  }
0xe1: {  	v11 =	vld [tilespmem:s5+$0xFFFFFEE0];
	_ =	sdelay $0x1  }
0xe2: {  	v52 =	vld [tilespmem:s5+$0xFFFFFF60]  }
0xe3: {  	v10 =	vmul.f32 v10, v2  }
0xe4: {  	v53 =	vld [tilespmem:s5+$0xFFFFFFE0]  }
0xe5: {  	v11 =	vmul.f32 v11, v3;
	v10 =	vadd.f32 $0.0e+00, v10  }
0xe6: {  	v54 =	vld [tilespmem:s5+$0x60]  }
0xe7: {  	v10 =	vadd.f32 v11, v10;
	v11 =	vmul.f32 v52, v4  }
0xe8: {  	v55 =	vld [tilespmem:s5+$0xE0]  }
0xe9: {  	v10 =	vadd.f32 v11, v10;
	v11 =	vmul.f32 v53, v5  }
0xea: {  	v56 =	vld [tilespmem:s5+$0x160]  }
0xeb: {  	v10 =	vadd.f32 v11, v10;
	v11 =	vmul.f32 v54, v6  }
0xec: {  	v57 =	vld [tilespmem:s5+$0x1E0]  }
0xed: {  	v10 =	vadd.f32 v11, v10;
	v11 =	vmul.f32 v55, v7;
	_ =	sdelay $0x1  }
0xee: {  	v10 =	vadd.f32 v11, v10;
	v11 =	vmul.f32 v56, v8;
	_ =	sdelay $0x1  }
0xef: {  	v10 =	vadd.f32 v11, v10;
	v11 =	vmul.f32 v57, v9;
	_ =	sdelay $0x1  }
0xf0: {  	v10 =	vadd.f32 v11, v10;
	_ =	sdelay $0x1  }
0xf1: {  	[tilespmem:s24+$0x20] =	vst v10  }
0xf2: {  	v10 =	vld [tilespmem:s5+$0xFFFFFE70];
	_ =	sdelay $0x1  }
0xf3: {  	v11 =	vld [tilespmem:s5+$0xFFFFFEF0];
	_ =	sdelay $0x1  }
0xf4: {  	v58 =	vld [tilespmem:s5+$0xFFFFFF70]  }
0xf5: {  	v10 =	vmul.f32 v10, v2  }
0xf6: {  	v59 =	vld [tilespmem:s5+$0xFFFFFFF0]  }
0xf7: {  	v11 =	vmul.f32 v11, v3;
	v10 =	vadd.f32 $0.0e+00, v10  }
0xf8: {  	v60 =	vld [tilespmem:s5+$0x70]  }
0xf9: {  	v10 =	vadd.f32 v11, v10;
	v11 =	vmul.f32 v58, v4  }
0xfa: {  	v61 =	vld [tilespmem:s5+$0xF0]  }
0xfb: {  	v10 =	vadd.f32 v11, v10;
	v11 =	vmul.f32 v59, v5  }
0xfc: {  	v62 =	vld [tilespmem:s5+$0x170]  }
0xfd: {  	v10 =	vadd.f32 v11, v10;
	v11 =	vmul.f32 v60, v6  }
0xfe: {  	v63 =	vld [tilespmem:s5+$0x1F0]  }
0xff: {  	v10 =	vadd.f32 v11, v10;
	v11 =	vmul.f32 v61, v7;
	_ =	sdelay $0x1  }
0x100: {  	v10 =	vadd.f32 v11, v10;
	v11 =	vmul.f32 v62, v8;
	_ =	sdelay $0x1  }
0x101: {  	v10 =	vadd.f32 v11, v10;
	v11 =	vmul.f32 v63, v9;
	_ =	sdelay $0x1  }
0x102: {  	s26 =	simm.s32 $0x0;
	v10 =	vadd.f32 v11, v10  }
.LBB2_2:
0x103: {  	_ = 	snop  }
0x104: {  	s26 =	sadd.s32 $0x8, s26;
	s5 =	sadd.s32 $0x400, s5;
	[tilespmem:s24+$0x30] =	vst v10;
	s24 =	sadd.s32 $0x80, s24  }
0x105: {  	p0 =	slt.u32 s26, $0xF8;
	v10 =	vld [tilespmem:s5+$0xFFFFFE00];
	_ =	sdelay $0x1  }
0x106: {  	v11 =	vld [tilespmem:s5+$0xFFFFFE80];
	_ =	sdelay $0x1  }
0x107: {  	v12 =	vld [tilespmem:s5+$0xFFFFFF00]  }
0x108: {  	v10 =	vmul.f32 v10, v2  }
0x109: {  	v13 =	vld [tilespmem:s5+$0xFFFFFF80]  }
0x10a: {  	v10 =	vadd.f32 $0.0e+00, v10;
	v11 =	vmul.f32 v11, v3  }
0x10b: {  	v14 =	vld [tilespmem:s5+$0x0]  }
0x10c: {  	v10 =	vadd.f32 v11, v10;
	v11 =	vmul.f32 v12, v4  }
0x10d: {  	v12 =	vld [tilespmem:s5+$0x80]  }
0x10e: {  	v10 =	vadd.f32 v11, v10;
	v11 =	vmul.f32 v13, v5  }
0x10f: {  	v13 =	vld [tilespmem:s5+$0x100]  }
0x110: {  	v10 =	vadd.f32 v11, v10;
	v11 =	vmul.f32 v14, v6  }
0x111: {  	v14 =	vld [tilespmem:s5+$0x180]  }
0x112: {  	v10 =	vadd.f32 v11, v10;
	v11 =	vmul.f32 v12, v7;
	_ =	sdelay $0x1  }
0x113: {  	v10 =	vadd.f32 v11, v10;
	v11 =	vmul.f32 v13, v8;
	_ =	sdelay $0x1  }
0x114: {  	v10 =	vadd.f32 v11, v10;
	v11 =	vmul.f32 v14, v9;
	_ =	sdelay $0x1  }
0x115: {  	v10 =	vadd.f32 v11, v10;
	_ =	sdelay $0x1  }
0x116: {  	[tilespmem:s24+$0xFFFFFFC0] =	vst v10  }
0x117: {  	v10 =	vld [tilespmem:s5+$0xFFFFFE10];
	_ =	sdelay $0x1  }
0x118: {  	v11 =	vld [tilespmem:s5+$0xFFFFFE90];
	_ =	sdelay $0x1  }
0x119: {  	v12 =	vld [tilespmem:s5+$0xFFFFFF10]  }
0x11a: {  	v10 =	vmul.f32 v10, v2  }
0x11b: {  	v13 =	vld [tilespmem:s5+$0xFFFFFF90]  }
0x11c: {  	v10 =	vadd.f32 $0.0e+00, v10;
	v11 =	vmul.f32 v11, v3  }
0x11d: {  	v14 =	vld [tilespmem:s5+$0x10]  }
0x11e: {  	v10 =	vadd.f32 v11, v10;
	v11 =	vmul.f32 v12, v4  }
0x11f: {  	v12 =	vld [tilespmem:s5+$0x90]  }
0x120: {  	v10 =	vadd.f32 v11, v10;
	v11 =	vmul.f32 v13, v5  }
0x121: {  	v13 =	vld [tilespmem:s5+$0x110]  }
0x122: {  	v10 =	vadd.f32 v11, v10;
	v11 =	vmul.f32 v14, v6  }
0x123: {  	v14 =	vld [tilespmem:s5+$0x190]  }
0x124: {  	v10 =	vadd.f32 v11, v10;
	v11 =	vmul.f32 v12, v7;
	_ =	sdelay $0x1  }
0x125: {  	v10 =	vadd.f32 v11, v10;
	v11 =	vmul.f32 v13, v8;
	_ =	sdelay $0x1  }
0x126: {  	v10 =	vadd.f32 v11, v10;
	v11 =	vmul.f32 v14, v9;
	_ =	sdelay $0x1  }
0x127: {  	v10 =	vadd.f32 v11, v10;
	_ =	sdelay $0x1  }
0x128: {  	[tilespmem:s24+$0xFFFFFFD0] =	vst v10  }
0x129: {  	v10 =	vld [tilespmem:s5+$0xFFFFFE20];
	_ =	sdelay $0x1  }
0x12a: {  	v11 =	vld [tilespmem:s5+$0xFFFFFEA0];
	_ =	sdelay $0x1  }
0x12b: {  	v12 =	vld [tilespmem:s5+$0xFFFFFF20]  }
0x12c: {  	v10 =	vmul.f32 v10, v2  }
0x12d: {  	v13 =	vld [tilespmem:s5+$0xFFFFFFA0]  }
0x12e: {  	v10 =	vadd.f32 $0.0e+00, v10;
	v11 =	vmul.f32 v11, v3  }
0x12f: {  	v14 =	vld [tilespmem:s5+$0x20]  }
0x130: {  	v10 =	vadd.f32 v11, v10;
	v11 =	vmul.f32 v12, v4  }
0x131: {  	v12 =	vld [tilespmem:s5+$0xA0]  }
0x132: {  	v10 =	vadd.f32 v11, v10;
	v11 =	vmul.f32 v13, v5  }
0x133: {  	v13 =	vld [tilespmem:s5+$0x120]  }
0x134: {  	v10 =	vadd.f32 v11, v10;
	v11 =	vmul.f32 v14, v6  }
0x135: {  	v14 =	vld [tilespmem:s5+$0x1A0]  }
0x136: {  	v10 =	vadd.f32 v11, v10;
	v11 =	vmul.f32 v12, v7;
	_ =	sdelay $0x1  }
0x137: {  	v10 =	vadd.f32 v11, v10;
	v11 =	vmul.f32 v13, v8;
	_ =	sdelay $0x1  }
0x138: {  	v10 =	vadd.f32 v11, v10;
	v11 =	vmul.f32 v14, v9;
	_ =	sdelay $0x1  }
0x139: {  	v10 =	vadd.f32 v11, v10;
	_ =	sdelay $0x1  }
0x13a: {  	[tilespmem:s24+$0xFFFFFFE0] =	vst v10  }
0x13b: {  	v10 =	vld [tilespmem:s5+$0xFFFFFE30];
	_ =	sdelay $0x1  }
0x13c: {  	v11 =	vld [tilespmem:s5+$0xFFFFFEB0];
	_ =	sdelay $0x1  }
0x13d: {  	v12 =	vld [tilespmem:s5+$0xFFFFFF30]  }
0x13e: {  	v10 =	vmul.f32 v10, v2  }
0x13f: {  	v13 =	vld [tilespmem:s5+$0xFFFFFFB0]  }
0x140: {  	v10 =	vadd.f32 $0.0e+00, v10;
	v11 =	vmul.f32 v11, v3  }
0x141: {  	v14 =	vld [tilespmem:s5+$0x30]  }
0x142: {  	v10 =	vadd.f32 v11, v10;
	v11 =	vmul.f32 v12, v4  }
0x143: {  	v12 =	vld [tilespmem:s5+$0xB0]  }
0x144: {  	v10 =	vadd.f32 v11, v10;
	v11 =	vmul.f32 v13, v5  }
0x145: {  	v13 =	vld [tilespmem:s5+$0x130]  }
0x146: {  	v10 =	vadd.f32 v11, v10;
	v11 =	vmul.f32 v14, v6  }
0x147: {  	v14 =	vld [tilespmem:s5+$0x1B0]  }
0x148: {  	v10 =	vadd.f32 v11, v10;
	v11 =	vmul.f32 v12, v7;
	_ =	sdelay $0x1  }
0x149: {  	v10 =	vadd.f32 v11, v10;
	v11 =	vmul.f32 v13, v8;
	_ =	sdelay $0x1  }
0x14a: {  	v10 =	vadd.f32 v11, v10;
	v11 =	vmul.f32 v14, v9;
	_ =	sdelay $0x1  }
0x14b: {  	v10 =	vadd.f32 v11, v10;
	_ =	sdelay $0x1  }
0x14c: {  	[tilespmem:s24+$0xFFFFFFF0] =	vst v10  }
0x14d: {  	v10 =	vld [tilespmem:s5+$0xFFFFFE40];
	_ =	sdelay $0x1  }
0x14e: {  	v11 =	vld [tilespmem:s5+$0xFFFFFEC0];
	_ =	sdelay $0x1  }
0x14f: {  	v12 =	vld [tilespmem:s5+$0xFFFFFF40]  }
0x150: {  	v10 =	vmul.f32 v10, v2  }
0x151: {  	v13 =	vld [tilespmem:s5+$0xFFFFFFC0]  }
0x152: {  	v10 =	vadd.f32 $0.0e+00, v10;
	v11 =	vmul.f32 v11, v3  }
0x153: {  	v14 =	vld [tilespmem:s5+$0x40]  }
0x154: {  	v10 =	vadd.f32 v11, v10;
	v11 =	vmul.f32 v12, v4  }
0x155: {  	v12 =	vld [tilespmem:s5+$0xC0]  }
0x156: {  	v10 =	vadd.f32 v11, v10;
	v11 =	vmul.f32 v13, v5  }
0x157: {  	v13 =	vld [tilespmem:s5+$0x140]  }
0x158: {  	v10 =	vadd.f32 v11, v10;
	v11 =	vmul.f32 v14, v6  }
0x159: {  	v14 =	vld [tilespmem:s5+$0x1C0]  }
0x15a: {  	v10 =	vadd.f32 v11, v10;
	v11 =	vmul.f32 v12, v7;
	_ =	sdelay $0x1  }
0x15b: {  	v10 =	vadd.f32 v11, v10;
	v11 =	vmul.f32 v13, v8;
	_ =	sdelay $0x1  }
0x15c: {  	v10 =	vadd.f32 v11, v10;
	v11 =	vmul.f32 v14, v9;
	_ =	sdelay $0x1  }
0x15d: {  	v10 =	vadd.f32 v11, v10;
	_ =	sdelay $0x1  }
0x15e: {  	[tilespmem:s24+$0x0] =	vst v10  }
0x15f: {  	v10 =	vld [tilespmem:s5+$0xFFFFFE50]  }
0x160: {  	v11 =	vld [tilespmem:s5+$0xFFFFFED0]  }
0x161: {  	v12 =	vld [tilespmem:s5+$0xFFFFFF50]  }
0x162: {  	v13 =	vld [tilespmem:s5+$0xFFFFFFD0]  }
0x163: {  	v14 =	vld [tilespmem:s5+$0x50]  }
0x164: {  	v10 =	vmul.f32 v10, v2;
	v15 =	vld [tilespmem:s5+$0xD0]  }
0x165: {  	v16 =	vld [tilespmem:s5+$0x150]  }
0x166: {  	v11 =	vmul.f32 v11, v3;
	v10 =	vadd.f32 $0.0e+00, v10;
	v17 =	vld [tilespmem:s5+$0x1D0];
	_ =	sdelay $0x1  }
0x167: {  	v10 =	vadd.f32 v11, v10;
	v11 =	vmul.f32 v12, v4;
	_ =	sdelay $0x1  }
0x168: {  	v10 =	vadd.f32 v11, v10;
	v11 =	vmul.f32 v13, v5;
	_ =	sdelay $0x1  }
0x169: {  	v10 =	vadd.f32 v11, v10;
	v11 =	vmul.f32 v14, v6;
	_ =	sdelay $0x1  }
0x16a: {  	v10 =	vadd.f32 v11, v10;
	v11 =	vmul.f32 v15, v7;
	_ =	sdelay $0x1  }
0x16b: {  	v10 =	vadd.f32 v11, v10;
	v11 =	vmul.f32 v16, v8;
	_ =	sdelay $0x1  }
0x16c: {  	v10 =	vadd.f32 v11, v10;
	v11 =	vmul.f32 v17, v9;
	_ =	sdelay $0x1  }
0x16d: {  	v10 =	vadd.f32 v11, v10;
	_ =	sdelay $0x1  }
0x16e: {  	[tilespmem:s24+$0x10] =	vst v10  }
0x16f: {  	v10 =	vld [tilespmem:s5+$0xFFFFFE60]  }
0x170: {  	v11 =	vld [tilespmem:s5+$0xFFFFFEE0]  }
0x171: {  	v12 =	vld [tilespmem:s5+$0xFFFFFF60]  }
0x172: {  	v13 =	vld [tilespmem:s5+$0xFFFFFFE0]  }
0x173: {  	v14 =	vld [tilespmem:s5+$0x60]  }
0x174: {  	v10 =	vmul.f32 v10, v2;
	v15 =	vld [tilespmem:s5+$0xE0]  }
0x175: {  	v16 =	vld [tilespmem:s5+$0x160]  }
0x176: {  	v11 =	vmul.f32 v11, v3;
	v10 =	vadd.f32 $0.0e+00, v10;
	v17 =	vld [tilespmem:s5+$0x1E0];
	_ =	sdelay $0x1  }
0x177: {  	v10 =	vadd.f32 v11, v10;
	v11 =	vmul.f32 v12, v4;
	_ =	sdelay $0x1  }
0x178: {  	v10 =	vadd.f32 v11, v10;
	v11 =	vmul.f32 v13, v5;
	_ =	sdelay $0x1  }
0x179: {  	v10 =	vadd.f32 v11, v10;
	v11 =	vmul.f32 v14, v6;
	_ =	sdelay $0x1  }
0x17a: {  	v10 =	vadd.f32 v11, v10;
	v11 =	vmul.f32 v15, v7;
	_ =	sdelay $0x1  }
0x17b: {  	v10 =	vadd.f32 v11, v10;
	v11 =	vmul.f32 v16, v8;
	_ =	sdelay $0x1  }
0x17c: {  	v10 =	vadd.f32 v11, v10;
	v11 =	vmul.f32 v17, v9;
	_ =	sdelay $0x1  }
0x17d: {  	v10 =	vadd.f32 v11, v10;
	_ =	sdelay $0x1  }
0x17e: {  	[tilespmem:s24+$0x20] =	vst v10  }
0x17f: {  	v10 =	vld [tilespmem:s5+$0xFFFFFE70]  }
0x180: {  	v11 =	vld [tilespmem:s5+$0xFFFFFEF0]  }
0x181: {  	v12 =	vld [tilespmem:s5+$0xFFFFFF70]  }
0x182: {  	v13 =	vld [tilespmem:s5+$0xFFFFFFF0]  }
0x183: {  	v14 =	vld [tilespmem:s5+$0x70]  }
0x184: {  	v10 =	vmul.f32 v10, v2;
	v15 =	vld [tilespmem:s5+$0xF0]  }
0x185: {  	v16 =	vld [tilespmem:s5+$0x170]  }
0x186: {  	v11 =	vmul.f32 v11, v3;
	v10 =	vadd.f32 $0.0e+00, v10;
	v17 =	vld [tilespmem:s5+$0x1F0];
	_ =	sdelay $0x1  }
0x187: {  	v10 =	vadd.f32 v11, v10;
	v11 =	vmul.f32 v12, v4;
	_ =	sdelay $0x1  }
0x188: {  	v10 =	vadd.f32 v11, v10;
	v11 =	vmul.f32 v13, v5;
	_ =	sdelay $0x1  }
0x189: {  	v10 =	vadd.f32 v11, v10;
	v11 =	vmul.f32 v14, v6;
	_ =	sdelay $0x1  }
0x18a: {  	v10 =	vadd.f32 v11, v10;
	v11 =	vmul.f32 v15, v7;
	_ =	sdelay $0x1  }
.Ltmp0:
0x18b: {  	v10 =	vadd.f32 v11, v10;
	v11 =	vmul.f32 v16, v8;
	(pc) =	sbr.rel @p0 .LBB2_2-.Ltmp0, $3  }
0x18c: {  	_ = 	snop  }
0x18d: {  	v10 =	vadd.f32 v11, v10;
	v11 =	vmul.f32 v17, v9;
	_ =	sdelay $0x1  }
0x18e: {  	v10 =	vadd.f32 v11, v10  }
0x18f: {  	_ = 	snop  }
0x190: {  	[tilespmem:s24+$0x30] =	vst v10  }
0x191: {  	v2 =	vld.msk [tilespmem:$0x10], $0xff;
	_ =	sdelay $0x4  }
0x192: {  	v3 =	vshll.u32 v2, $0x5  }
0x193: {  	v2 =	vand.u32 $0x7, v2;
	v3 =	vand.u32 $0xFFFFFF00, v3  }
0x194: {  	v2 =	vor.u32 v2, v3  }
0x195: {  	v2 =	vperm.xlane v2, v0;
	_ =	sdelay $0x1  }
0x196: {  	v2 =	vadd.s32 v1, v2;
	_ =	sdelay $0x3  }
0x197: {  	s5 =	simm.s32 $0x280  }
0x198: {  	[tilespmem:s5], [sflag:$0x1] =	stream.indirect_vreg.gather [hbm4b:s1+s3], $0x80, v2, vm0, $0xb8;
	[tilespmem:$0x11280] =	vst v63  }
0x199: {  	s26 =	simm.s32 $0xA80  }
0x19a: {  	[tilespmem:s26], [sflag:$0x1] =	stream.indirect_vreg.gather [hbm4b:s6+s3], $0x80, v2, vm0, $0xb8;
	[tilespmem:$0x11280] =	vst v63  }
0x19b: {  	s24 =	simm.s32 $0x1280  }
0x19c: {  	[tilespmem:s24], [sflag:$0x1] =	stream.indirect_vreg.gather [hbm4b:s7+s3], $0x80, v2, vm0, $0xb8;
	[tilespmem:$0x11280] =	vst v63  }
0x19d: {  	s26 =	simm.s32 $0x1A80  }
0x19e: {  	[tilespmem:s26], [sflag:$0x1] =	stream.indirect_vreg.gather [hbm4b:s8+s3], $0x80, v2, vm0, $0xb8;
	[tilespmem:$0x11280] =	vst v63  }
0x19f: {  	s24 =	simm.s32 $0x2280  }
0x1a0: {  	[tilespmem:s24], [sflag:$0x1] =	stream.indirect_vreg.gather [hbm4b:s9+s3], $0x80, v2, vm0, $0xb8;
	[tilespmem:$0x11280] =	vst v63  }
0x1a1: {  	s26 =	simm.s32 $0x2A80  }
0x1a2: {  	[tilespmem:s26], [sflag:$0x1] =	stream.indirect_vreg.gather [hbm4b:s10+s3], $0x80, v2, vm0, $0xb8;
	[tilespmem:$0x11280] =	vst v63  }
0x1a3: {  	s24 =	simm.s32 $0x3280  }
0x1a4: {  	[tilespmem:s24], [sflag:$0x1] =	stream.indirect_vreg.gather [hbm4b:s11+s3], $0x80, v2, vm0, $0xb8;
	[tilespmem:$0x11280] =	vst v63  }
0x1a5: {  	s26 =	simm.s32 $0x3A80  }
0x1a6: {  	[tilespmem:s26], [sflag:$0x1] =	stream.indirect_vreg.gather [hbm4b:s12+s3], $0x80, v2, vm0, $0xb8;
	[tilespmem:$0x11280] =	vst v63  }
0x1a7: {  	s24 =	simm.s32 $0x4280  }
0x1a8: {  	[tilespmem:s24], [sflag:$0x1] =	stream.indirect_vreg.gather [hbm4b:s13+s3], $0x80, v2, vm0, $0xb8;
	[tilespmem:$0x11280] =	vst v63  }
0x1a9: {  	s26 =	simm.s32 $0x4A80  }
0x1aa: {  	[tilespmem:s26], [sflag:$0x1] =	stream.indirect_vreg.gather [hbm4b:s14+s3], $0x80, v2, vm0, $0xb8;
	[tilespmem:$0x11280] =	vst v63  }
0x1ab: {  	s24 =	simm.s32 $0x5280  }
0x1ac: {  	[tilespmem:s24], [sflag:$0x1] =	stream.indirect_vreg.gather [hbm4b:s15+s3], $0x80, v2, vm0, $0xb8;
	[tilespmem:$0x11280] =	vst v63  }
0x1ad: {  	s26 =	simm.s32 $0x5A80  }
0x1ae: {  	[tilespmem:s26], [sflag:$0x1] =	stream.indirect_vreg.gather [hbm4b:s16+s3], $0x80, v2, vm0, $0xb8;
	[tilespmem:$0x11280] =	vst v63  }
0x1af: {  	s24 =	simm.s32 $0x6280  }
0x1b0: {  	[tilespmem:s24], [sflag:$0x1] =	stream.indirect_vreg.gather [hbm4b:s17+s3], $0x80, v2, vm0, $0xb8;
	[tilespmem:$0x11280] =	vst v63  }
0x1b1: {  	s26 =	simm.s32 $0x6A80  }
0x1b2: {  	[tilespmem:s26], [sflag:$0x1] =	stream.indirect_vreg.gather [hbm4b:s18+s3], $0x80, v2, vm0, $0xb8;
	[tilespmem:$0x11280] =	vst v63  }
0x1b3: {  	s24 =	simm.s32 $0x7280  }
0x1b4: {  	[tilespmem:s24], [sflag:$0x1] =	stream.indirect_vreg.gather [hbm4b:s19+s3], $0x80, v2, vm0, $0xb8;
	[tilespmem:$0x11280] =	vst v63  }
0x1b5: {  	s26 =	simm.s32 $0x7A80  }
0x1b6: {  	[tilespmem:s26], [sflag:$0x1] =	stream.indirect_vreg.gather [hbm4b:s20+s3], $0x80, v2, vm0, $0xb8;
	[tilespmem:$0x11280] =	vst v63  }
0x1b7: {  	_ =	swait.ge [sflag:s0], $0x8000  }
0x1b8: {  	[sflag:s0] =	ssyncset.done $0x0  }
0x1b9: {  	[sflag:s0] =	ssyncadd.s32 $0xFFFF8000  }
0x1ba: {  	v2 =	vld [tilespmem:$0x100]  }
0x1bb: {  	s24 =	simm.s32 $0x8280;
	v3 =	vld [tilespmem:$0x110]  }
0x1bc: {  	s5 =	simm.s32 $0x102C0;
	v6 =	vld [tilespmem:s24+$0x0]  }
0x1bd: {  	v7 =	vld [tilespmem:s5+$0xFFFFFFC0]  }
0x1be: {  	v8 =	vld [tilespmem:s24+$0x80]  }
0x1bf: {  	v4 =	vld [tilespmem:$0x120]  }
0x1c0: {  	v9 =	vld [tilespmem:s24+$0x100]  }
0x1c1: {  	v5 =	vld [tilespmem:$0x130];
	v10 =	vmul.f32 v6, v2  }
0x1c2: {  	v11 =	vld [tilespmem:s24+$0x180]  }
0x1c3: {  	v12 =	vld [tilespmem:s24+$0x200];
	v8 =	vmul.f32 v8, v3;
	v10 =	vadd.f32 v10, v7  }
0x1c4: {  	v6 =	vld [tilespmem:$0x140]  }
0x1c5: {  	v13 =	vld [tilespmem:s24+$0x280];
	v9 =	vmul.f32 v9, v4;
	v10 =	vadd.f32 v8, v10  }
0x1c6: {  	v7 =	vld [tilespmem:$0x150]  }
0x1c7: {  	v14 =	vld [tilespmem:s24+$0x300];
	v11 =	vmul.f32 v11, v5;
	v10 =	vadd.f32 v9, v10  }
0x1c8: {  	v8 =	vld [tilespmem:$0x160]  }
0x1c9: {  	v62 =	vld [tilespmem:s24+$0x380];
	v10 =	vadd.f32 v11, v10;
	v11 =	vmul.f32 v12, v6  }
0x1ca: {  	v9 =	vld [tilespmem:$0x170]  }
0x1cb: {  	v10 =	vadd.f32 v11, v10;
	v11 =	vmul.f32 v13, v7;
	_ =	sdelay $0x1  }
0x1cc: {  	v10 =	vadd.f32 v11, v10;
	v11 =	vmul.f32 v14, v8;
	_ =	sdelay $0x1  }
0x1cd: {  	v10 =	vadd.f32 v11, v10;
	v11 =	vmul.f32 v62, v9;
	_ =	sdelay $0x1  }
0x1ce: {  	v10 =	vadd.f32 v11, v10;
	_ =	sdelay $0x1  }
0x1cf: {  	[tilespmem:s5+$0xFFFFFFC0] =	vst v10  }
0x1d0: {  	v10 =	vld [tilespmem:s24+$0x10]  }
0x1d1: {  	v11 =	vld [tilespmem:s5+$0xFFFFFFD0]  }
0x1d2: {  	v63 =	vld [tilespmem:s24+$0x90];
	_ =	sdelay $0x1  }
0x1d3: {  	v16 =	vld [tilespmem:s24+$0x110]  }
0x1d4: {  	v10 =	vmul.f32 v10, v2  }
0x1d5: {  	v17 =	vld [tilespmem:s24+$0x190]  }
0x1d6: {  	v10 =	vadd.f32 v10, v11;
	v11 =	vmul.f32 v63, v3  }
0x1d7: {  	v18 =	vld [tilespmem:s24+$0x210]  }
0x1d8: {  	v10 =	vadd.f32 v11, v10;
	v11 =	vmul.f32 v16, v4  }
0x1d9: {  	v19 =	vld [tilespmem:s24+$0x290]  }
0x1da: {  	v10 =	vadd.f32 v11, v10;
	v11 =	vmul.f32 v17, v5  }
0x1db: {  	v20 =	vld [tilespmem:s24+$0x310]  }
0x1dc: {  	v10 =	vadd.f32 v11, v10;
	v11 =	vmul.f32 v18, v6  }
0x1dd: {  	v21 =	vld [tilespmem:s24+$0x390]  }
0x1de: {  	v10 =	vadd.f32 v11, v10;
	v11 =	vmul.f32 v19, v7;
	_ =	sdelay $0x1  }
0x1df: {  	v10 =	vadd.f32 v11, v10;
	v11 =	vmul.f32 v20, v8;
	_ =	sdelay $0x1  }
0x1e0: {  	v10 =	vadd.f32 v11, v10;
	v11 =	vmul.f32 v21, v9;
	_ =	sdelay $0x1  }
0x1e1: {  	v10 =	vadd.f32 v11, v10;
	_ =	sdelay $0x1  }
0x1e2: {  	[tilespmem:s5+$0xFFFFFFD0] =	vst v10  }
0x1e3: {  	v10 =	vld [tilespmem:s24+$0x20]  }
0x1e4: {  	v11 =	vld [tilespmem:s5+$0xFFFFFFE0]  }
0x1e5: {  	v22 =	vld [tilespmem:s24+$0xA0];
	_ =	sdelay $0x1  }
0x1e6: {  	v23 =	vld [tilespmem:s24+$0x120]  }
0x1e7: {  	v10 =	vmul.f32 v10, v2  }
0x1e8: {  	v24 =	vld [tilespmem:s24+$0x1A0]  }
0x1e9: {  	v10 =	vadd.f32 v10, v11;
	v11 =	vmul.f32 v22, v3  }
0x1ea: {  	v25 =	vld [tilespmem:s24+$0x220]  }
0x1eb: {  	v10 =	vadd.f32 v11, v10;
	v11 =	vmul.f32 v23, v4  }
0x1ec: {  	v26 =	vld [tilespmem:s24+$0x2A0]  }
0x1ed: {  	v10 =	vadd.f32 v11, v10;
	v11 =	vmul.f32 v24, v5  }
0x1ee: {  	v27 =	vld [tilespmem:s24+$0x320]  }
0x1ef: {  	v10 =	vadd.f32 v11, v10;
	v11 =	vmul.f32 v25, v6  }
0x1f0: {  	v28 =	vld [tilespmem:s24+$0x3A0]  }
0x1f1: {  	v10 =	vadd.f32 v11, v10;
	v11 =	vmul.f32 v26, v7;
	_ =	sdelay $0x1  }
0x1f2: {  	v10 =	vadd.f32 v11, v10;
	v11 =	vmul.f32 v27, v8;
	_ =	sdelay $0x1  }
0x1f3: {  	v10 =	vadd.f32 v11, v10;
	v11 =	vmul.f32 v28, v9;
	_ =	sdelay $0x1  }
0x1f4: {  	v10 =	vadd.f32 v11, v10;
	_ =	sdelay $0x1  }
0x1f5: {  	[tilespmem:s5+$0xFFFFFFE0] =	vst v10  }
0x1f6: {  	v10 =	vld [tilespmem:s24+$0x30]  }
0x1f7: {  	v11 =	vld [tilespmem:s5+$0xFFFFFFF0]  }
0x1f8: {  	v29 =	vld [tilespmem:s24+$0xB0];
	_ =	sdelay $0x1  }
0x1f9: {  	v30 =	vld [tilespmem:s24+$0x130]  }
0x1fa: {  	v10 =	vmul.f32 v10, v2  }
0x1fb: {  	v31 =	vld [tilespmem:s24+$0x1B0]  }
0x1fc: {  	v10 =	vadd.f32 v10, v11;
	v11 =	vmul.f32 v29, v3  }
0x1fd: {  	v32 =	vld [tilespmem:s24+$0x230]  }
0x1fe: {  	v10 =	vadd.f32 v11, v10;
	v11 =	vmul.f32 v30, v4  }
0x1ff: {  	v33 =	vld [tilespmem:s24+$0x2B0]  }
0x200: {  	v10 =	vadd.f32 v11, v10;
	v11 =	vmul.f32 v31, v5  }
0x201: {  	v34 =	vld [tilespmem:s24+$0x330]  }
0x202: {  	v10 =	vadd.f32 v11, v10;
	v11 =	vmul.f32 v32, v6  }
0x203: {  	v35 =	vld [tilespmem:s24+$0x3B0]  }
0x204: {  	v10 =	vadd.f32 v11, v10;
	v11 =	vmul.f32 v33, v7;
	_ =	sdelay $0x1  }
0x205: {  	v10 =	vadd.f32 v11, v10;
	v11 =	vmul.f32 v34, v8;
	_ =	sdelay $0x1  }
0x206: {  	v10 =	vadd.f32 v11, v10;
	v11 =	vmul.f32 v35, v9;
	_ =	sdelay $0x1  }
0x207: {  	v10 =	vadd.f32 v11, v10;
	_ =	sdelay $0x1  }
0x208: {  	[tilespmem:s5+$0xFFFFFFF0] =	vst v10  }
0x209: {  	v10 =	vld [tilespmem:s24+$0x40]  }
0x20a: {  	v11 =	vld [tilespmem:s5+$0x0]  }
0x20b: {  	v36 =	vld [tilespmem:s24+$0xC0];
	_ =	sdelay $0x1  }
0x20c: {  	v37 =	vld [tilespmem:s24+$0x140]  }
0x20d: {  	v10 =	vmul.f32 v10, v2  }
0x20e: {  	v38 =	vld [tilespmem:s24+$0x1C0]  }
0x20f: {  	v10 =	vadd.f32 v10, v11;
	v11 =	vmul.f32 v36, v3  }
0x210: {  	v39 =	vld [tilespmem:s24+$0x240]  }
0x211: {  	v10 =	vadd.f32 v11, v10;
	v11 =	vmul.f32 v37, v4  }
0x212: {  	v40 =	vld [tilespmem:s24+$0x2C0]  }
0x213: {  	v10 =	vadd.f32 v11, v10;
	v11 =	vmul.f32 v38, v5  }
0x214: {  	v41 =	vld [tilespmem:s24+$0x340]  }
0x215: {  	v10 =	vadd.f32 v11, v10;
	v11 =	vmul.f32 v39, v6  }
0x216: {  	v42 =	vld [tilespmem:s24+$0x3C0]  }
0x217: {  	v10 =	vadd.f32 v11, v10;
	v11 =	vmul.f32 v40, v7;
	_ =	sdelay $0x1  }
0x218: {  	v10 =	vadd.f32 v11, v10;
	v11 =	vmul.f32 v41, v8;
	_ =	sdelay $0x1  }
0x219: {  	v10 =	vadd.f32 v11, v10;
	v11 =	vmul.f32 v42, v9;
	_ =	sdelay $0x1  }
0x21a: {  	v10 =	vadd.f32 v11, v10;
	_ =	sdelay $0x1  }
0x21b: {  	[tilespmem:s5+$0x0] =	vst v10  }
0x21c: {  	v10 =	vld [tilespmem:s24+$0x50]  }
0x21d: {  	v11 =	vld [tilespmem:s5+$0x10]  }
0x21e: {  	v43 =	vld [tilespmem:s24+$0xD0];
	_ =	sdelay $0x1  }
0x21f: {  	v44 =	vld [tilespmem:s24+$0x150]  }
0x220: {  	v10 =	vmul.f32 v10, v2  }
0x221: {  	v45 =	vld [tilespmem:s24+$0x1D0]  }
0x222: {  	v10 =	vadd.f32 v10, v11;
	v11 =	vmul.f32 v43, v3  }
0x223: {  	v46 =	vld [tilespmem:s24+$0x250]  }
0x224: {  	v10 =	vadd.f32 v11, v10;
	v11 =	vmul.f32 v44, v4  }
0x225: {  	v47 =	vld [tilespmem:s24+$0x2D0]  }
0x226: {  	v10 =	vadd.f32 v11, v10;
	v11 =	vmul.f32 v45, v5  }
0x227: {  	v48 =	vld [tilespmem:s24+$0x350]  }
0x228: {  	v10 =	vadd.f32 v11, v10;
	v11 =	vmul.f32 v46, v6  }
0x229: {  	v49 =	vld [tilespmem:s24+$0x3D0]  }
0x22a: {  	v10 =	vadd.f32 v11, v10;
	v11 =	vmul.f32 v47, v7;
	_ =	sdelay $0x1  }
0x22b: {  	v10 =	vadd.f32 v11, v10;
	v11 =	vmul.f32 v48, v8;
	_ =	sdelay $0x1  }
0x22c: {  	v10 =	vadd.f32 v11, v10;
	v11 =	vmul.f32 v49, v9;
	_ =	sdelay $0x1  }
0x22d: {  	v10 =	vadd.f32 v11, v10;
	_ =	sdelay $0x1  }
0x22e: {  	[tilespmem:s5+$0x10] =	vst v10  }
0x22f: {  	v10 =	vld [tilespmem:s24+$0x60]  }
0x230: {  	v11 =	vld [tilespmem:s5+$0x20]  }
0x231: {  	v50 =	vld [tilespmem:s24+$0xE0];
	_ =	sdelay $0x1  }
0x232: {  	v51 =	vld [tilespmem:s24+$0x160]  }
0x233: {  	v10 =	vmul.f32 v10, v2  }
0x234: {  	v52 =	vld [tilespmem:s24+$0x1E0]  }
0x235: {  	v10 =	vadd.f32 v10, v11;
	v11 =	vmul.f32 v50, v3  }
0x236: {  	v53 =	vld [tilespmem:s24+$0x260]  }
0x237: {  	v10 =	vadd.f32 v11, v10;
	v11 =	vmul.f32 v51, v4  }
0x238: {  	v54 =	vld [tilespmem:s24+$0x2E0]  }
0x239: {  	v10 =	vadd.f32 v11, v10;
	v11 =	vmul.f32 v52, v5  }
0x23a: {  	v55 =	vld [tilespmem:s24+$0x360]  }
0x23b: {  	v10 =	vadd.f32 v11, v10;
	v11 =	vmul.f32 v53, v6  }
0x23c: {  	v56 =	vld [tilespmem:s24+$0x3E0]  }
0x23d: {  	v10 =	vadd.f32 v11, v10;
	v11 =	vmul.f32 v54, v7;
	_ =	sdelay $0x1  }
0x23e: {  	v10 =	vadd.f32 v11, v10;
	v11 =	vmul.f32 v55, v8;
	_ =	sdelay $0x1  }
0x23f: {  	v10 =	vadd.f32 v11, v10;
	v11 =	vmul.f32 v56, v9;
	_ =	sdelay $0x1  }
0x240: {  	v10 =	vadd.f32 v11, v10;
	_ =	sdelay $0x1  }
0x241: {  	[tilespmem:s5+$0x20] =	vst v10  }
0x242: {  	v10 =	vld [tilespmem:s24+$0x70]  }
0x243: {  	v11 =	vld [tilespmem:s5+$0x30]  }
0x244: {  	v57 =	vld [tilespmem:s24+$0xF0];
	_ =	sdelay $0x1  }
0x245: {  	v58 =	vld [tilespmem:s24+$0x170]  }
0x246: {  	v10 =	vmul.f32 v10, v2  }
0x247: {  	v59 =	vld [tilespmem:s24+$0x1F0]  }
0x248: {  	v10 =	vadd.f32 v10, v11;
	v11 =	vmul.f32 v57, v3  }
0x249: {  	v60 =	vld [tilespmem:s24+$0x270]  }
0x24a: {  	v10 =	vadd.f32 v11, v10;
	v11 =	vmul.f32 v58, v4  }
0x24b: {  	v61 =	vld [tilespmem:s24+$0x2F0]  }
0x24c: {  	v10 =	vadd.f32 v11, v10;
	v11 =	vmul.f32 v59, v5  }
0x24d: {  	v62 =	vld [tilespmem:s24+$0x370]  }
0x24e: {  	v10 =	vadd.f32 v11, v10;
	v11 =	vmul.f32 v60, v6  }
0x24f: {  	v63 =	vld [tilespmem:s24+$0x3F0]  }
0x250: {  	v10 =	vadd.f32 v11, v10;
	v11 =	vmul.f32 v61, v7;
	_ =	sdelay $0x1  }
0x251: {  	v10 =	vadd.f32 v11, v10;
	v11 =	vmul.f32 v62, v8;
	_ =	sdelay $0x1  }
0x252: {  	v10 =	vadd.f32 v11, v10;
	v11 =	vmul.f32 v63, v9;
	_ =	sdelay $0x1  }
0x253: {  	s26 =	simm.s32 $0x0;
	v10 =	vadd.f32 v11, v10  }
.LBB2_4:
0x254: {  	_ = 	snop  }
0x255: {  	s26 =	sadd.s32 $0x8, s26;
	s24 =	sadd.s32 $0x400, s24;
	[tilespmem:s5+$0x30] =	vst v10;
	s5 =	sadd.s32 $0x80, s5  }
0x256: {  	p0 =	slt.u32 s26, $0xF8;
	v10 =	vld [tilespmem:s24+$0x0]  }
0x257: {  	v11 =	vld [tilespmem:s5+$0xFFFFFFC0]  }
0x258: {  	v12 =	vld [tilespmem:s24+$0x80];
	_ =	sdelay $0x1  }
0x259: {  	v13 =	vld [tilespmem:s24+$0x100]  }
0x25a: {  	v10 =	vmul.f32 v10, v2  }
0x25b: {  	v14 =	vld [tilespmem:s24+$0x180]  }
0x25c: {  	v10 =	vadd.f32 v10, v11;
	v11 =	vmul.f32 v12, v3  }
0x25d: {  	v12 =	vld [tilespmem:s24+$0x200]  }
0x25e: {  	v10 =	vadd.f32 v11, v10;
	v11 =	vmul.f32 v13, v4  }
0x25f: {  	v13 =	vld [tilespmem:s24+$0x280]  }
0x260: {  	v10 =	vadd.f32 v11, v10;
	v11 =	vmul.f32 v14, v5  }
0x261: {  	v14 =	vld [tilespmem:s24+$0x300]  }
0x262: {  	v10 =	vadd.f32 v11, v10;
	v11 =	vmul.f32 v12, v6  }
0x263: {  	v12 =	vld [tilespmem:s24+$0x380]  }
0x264: {  	v10 =	vadd.f32 v11, v10;
	v11 =	vmul.f32 v13, v7;
	_ =	sdelay $0x1  }
0x265: {  	v10 =	vadd.f32 v11, v10;
	v11 =	vmul.f32 v14, v8;
	_ =	sdelay $0x1  }
0x266: {  	v10 =	vadd.f32 v11, v10;
	v11 =	vmul.f32 v12, v9;
	_ =	sdelay $0x1  }
0x267: {  	v10 =	vadd.f32 v11, v10;
	_ =	sdelay $0x1  }
0x268: {  	[tilespmem:s5+$0xFFFFFFC0] =	vst v10  }
0x269: {  	v10 =	vld [tilespmem:s24+$0x10]  }
0x26a: {  	v11 =	vld [tilespmem:s5+$0xFFFFFFD0]  }
0x26b: {  	v12 =	vld [tilespmem:s24+$0x90];
	_ =	sdelay $0x1  }
0x26c: {  	v13 =	vld [tilespmem:s24+$0x110]  }
0x26d: {  	v10 =	vmul.f32 v10, v2  }
0x26e: {  	v14 =	vld [tilespmem:s24+$0x190]  }
0x26f: {  	v10 =	vadd.f32 v10, v11;
	v11 =	vmul.f32 v12, v3  }
0x270: {  	v12 =	vld [tilespmem:s24+$0x210]  }
0x271: {  	v10 =	vadd.f32 v11, v10;
	v11 =	vmul.f32 v13, v4  }
0x272: {  	v13 =	vld [tilespmem:s24+$0x290]  }
0x273: {  	v10 =	vadd.f32 v11, v10;
	v11 =	vmul.f32 v14, v5  }
0x274: {  	v14 =	vld [tilespmem:s24+$0x310]  }
0x275: {  	v10 =	vadd.f32 v11, v10;
	v11 =	vmul.f32 v12, v6  }
0x276: {  	v12 =	vld [tilespmem:s24+$0x390]  }
0x277: {  	v10 =	vadd.f32 v11, v10;
	v11 =	vmul.f32 v13, v7;
	_ =	sdelay $0x1  }
0x278: {  	v10 =	vadd.f32 v11, v10;
	v11 =	vmul.f32 v14, v8;
	_ =	sdelay $0x1  }
0x279: {  	v10 =	vadd.f32 v11, v10;
	v11 =	vmul.f32 v12, v9;
	_ =	sdelay $0x1  }
0x27a: {  	v10 =	vadd.f32 v11, v10;
	_ =	sdelay $0x1  }
0x27b: {  	[tilespmem:s5+$0xFFFFFFD0] =	vst v10  }
0x27c: {  	v10 =	vld [tilespmem:s24+$0x20]  }
0x27d: {  	v11 =	vld [tilespmem:s5+$0xFFFFFFE0]  }
0x27e: {  	v12 =	vld [tilespmem:s24+$0xA0];
	_ =	sdelay $0x1  }
0x27f: {  	v13 =	vld [tilespmem:s24+$0x120]  }
0x280: {  	v10 =	vmul.f32 v10, v2  }
0x281: {  	v14 =	vld [tilespmem:s24+$0x1A0]  }
0x282: {  	v10 =	vadd.f32 v10, v11;
	v11 =	vmul.f32 v12, v3  }
0x283: {  	v12 =	vld [tilespmem:s24+$0x220]  }
0x284: {  	v10 =	vadd.f32 v11, v10;
	v11 =	vmul.f32 v13, v4  }
0x285: {  	v13 =	vld [tilespmem:s24+$0x2A0]  }
0x286: {  	v10 =	vadd.f32 v11, v10;
	v11 =	vmul.f32 v14, v5  }
0x287: {  	v14 =	vld [tilespmem:s24+$0x320]  }
0x288: {  	v10 =	vadd.f32 v11, v10;
	v11 =	vmul.f32 v12, v6  }
0x289: {  	v12 =	vld [tilespmem:s24+$0x3A0]  }
0x28a: {  	v10 =	vadd.f32 v11, v10;
	v11 =	vmul.f32 v13, v7;
	_ =	sdelay $0x1  }
0x28b: {  	v10 =	vadd.f32 v11, v10;
	v11 =	vmul.f32 v14, v8;
	_ =	sdelay $0x1  }
0x28c: {  	v10 =	vadd.f32 v11, v10;
	v11 =	vmul.f32 v12, v9;
	_ =	sdelay $0x1  }
0x28d: {  	v10 =	vadd.f32 v11, v10;
	_ =	sdelay $0x1  }
0x28e: {  	[tilespmem:s5+$0xFFFFFFE0] =	vst v10  }
0x28f: {  	v10 =	vld [tilespmem:s24+$0x30]  }
0x290: {  	v11 =	vld [tilespmem:s5+$0xFFFFFFF0]  }
0x291: {  	v12 =	vld [tilespmem:s24+$0xB0];
	_ =	sdelay $0x1  }
0x292: {  	v13 =	vld [tilespmem:s24+$0x130]  }
0x293: {  	v10 =	vmul.f32 v10, v2  }
0x294: {  	v14 =	vld [tilespmem:s24+$0x1B0]  }
0x295: {  	v10 =	vadd.f32 v10, v11;
	v11 =	vmul.f32 v12, v3  }
0x296: {  	v12 =	vld [tilespmem:s24+$0x230]  }
0x297: {  	v10 =	vadd.f32 v11, v10;
	v11 =	vmul.f32 v13, v4  }
0x298: {  	v13 =	vld [tilespmem:s24+$0x2B0]  }
0x299: {  	v10 =	vadd.f32 v11, v10;
	v11 =	vmul.f32 v14, v5  }
0x29a: {  	v14 =	vld [tilespmem:s24+$0x330]  }
0x29b: {  	v10 =	vadd.f32 v11, v10;
	v11 =	vmul.f32 v12, v6  }
0x29c: {  	v12 =	vld [tilespmem:s24+$0x3B0]  }
0x29d: {  	v10 =	vadd.f32 v11, v10;
	v11 =	vmul.f32 v13, v7;
	_ =	sdelay $0x1  }
0x29e: {  	v10 =	vadd.f32 v11, v10;
	v11 =	vmul.f32 v14, v8;
	_ =	sdelay $0x1  }
0x29f: {  	v10 =	vadd.f32 v11, v10;
	v11 =	vmul.f32 v12, v9;
	_ =	sdelay $0x1  }
0x2a0: {  	v10 =	vadd.f32 v11, v10;
	_ =	sdelay $0x1  }
0x2a1: {  	[tilespmem:s5+$0xFFFFFFF0] =	vst v10  }
0x2a2: {  	v10 =	vld [tilespmem:s24+$0x40]  }
0x2a3: {  	v11 =	vld [tilespmem:s5+$0x0]  }
0x2a4: {  	v12 =	vld [tilespmem:s24+$0xC0];
	_ =	sdelay $0x1  }
0x2a5: {  	v13 =	vld [tilespmem:s24+$0x140]  }
0x2a6: {  	v10 =	vmul.f32 v10, v2  }
0x2a7: {  	v14 =	vld [tilespmem:s24+$0x1C0]  }
0x2a8: {  	v10 =	vadd.f32 v10, v11;
	v11 =	vmul.f32 v12, v3  }
0x2a9: {  	v12 =	vld [tilespmem:s24+$0x240]  }
0x2aa: {  	v10 =	vadd.f32 v11, v10;
	v11 =	vmul.f32 v13, v4  }
0x2ab: {  	v13 =	vld [tilespmem:s24+$0x2C0]  }
0x2ac: {  	v10 =	vadd.f32 v11, v10;
	v11 =	vmul.f32 v14, v5  }
0x2ad: {  	v14 =	vld [tilespmem:s24+$0x340]  }
0x2ae: {  	v10 =	vadd.f32 v11, v10;
	v11 =	vmul.f32 v12, v6  }
0x2af: {  	v12 =	vld [tilespmem:s24+$0x3C0]  }
0x2b0: {  	v10 =	vadd.f32 v11, v10;
	v11 =	vmul.f32 v13, v7;
	_ =	sdelay $0x1  }
0x2b1: {  	v10 =	vadd.f32 v11, v10;
	v11 =	vmul.f32 v14, v8;
	_ =	sdelay $0x1  }
0x2b2: {  	v10 =	vadd.f32 v11, v10;
	v11 =	vmul.f32 v12, v9;
	_ =	sdelay $0x1  }
0x2b3: {  	v10 =	vadd.f32 v11, v10;
	_ =	sdelay $0x1  }
0x2b4: {  	[tilespmem:s5+$0x0] =	vst v10;
	v10 =	vld [tilespmem:s5+$0x10]  }
0x2b5: {  	v11 =	vld [tilespmem:s24+$0x50]  }
0x2b6: {  	v12 =	vld [tilespmem:s24+$0xD0]  }
0x2b7: {  	v13 =	vld [tilespmem:s24+$0x150]  }
0x2b8: {  	v14 =	vld [tilespmem:s24+$0x1D0]  }
0x2b9: {  	v15 =	vld [tilespmem:s24+$0x250]  }
0x2ba: {  	v11 =	vmul.f32 v11, v2;
	v16 =	vld [tilespmem:s24+$0x2D0]  }
0x2bb: {  	v17 =	vld [tilespmem:s24+$0x350]  }
0x2bc: {  	v10 =	vadd.f32 v11, v10;
	v11 =	vmul.f32 v12, v3;
	v12 =	vld [tilespmem:s24+$0x3D0];
	_ =	sdelay $0x1  }
0x2bd: {  	v10 =	vadd.f32 v11, v10;
	v11 =	vmul.f32 v13, v4;
	_ =	sdelay $0x1  }
0x2be: {  	v10 =	vadd.f32 v11, v10;
	v11 =	vmul.f32 v14, v5;
	_ =	sdelay $0x1  }
0x2bf: {  	v10 =	vadd.f32 v11, v10;
	v11 =	vmul.f32 v15, v6;
	_ =	sdelay $0x1  }
0x2c0: {  	v10 =	vadd.f32 v11, v10;
	v11 =	vmul.f32 v16, v7;
	_ =	sdelay $0x1  }
0x2c1: {  	v10 =	vadd.f32 v11, v10;
	v11 =	vmul.f32 v17, v8;
	_ =	sdelay $0x1  }
0x2c2: {  	v10 =	vadd.f32 v11, v10;
	v11 =	vmul.f32 v12, v9;
	_ =	sdelay $0x1  }
0x2c3: {  	v10 =	vadd.f32 v11, v10;
	_ =	sdelay $0x1  }
0x2c4: {  	[tilespmem:s5+$0x10] =	vst v10;
	v10 =	vld [tilespmem:s5+$0x20]  }
0x2c5: {  	v11 =	vld [tilespmem:s24+$0x60]  }
0x2c6: {  	v12 =	vld [tilespmem:s24+$0xE0]  }
0x2c7: {  	v13 =	vld [tilespmem:s24+$0x160]  }
0x2c8: {  	v14 =	vld [tilespmem:s24+$0x1E0]  }
0x2c9: {  	v15 =	vld [tilespmem:s24+$0x260]  }
0x2ca: {  	v11 =	vmul.f32 v11, v2;
	v16 =	vld [tilespmem:s24+$0x2E0]  }
0x2cb: {  	v17 =	vld [tilespmem:s24+$0x360]  }
0x2cc: {  	v10 =	vadd.f32 v11, v10;
	v11 =	vmul.f32 v12, v3;
	v12 =	vld [tilespmem:s24+$0x3E0];
	_ =	sdelay $0x1  }
0x2cd: {  	v10 =	vadd.f32 v11, v10;
	v11 =	vmul.f32 v13, v4;
	_ =	sdelay $0x1  }
0x2ce: {  	v10 =	vadd.f32 v11, v10;
	v11 =	vmul.f32 v14, v5;
	_ =	sdelay $0x1  }
0x2cf: {  	v10 =	vadd.f32 v11, v10;
	v11 =	vmul.f32 v15, v6;
	_ =	sdelay $0x1  }
0x2d0: {  	v10 =	vadd.f32 v11, v10;
	v11 =	vmul.f32 v16, v7;
	_ =	sdelay $0x1  }
0x2d1: {  	v10 =	vadd.f32 v11, v10;
	v11 =	vmul.f32 v17, v8;
	_ =	sdelay $0x1  }
0x2d2: {  	v10 =	vadd.f32 v11, v10;
	v11 =	vmul.f32 v12, v9;
	_ =	sdelay $0x1  }
0x2d3: {  	v10 =	vadd.f32 v11, v10;
	_ =	sdelay $0x1  }
0x2d4: {  	[tilespmem:s5+$0x20] =	vst v10;
	v10 =	vld [tilespmem:s5+$0x30]  }
0x2d5: {  	v11 =	vld [tilespmem:s24+$0x70]  }
0x2d6: {  	v12 =	vld [tilespmem:s24+$0xF0]  }
0x2d7: {  	v13 =	vld [tilespmem:s24+$0x170]  }
0x2d8: {  	v14 =	vld [tilespmem:s24+$0x1F0]  }
0x2d9: {  	v15 =	vld [tilespmem:s24+$0x270]  }
0x2da: {  	v11 =	vmul.f32 v11, v2;
	v16 =	vld [tilespmem:s24+$0x2F0]  }
0x2db: {  	v17 =	vld [tilespmem:s24+$0x370]  }
0x2dc: {  	v10 =	vadd.f32 v11, v10;
	v11 =	vmul.f32 v12, v3;
	v12 =	vld [tilespmem:s24+$0x3F0];
	_ =	sdelay $0x1  }
0x2dd: {  	v10 =	vadd.f32 v11, v10;
	v11 =	vmul.f32 v13, v4;
	_ =	sdelay $0x1  }
0x2de: {  	v10 =	vadd.f32 v11, v10;
	v11 =	vmul.f32 v14, v5;
	_ =	sdelay $0x1  }
0x2df: {  	v10 =	vadd.f32 v11, v10;
	v11 =	vmul.f32 v15, v6;
	_ =	sdelay $0x1  }
0x2e0: {  	v10 =	vadd.f32 v11, v10;
	v11 =	vmul.f32 v16, v7;
	_ =	sdelay $0x1  }
.Ltmp1:
0x2e1: {  	v10 =	vadd.f32 v11, v10;
	v11 =	vmul.f32 v17, v8;
	(pc) =	sbr.rel @p0 .LBB2_4-.Ltmp1, $3  }
0x2e2: {  	_ = 	snop  }
0x2e3: {  	v10 =	vadd.f32 v11, v10;
	v11 =	vmul.f32 v12, v9;
	_ =	sdelay $0x1  }
0x2e4: {  	v10 =	vadd.f32 v11, v10  }
0x2e5: {  	_ = 	snop  }
0x2e6: {  	[tilespmem:s5+$0x30] =	vst v10  }
0x2e7: {  	v2 =	vld.msk [tilespmem:$0x18], $0xff;
	_ =	sdelay $0x4  }
0x2e8: {  	v3 =	vshll.u32 v2, $0x5  }
0x2e9: {  	v2 =	vand.u32 $0x7, v2;
	v3 =	vand.u32 $0xFFFFFF00, v3  }
0x2ea: {  	v2 =	vor.u32 v2, v3  }
0x2eb: {  	v2 =	vperm.xlane v2, v0;
	_ =	sdelay $0x1  }
0x2ec: {  	v2 =	vadd.s32 v1, v2;
	_ =	sdelay $0x3  }
0x2ed: {  	s24 =	simm.s32 $0x8280  }
0x2ee: {  	[tilespmem:s24], [sflag:$0x1] =	stream.indirect_vreg.gather [hbm4b:s1+s3], $0x80, v2, vm0, $0xb8;
	[tilespmem:$0x11280] =	vst v63  }
0x2ef: {  	s26 =	simm.s32 $0x8A80  }
0x2f0: {  	[tilespmem:s26], [sflag:$0x1] =	stream.indirect_vreg.gather [hbm4b:s6+s3], $0x80, v2, vm0, $0xb8;
	[tilespmem:$0x11280] =	vst v63  }
0x2f1: {  	s24 =	simm.s32 $0x9280  }
0x2f2: {  	[tilespmem:s24], [sflag:$0x1] =	stream.indirect_vreg.gather [hbm4b:s7+s3], $0x80, v2, vm0, $0xb8;
	[tilespmem:$0x11280] =	vst v63  }
0x2f3: {  	s26 =	simm.s32 $0x9A80  }
0x2f4: {  	[tilespmem:s26], [sflag:$0x1] =	stream.indirect_vreg.gather [hbm4b:s8+s3], $0x80, v2, vm0, $0xb8;
	[tilespmem:$0x11280] =	vst v63  }
0x2f5: {  	s24 =	simm.s32 $0xA280  }
0x2f6: {  	[tilespmem:s24], [sflag:$0x1] =	stream.indirect_vreg.gather [hbm4b:s9+s3], $0x80, v2, vm0, $0xb8;
	[tilespmem:$0x11280] =	vst v63  }
0x2f7: {  	s26 =	simm.s32 $0xAA80  }
0x2f8: {  	[tilespmem:s26], [sflag:$0x1] =	stream.indirect_vreg.gather [hbm4b:s10+s3], $0x80, v2, vm0, $0xb8;
	[tilespmem:$0x11280] =	vst v63  }
0x2f9: {  	s24 =	simm.s32 $0xB280  }
0x2fa: {  	[tilespmem:s24], [sflag:$0x1] =	stream.indirect_vreg.gather [hbm4b:s11+s3], $0x80, v2, vm0, $0xb8;
	[tilespmem:$0x11280] =	vst v63  }
0x2fb: {  	s26 =	simm.s32 $0xBA80  }
0x2fc: {  	[tilespmem:s26], [sflag:$0x1] =	stream.indirect_vreg.gather [hbm4b:s12+s3], $0x80, v2, vm0, $0xb8;
	[tilespmem:$0x11280] =	vst v63  }
0x2fd: {  	s24 =	simm.s32 $0xC280  }
0x2fe: {  	[tilespmem:s24], [sflag:$0x1] =	stream.indirect_vreg.gather [hbm4b:s13+s3], $0x80, v2, vm0, $0xb8;
	[tilespmem:$0x11280] =	vst v63  }
0x2ff: {  	s26 =	simm.s32 $0xCA80  }
0x300: {  	[tilespmem:s26], [sflag:$0x1] =	stream.indirect_vreg.gather [hbm4b:s14+s3], $0x80, v2, vm0, $0xb8;
	[tilespmem:$0x11280] =	vst v63  }
0x301: {  	s24 =	simm.s32 $0xD280  }
0x302: {  	[tilespmem:s24], [sflag:$0x1] =	stream.indirect_vreg.gather [hbm4b:s15+s3], $0x80, v2, vm0, $0xb8;
	[tilespmem:$0x11280] =	vst v63  }
0x303: {  	s26 =	simm.s32 $0xDA80  }
0x304: {  	[tilespmem:s26], [sflag:$0x1] =	stream.indirect_vreg.gather [hbm4b:s16+s3], $0x80, v2, vm0, $0xb8;
	[tilespmem:$0x11280] =	vst v63  }
0x305: {  	_ = 	snop  }
0x306: {  	[tilespmem:s28], [sflag:$0x1] =	stream.indirect_vreg.gather [hbm4b:s17+s3], $0x80, v2, vm0, $0xb8;
	[tilespmem:$0x11280] =	vst v63  }
0x307: {  	_ = 	snop  }
0x308: {  	[tilespmem:s29], [sflag:$0x1] =	stream.indirect_vreg.gather [hbm4b:s18+s3], $0x80, v2, vm0, $0xb8;
	[tilespmem:$0x11280] =	vst v63  }
0x309: {  	_ = 	snop  }
0x30a: {  	[tilespmem:s30], [sflag:$0x1] =	stream.indirect_vreg.gather [hbm4b:s19+s3], $0x80, v2, vm0, $0xb8;
	[tilespmem:$0x11280] =	vst v63  }
0x30b: {  	_ = 	snop  }
0x30c: {  	[tilespmem:s31], [sflag:$0x1] =	stream.indirect_vreg.gather [hbm4b:s20+s3], $0x80, v2, vm0, $0xb8;
	[tilespmem:$0x11280] =	vst v63  }
0x30d: {  	_ =	swait.ge [sflag:s0], $0x8000  }
0x30e: {  	[sflag:s0] =	ssyncset.done $0x0  }
0x30f: {  	[sflag:s0] =	ssyncadd.s32 $0xFFFF8000  }
0x310: {  	v2 =	vld [tilespmem:$0x180]  }
0x311: {  	s24 =	simm.s32 $0x480;
	v3 =	vld [tilespmem:$0x190]  }
0x312: {  	s5 =	simm.s32 $0x102C0;
	v6 =	vld [tilespmem:s24+$0xFFFFFE00]  }
0x313: {  	v7 =	vld [tilespmem:s5+$0xFFFFFFC0]  }
0x314: {  	v8 =	vld [tilespmem:s24+$0xFFFFFE80]  }
0x315: {  	v4 =	vld [tilespmem:$0x1A0]  }
0x316: {  	v9 =	vld [tilespmem:s24+$0xFFFFFF00]  }
0x317: {  	v5 =	vld [tilespmem:$0x1B0];
	v10 =	vmul.f32 v6, v2  }
0x318: {  	v11 =	vld [tilespmem:s24+$0xFFFFFF80]  }
0x319: {  	v12 =	vld [tilespmem:s24+$0x0];
	v8 =	vmul.f32 v8, v3;
	v10 =	vadd.f32 v10, v7  }
0x31a: {  	v6 =	vld [tilespmem:$0x1C0]  }
0x31b: {  	v13 =	vld [tilespmem:s24+$0x80];
	v9 =	vmul.f32 v9, v4;
	v10 =	vadd.f32 v8, v10  }
0x31c: {  	v7 =	vld [tilespmem:$0x1D0]  }
0x31d: {  	v14 =	vld [tilespmem:s24+$0x100];
	v11 =	vmul.f32 v11, v5;
	v10 =	vadd.f32 v9, v10  }
0x31e: {  	v8 =	vld [tilespmem:$0x1E0]  }
0x31f: {  	v62 =	vld [tilespmem:s24+$0x180];
	v10 =	vadd.f32 v11, v10;
	v11 =	vmul.f32 v12, v6  }
0x320: {  	v9 =	vld [tilespmem:$0x1F0]  }
0x321: {  	v10 =	vadd.f32 v11, v10;
	v11 =	vmul.f32 v13, v7;
	_ =	sdelay $0x1  }
0x322: {  	v10 =	vadd.f32 v11, v10;
	v11 =	vmul.f32 v14, v8;
	_ =	sdelay $0x1  }
0x323: {  	v10 =	vadd.f32 v11, v10;
	v11 =	vmul.f32 v62, v9;
	_ =	sdelay $0x1  }
0x324: {  	v10 =	vadd.f32 v11, v10;
	_ =	sdelay $0x1  }
0x325: {  	[tilespmem:s5+$0xFFFFFFC0] =	vst v10  }
0x326: {  	v10 =	vld [tilespmem:s24+$0xFFFFFE10]  }
0x327: {  	v11 =	vld [tilespmem:s5+$0xFFFFFFD0]  }
0x328: {  	v63 =	vld [tilespmem:s24+$0xFFFFFE90];
	_ =	sdelay $0x1  }
0x329: {  	v16 =	vld [tilespmem:s24+$0xFFFFFF10]  }
0x32a: {  	v10 =	vmul.f32 v10, v2  }
0x32b: {  	v17 =	vld [tilespmem:s24+$0xFFFFFF90]  }
0x32c: {  	v10 =	vadd.f32 v10, v11;
	v11 =	vmul.f32 v63, v3  }
0x32d: {  	v18 =	vld [tilespmem:s24+$0x10]  }
0x32e: {  	v10 =	vadd.f32 v11, v10;
	v11 =	vmul.f32 v16, v4  }
0x32f: {  	v19 =	vld [tilespmem:s24+$0x90]  }
0x330: {  	v10 =	vadd.f32 v11, v10;
	v11 =	vmul.f32 v17, v5  }
0x331: {  	v20 =	vld [tilespmem:s24+$0x110]  }
0x332: {  	v10 =	vadd.f32 v11, v10;
	v11 =	vmul.f32 v18, v6  }
0x333: {  	v21 =	vld [tilespmem:s24+$0x190]  }
0x334: {  	v10 =	vadd.f32 v11, v10;
	v11 =	vmul.f32 v19, v7;
	_ =	sdelay $0x1  }
0x335: {  	v10 =	vadd.f32 v11, v10;
	v11 =	vmul.f32 v20, v8;
	_ =	sdelay $0x1  }
0x336: {  	v10 =	vadd.f32 v11, v10;
	v11 =	vmul.f32 v21, v9;
	_ =	sdelay $0x1  }
0x337: {  	v10 =	vadd.f32 v11, v10;
	_ =	sdelay $0x1  }
0x338: {  	[tilespmem:s5+$0xFFFFFFD0] =	vst v10  }
0x339: {  	v10 =	vld [tilespmem:s24+$0xFFFFFE20]  }
0x33a: {  	v11 =	vld [tilespmem:s5+$0xFFFFFFE0]  }
0x33b: {  	v22 =	vld [tilespmem:s24+$0xFFFFFEA0];
	_ =	sdelay $0x1  }
0x33c: {  	v23 =	vld [tilespmem:s24+$0xFFFFFF20]  }
0x33d: {  	v10 =	vmul.f32 v10, v2  }
0x33e: {  	v24 =	vld [tilespmem:s24+$0xFFFFFFA0]  }
0x33f: {  	v10 =	vadd.f32 v10, v11;
	v11 =	vmul.f32 v22, v3  }
0x340: {  	v25 =	vld [tilespmem:s24+$0x20]  }
0x341: {  	v10 =	vadd.f32 v11, v10;
	v11 =	vmul.f32 v23, v4  }
0x342: {  	v26 =	vld [tilespmem:s24+$0xA0]  }
0x343: {  	v10 =	vadd.f32 v11, v10;
	v11 =	vmul.f32 v24, v5  }
0x344: {  	v27 =	vld [tilespmem:s24+$0x120]  }
0x345: {  	v10 =	vadd.f32 v11, v10;
	v11 =	vmul.f32 v25, v6  }
0x346: {  	v28 =	vld [tilespmem:s24+$0x1A0]  }
0x347: {  	v10 =	vadd.f32 v11, v10;
	v11 =	vmul.f32 v26, v7;
	_ =	sdelay $0x1  }
0x348: {  	v10 =	vadd.f32 v11, v10;
	v11 =	vmul.f32 v27, v8;
	_ =	sdelay $0x1  }
0x349: {  	v10 =	vadd.f32 v11, v10;
	v11 =	vmul.f32 v28, v9;
	_ =	sdelay $0x1  }
0x34a: {  	v10 =	vadd.f32 v11, v10;
	_ =	sdelay $0x1  }
0x34b: {  	[tilespmem:s5+$0xFFFFFFE0] =	vst v10  }
0x34c: {  	v10 =	vld [tilespmem:s24+$0xFFFFFE30]  }
0x34d: {  	v11 =	vld [tilespmem:s5+$0xFFFFFFF0]  }
0x34e: {  	v29 =	vld [tilespmem:s24+$0xFFFFFEB0];
	_ =	sdelay $0x1  }
0x34f: {  	v30 =	vld [tilespmem:s24+$0xFFFFFF30]  }
0x350: {  	v10 =	vmul.f32 v10, v2  }
0x351: {  	v31 =	vld [tilespmem:s24+$0xFFFFFFB0]  }
0x352: {  	v10 =	vadd.f32 v10, v11;
	v11 =	vmul.f32 v29, v3  }
0x353: {  	v32 =	vld [tilespmem:s24+$0x30]  }
0x354: {  	v10 =	vadd.f32 v11, v10;
	v11 =	vmul.f32 v30, v4  }
0x355: {  	v33 =	vld [tilespmem:s24+$0xB0]  }
0x356: {  	v10 =	vadd.f32 v11, v10;
	v11 =	vmul.f32 v31, v5  }
0x357: {  	v34 =	vld [tilespmem:s24+$0x130]  }
0x358: {  	v10 =	vadd.f32 v11, v10;
	v11 =	vmul.f32 v32, v6  }
0x359: {  	v35 =	vld [tilespmem:s24+$0x1B0]  }
0x35a: {  	v10 =	vadd.f32 v11, v10;
	v11 =	vmul.f32 v33, v7;
	_ =	sdelay $0x1  }
0x35b: {  	v10 =	vadd.f32 v11, v10;
	v11 =	vmul.f32 v34, v8;
	_ =	sdelay $0x1  }
0x35c: {  	v10 =	vadd.f32 v11, v10;
	v11 =	vmul.f32 v35, v9;
	_ =	sdelay $0x1  }
0x35d: {  	v10 =	vadd.f32 v11, v10;
	_ =	sdelay $0x1  }
0x35e: {  	[tilespmem:s5+$0xFFFFFFF0] =	vst v10  }
0x35f: {  	v10 =	vld [tilespmem:s24+$0xFFFFFE40]  }
0x360: {  	v11 =	vld [tilespmem:s5+$0x0]  }
0x361: {  	v36 =	vld [tilespmem:s24+$0xFFFFFEC0];
	_ =	sdelay $0x1  }
0x362: {  	v37 =	vld [tilespmem:s24+$0xFFFFFF40]  }
0x363: {  	v10 =	vmul.f32 v10, v2  }
0x364: {  	v38 =	vld [tilespmem:s24+$0xFFFFFFC0]  }
0x365: {  	v10 =	vadd.f32 v10, v11;
	v11 =	vmul.f32 v36, v3  }
0x366: {  	v39 =	vld [tilespmem:s24+$0x40]  }
0x367: {  	v10 =	vadd.f32 v11, v10;
	v11 =	vmul.f32 v37, v4  }
0x368: {  	v40 =	vld [tilespmem:s24+$0xC0]  }
0x369: {  	v10 =	vadd.f32 v11, v10;
	v11 =	vmul.f32 v38, v5  }
0x36a: {  	v41 =	vld [tilespmem:s24+$0x140]  }
0x36b: {  	v10 =	vadd.f32 v11, v10;
	v11 =	vmul.f32 v39, v6  }
0x36c: {  	v42 =	vld [tilespmem:s24+$0x1C0]  }
0x36d: {  	v10 =	vadd.f32 v11, v10;
	v11 =	vmul.f32 v40, v7;
	_ =	sdelay $0x1  }
0x36e: {  	v10 =	vadd.f32 v11, v10;
	v11 =	vmul.f32 v41, v8;
	_ =	sdelay $0x1  }
0x36f: {  	v10 =	vadd.f32 v11, v10;
	v11 =	vmul.f32 v42, v9;
	_ =	sdelay $0x1  }
0x370: {  	v10 =	vadd.f32 v11, v10;
	_ =	sdelay $0x1  }
0x371: {  	[tilespmem:s5+$0x0] =	vst v10  }
0x372: {  	v10 =	vld [tilespmem:s24+$0xFFFFFE50]  }
0x373: {  	v11 =	vld [tilespmem:s5+$0x10]  }
0x374: {  	v43 =	vld [tilespmem:s24+$0xFFFFFED0];
	_ =	sdelay $0x1  }
0x375: {  	v44 =	vld [tilespmem:s24+$0xFFFFFF50]  }
0x376: {  	v10 =	vmul.f32 v10, v2  }
0x377: {  	v45 =	vld [tilespmem:s24+$0xFFFFFFD0]  }
0x378: {  	v10 =	vadd.f32 v10, v11;
	v11 =	vmul.f32 v43, v3  }
0x379: {  	v46 =	vld [tilespmem:s24+$0x50]  }
0x37a: {  	v10 =	vadd.f32 v11, v10;
	v11 =	vmul.f32 v44, v4  }
0x37b: {  	v47 =	vld [tilespmem:s24+$0xD0]  }
0x37c: {  	v10 =	vadd.f32 v11, v10;
	v11 =	vmul.f32 v45, v5  }
0x37d: {  	v48 =	vld [tilespmem:s24+$0x150]  }
0x37e: {  	v10 =	vadd.f32 v11, v10;
	v11 =	vmul.f32 v46, v6  }
0x37f: {  	v49 =	vld [tilespmem:s24+$0x1D0]  }
0x380: {  	v10 =	vadd.f32 v11, v10;
	v11 =	vmul.f32 v47, v7;
	_ =	sdelay $0x1  }
0x381: {  	v10 =	vadd.f32 v11, v10;
	v11 =	vmul.f32 v48, v8;
	_ =	sdelay $0x1  }
0x382: {  	v10 =	vadd.f32 v11, v10;
	v11 =	vmul.f32 v49, v9;
	_ =	sdelay $0x1  }
0x383: {  	v10 =	vadd.f32 v11, v10;
	_ =	sdelay $0x1  }
0x384: {  	[tilespmem:s5+$0x10] =	vst v10  }
0x385: {  	v10 =	vld [tilespmem:s24+$0xFFFFFE60]  }
0x386: {  	v11 =	vld [tilespmem:s5+$0x20]  }
0x387: {  	v50 =	vld [tilespmem:s24+$0xFFFFFEE0];
	_ =	sdelay $0x1  }
0x388: {  	v51 =	vld [tilespmem:s24+$0xFFFFFF60]  }
0x389: {  	v10 =	vmul.f32 v10, v2  }
0x38a: {  	v52 =	vld [tilespmem:s24+$0xFFFFFFE0]  }
0x38b: {  	v10 =	vadd.f32 v10, v11;
	v11 =	vmul.f32 v50, v3  }
0x38c: {  	v53 =	vld [tilespmem:s24+$0x60]  }
0x38d: {  	v10 =	vadd.f32 v11, v10;
	v11 =	vmul.f32 v51, v4  }
0x38e: {  	v54 =	vld [tilespmem:s24+$0xE0]  }
0x38f: {  	v10 =	vadd.f32 v11, v10;
	v11 =	vmul.f32 v52, v5  }
0x390: {  	v55 =	vld [tilespmem:s24+$0x160]  }
0x391: {  	v10 =	vadd.f32 v11, v10;
	v11 =	vmul.f32 v53, v6  }
0x392: {  	v56 =	vld [tilespmem:s24+$0x1E0]  }
0x393: {  	v10 =	vadd.f32 v11, v10;
	v11 =	vmul.f32 v54, v7;
	_ =	sdelay $0x1  }
0x394: {  	v10 =	vadd.f32 v11, v10;
	v11 =	vmul.f32 v55, v8;
	_ =	sdelay $0x1  }
0x395: {  	v10 =	vadd.f32 v11, v10;
	v11 =	vmul.f32 v56, v9;
	_ =	sdelay $0x1  }
0x396: {  	v10 =	vadd.f32 v11, v10;
	_ =	sdelay $0x1  }
0x397: {  	[tilespmem:s5+$0x20] =	vst v10  }
0x398: {  	v10 =	vld [tilespmem:s24+$0xFFFFFE70]  }
0x399: {  	v11 =	vld [tilespmem:s5+$0x30]  }
0x39a: {  	v57 =	vld [tilespmem:s24+$0xFFFFFEF0];
	_ =	sdelay $0x1  }
0x39b: {  	v58 =	vld [tilespmem:s24+$0xFFFFFF70]  }
0x39c: {  	v10 =	vmul.f32 v10, v2  }
0x39d: {  	v59 =	vld [tilespmem:s24+$0xFFFFFFF0]  }
0x39e: {  	v10 =	vadd.f32 v10, v11;
	v11 =	vmul.f32 v57, v3  }
0x39f: {  	v60 =	vld [tilespmem:s24+$0x70]  }
0x3a0: {  	v10 =	vadd.f32 v11, v10;
	v11 =	vmul.f32 v58, v4  }
0x3a1: {  	v61 =	vld [tilespmem:s24+$0xF0]  }
0x3a2: {  	v10 =	vadd.f32 v11, v10;
	v11 =	vmul.f32 v59, v5  }
0x3a3: {  	v62 =	vld [tilespmem:s24+$0x170]  }
0x3a4: {  	v10 =	vadd.f32 v11, v10;
	v11 =	vmul.f32 v60, v6  }
0x3a5: {  	v63 =	vld [tilespmem:s24+$0x1F0]  }
0x3a6: {  	v10 =	vadd.f32 v11, v10;
	v11 =	vmul.f32 v61, v7;
	_ =	sdelay $0x1  }
0x3a7: {  	v10 =	vadd.f32 v11, v10;
	v11 =	vmul.f32 v62, v8;
	_ =	sdelay $0x1  }
0x3a8: {  	v10 =	vadd.f32 v11, v10;
	v11 =	vmul.f32 v63, v9;
	_ =	sdelay $0x1  }
0x3a9: {  	s26 =	simm.s32 $0x0;
	v10 =	vadd.f32 v11, v10  }
.LBB2_6:
0x3aa: {  	_ = 	snop  }
0x3ab: {  	s26 =	sadd.s32 $0x8, s26;
	s24 =	sadd.s32 $0x400, s24;
	[tilespmem:s5+$0x30] =	vst v10;
	s5 =	sadd.s32 $0x80, s5  }
0x3ac: {  	p0 =	slt.u32 s26, $0xF8;
	v10 =	vld [tilespmem:s24+$0xFFFFFE00]  }
0x3ad: {  	v11 =	vld [tilespmem:s5+$0xFFFFFFC0]  }
0x3ae: {  	v12 =	vld [tilespmem:s24+$0xFFFFFE80];
	_ =	sdelay $0x1  }
0x3af: {  	v13 =	vld [tilespmem:s24+$0xFFFFFF00]  }
0x3b0: {  	v10 =	vmul.f32 v10, v2  }
0x3b1: {  	v14 =	vld [tilespmem:s24+$0xFFFFFF80]  }
0x3b2: {  	v10 =	vadd.f32 v10, v11;
	v11 =	vmul.f32 v12, v3  }
0x3b3: {  	v12 =	vld [tilespmem:s24+$0x0]  }
0x3b4: {  	v10 =	vadd.f32 v11, v10;
	v11 =	vmul.f32 v13, v4  }
0x3b5: {  	v13 =	vld [tilespmem:s24+$0x80]  }
0x3b6: {  	v10 =	vadd.f32 v11, v10;
	v11 =	vmul.f32 v14, v5  }
0x3b7: {  	v14 =	vld [tilespmem:s24+$0x100]  }
0x3b8: {  	v10 =	vadd.f32 v11, v10;
	v11 =	vmul.f32 v12, v6  }
0x3b9: {  	v12 =	vld [tilespmem:s24+$0x180]  }
0x3ba: {  	v10 =	vadd.f32 v11, v10;
	v11 =	vmul.f32 v13, v7;
	_ =	sdelay $0x1  }
0x3bb: {  	v10 =	vadd.f32 v11, v10;
	v11 =	vmul.f32 v14, v8;
	_ =	sdelay $0x1  }
0x3bc: {  	v10 =	vadd.f32 v11, v10;
	v11 =	vmul.f32 v12, v9;
	_ =	sdelay $0x1  }
0x3bd: {  	v10 =	vadd.f32 v11, v10;
	_ =	sdelay $0x1  }
0x3be: {  	[tilespmem:s5+$0xFFFFFFC0] =	vst v10  }
0x3bf: {  	v10 =	vld [tilespmem:s24+$0xFFFFFE10]  }
0x3c0: {  	v11 =	vld [tilespmem:s5+$0xFFFFFFD0]  }
0x3c1: {  	v12 =	vld [tilespmem:s24+$0xFFFFFE90];
	_ =	sdelay $0x1  }
0x3c2: {  	v13 =	vld [tilespmem:s24+$0xFFFFFF10]  }
0x3c3: {  	v10 =	vmul.f32 v10, v2  }
0x3c4: {  	v14 =	vld [tilespmem:s24+$0xFFFFFF90]  }
0x3c5: {  	v10 =	vadd.f32 v10, v11;
	v11 =	vmul.f32 v12, v3  }
0x3c6: {  	v12 =	vld [tilespmem:s24+$0x10]  }
0x3c7: {  	v10 =	vadd.f32 v11, v10;
	v11 =	vmul.f32 v13, v4  }
0x3c8: {  	v13 =	vld [tilespmem:s24+$0x90]  }
0x3c9: {  	v10 =	vadd.f32 v11, v10;
	v11 =	vmul.f32 v14, v5  }
0x3ca: {  	v14 =	vld [tilespmem:s24+$0x110]  }
0x3cb: {  	v10 =	vadd.f32 v11, v10;
	v11 =	vmul.f32 v12, v6  }
0x3cc: {  	v12 =	vld [tilespmem:s24+$0x190]  }
0x3cd: {  	v10 =	vadd.f32 v11, v10;
	v11 =	vmul.f32 v13, v7;
	_ =	sdelay $0x1  }
0x3ce: {  	v10 =	vadd.f32 v11, v10;
	v11 =	vmul.f32 v14, v8;
	_ =	sdelay $0x1  }
0x3cf: {  	v10 =	vadd.f32 v11, v10;
	v11 =	vmul.f32 v12, v9;
	_ =	sdelay $0x1  }
0x3d0: {  	v10 =	vadd.f32 v11, v10;
	_ =	sdelay $0x1  }
0x3d1: {  	[tilespmem:s5+$0xFFFFFFD0] =	vst v10  }
0x3d2: {  	v10 =	vld [tilespmem:s24+$0xFFFFFE20]  }
0x3d3: {  	v11 =	vld [tilespmem:s5+$0xFFFFFFE0]  }
0x3d4: {  	v12 =	vld [tilespmem:s24+$0xFFFFFEA0];
	_ =	sdelay $0x1  }
0x3d5: {  	v13 =	vld [tilespmem:s24+$0xFFFFFF20]  }
0x3d6: {  	v10 =	vmul.f32 v10, v2  }
0x3d7: {  	v14 =	vld [tilespmem:s24+$0xFFFFFFA0]  }
0x3d8: {  	v10 =	vadd.f32 v10, v11;
	v11 =	vmul.f32 v12, v3  }
0x3d9: {  	v12 =	vld [tilespmem:s24+$0x20]  }
0x3da: {  	v10 =	vadd.f32 v11, v10;
	v11 =	vmul.f32 v13, v4  }
0x3db: {  	v13 =	vld [tilespmem:s24+$0xA0]  }
0x3dc: {  	v10 =	vadd.f32 v11, v10;
	v11 =	vmul.f32 v14, v5  }
0x3dd: {  	v14 =	vld [tilespmem:s24+$0x120]  }
0x3de: {  	v10 =	vadd.f32 v11, v10;
	v11 =	vmul.f32 v12, v6  }
0x3df: {  	v12 =	vld [tilespmem:s24+$0x1A0]  }
0x3e0: {  	v10 =	vadd.f32 v11, v10;
	v11 =	vmul.f32 v13, v7;
	_ =	sdelay $0x1  }
0x3e1: {  	v10 =	vadd.f32 v11, v10;
	v11 =	vmul.f32 v14, v8;
	_ =	sdelay $0x1  }
0x3e2: {  	v10 =	vadd.f32 v11, v10;
	v11 =	vmul.f32 v12, v9;
	_ =	sdelay $0x1  }
0x3e3: {  	v10 =	vadd.f32 v11, v10;
	_ =	sdelay $0x1  }
0x3e4: {  	[tilespmem:s5+$0xFFFFFFE0] =	vst v10  }
0x3e5: {  	v10 =	vld [tilespmem:s24+$0xFFFFFE30]  }
0x3e6: {  	v11 =	vld [tilespmem:s5+$0xFFFFFFF0]  }
0x3e7: {  	v12 =	vld [tilespmem:s24+$0xFFFFFEB0];
	_ =	sdelay $0x1  }
0x3e8: {  	v13 =	vld [tilespmem:s24+$0xFFFFFF30]  }
0x3e9: {  	v10 =	vmul.f32 v10, v2  }
0x3ea: {  	v14 =	vld [tilespmem:s24+$0xFFFFFFB0]  }
0x3eb: {  	v10 =	vadd.f32 v10, v11;
	v11 =	vmul.f32 v12, v3  }
0x3ec: {  	v12 =	vld [tilespmem:s24+$0x30]  }
0x3ed: {  	v10 =	vadd.f32 v11, v10;
	v11 =	vmul.f32 v13, v4  }
0x3ee: {  	v13 =	vld [tilespmem:s24+$0xB0]  }
0x3ef: {  	v10 =	vadd.f32 v11, v10;
	v11 =	vmul.f32 v14, v5  }
0x3f0: {  	v14 =	vld [tilespmem:s24+$0x130]  }
0x3f1: {  	v10 =	vadd.f32 v11, v10;
	v11 =	vmul.f32 v12, v6  }
0x3f2: {  	v12 =	vld [tilespmem:s24+$0x1B0]  }
0x3f3: {  	v10 =	vadd.f32 v11, v10;
	v11 =	vmul.f32 v13, v7;
	_ =	sdelay $0x1  }
0x3f4: {  	v10 =	vadd.f32 v11, v10;
	v11 =	vmul.f32 v14, v8;
	_ =	sdelay $0x1  }
0x3f5: {  	v10 =	vadd.f32 v11, v10;
	v11 =	vmul.f32 v12, v9;
	_ =	sdelay $0x1  }
0x3f6: {  	v10 =	vadd.f32 v11, v10;
	_ =	sdelay $0x1  }
0x3f7: {  	[tilespmem:s5+$0xFFFFFFF0] =	vst v10  }
0x3f8: {  	v10 =	vld [tilespmem:s24+$0xFFFFFE40]  }
0x3f9: {  	v11 =	vld [tilespmem:s5+$0x0]  }
0x3fa: {  	v12 =	vld [tilespmem:s24+$0xFFFFFEC0];
	_ =	sdelay $0x1  }
0x3fb: {  	v13 =	vld [tilespmem:s24+$0xFFFFFF40]  }
0x3fc: {  	v10 =	vmul.f32 v10, v2  }
0x3fd: {  	v14 =	vld [tilespmem:s24+$0xFFFFFFC0]  }
0x3fe: {  	v10 =	vadd.f32 v10, v11;
	v11 =	vmul.f32 v12, v3  }
0x3ff: {  	v12 =	vld [tilespmem:s24+$0x40]  }
0x400: {  	v10 =	vadd.f32 v11, v10;
	v11 =	vmul.f32 v13, v4  }
0x401: {  	v13 =	vld [tilespmem:s24+$0xC0]  }
0x402: {  	v10 =	vadd.f32 v11, v10;
	v11 =	vmul.f32 v14, v5  }
0x403: {  	v14 =	vld [tilespmem:s24+$0x140]  }
0x404: {  	v10 =	vadd.f32 v11, v10;
	v11 =	vmul.f32 v12, v6  }
0x405: {  	v12 =	vld [tilespmem:s24+$0x1C0]  }
0x406: {  	v10 =	vadd.f32 v11, v10;
	v11 =	vmul.f32 v13, v7;
	_ =	sdelay $0x1  }
0x407: {  	v10 =	vadd.f32 v11, v10;
	v11 =	vmul.f32 v14, v8;
	_ =	sdelay $0x1  }
0x408: {  	v10 =	vadd.f32 v11, v10;
	v11 =	vmul.f32 v12, v9;
	_ =	sdelay $0x1  }
0x409: {  	v10 =	vadd.f32 v11, v10;
	_ =	sdelay $0x1  }
0x40a: {  	[tilespmem:s5+$0x0] =	vst v10;
	v10 =	vld [tilespmem:s5+$0x10]  }
0x40b: {  	v11 =	vld [tilespmem:s24+$0xFFFFFE50]  }
0x40c: {  	v12 =	vld [tilespmem:s24+$0xFFFFFED0]  }
0x40d: {  	v13 =	vld [tilespmem:s24+$0xFFFFFF50]  }
0x40e: {  	v14 =	vld [tilespmem:s24+$0xFFFFFFD0]  }
0x40f: {  	v15 =	vld [tilespmem:s24+$0x50]  }
0x410: {  	v11 =	vmul.f32 v11, v2;
	v16 =	vld [tilespmem:s24+$0xD0]  }
0x411: {  	v17 =	vld [tilespmem:s24+$0x150]  }
0x412: {  	v10 =	vadd.f32 v11, v10;
	v11 =	vmul.f32 v12, v3;
	v12 =	vld [tilespmem:s24+$0x1D0];
	_ =	sdelay $0x1  }
0x413: {  	v10 =	vadd.f32 v11, v10;
	v11 =	vmul.f32 v13, v4;
	_ =	sdelay $0x1  }
0x414: {  	v10 =	vadd.f32 v11, v10;
	v11 =	vmul.f32 v14, v5;
	_ =	sdelay $0x1  }
0x415: {  	v10 =	vadd.f32 v11, v10;
	v11 =	vmul.f32 v15, v6;
	_ =	sdelay $0x1  }
0x416: {  	v10 =	vadd.f32 v11, v10;
	v11 =	vmul.f32 v16, v7;
	_ =	sdelay $0x1  }
0x417: {  	v10 =	vadd.f32 v11, v10;
	v11 =	vmul.f32 v17, v8;
	_ =	sdelay $0x1  }
0x418: {  	v10 =	vadd.f32 v11, v10;
	v11 =	vmul.f32 v12, v9;
	_ =	sdelay $0x1  }
0x419: {  	v10 =	vadd.f32 v11, v10;
	_ =	sdelay $0x1  }
0x41a: {  	[tilespmem:s5+$0x10] =	vst v10;
	v10 =	vld [tilespmem:s5+$0x20]  }
0x41b: {  	v11 =	vld [tilespmem:s24+$0xFFFFFE60]  }
0x41c: {  	v12 =	vld [tilespmem:s24+$0xFFFFFEE0]  }
0x41d: {  	v13 =	vld [tilespmem:s24+$0xFFFFFF60]  }
0x41e: {  	v14 =	vld [tilespmem:s24+$0xFFFFFFE0]  }
0x41f: {  	v15 =	vld [tilespmem:s24+$0x60]  }
0x420: {  	v11 =	vmul.f32 v11, v2;
	v16 =	vld [tilespmem:s24+$0xE0]  }
0x421: {  	v17 =	vld [tilespmem:s24+$0x160]  }
0x422: {  	v10 =	vadd.f32 v11, v10;
	v11 =	vmul.f32 v12, v3;
	v12 =	vld [tilespmem:s24+$0x1E0];
	_ =	sdelay $0x1  }
0x423: {  	v10 =	vadd.f32 v11, v10;
	v11 =	vmul.f32 v13, v4;
	_ =	sdelay $0x1  }
0x424: {  	v10 =	vadd.f32 v11, v10;
	v11 =	vmul.f32 v14, v5;
	_ =	sdelay $0x1  }
0x425: {  	v10 =	vadd.f32 v11, v10;
	v11 =	vmul.f32 v15, v6;
	_ =	sdelay $0x1  }
0x426: {  	v10 =	vadd.f32 v11, v10;
	v11 =	vmul.f32 v16, v7;
	_ =	sdelay $0x1  }
0x427: {  	v10 =	vadd.f32 v11, v10;
	v11 =	vmul.f32 v17, v8;
	_ =	sdelay $0x1  }
0x428: {  	v10 =	vadd.f32 v11, v10;
	v11 =	vmul.f32 v12, v9;
	_ =	sdelay $0x1  }
0x429: {  	v10 =	vadd.f32 v11, v10;
	_ =	sdelay $0x1  }
0x42a: {  	[tilespmem:s5+$0x20] =	vst v10;
	v10 =	vld [tilespmem:s5+$0x30]  }
0x42b: {  	v11 =	vld [tilespmem:s24+$0xFFFFFE70]  }
0x42c: {  	v12 =	vld [tilespmem:s24+$0xFFFFFEF0]  }
0x42d: {  	v13 =	vld [tilespmem:s24+$0xFFFFFF70]  }
0x42e: {  	v14 =	vld [tilespmem:s24+$0xFFFFFFF0]  }
0x42f: {  	v15 =	vld [tilespmem:s24+$0x70]  }
0x430: {  	v11 =	vmul.f32 v11, v2;
	v16 =	vld [tilespmem:s24+$0xF0]  }
0x431: {  	v17 =	vld [tilespmem:s24+$0x170]  }
0x432: {  	v10 =	vadd.f32 v11, v10;
	v11 =	vmul.f32 v12, v3;
	v12 =	vld [tilespmem:s24+$0x1F0];
	_ =	sdelay $0x1  }
0x433: {  	v10 =	vadd.f32 v11, v10;
	v11 =	vmul.f32 v13, v4;
	_ =	sdelay $0x1  }
0x434: {  	v10 =	vadd.f32 v11, v10;
	v11 =	vmul.f32 v14, v5;
	_ =	sdelay $0x1  }
0x435: {  	v10 =	vadd.f32 v11, v10;
	v11 =	vmul.f32 v15, v6;
	_ =	sdelay $0x1  }
0x436: {  	v10 =	vadd.f32 v11, v10;
	v11 =	vmul.f32 v16, v7;
	_ =	sdelay $0x1  }
.Ltmp2:
0x437: {  	v10 =	vadd.f32 v11, v10;
	v11 =	vmul.f32 v17, v8;
	(pc) =	sbr.rel @p0 .LBB2_6-.Ltmp2, $3  }
0x438: {  	_ = 	snop  }
0x439: {  	v10 =	vadd.f32 v11, v10;
	v11 =	vmul.f32 v12, v9;
	_ =	sdelay $0x1  }
0x43a: {  	v10 =	vadd.f32 v11, v10  }
0x43b: {  	_ = 	snop  }
0x43c: {  	[tilespmem:s5+$0x30] =	vst v10  }
0x43d: {  	_ =	swait.ge [sflag:s0], $0x8000  }
0x43e: {  	[sflag:s0] =	ssyncset.done $0x0  }
0x43f: {  	[sflag:s0] =	ssyncadd.s32 $0xFFFF8000  }
0x440: {  	v2 =	vld [tilespmem:$0x200]  }
0x441: {  	s24 =	simm.s32 $0x8280;
	v3 =	vld [tilespmem:$0x210]  }
0x442: {  	s5 =	simm.s32 $0x102C0;
	v6 =	vld [tilespmem:s24+$0x0]  }
0x443: {  	v7 =	vld [tilespmem:s5+$0xFFFFFFC0]  }
0x444: {  	v8 =	vld [tilespmem:s24+$0x80]  }
0x445: {  	v4 =	vld [tilespmem:$0x220]  }
0x446: {  	v9 =	vld [tilespmem:s24+$0x100]  }
0x447: {  	v5 =	vld [tilespmem:$0x230];
	v10 =	vmul.f32 v6, v2  }
0x448: {  	v11 =	vld [tilespmem:s24+$0x180]  }
0x449: {  	v12 =	vld [tilespmem:s24+$0x200];
	v8 =	vmul.f32 v8, v3;
	v10 =	vadd.f32 v10, v7  }
0x44a: {  	v6 =	vld [tilespmem:$0x240]  }
0x44b: {  	v13 =	vld [tilespmem:s24+$0x280];
	v9 =	vmul.f32 v9, v4;
	v10 =	vadd.f32 v8, v10  }
0x44c: {  	v7 =	vld [tilespmem:$0x250]  }
0x44d: {  	v14 =	vld [tilespmem:s24+$0x300];
	v11 =	vmul.f32 v11, v5;
	v10 =	vadd.f32 v9, v10  }
0x44e: {  	v8 =	vld [tilespmem:$0x260]  }
0x44f: {  	v62 =	vld [tilespmem:s24+$0x380];
	v10 =	vadd.f32 v11, v10;
	v11 =	vmul.f32 v12, v6  }
0x450: {  	v9 =	vld [tilespmem:$0x270]  }
0x451: {  	v10 =	vadd.f32 v11, v10;
	v11 =	vmul.f32 v13, v7;
	_ =	sdelay $0x1  }
0x452: {  	v10 =	vadd.f32 v11, v10;
	v11 =	vmul.f32 v14, v8;
	_ =	sdelay $0x1  }
0x453: {  	v10 =	vadd.f32 v11, v10;
	v11 =	vmul.f32 v62, v9;
	_ =	sdelay $0x1  }
0x454: {  	v10 =	vadd.f32 v11, v10;
	_ =	sdelay $0x1  }
0x455: {  	[tilespmem:s5+$0xFFFFFFC0] =	vst v10  }
0x456: {  	v10 =	vld [tilespmem:s24+$0x10]  }
0x457: {  	v11 =	vld [tilespmem:s5+$0xFFFFFFD0]  }
0x458: {  	v63 =	vld [tilespmem:s24+$0x90];
	_ =	sdelay $0x1  }
0x459: {  	v16 =	vld [tilespmem:s24+$0x110]  }
0x45a: {  	v10 =	vmul.f32 v10, v2  }
0x45b: {  	v17 =	vld [tilespmem:s24+$0x190]  }
0x45c: {  	v10 =	vadd.f32 v10, v11;
	v11 =	vmul.f32 v63, v3  }
0x45d: {  	v18 =	vld [tilespmem:s24+$0x210]  }
0x45e: {  	v10 =	vadd.f32 v11, v10;
	v11 =	vmul.f32 v16, v4  }
0x45f: {  	v19 =	vld [tilespmem:s24+$0x290]  }
0x460: {  	v10 =	vadd.f32 v11, v10;
	v11 =	vmul.f32 v17, v5  }
0x461: {  	v20 =	vld [tilespmem:s24+$0x310]  }
0x462: {  	v10 =	vadd.f32 v11, v10;
	v11 =	vmul.f32 v18, v6  }
0x463: {  	v21 =	vld [tilespmem:s24+$0x390]  }
0x464: {  	v10 =	vadd.f32 v11, v10;
	v11 =	vmul.f32 v19, v7;
	_ =	sdelay $0x1  }
0x465: {  	v10 =	vadd.f32 v11, v10;
	v11 =	vmul.f32 v20, v8;
	_ =	sdelay $0x1  }
0x466: {  	v10 =	vadd.f32 v11, v10;
	v11 =	vmul.f32 v21, v9;
	_ =	sdelay $0x1  }
0x467: {  	v10 =	vadd.f32 v11, v10;
	_ =	sdelay $0x1  }
0x468: {  	[tilespmem:s5+$0xFFFFFFD0] =	vst v10  }
0x469: {  	v10 =	vld [tilespmem:s24+$0x20]  }
0x46a: {  	v11 =	vld [tilespmem:s5+$0xFFFFFFE0]  }
0x46b: {  	v22 =	vld [tilespmem:s24+$0xA0];
	_ =	sdelay $0x1  }
0x46c: {  	v23 =	vld [tilespmem:s24+$0x120]  }
0x46d: {  	v10 =	vmul.f32 v10, v2  }
0x46e: {  	v24 =	vld [tilespmem:s24+$0x1A0]  }
0x46f: {  	v10 =	vadd.f32 v10, v11;
	v11 =	vmul.f32 v22, v3  }
0x470: {  	v25 =	vld [tilespmem:s24+$0x220]  }
0x471: {  	v10 =	vadd.f32 v11, v10;
	v11 =	vmul.f32 v23, v4  }
0x472: {  	v26 =	vld [tilespmem:s24+$0x2A0]  }
0x473: {  	v10 =	vadd.f32 v11, v10;
	v11 =	vmul.f32 v24, v5  }
0x474: {  	v27 =	vld [tilespmem:s24+$0x320]  }
0x475: {  	v10 =	vadd.f32 v11, v10;
	v11 =	vmul.f32 v25, v6  }
0x476: {  	v28 =	vld [tilespmem:s24+$0x3A0]  }
0x477: {  	v10 =	vadd.f32 v11, v10;
	v11 =	vmul.f32 v26, v7;
	_ =	sdelay $0x1  }
0x478: {  	v10 =	vadd.f32 v11, v10;
	v11 =	vmul.f32 v27, v8;
	_ =	sdelay $0x1  }
0x479: {  	v10 =	vadd.f32 v11, v10;
	v11 =	vmul.f32 v28, v9;
	_ =	sdelay $0x1  }
0x47a: {  	v10 =	vadd.f32 v11, v10;
	_ =	sdelay $0x1  }
0x47b: {  	[tilespmem:s5+$0xFFFFFFE0] =	vst v10  }
0x47c: {  	v10 =	vld [tilespmem:s24+$0x30]  }
0x47d: {  	v11 =	vld [tilespmem:s5+$0xFFFFFFF0]  }
0x47e: {  	v29 =	vld [tilespmem:s24+$0xB0];
	_ =	sdelay $0x1  }
0x47f: {  	v30 =	vld [tilespmem:s24+$0x130]  }
0x480: {  	v10 =	vmul.f32 v10, v2  }
0x481: {  	v31 =	vld [tilespmem:s24+$0x1B0]  }
0x482: {  	v10 =	vadd.f32 v10, v11;
	v11 =	vmul.f32 v29, v3  }
0x483: {  	v32 =	vld [tilespmem:s24+$0x230]  }
0x484: {  	v10 =	vadd.f32 v11, v10;
	v11 =	vmul.f32 v30, v4  }
0x485: {  	v33 =	vld [tilespmem:s24+$0x2B0]  }
0x486: {  	v10 =	vadd.f32 v11, v10;
	v11 =	vmul.f32 v31, v5  }
0x487: {  	v34 =	vld [tilespmem:s24+$0x330]  }
0x488: {  	v10 =	vadd.f32 v11, v10;
	v11 =	vmul.f32 v32, v6  }
0x489: {  	v35 =	vld [tilespmem:s24+$0x3B0]  }
0x48a: {  	v10 =	vadd.f32 v11, v10;
	v11 =	vmul.f32 v33, v7;
	_ =	sdelay $0x1  }
0x48b: {  	v10 =	vadd.f32 v11, v10;
	v11 =	vmul.f32 v34, v8;
	_ =	sdelay $0x1  }
0x48c: {  	v10 =	vadd.f32 v11, v10;
	v11 =	vmul.f32 v35, v9;
	_ =	sdelay $0x1  }
0x48d: {  	v10 =	vadd.f32 v11, v10;
	_ =	sdelay $0x1  }
0x48e: {  	[tilespmem:s5+$0xFFFFFFF0] =	vst v10  }
0x48f: {  	v10 =	vld [tilespmem:s24+$0x40]  }
0x490: {  	v11 =	vld [tilespmem:s5+$0x0]  }
0x491: {  	v36 =	vld [tilespmem:s24+$0xC0];
	_ =	sdelay $0x1  }
0x492: {  	v37 =	vld [tilespmem:s24+$0x140]  }
0x493: {  	v10 =	vmul.f32 v10, v2  }
0x494: {  	v38 =	vld [tilespmem:s24+$0x1C0]  }
0x495: {  	v10 =	vadd.f32 v10, v11;
	v11 =	vmul.f32 v36, v3  }
0x496: {  	v39 =	vld [tilespmem:s24+$0x240]  }
0x497: {  	v10 =	vadd.f32 v11, v10;
	v11 =	vmul.f32 v37, v4  }
0x498: {  	v40 =	vld [tilespmem:s24+$0x2C0]  }
0x499: {  	v10 =	vadd.f32 v11, v10;
	v11 =	vmul.f32 v38, v5  }
0x49a: {  	v41 =	vld [tilespmem:s24+$0x340]  }
0x49b: {  	v10 =	vadd.f32 v11, v10;
	v11 =	vmul.f32 v39, v6  }
0x49c: {  	v42 =	vld [tilespmem:s24+$0x3C0]  }
0x49d: {  	v10 =	vadd.f32 v11, v10;
	v11 =	vmul.f32 v40, v7;
	_ =	sdelay $0x1  }
0x49e: {  	v10 =	vadd.f32 v11, v10;
	v11 =	vmul.f32 v41, v8;
	_ =	sdelay $0x1  }
0x49f: {  	v10 =	vadd.f32 v11, v10;
	v11 =	vmul.f32 v42, v9;
	_ =	sdelay $0x1  }
0x4a0: {  	v10 =	vadd.f32 v11, v10;
	_ =	sdelay $0x1  }
0x4a1: {  	[tilespmem:s5+$0x0] =	vst v10  }
0x4a2: {  	v10 =	vld [tilespmem:s24+$0x50]  }
0x4a3: {  	v11 =	vld [tilespmem:s5+$0x10]  }
0x4a4: {  	v43 =	vld [tilespmem:s24+$0xD0];
	_ =	sdelay $0x1  }
0x4a5: {  	v44 =	vld [tilespmem:s24+$0x150]  }
0x4a6: {  	v10 =	vmul.f32 v10, v2  }
0x4a7: {  	v45 =	vld [tilespmem:s24+$0x1D0]  }
0x4a8: {  	v10 =	vadd.f32 v10, v11;
	v11 =	vmul.f32 v43, v3  }
0x4a9: {  	v46 =	vld [tilespmem:s24+$0x250]  }
0x4aa: {  	v10 =	vadd.f32 v11, v10;
	v11 =	vmul.f32 v44, v4  }
0x4ab: {  	v47 =	vld [tilespmem:s24+$0x2D0]  }
0x4ac: {  	v10 =	vadd.f32 v11, v10;
	v11 =	vmul.f32 v45, v5  }
0x4ad: {  	v48 =	vld [tilespmem:s24+$0x350]  }
0x4ae: {  	v10 =	vadd.f32 v11, v10;
	v11 =	vmul.f32 v46, v6  }
0x4af: {  	v49 =	vld [tilespmem:s24+$0x3D0]  }
0x4b0: {  	v10 =	vadd.f32 v11, v10;
	v11 =	vmul.f32 v47, v7;
	_ =	sdelay $0x1  }
0x4b1: {  	v10 =	vadd.f32 v11, v10;
	v11 =	vmul.f32 v48, v8;
	_ =	sdelay $0x1  }
0x4b2: {  	v10 =	vadd.f32 v11, v10;
	v11 =	vmul.f32 v49, v9;
	_ =	sdelay $0x1  }
0x4b3: {  	v10 =	vadd.f32 v11, v10;
	_ =	sdelay $0x1  }
0x4b4: {  	[tilespmem:s5+$0x10] =	vst v10  }
0x4b5: {  	v10 =	vld [tilespmem:s24+$0x60]  }
0x4b6: {  	v11 =	vld [tilespmem:s5+$0x20]  }
0x4b7: {  	v50 =	vld [tilespmem:s24+$0xE0];
	_ =	sdelay $0x1  }
0x4b8: {  	v51 =	vld [tilespmem:s24+$0x160]  }
0x4b9: {  	v10 =	vmul.f32 v10, v2  }
0x4ba: {  	v52 =	vld [tilespmem:s24+$0x1E0]  }
0x4bb: {  	v10 =	vadd.f32 v10, v11;
	v11 =	vmul.f32 v50, v3  }
0x4bc: {  	v53 =	vld [tilespmem:s24+$0x260]  }
0x4bd: {  	v10 =	vadd.f32 v11, v10;
	v11 =	vmul.f32 v51, v4  }
0x4be: {  	v54 =	vld [tilespmem:s24+$0x2E0]  }
0x4bf: {  	v10 =	vadd.f32 v11, v10;
	v11 =	vmul.f32 v52, v5  }
0x4c0: {  	v55 =	vld [tilespmem:s24+$0x360]  }
0x4c1: {  	v10 =	vadd.f32 v11, v10;
	v11 =	vmul.f32 v53, v6  }
0x4c2: {  	v56 =	vld [tilespmem:s24+$0x3E0]  }
0x4c3: {  	v10 =	vadd.f32 v11, v10;
	v11 =	vmul.f32 v54, v7;
	_ =	sdelay $0x1  }
0x4c4: {  	v10 =	vadd.f32 v11, v10;
	v11 =	vmul.f32 v55, v8;
	_ =	sdelay $0x1  }
0x4c5: {  	v10 =	vadd.f32 v11, v10;
	v11 =	vmul.f32 v56, v9;
	_ =	sdelay $0x1  }
0x4c6: {  	v10 =	vadd.f32 v11, v10;
	_ =	sdelay $0x1  }
0x4c7: {  	[tilespmem:s5+$0x20] =	vst v10  }
0x4c8: {  	v10 =	vld [tilespmem:s24+$0x70]  }
0x4c9: {  	v11 =	vld [tilespmem:s5+$0x30]  }
0x4ca: {  	v57 =	vld [tilespmem:s24+$0xF0];
	_ =	sdelay $0x1  }
0x4cb: {  	v58 =	vld [tilespmem:s24+$0x170]  }
0x4cc: {  	v10 =	vmul.f32 v10, v2  }
0x4cd: {  	v59 =	vld [tilespmem:s24+$0x1F0]  }
0x4ce: {  	v10 =	vadd.f32 v10, v11;
	v11 =	vmul.f32 v57, v3  }
0x4cf: {  	v60 =	vld [tilespmem:s24+$0x270]  }
0x4d0: {  	v10 =	vadd.f32 v11, v10;
	v11 =	vmul.f32 v58, v4  }
0x4d1: {  	v61 =	vld [tilespmem:s24+$0x2F0]  }
0x4d2: {  	v10 =	vadd.f32 v11, v10;
	v11 =	vmul.f32 v59, v5  }
0x4d3: {  	v62 =	vld [tilespmem:s24+$0x370]  }
0x4d4: {  	v10 =	vadd.f32 v11, v10;
	v11 =	vmul.f32 v60, v6  }
0x4d5: {  	v63 =	vld [tilespmem:s24+$0x3F0]  }
0x4d6: {  	v10 =	vadd.f32 v11, v10;
	v11 =	vmul.f32 v61, v7;
	_ =	sdelay $0x1  }
0x4d7: {  	v10 =	vadd.f32 v11, v10;
	v11 =	vmul.f32 v62, v8;
	_ =	sdelay $0x1  }
0x4d8: {  	v10 =	vadd.f32 v11, v10;
	v11 =	vmul.f32 v63, v9;
	_ =	sdelay $0x1  }
0x4d9: {  	s26 =	simm.s32 $0x0;
	v10 =	vadd.f32 v11, v10  }
.LBB2_8:
0x4da: {  	_ = 	snop  }
0x4db: {  	s26 =	sadd.s32 $0x8, s26;
	s24 =	sadd.s32 $0x400, s24;
	[tilespmem:s5+$0x30] =	vst v10;
	s5 =	sadd.s32 $0x80, s5  }
0x4dc: {  	p0 =	slt.u32 s26, $0xF8;
	v10 =	vld [tilespmem:s24+$0x0]  }
0x4dd: {  	v11 =	vld [tilespmem:s5+$0xFFFFFFC0]  }
0x4de: {  	v12 =	vld [tilespmem:s24+$0x80];
	_ =	sdelay $0x1  }
0x4df: {  	v13 =	vld [tilespmem:s24+$0x100]  }
0x4e0: {  	v10 =	vmul.f32 v10, v2  }
0x4e1: {  	v14 =	vld [tilespmem:s24+$0x180]  }
0x4e2: {  	v10 =	vadd.f32 v10, v11;
	v11 =	vmul.f32 v12, v3  }
0x4e3: {  	v12 =	vld [tilespmem:s24+$0x200]  }
0x4e4: {  	v10 =	vadd.f32 v11, v10;
	v11 =	vmul.f32 v13, v4  }
0x4e5: {  	v13 =	vld [tilespmem:s24+$0x280]  }
0x4e6: {  	v10 =	vadd.f32 v11, v10;
	v11 =	vmul.f32 v14, v5  }
0x4e7: {  	v14 =	vld [tilespmem:s24+$0x300]  }
0x4e8: {  	v10 =	vadd.f32 v11, v10;
	v11 =	vmul.f32 v12, v6  }
0x4e9: {  	v12 =	vld [tilespmem:s24+$0x380]  }
0x4ea: {  	v10 =	vadd.f32 v11, v10;
	v11 =	vmul.f32 v13, v7;
	_ =	sdelay $0x1  }
0x4eb: {  	v10 =	vadd.f32 v11, v10;
	v11 =	vmul.f32 v14, v8;
	_ =	sdelay $0x1  }
0x4ec: {  	v10 =	vadd.f32 v11, v10;
	v11 =	vmul.f32 v12, v9;
	_ =	sdelay $0x1  }
0x4ed: {  	v10 =	vadd.f32 v11, v10;
	_ =	sdelay $0x1  }
0x4ee: {  	[tilespmem:s5+$0xFFFFFFC0] =	vst v10  }
0x4ef: {  	v10 =	vld [tilespmem:s24+$0x10]  }
0x4f0: {  	v11 =	vld [tilespmem:s5+$0xFFFFFFD0]  }
0x4f1: {  	v12 =	vld [tilespmem:s24+$0x90];
	_ =	sdelay $0x1  }
0x4f2: {  	v13 =	vld [tilespmem:s24+$0x110]  }
0x4f3: {  	v10 =	vmul.f32 v10, v2  }
0x4f4: {  	v14 =	vld [tilespmem:s24+$0x190]  }
0x4f5: {  	v10 =	vadd.f32 v10, v11;
	v11 =	vmul.f32 v12, v3  }
0x4f6: {  	v12 =	vld [tilespmem:s24+$0x210]  }
0x4f7: {  	v10 =	vadd.f32 v11, v10;
	v11 =	vmul.f32 v13, v4  }
0x4f8: {  	v13 =	vld [tilespmem:s24+$0x290]  }
0x4f9: {  	v10 =	vadd.f32 v11, v10;
	v11 =	vmul.f32 v14, v5  }
0x4fa: {  	v14 =	vld [tilespmem:s24+$0x310]  }
0x4fb: {  	v10 =	vadd.f32 v11, v10;
	v11 =	vmul.f32 v12, v6  }
0x4fc: {  	v12 =	vld [tilespmem:s24+$0x390]  }
0x4fd: {  	v10 =	vadd.f32 v11, v10;
	v11 =	vmul.f32 v13, v7;
	_ =	sdelay $0x1  }
0x4fe: {  	v10 =	vadd.f32 v11, v10;
	v11 =	vmul.f32 v14, v8;
	_ =	sdelay $0x1  }
0x4ff: {  	v10 =	vadd.f32 v11, v10;
	v11 =	vmul.f32 v12, v9;
	_ =	sdelay $0x1  }
0x500: {  	v10 =	vadd.f32 v11, v10;
	_ =	sdelay $0x1  }
0x501: {  	[tilespmem:s5+$0xFFFFFFD0] =	vst v10  }
0x502: {  	v10 =	vld [tilespmem:s24+$0x20]  }
0x503: {  	v11 =	vld [tilespmem:s5+$0xFFFFFFE0]  }
0x504: {  	v12 =	vld [tilespmem:s24+$0xA0];
	_ =	sdelay $0x1  }
0x505: {  	v13 =	vld [tilespmem:s24+$0x120]  }
0x506: {  	v10 =	vmul.f32 v10, v2  }
0x507: {  	v14 =	vld [tilespmem:s24+$0x1A0]  }
0x508: {  	v10 =	vadd.f32 v10, v11;
	v11 =	vmul.f32 v12, v3  }
0x509: {  	v12 =	vld [tilespmem:s24+$0x220]  }
0x50a: {  	v10 =	vadd.f32 v11, v10;
	v11 =	vmul.f32 v13, v4  }
0x50b: {  	v13 =	vld [tilespmem:s24+$0x2A0]  }
0x50c: {  	v10 =	vadd.f32 v11, v10;
	v11 =	vmul.f32 v14, v5  }
0x50d: {  	v14 =	vld [tilespmem:s24+$0x320]  }
0x50e: {  	v10 =	vadd.f32 v11, v10;
	v11 =	vmul.f32 v12, v6  }
0x50f: {  	v12 =	vld [tilespmem:s24+$0x3A0]  }
0x510: {  	v10 =	vadd.f32 v11, v10;
	v11 =	vmul.f32 v13, v7;
	_ =	sdelay $0x1  }
0x511: {  	v10 =	vadd.f32 v11, v10;
	v11 =	vmul.f32 v14, v8;
	_ =	sdelay $0x1  }
0x512: {  	v10 =	vadd.f32 v11, v10;
	v11 =	vmul.f32 v12, v9;
	_ =	sdelay $0x1  }
0x513: {  	v10 =	vadd.f32 v11, v10;
	_ =	sdelay $0x1  }
0x514: {  	[tilespmem:s5+$0xFFFFFFE0] =	vst v10  }
0x515: {  	v10 =	vld [tilespmem:s24+$0x30]  }
0x516: {  	v11 =	vld [tilespmem:s5+$0xFFFFFFF0]  }
0x517: {  	v12 =	vld [tilespmem:s24+$0xB0];
	_ =	sdelay $0x1  }
0x518: {  	v13 =	vld [tilespmem:s24+$0x130]  }
0x519: {  	v10 =	vmul.f32 v10, v2  }
0x51a: {  	v14 =	vld [tilespmem:s24+$0x1B0]  }
0x51b: {  	v10 =	vadd.f32 v10, v11;
	v11 =	vmul.f32 v12, v3  }
0x51c: {  	v12 =	vld [tilespmem:s24+$0x230]  }
0x51d: {  	v10 =	vadd.f32 v11, v10;
	v11 =	vmul.f32 v13, v4  }
0x51e: {  	v13 =	vld [tilespmem:s24+$0x2B0]  }
0x51f: {  	v10 =	vadd.f32 v11, v10;
	v11 =	vmul.f32 v14, v5  }
0x520: {  	v14 =	vld [tilespmem:s24+$0x330]  }
0x521: {  	v10 =	vadd.f32 v11, v10;
	v11 =	vmul.f32 v12, v6  }
0x522: {  	v12 =	vld [tilespmem:s24+$0x3B0]  }
0x523: {  	v10 =	vadd.f32 v11, v10;
	v11 =	vmul.f32 v13, v7;
	_ =	sdelay $0x1  }
0x524: {  	v10 =	vadd.f32 v11, v10;
	v11 =	vmul.f32 v14, v8;
	_ =	sdelay $0x1  }
0x525: {  	v10 =	vadd.f32 v11, v10;
	v11 =	vmul.f32 v12, v9;
	_ =	sdelay $0x1  }
0x526: {  	v10 =	vadd.f32 v11, v10;
	_ =	sdelay $0x1  }
0x527: {  	[tilespmem:s5+$0xFFFFFFF0] =	vst v10  }
0x528: {  	v10 =	vld [tilespmem:s24+$0x40]  }
0x529: {  	v11 =	vld [tilespmem:s5+$0x0]  }
0x52a: {  	v12 =	vld [tilespmem:s24+$0xC0];
	_ =	sdelay $0x1  }
0x52b: {  	v13 =	vld [tilespmem:s24+$0x140]  }
0x52c: {  	v10 =	vmul.f32 v10, v2  }
0x52d: {  	v14 =	vld [tilespmem:s24+$0x1C0]  }
0x52e: {  	v10 =	vadd.f32 v10, v11;
	v11 =	vmul.f32 v12, v3  }
0x52f: {  	v12 =	vld [tilespmem:s24+$0x240]  }
0x530: {  	v10 =	vadd.f32 v11, v10;
	v11 =	vmul.f32 v13, v4  }
0x531: {  	v13 =	vld [tilespmem:s24+$0x2C0]  }
0x532: {  	v10 =	vadd.f32 v11, v10;
	v11 =	vmul.f32 v14, v5  }
0x533: {  	v14 =	vld [tilespmem:s24+$0x340]  }
0x534: {  	v10 =	vadd.f32 v11, v10;
	v11 =	vmul.f32 v12, v6  }
0x535: {  	v12 =	vld [tilespmem:s24+$0x3C0]  }
0x536: {  	v10 =	vadd.f32 v11, v10;
	v11 =	vmul.f32 v13, v7;
	_ =	sdelay $0x1  }
0x537: {  	v10 =	vadd.f32 v11, v10;
	v11 =	vmul.f32 v14, v8;
	_ =	sdelay $0x1  }
0x538: {  	v10 =	vadd.f32 v11, v10;
	v11 =	vmul.f32 v12, v9;
	_ =	sdelay $0x1  }
0x539: {  	v10 =	vadd.f32 v11, v10;
	_ =	sdelay $0x1  }
0x53a: {  	[tilespmem:s5+$0x0] =	vst v10;
	v10 =	vld [tilespmem:s5+$0x10]  }
0x53b: {  	v11 =	vld [tilespmem:s24+$0x50]  }
0x53c: {  	v12 =	vld [tilespmem:s24+$0xD0]  }
0x53d: {  	v13 =	vld [tilespmem:s24+$0x150]  }
0x53e: {  	v14 =	vld [tilespmem:s24+$0x1D0]  }
0x53f: {  	v15 =	vld [tilespmem:s24+$0x250]  }
0x540: {  	v11 =	vmul.f32 v11, v2;
	v16 =	vld [tilespmem:s24+$0x2D0]  }
0x541: {  	v17 =	vld [tilespmem:s24+$0x350]  }
0x542: {  	v10 =	vadd.f32 v11, v10;
	v11 =	vmul.f32 v12, v3;
	v12 =	vld [tilespmem:s24+$0x3D0];
	_ =	sdelay $0x1  }
0x543: {  	v10 =	vadd.f32 v11, v10;
	v11 =	vmul.f32 v13, v4;
	_ =	sdelay $0x1  }
0x544: {  	v10 =	vadd.f32 v11, v10;
	v11 =	vmul.f32 v14, v5;
	_ =	sdelay $0x1  }
0x545: {  	v10 =	vadd.f32 v11, v10;
	v11 =	vmul.f32 v15, v6;
	_ =	sdelay $0x1  }
0x546: {  	v10 =	vadd.f32 v11, v10;
	v11 =	vmul.f32 v16, v7;
	_ =	sdelay $0x1  }
0x547: {  	v10 =	vadd.f32 v11, v10;
	v11 =	vmul.f32 v17, v8;
	_ =	sdelay $0x1  }
0x548: {  	v10 =	vadd.f32 v11, v10;
	v11 =	vmul.f32 v12, v9;
	_ =	sdelay $0x1  }
0x549: {  	v10 =	vadd.f32 v11, v10;
	_ =	sdelay $0x1  }
0x54a: {  	[tilespmem:s5+$0x10] =	vst v10;
	v10 =	vld [tilespmem:s5+$0x20]  }
0x54b: {  	v11 =	vld [tilespmem:s24+$0x60]  }
0x54c: {  	v12 =	vld [tilespmem:s24+$0xE0]  }
0x54d: {  	v13 =	vld [tilespmem:s24+$0x160]  }
0x54e: {  	v14 =	vld [tilespmem:s24+$0x1E0]  }
0x54f: {  	v15 =	vld [tilespmem:s24+$0x260]  }
0x550: {  	v11 =	vmul.f32 v11, v2;
	v16 =	vld [tilespmem:s24+$0x2E0]  }
0x551: {  	v17 =	vld [tilespmem:s24+$0x360]  }
0x552: {  	v10 =	vadd.f32 v11, v10;
	v11 =	vmul.f32 v12, v3;
	v12 =	vld [tilespmem:s24+$0x3E0];
	_ =	sdelay $0x1  }
0x553: {  	v10 =	vadd.f32 v11, v10;
	v11 =	vmul.f32 v13, v4;
	_ =	sdelay $0x1  }
0x554: {  	v10 =	vadd.f32 v11, v10;
	v11 =	vmul.f32 v14, v5;
	_ =	sdelay $0x1  }
0x555: {  	v10 =	vadd.f32 v11, v10;
	v11 =	vmul.f32 v15, v6;
	_ =	sdelay $0x1  }
0x556: {  	v10 =	vadd.f32 v11, v10;
	v11 =	vmul.f32 v16, v7;
	_ =	sdelay $0x1  }
0x557: {  	v10 =	vadd.f32 v11, v10;
	v11 =	vmul.f32 v17, v8;
	_ =	sdelay $0x1  }
0x558: {  	v10 =	vadd.f32 v11, v10;
	v11 =	vmul.f32 v12, v9;
	_ =	sdelay $0x1  }
0x559: {  	v10 =	vadd.f32 v11, v10;
	_ =	sdelay $0x1  }
0x55a: {  	[tilespmem:s5+$0x20] =	vst v10;
	v10 =	vld [tilespmem:s5+$0x30]  }
0x55b: {  	v11 =	vld [tilespmem:s24+$0x70]  }
0x55c: {  	v12 =	vld [tilespmem:s24+$0xF0]  }
0x55d: {  	v13 =	vld [tilespmem:s24+$0x170]  }
0x55e: {  	v14 =	vld [tilespmem:s24+$0x1F0]  }
0x55f: {  	v15 =	vld [tilespmem:s24+$0x270]  }
0x560: {  	v11 =	vmul.f32 v11, v2;
	v16 =	vld [tilespmem:s24+$0x2F0]  }
0x561: {  	v17 =	vld [tilespmem:s24+$0x370]  }
0x562: {  	v10 =	vadd.f32 v11, v10;
	v11 =	vmul.f32 v12, v3;
	v12 =	vld [tilespmem:s24+$0x3F0];
	_ =	sdelay $0x1  }
0x563: {  	v10 =	vadd.f32 v11, v10;
	v11 =	vmul.f32 v13, v4;
	_ =	sdelay $0x1  }
0x564: {  	v10 =	vadd.f32 v11, v10;
	v11 =	vmul.f32 v14, v5;
	_ =	sdelay $0x1  }
0x565: {  	v10 =	vadd.f32 v11, v10;
	v11 =	vmul.f32 v15, v6;
	_ =	sdelay $0x1  }
0x566: {  	v10 =	vadd.f32 v11, v10;
	v11 =	vmul.f32 v16, v7;
	_ =	sdelay $0x1  }
.Ltmp3:
0x567: {  	v10 =	vadd.f32 v11, v10;
	v11 =	vmul.f32 v17, v8;
	(pc) =	sbr.rel @p0 .LBB2_8-.Ltmp3, $3  }
0x568: {  	_ = 	snop  }
0x569: {  	v10 =	vadd.f32 v11, v10;
	v11 =	vmul.f32 v12, v9;
	_ =	sdelay $0x1  }
0x56a: {  	v10 =	vadd.f32 v11, v10  }
0x56b: {  	s4 =	sadd.s32 $0x1, s4  }
0x56c: {  	s24 =	simm.s32 $0x400;
	p0 =	sne.s32 s4, s22  }
.Ltmp4:
0x56d: {  	s26 =	simm.s32 $0x80;
	[tilespmem:s5+$0x30] =	vst v10;
	s5 =	simm.s32 $0x10280;
	(pc) =	sbr.rel @p0 .LBB2_1-.Ltmp4, $4  }
0x56e: {  	[hbm4b:s21+s26] =	stream.strided.scatter [tilespmem:s5], [sflag:$0x4], $0x1000, s24, s26, $0x38;
	[tilespmem:$0x11280] =	vst v63  }
0x56f: {  	_ =	swait.ge [sflag:s2], $0x1000  }
0x570: {  	[sflag:s2] =	ssyncset.done $0x0  }
0x571: {  	[sflag:s2] =	ssyncadd.s32 $0xFFFFF000  }
0x572: {  	_ =	sfence.sel $0x180000  }
0x573: {  	[bflag:$0x0] =	sbarrier.arrive $0xFFFF  }
0x574: {  	_ =	strace $0x90000047  }
0x575: {  	s0 =	stileid.u32;
	[bflag:$0x2] =	sbarrier.arrive $0xFFFF  }
0x576: {  	p0 =	sne.s32 s0, $0x0;
	s0 =	rddreg [dreg:$0x3]  }
0x577: {  	s0 =	sadd.s32 @!p0 $0x100000, s0  }
0x578: {  	[sflag:s0] =	ssyncadd.tile.s32 @!p0 $0x1;
	_ =	shalt  }
.Lfunc_end2:
_tile_overlayer_lowered:
.L_overlay_start_2:
0x579: {  	(tag) =	ssettag $0x2  }
0x57a: {  	s0 =	rddreg [dreg:$0x0];
	s2 =	stileid.u32  }
0x57b: {  	s1 =	rddreg [dreg:$0x1];
	p0 =	sne.s32 s2, $0x0  }
0x57c: {  	s3 =	rddreg [dreg:$0x2];
	[bflag:$0x3] =	sbarrier.arrive $0xFFFF;
	s2 =	simm.s32 @!p0 $0x1C05  }
0x57d: {  	[timem:s3], [sflag:s2] =	dma.local @!p0 [hbm:s0], s1  }
0x57e: {  	s0 =	simm.s32 @!p0 $0x5  }
0x57f: {  	_ =	swait.ge @!p0 [sflag:s0], s1  }
0x580: {  	s1 =	ssub.s32 @!p0 $0x0, s1;
	[sflag:s0] =	ssyncset.done @!p0 $0x0  }
0x581: {  	[sflag:s0] =	ssyncadd.s32 @!p0 s1  }
0x582: {  	[bflag:$0x3] =	sbarrier.arrive $0xFFFF  }
0x583: {  	_ =	shalt  }

</sc_bundles>
